<compile_context>
chip_gen: v7x
topology: tpu7x:2x2x1
jax: 0.10.2.dev20260603
libtpu: 0.0.44.dev20260713+nightly
codegen_flags: <defaults>
</compile_context>

<pallas_src>
import functools

import jax
import jax.numpy as jnp
from jax import lax
from jax.experimental import pallas as pl
from jax.experimental.pallas import tpu as pltpu
from jax.experimental.pallas import tpu_sc as plsc

BMG = 512
BAL = 0.01


def _router_kernel(feat_ref, wr_ref, br_ref,
                   eids_ref, prel_ref, wts_ref, offs_ref, bexp_ref, loss_ref,
                   ctr_ref, psum_ref, lt_ref,
                   *, n_tokens, n_exp, nbg):
    i = pl.program_id(0)
    nsteps = pl.num_programs(0)
    bm = feat_ref.shape[0]

    feat = feat_ref[...].astype(jnp.bfloat16)
    logits = jnp.dot(feat, wr_ref[...].astype(jnp.bfloat16),
                     preferred_element_type=jnp.float32)
    logits = logits + br_ref[...]
    m = jnp.max(logits, axis=1, keepdims=True)
    ex = jnp.exp(logits - m)
    prob = ex / jnp.sum(ex, axis=1, keepdims=True)

    eidx = lax.broadcasted_iota(jnp.int32, prob.shape, 1)
    i1 = jnp.argmax(prob, axis=1).astype(jnp.int32)
    v1 = jnp.max(prob, axis=1)
    masked = jnp.where(eidx == i1[:, None], -1.0, prob)
    i2 = jnp.argmax(masked, axis=1).astype(jnp.int32)
    v2 = jnp.max(masked, axis=1)
    denom = jnp.maximum(v1 + v2, 1e-9)
    w1 = v1 / denom
    w2 = v2 / denom

    a1 = (eidx == i1[:, None]).astype(jnp.bfloat16)
    a2 = (eidx == i2[:, None]).astype(jnp.bfloat16)

    @pl.when(i == 0)
    def _():
        ctr_ref[...] = jnp.zeros_like(ctr_ref)
        psum_ref[...] = jnp.zeros_like(psum_ref)
        r = lax.broadcasted_iota(jnp.int32, (2 * bm, 2 * bm), 0)
        c = lax.broadcasted_iota(jnp.int32, (2 * bm, 2 * bm), 1)
        lt_ref[...] = (c < r).astype(jnp.bfloat16)

    h = jnp.concatenate([a1, a2], axis=0)
    s = jnp.dot(lt_ref[...], h, preferred_element_type=jnp.float32)
    ctr = ctr_ref[...]
    a1f = a1.astype(jnp.float32)
    a2f = a2.astype(jnp.float32)
    rank1 = jnp.sum((s[:bm] + ctr) * a1f, axis=1)
    rank2 = jnp.sum((s[bm:] + ctr) * a2f, axis=1)

    eids_ref[...] = jnp.concatenate([i1[:, None], i2[:, None]], axis=1)
    prel_ref[...] = jnp.concatenate(
        [rank1[:, None], rank2[:, None]], axis=1).astype(jnp.int32)
    wts_ref[...] = jnp.concatenate([w1[:, None], w2[:, None]], axis=1)

    ctr_ref[...] = ctr + jnp.sum(h, axis=0, keepdims=True).astype(jnp.float32)
    psum_ref[...] = psum_ref[...] + jnp.sum(prob, axis=0, keepdims=True)

    @pl.when(i == nsteps - 1)
    def _():
        cnt = ctr_ref[...]
        padded = jnp.ceil(cnt / BMG) * BMG
        rr = lax.broadcasted_iota(jnp.int32, (n_exp, n_exp), 0)
        cc = lax.broadcasted_iota(jnp.int32, (n_exp, n_exp), 1)
        ut = (rr < cc).astype(jnp.float32)
        offs = jnp.dot(padded, ut, preferred_element_type=jnp.float32)
        offs_ref[...] = offs.astype(jnp.int32)
        biota = lax.broadcasted_iota(jnp.int32, (1, nbg), 1) * BMG
        bexp = jnp.zeros((1, nbg), jnp.int32)
        for e in range(1, n_exp):
            oe = offs[0, e].astype(jnp.int32)
            bexp = bexp + (biota >= oe).astype(jnp.int32)
        bexp_ref[...] = bexp
        pi = psum_ref[...] / float(n_tokens)
        ent = jnp.sum(pi * jnp.log(jnp.maximum(pi, 1e-9)),
                      axis=1, keepdims=True)
        loss_ref[...] = BAL * (ent + jnp.log(float(n_exp)))


def _run_router(features, Wr, br, nbg):
    n, d = features.shape
    e = Wr.shape[1]
    bm = 512
    grid = (n // bm,)
    return pl.pallas_call(
        functools.partial(_router_kernel, n_tokens=n, n_exp=e, nbg=nbg),
        grid=grid,
        in_specs=[
            pl.BlockSpec((bm, d), lambda i: (i, 0)),
            pl.BlockSpec((d, e), lambda i: (0, 0)),
            pl.BlockSpec((1, e), lambda i: (0, 0)),
        ],
        out_specs=[
            pl.BlockSpec((bm, 2), lambda i: (i, 0)),
            pl.BlockSpec((bm, 2), lambda i: (i, 0)),
            pl.BlockSpec((bm, 2), lambda i: (i, 0)),
            pl.BlockSpec((1, e), lambda i: (0, 0)),
            pl.BlockSpec((1, nbg), lambda i: (0, 0)),
            pl.BlockSpec((1, 1), lambda i: (0, 0)),
        ],
        out_shape=[
            jax.ShapeDtypeStruct((n, 2), jnp.int32),
            jax.ShapeDtypeStruct((n, 2), jnp.int32),
            jax.ShapeDtypeStruct((n, 2), jnp.float32),
            jax.ShapeDtypeStruct((1, e), jnp.int32),
            jax.ShapeDtypeStruct((1, nbg), jnp.int32),
            jax.ShapeDtypeStruct((1, 1), jnp.float32),
        ],
        scratch_shapes=[
            pltpu.VMEM((1, e), jnp.float32),
            pltpu.VMEM((1, e), jnp.float32),
            pltpu.VMEM((2 * bm, 2 * bm), jnp.bfloat16),
        ],
    )(features, Wr, br.reshape(1, e))


def _posfix_kernel(eids_ref, prel_ref, wts_ref, offs_ref, pos_ref, wexp_ref,
                   *, n_exp):
    bm = eids_ref.shape[0]
    iota8 = lax.broadcasted_iota(jnp.int32, (bm, n_exp), 1)
    offs = offs_ref[...]
    pcols = []
    for k in range(2):
        cmp = iota8 == eids_ref[:, k:k + 1]
        offk = jnp.sum(jnp.where(cmp, offs, 0), axis=1, keepdims=True)
        pcols.append(offk + prel_ref[:, k:k + 1])
    pos_ref[...] = jnp.concatenate(pcols, axis=1)
    w0 = jnp.broadcast_to(wts_ref[:, 0:1], (bm, 16))
    w1 = jnp.broadcast_to(wts_ref[:, 1:2], (bm, 16))
    wexp_ref[...] = jnp.concatenate([w0, w1], axis=1)


def _run_posfix(eids, prel, wts, offs, n_exp):
    n = eids.shape[0]
    bm = 512
    return pl.pallas_call(
        functools.partial(_posfix_kernel, n_exp=n_exp),
        grid=(n // bm,),
        in_specs=[
            pl.BlockSpec((bm, 2), lambda i: (i, 0)),
            pl.BlockSpec((bm, 2), lambda i: (i, 0)),
            pl.BlockSpec((bm, 2), lambda i: (i, 0)),
            pl.BlockSpec((1, n_exp), lambda i: (0, 0)),
        ],
        out_specs=[
            pl.BlockSpec((bm, 2), lambda i: (i, 0)),
            pl.BlockSpec((bm, 32), lambda i: (i, 0)),
        ],
        out_shape=[
            jax.ShapeDtypeStruct((n, 2), jnp.int32),
            jax.ShapeDtypeStruct((n, 32), jnp.float32),
        ],
    )(eids, prel, wts, offs)


def _make_dispatch(n, d, r_pad):
    na = 2 * n
    nw = 32
    s_per_w = na // nw
    nchunks = s_per_w // 128
    mesh = plsc.VectorSubcoreMesh(core_axis_name="c", subcore_axis_name="s")

    @functools.partial(
        pl.kernel, mesh=mesh,
        out_type=jax.ShapeDtypeStruct((r_pad, d), jnp.float32),
        scratch_types=[
            pltpu.VMEM((nchunks, 128), jnp.int32),
            pltpu.VMEM((nchunks, 128), jnp.int32),
            pltpu.VMEM((128, d), jnp.float32),
            pltpu.SemaphoreType.DMA,
        ],
    )
    def dispatch(pos_hbm, feat_hbm, a_hbm, pos_v, tok_v, rows_v, sem):
        wid = lax.axis_index("s") * 2 + lax.axis_index("c")
        abase = wid * s_per_w
        for c in range(nchunks):
            pltpu.sync_copy(pos_hbm.at[pl.ds(abase + c * 128, 128)],
                            pos_v.at[c])
            for j in range(8):
                b = c * 128 + j * 16
                tok = lax.shift_right_logical(
                    abase + b + lax.iota(jnp.int32, 16), 1)
                tok_v[c, pl.ds(j * 16, 16)] = tok
            pltpu.async_copy(feat_hbm.at[tok_v.at[c]], rows_v, sem).wait()
            pltpu.async_copy(rows_v, a_hbm.at[pos_v.at[c]], sem).wait()

    return dispatch


def _gmm_kernel(bexp_ref, a_ref, we_ref, be_ref, buf_ref, webf_ref):
    i = pl.program_id(0)
    g = bexp_ref[i]

    @pl.when(i == 0)
    def _():
        webf_ref[...] = we_ref[...].astype(jnp.bfloat16)

    a = a_ref[...].astype(jnp.bfloat16)
    acc = jnp.dot(a, webf_ref[g], preferred_element_type=jnp.float32)
    buf_ref[...] = acc + be_ref[g]


def _run_gmm(bexp, a, We, be, r_pad, nbg):
    e, d, o = We.shape
    grid_spec = pltpu.PrefetchScalarGridSpec(
        num_scalar_prefetch=1,
        grid=(nbg,),
        in_specs=[
            pl.BlockSpec((BMG, d), lambda i, b: (i, 0)),
            pl.BlockSpec((e, d, o), lambda i, b: (0, 0, 0)),
            pl.BlockSpec((e, o), lambda i, b: (0, 0)),
        ],
        out_specs=pl.BlockSpec((BMG, o), lambda i, b: (i, 0)),
        scratch_shapes=[pltpu.VMEM((e, d, o), jnp.bfloat16)],
    )
    return pl.pallas_call(
        _gmm_kernel,
        grid_spec=grid_spec,
        out_shape=jax.ShapeDtypeStruct((r_pad, o), jnp.float32),
    )(bexp, a, We, be)


def _make_combine(n, o, r_pad):
    nw = 32
    t_per_w = n // nw
    tchunk = 32
    nchunks = t_per_w // tchunk
    mesh = plsc.VectorSubcoreMesh(core_axis_name="c", subcore_axis_name="s")

    @functools.partial(
        pl.kernel, mesh=mesh,
        out_type=jax.ShapeDtypeStruct((n, o), jnp.float32),
        scratch_types=[
            pltpu.VMEM((32 * t_per_w,), jnp.float32),
            pltpu.VMEM((nchunks, 2 * tchunk), jnp.int32),
            pltpu.VMEM((2 * tchunk, o), jnp.float32),
            pltpu.VMEM((tchunk, o), jnp.float32),
            pltpu.SemaphoreType.DMA,
        ],
    )
    def combine(buf_hbm, pos_hbm, wexp_hbm, out_hbm,
                wt_v, pidx_v, rows_v, out_v, sem):
        wid = lax.axis_index("s") * 2 + lax.axis_index("c")
        tbase = wid * t_per_w
        pltpu.sync_copy(wexp_hbm.at[pl.ds(32 * tbase, 32 * t_per_w)], wt_v)
        for c in range(nchunks):
            pltpu.sync_copy(
                pos_hbm.at[pl.ds(2 * tbase + c * 2 * tchunk, 2 * tchunk)],
                pidx_v.at[c])
            pltpu.async_copy(buf_hbm.at[pidx_v.at[c]], rows_v, sem).wait()

            def body(t, _):
                wb = 32 * (c * tchunk + t)
                w0 = wt_v[pl.ds(wb, 16)]
                w1 = wt_v[pl.ds(wb + 16, 16)]

                def inner(sl, _):
                    a = rows_v[2 * t, pl.ds(sl * 16, 16)]
                    b = rows_v[2 * t + 1, pl.ds(sl * 16, 16)]
                    out_v[t, pl.ds(sl * 16, 16)] = a * w0 + b * w1
                    return 0
                return lax.fori_loop(0, o // 16, inner, 0, unroll=4)
            lax.fori_loop(0, tchunk, body, 0)
            pltpu.sync_copy(out_v,
                            out_hbm.at[pl.ds(tbase + c * tchunk, tchunk)])

    return combine


def kernel(features, Wr, br, We, be):
    n, d = features.shape
    e, _, o = We.shape
    r_pad = 2 * n + e * BMG
    nbg = r_pad // BMG

    eids, prel, wts, offs, bexp, loss = _run_router(features, Wr, br, nbg)
    pos, wexp = _run_posfix(eids, prel, wts, offs, e)
    a = _make_dispatch(n, d, r_pad)(pos.reshape(2 * n), features)
    buf = _run_gmm(bexp.reshape(nbg), a, We, be, r_pad, nbg)
    logits = _make_combine(n, o, r_pad)(
        buf, pos.reshape(2 * n), wexp.reshape(32 * n))
    return logits, loss.reshape(())

# --- scband reference (transcript-rebuilt; emitter-appended) ---
"""Pipeline reference for scband-top-kmo-eclassifier-17660905521548 (READ-ONLY COPY).

The authoritative reference and input builder live on the scoring server;
editing this copy changes nothing except your own understanding.
"""

import jax, jax.numpy as jnp
import numpy as np

N = 8192
D = 768
E = 8
O = 768
TOPK = 2
BAL = 0.01


def setup_inputs(seed: int = 0) -> dict:
    key = jax.random.key(seed)
    k1, k2, k3, k4, k5 = jax.random.split(key, 5)
    features = jax.random.normal(k1, (N, D), dtype=jnp.float32)
    Wr = jax.random.normal(k2, (D, E), dtype=jnp.float32) * 0.02
    br = jnp.zeros((E,), dtype=jnp.float32)
    We = jax.random.normal(k3, (E, D, O), dtype=jnp.float32) * 0.02
    be = jnp.zeros((E, O), dtype=jnp.float32)
    return {"features": features, "Wr": Wr, "br": br, "We": We, "be": be}


def reference(features, Wr, br, We, be):
    # router: softmax over expert logits
    routing_prob = jax.nn.softmax(features @ Wr + br, axis=-1)
    # top-k selection and renormalized weights
    top_values, top_indices = jax.lax.top_k(routing_prob, TOPK)
    denom = jnp.maximum(jnp.sum(top_values, axis=1, keepdims=True), 1e-9)
    weights = top_values / denom
    # dense expert computation: [N, E, O] (faithful to torch.stack over experts)
    expert_outputs = jnp.einsum('nd,edo->neo', features, We) + be[None, :, :]
    # gather top-k expert outputs per token
    gathered = jnp.take_along_axis(expert_outputs, top_indices[:, :, None], axis=1)
    logits = jnp.sum(weights[:, :, None] * gathered, axis=1)
    # load-balance (negative entropy) auxiliary loss
    pi = jnp.mean(routing_prob, axis=0)
    balance_loss = BAL * (jnp.sum(pi * jnp.log(jnp.maximum(pi, 1e-9))) + jnp.log(jnp.asarray(E, dtype=pi.dtype)))
    return (logits, balance_loss)

if __name__ == "__main__":
    import jax
    _d = setup_inputs()
    print(jax.jit(kernel)(*tuple(_d.values())))

</pallas_src>

<mosaic_0001>
#map = affine_map<(d0, d1) -> (0)>
#map1 = affine_map<(d0, d1) -> (0, 0)>
module attributes {stable_mosaic.version = 14 : i64} {
  func.func @dispatch(%arg0: i32, %arg1: i32, %arg2: memref<16384xi32, #tpu.memory_space<hbm>>, %arg3: memref<8192x768xf32, #tpu.memory_space<hbm>>, %arg4: memref<20480x768xf32, #tpu.memory_space<hbm>>, %arg5: memref<4x128xi32, #tpu.memory_space<vmem>>, %arg6: memref<4x128xi32, #tpu.memory_space<vmem>>, %arg7: memref<128x768xf32, #tpu.memory_space<vmem>>, %arg8: memref<!tpu.dma_semaphore, #tpu.memory_space<semaphore_mem>>) attributes {dimension_semantics = [#tpu.dimension_semantics<core_parallel>, #tpu.dimension_semantics<subcore_parallel>], iteration_bounds = array<i64: 2, 16>, scalar_prefetch = 0 : i64, scratch_operands = 4 : i64, tpu.core_type = #tpu.core_type<sc_vector_subcore>, window_params = [{transform_indices = #map}, {transform_indices = #map1}, {transform_indices = #map1}]} {
    %mul3A = arith.constant 2 : i32
    %mul3A_0 = arith.muli %arg1, %mul3A : i32
    %add3A = arith.addi %mul3A_0, %arg0 : i32
    %mul3A_1 = arith.constant 512 : i32
    %mul3A_2 = arith.muli %add3A, %mul3A_1 : i32
    %add3A_3 = arith.constant 0 : i32
    %add3A_4 = arith.addi %mul3A_2, %add3A_3 : i32
    %run_scoped3A = arith.constant 0 : i32
    "tpu.region"() ({
      %run_scoped3A_569 = tpu.sem_alloc : memref<!tpu.dma_semaphore, #tpu.memory_space<semaphore_mem>>
      %dma_start3A_570 = arith.constant 0 : i32
      %dma_start3A_571 = tpu.memref_slice %arg5[%run_scoped3A, %dma_start3A_570] : memref<4x128xi32, #tpu.memory_space<vmem>> -> memref<1x128xi32, #tpu.memory_space<vmem>>
      %dma_start3A_572 = tpu.memref_squeeze %dma_start3A_571 : memref<1x128xi32, #tpu.memory_space<vmem>> -> memref<128xi32, #tpu.memory_space<vmem>>
      %dma_start3A_573 = tpu.memref_slice %arg2[%add3A_4] : memref<16384xi32, #tpu.memory_space<hbm>> -> memref<128xi32, #tpu.memory_space<hbm>>
      %dma_start3A_574 = arith.constant 0 : i32
      %dma_start3A_575 = tpu.memref_slice %arg5[%run_scoped3A, %dma_start3A_574] : memref<4x128xi32, #tpu.memory_space<vmem>> -> memref<1x128xi32, #tpu.memory_space<vmem>>
      %dma_start3A_576 = tpu.memref_squeeze %dma_start3A_575 : memref<1x128xi32, #tpu.memory_space<vmem>> -> memref<128xi32, #tpu.memory_space<vmem>>
      %dma_start3A_577 = tpu.memref_slice %arg2[%add3A_4] : memref<16384xi32, #tpu.memory_space<hbm>> -> memref<128xi32, #tpu.memory_space<hbm>>
      tpu.enqueue_dma source(%dma_start3A_577 : memref<128xi32, #tpu.memory_space<hbm>>) target(%dma_start3A_576 : memref<128xi32, #tpu.memory_space<vmem>>) target_semaphore(%run_scoped3A_569 : memref<!tpu.dma_semaphore, #tpu.memory_space<semaphore_mem>>)
      %dma_wait3A_578 = arith.constant 0 : i32
      %dma_wait3A_579 = tpu.memref_slice %arg5[%run_scoped3A, %dma_wait3A_578] : memref<4x128xi32, #tpu.memory_space<vmem>> -> memref<1x128xi32, #tpu.memory_space<vmem>>
      %dma_wait3A_580 = tpu.memref_squeeze %dma_wait3A_579 : memref<1x128xi32, #tpu.memory_space<vmem>> -> memref<128xi32, #tpu.memory_space<vmem>>
      %dma_wait3A_581 = tpu.memref_slice %arg2[%add3A_4] : memref<16384xi32, #tpu.memory_space<hbm>> -> memref<128xi32, #tpu.memory_space<hbm>>
      %dma_wait3A_582 = arith.constant 0 : i32
      %dma_wait3A_583 = tpu.memref_slice %arg5[%run_scoped3A, %dma_wait3A_582] : memref<4x128xi32, #tpu.memory_space<vmem>> -> memref<1x128xi32, #tpu.memory_space<vmem>>
      %dma_wait3A_584 = tpu.memref_squeeze %dma_wait3A_583 : memref<1x128xi32, #tpu.memory_space<vmem>> -> memref<128xi32, #tpu.memory_space<vmem>>
      %dma_wait3A_585 = tpu.memref_slice %arg2[%add3A_4] : memref<16384xi32, #tpu.memory_space<hbm>> -> memref<128xi32, #tpu.memory_space<hbm>>
      tpu.wait_dma2 semaphore(%run_scoped3A_569 : memref<!tpu.dma_semaphore, #tpu.memory_space<semaphore_mem>>) src(%dma_wait3A_585 : memref<128xi32, #tpu.memory_space<hbm>>) dst(%dma_wait3A_584 : memref<128xi32, #tpu.memory_space<vmem>>)
      tpu.yield
    }) : () -> ()
    %add3A_5 = arith.constant 0 : i32
    %add3A_6 = arith.addi %mul3A_2, %add3A_5 : i32
    %iota3A = tpu.iota {dimensions = array<i32: 0>} : vector<16xi32>
    %add3A_7 = vector.broadcast %add3A_6 : i32 to vector<16xi32>
    %add3A_8 = arith.addi %add3A_7, %iota3A : vector<16xi32>
    %shift_right_logical3A = arith.constant 1 : i32
    %shift_right_logical3A_9 = vector.broadcast %shift_right_logical3A : i32 to vector<16xi32>
    %shift_right_logical3A_10 = arith.shrui %add3A_8, %shift_right_logical3A_9 : vector<16xi32>
    %swap3A = arith.constant 0 : i32
    %swap3A_11 = arith.index_cast %swap3A : i32 to index
    %swap3A_12 = arith.constant 0 : index
    %swap3A_13 = tpu.vector_load %arg6[%swap3A_11, %swap3A_12] {strides = array<i32>} : memref<4x128xi32, #tpu.memory_space<vmem>>, vector<1x16xi32>,
    %swap3A_14 = vector.shape_cast %swap3A_13 : vector<1x16xi32> to vector<16xi32>
    %swap3A_15 = vector.shape_cast %shift_right_logical3A_10 : vector<16xi32> to vector<1x16xi32>
    tpu.vector_store %arg6[%swap3A_11, %swap3A_12], %swap3A_15 {strides = array<i32>} : memref<4x128xi32, #tpu.memory_space<vmem>>, vector<1x16xi32>,
    %add3A_16 = arith.constant 16 : i32
    %add3A_17 = arith.addi %mul3A_2, %add3A_16 : i32
    %iota3A_18 = tpu.iota {dimensions = array<i32: 0>} : vector<16xi32>
    %add3A_19 = vector.broadcast %add3A_17 : i32 to vector<16xi32>
    %add3A_20 = arith.addi %add3A_19, %iota3A_18 : vector<16xi32>
    %shift_right_logical3A_21 = arith.constant 1 : i32
    %shift_right_logical3A_22 = vector.broadcast %shift_right_logical3A_21 : i32 to vector<16xi32>
    %shift_right_logical3A_23 = arith.shrui %add3A_20, %shift_right_logical3A_22 : vector<16xi32>
    %swap3A_24 = arith.constant 0 : i32
    %swap3A_25 = arith.index_cast %swap3A_24 : i32 to index
    %swap3A_26 = arith.constant 16 : index
    %swap3A_27 = tpu.vector_load %arg6[%swap3A_25, %swap3A_26] {strides = array<i32>} : memref<4x128xi32, #tpu.memory_space<vmem>>, vector<1x16xi32>,
    %swap3A_28 = vector.shape_cast %swap3A_27 : vector<1x16xi32> to vector<16xi32>
    %swap3A_29 = vector.shape_cast %shift_right_logical3A_23 : vector<16xi32> to vector<1x16xi32>
    tpu.vector_store %arg6[%swap3A_25, %swap3A_26], %swap3A_29 {strides = array<i32>} : memref<4x128xi32, #tpu.memory_space<vmem>>, vector<1x16xi32>,
    %add3A_30 = arith.constant 32 : i32
    %add3A_31 = arith.addi %mul3A_2, %add3A_30 : i32
    %iota3A_32 = tpu.iota {dimensions = array<i32: 0>} : vector<16xi32>
    %add3A_33 = vector.broadcast %add3A_31 : i32 to vector<16xi32>
    %add3A_34 = arith.addi %add3A_33, %iota3A_32 : vector<16xi32>
    %shift_right_logical3A_35 = arith.constant 1 : i32
    %shift_right_logical3A_36 = vector.broadcast %shift_right_logical3A_35 : i32 to vector<16xi32>
    %shift_right_logical3A_37 = arith.shrui %add3A_34, %shift_right_logical3A_36 : vector<16xi32>
    %swap3A_38 = arith.constant 0 : i32
    %swap3A_39 = arith.index_cast %swap3A_38 : i32 to index
    %swap3A_40 = arith.constant 32 : index
    %swap3A_41 = tpu.vector_load %arg6[%swap3A_39, %swap3A_40] {strides = array<i32>} : memref<4x128xi32, #tpu.memory_space<vmem>>, vector<1x16xi32>,
    %swap3A_42 = vector.shape_cast %swap3A_41 : vector<1x16xi32> to vector<16xi32>
    %swap3A_43 = vector.shape_cast %shift_right_logical3A_37 : vector<16xi32> to vector<1x16xi32>
    tpu.vector_store %arg6[%swap3A_39, %swap3A_40], %swap3A_43 {strides = array<i32>} : memref<4x128xi32, #tpu.memory_space<vmem>>, vector<1x16xi32>,
    %add3A_44 = arith.constant 48 : i32
    %add3A_45 = arith.addi %mul3A_2, %add3A_44 : i32
    %iota3A_46 = tpu.iota {dimensions = array<i32: 0>} : vector<16xi32>
    %add3A_47 = vector.broadcast %add3A_45 : i32 to vector<16xi32>
    %add3A_48 = arith.addi %add3A_47, %iota3A_46 : vector<16xi32>
    %shift_right_logical3A_49 = arith.constant 1 : i32
    %shift_right_logical3A_50 = vector.broadcast %shift_right_logical3A_49 : i32 to vector<16xi32>
    %shift_right_logical3A_51 = arith.shrui %add3A_48, %shift_right_logical3A_50 : vector<16xi32>
    %swap3A_52 = arith.constant 0 : i32
    %swap3A_53 = arith.index_cast %swap3A_52 : i32 to index
    %swap3A_54 = arith.constant 48 : index
    %swap3A_55 = tpu.vector_load %arg6[%swap3A_53, %swap3A_54] {strides = array<i32>} : memref<4x128xi32, #tpu.memory_space<vmem>>, vector<1x16xi32>,
    %swap3A_56 = vector.shape_cast %swap3A_55 : vector<1x16xi32> to vector<16xi32>
    %swap3A_57 = vector.shape_cast %shift_right_logical3A_51 : vector<16xi32> to vector<1x16xi32>
    tpu.vector_store %arg6[%swap3A_53, %swap3A_54], %swap3A_57 {strides = array<i32>} : memref<4x128xi32, #tpu.memory_space<vmem>>, vector<1x16xi32>,
    %add3A_58 = arith.constant 64 : i32
    %add3A_59 = arith.addi %mul3A_2, %add3A_58 : i32
    %iota3A_60 = tpu.iota {dimensions = array<i32: 0>} : vector<16xi32>
    %add3A_61 = vector.broadcast %add3A_59 : i32 to vector<16xi32>
    %add3A_62 = arith.addi %add3A_61, %iota3A_60 : vector<16xi32>
    %shift_right_logical3A_63 = arith.constant 1 : i32
    %shift_right_logical3A_64 = vector.broadcast %shift_right_logical3A_63 : i32 to vector<16xi32>
    %shift_right_logical3A_65 = arith.shrui %add3A_62, %shift_right_logical3A_64 : vector<16xi32>
    %swap3A_66 = arith.constant 0 : i32
    %swap3A_67 = arith.index_cast %swap3A_66 : i32 to index
    %swap3A_68 = arith.constant 64 : index
    %swap3A_69 = tpu.vector_load %arg6[%swap3A_67, %swap3A_68] {strides = array<i32>} : memref<4x128xi32, #tpu.memory_space<vmem>>, vector<1x16xi32>,
    %swap3A_70 = vector.shape_cast %swap3A_69 : vector<1x16xi32> to vector<16xi32>
    %swap3A_71 = vector.shape_cast %shift_right_logical3A_65 : vector<16xi32> to vector<1x16xi32>
    tpu.vector_store %arg6[%swap3A_67, %swap3A_68], %swap3A_71 {strides = array<i32>} : memref<4x128xi32, #tpu.memory_space<vmem>>, vector<1x16xi32>,
    %add3A_72 = arith.constant 80 : i32
    %add3A_73 = arith.addi %mul3A_2, %add3A_72 : i32
    %iota3A_74 = tpu.iota {dimensions = array<i32: 0>} : vector<16xi32>
    %add3A_75 = vector.broadcast %add3A_73 : i32 to vector<16xi32>
    %add3A_76 = arith.addi %add3A_75, %iota3A_74 : vector<16xi32>
    %shift_right_logical3A_77 = arith.constant 1 : i32
    %shift_right_logical3A_78 = vector.broadcast %shift_right_logical3A_77 : i32 to vector<16xi32>
    %shift_right_logical3A_79 = arith.shrui %add3A_76, %shift_right_logical3A_78 : vector<16xi32>
    %swap3A_80 = arith.constant 0 : i32
    %swap3A_81 = arith.index_cast %swap3A_80 : i32 to index
    %swap3A_82 = arith.constant 80 : index
    %swap3A_83 = tpu.vector_load %arg6[%swap3A_81, %swap3A_82] {strides = array<i32>} : memref<4x128xi32, #tpu.memory_space<vmem>>, vector<1x16xi32>,
    %swap3A_84 = vector.shape_cast %swap3A_83 : vector<1x16xi32> to vector<16xi32>
    %swap3A_85 = vector.shape_cast %shift_right_logical3A_79 : vector<16xi32> to vector<1x16xi32>
    tpu.vector_store %arg6[%swap3A_81, %swap3A_82], %swap3A_85 {strides = array<i32>} : memref<4x128xi32, #tpu.memory_space<vmem>>, vector<1x16xi32>,
    %add3A_86 = arith.constant 96 : i32
    %add3A_87 = arith.addi %mul3A_2, %add3A_86 : i32
    %iota3A_88 = tpu.iota {dimensions = array<i32: 0>} : vector<16xi32>
    %add3A_89 = vector.broadcast %add3A_87 : i32 to vector<16xi32>
    %add3A_90 = arith.addi %add3A_89, %iota3A_88 : vector<16xi32>
    %shift_right_logical3A_91 = arith.constant 1 : i32
    %shift_right_logical3A_92 = vector.broadcast %shift_right_logical3A_91 : i32 to vector<16xi32>
    %shift_right_logical3A_93 = arith.shrui %add3A_90, %shift_right_logical3A_92 : vector<16xi32>
    %swap3A_94 = arith.constant 0 : i32
    %swap3A_95 = arith.index_cast %swap3A_94 : i32 to index
    %swap3A_96 = arith.constant 96 : index
    %swap3A_97 = tpu.vector_load %arg6[%swap3A_95, %swap3A_96] {strides = array<i32>} : memref<4x128xi32, #tpu.memory_space<vmem>>, vector<1x16xi32>,
    %swap3A_98 = vector.shape_cast %swap3A_97 : vector<1x16xi32> to vector<16xi32>
    %swap3A_99 = vector.shape_cast %shift_right_logical3A_93 : vector<16xi32> to vector<1x16xi32>
    tpu.vector_store %arg6[%swap3A_95, %swap3A_96], %swap3A_99 {strides = array<i32>} : memref<4x128xi32, #tpu.memory_space<vmem>>, vector<1x16xi32>,
    %add3A_100 = arith.constant 112 : i32
    %add3A_101 = arith.addi %mul3A_2, %add3A_100 : i32
    %iota3A_102 = tpu.iota {dimensions = array<i32: 0>} : vector<16xi32>
    %add3A_103 = vector.broadcast %add3A_101 : i32 to vector<16xi32>
    %add3A_104 = arith.addi %add3A_103, %iota3A_102 : vector<16xi32>
    %shift_right_logical3A_105 = arith.constant 1 : i32
    %shift_right_logical3A_106 = vector.broadcast %shift_right_logical3A_105 : i32 to vector<16xi32>
    %shift_right_logical3A_107 = arith.shrui %add3A_104, %shift_right_logical3A_106 : vector<16xi32>
    %swap3A_108 = arith.constant 0 : i32
    %swap3A_109 = arith.index_cast %swap3A_108 : i32 to index
    %swap3A_110 = arith.constant 112 : index
    %swap3A_111 = tpu.vector_load %arg6[%swap3A_109, %swap3A_110] {strides = array<i32>} : memref<4x128xi32, #tpu.memory_space<vmem>>, vector<1x16xi32>,
    %swap3A_112 = vector.shape_cast %swap3A_111 : vector<1x16xi32> to vector<16xi32>
    %swap3A_113 = vector.shape_cast %shift_right_logical3A_107 : vector<16xi32> to vector<1x16xi32>
    tpu.vector_store %arg6[%swap3A_109, %swap3A_110], %swap3A_113 {strides = array<i32>} : memref<4x128xi32, #tpu.memory_space<vmem>>, vector<1x16xi32>,
    %dma_start3A = arith.constant 0 : i32
    %dma_start3A_114 = arith.constant 0 : i32
    %dma_start3A_115 = tpu.memref_slice %arg6[%dma_start3A, %dma_start3A_114] : memref<4x128xi32, #tpu.memory_space<vmem>> -> memref<1x128xi32, #tpu.memory_space<vmem>>
    %dma_start3A_116 = tpu.memref_squeeze %dma_start3A_115 : memref<1x128xi32, #tpu.memory_space<vmem>> -> memref<128xi32, #tpu.memory_space<vmem>>
    %dma_start3A_117 = arith.constant 0 : i32
    %dma_start3A_118 = arith.constant 0 : i32
    %dma_start3A_119 = tpu.memref_slice %arg3[%dma_start3A_117, %dma_start3A_118] : memref<8192x768xf32, #tpu.memory_space<hbm>> -> memref<8192x768xf32, #tpu.memory_space<hbm>>
    tpu.enqueue_indirect_dma source(%dma_start3A_119 : memref<8192x768xf32, #tpu.memory_space<hbm>>) target(%arg7 : memref<128x768xf32, #tpu.memory_space<vmem>>) offsets(%dma_start3A_116 : memref<128xi32, #tpu.memory_space<vmem>>) semaphore(%arg8 : memref<!tpu.dma_semaphore, #tpu.memory_space<semaphore_mem>>)
    %dma_wait3A = arith.constant 0 : i32
    %dma_wait3A_120 = arith.constant 0 : i32
    %dma_wait3A_121 = tpu.memref_slice %arg6[%dma_wait3A, %dma_wait3A_120] : memref<4x128xi32, #tpu.memory_space<vmem>> -> memref<1x128xi32, #tpu.memory_space<vmem>>
    %dma_wait3A_122 = tpu.memref_squeeze %dma_wait3A_121 : memref<1x128xi32, #tpu.memory_space<vmem>> -> memref<128xi32, #tpu.memory_space<vmem>>
    %dma_wait3A_123 = arith.constant 0 : i32
    %dma_wait3A_124 = arith.constant 0 : i32
    %dma_wait3A_125 = tpu.memref_slice %arg3[%dma_wait3A_123, %dma_wait3A_124] : memref<8192x768xf32, #tpu.memory_space<hbm>> -> memref<8192x768xf32, #tpu.memory_space<hbm>>
    tpu.wait_indirect_dma semaphore(%arg8 : memref<!tpu.dma_semaphore, #tpu.memory_space<semaphore_mem>>) src(%dma_wait3A_125 : memref<8192x768xf32, #tpu.memory_space<hbm>>) dst(%arg7 : memref<128x768xf32, #tpu.memory_space<vmem>>)
    %dma_start3A_126 = arith.constant 0 : i32
    %dma_start3A_127 = arith.constant 0 : i32
    %dma_start3A_128 = tpu.memref_slice %arg5[%dma_start3A_126, %dma_start3A_127] : memref<4x128xi32, #tpu.memory_space<vmem>> -> memref<1x128xi32, #tpu.memory_space<vmem>>
    %dma_start3A_129 = tpu.memref_squeeze %dma_start3A_128 : memref<1x128xi32, #tpu.memory_space<vmem>> -> memref<128xi32, #tpu.memory_space<vmem>>
    %dma_start3A_130 = arith.constant 0 : i32
    %dma_start3A_131 = arith.constant 0 : i32
    %dma_start3A_132 = tpu.memref_slice %arg4[%dma_start3A_130, %dma_start3A_131] : memref<20480x768xf32, #tpu.memory_space<hbm>> -> memref<20480x768xf32, #tpu.memory_space<hbm>>
    tpu.enqueue_indirect_dma source(%arg7 : memref<128x768xf32, #tpu.memory_space<vmem>>) target(%dma_start3A_132 : memref<20480x768xf32, #tpu.memory_space<hbm>>) offsets(%dma_start3A_129 : memref<128xi32, #tpu.memory_space<vmem>>) semaphore(%arg8 : memref<!tpu.dma_semaphore, #tpu.memory_space<semaphore_mem>>)
    %dma_wait3A_133 = arith.constant 0 : i32
    %dma_wait3A_134 = arith.constant 0 : i32
    %dma_wait3A_135 = tpu.memref_slice %arg5[%dma_wait3A_133, %dma_wait3A_134] : memref<4x128xi32, #tpu.memory_space<vmem>> -> memref<1x128xi32, #tpu.memory_space<vmem>>
    %dma_wait3A_136 = tpu.memref_squeeze %dma_wait3A_135 : memref<1x128xi32, #tpu.memory_space<vmem>> -> memref<128xi32, #tpu.memory_space<vmem>>
    %dma_wait3A_137 = arith.constant 0 : i32
    %dma_wait3A_138 = arith.constant 0 : i32
    %dma_wait3A_139 = tpu.memref_slice %arg4[%dma_wait3A_137, %dma_wait3A_138] : memref<20480x768xf32, #tpu.memory_space<hbm>> -> memref<20480x768xf32, #tpu.memory_space<hbm>>
    tpu.wait_indirect_dma semaphore(%arg8 : memref<!tpu.dma_semaphore, #tpu.memory_space<semaphore_mem>>) src(%arg7 : memref<128x768xf32, #tpu.memory_space<vmem>>) dst(%dma_wait3A_139 : memref<20480x768xf32, #tpu.memory_space<hbm>>)
    %add3A_140 = arith.constant 128 : i32
    %add3A_141 = arith.addi %mul3A_2, %add3A_140 : i32
    %run_scoped3A_142 = arith.constant 1 : i32
    "tpu.region"() ({
      %run_scoped3A_569 = tpu.sem_alloc : memref<!tpu.dma_semaphore, #tpu.memory_space<semaphore_mem>>
      %dma_start3A_570 = arith.constant 0 : i32
      %dma_start3A_571 = tpu.memref_slice %arg5[%run_scoped3A_142, %dma_start3A_570] : memref<4x128xi32, #tpu.memory_space<vmem>> -> memref<1x128xi32, #tpu.memory_space<vmem>>
      %dma_start3A_572 = tpu.memref_squeeze %dma_start3A_571 : memref<1x128xi32, #tpu.memory_space<vmem>> -> memref<128xi32, #tpu.memory_space<vmem>>
      %dma_start3A_573 = tpu.memref_slice %arg2[%add3A_141] : memref<16384xi32, #tpu.memory_space<hbm>> -> memref<128xi32, #tpu.memory_space<hbm>>
      %dma_start3A_574 = arith.constant 0 : i32
      %dma_start3A_575 = tpu.memref_slice %arg5[%run_scoped3A_142, %dma_start3A_574] : memref<4x128xi32, #tpu.memory_space<vmem>> -> memref<1x128xi32, #tpu.memory_space<vmem>>
      %dma_start3A_576 = tpu.memref_squeeze %dma_start3A_575 : memref<1x128xi32, #tpu.memory_space<vmem>> -> memref<128xi32, #tpu.memory_space<vmem>>
      %dma_start3A_577 = tpu.memref_slice %arg2[%add3A_141] : memref<16384xi32, #tpu.memory_space<hbm>> -> memref<128xi32, #tpu.memory_space<hbm>>
      tpu.enqueue_dma source(%dma_start3A_577 : memref<128xi32, #tpu.memory_space<hbm>>) target(%dma_start3A_576 : memref<128xi32, #tpu.memory_space<vmem>>) target_semaphore(%run_scoped3A_569 : memref<!tpu.dma_semaphore, #tpu.memory_space<semaphore_mem>>)
      %dma_wait3A_578 = arith.constant 0 : i32
      %dma_wait3A_579 = tpu.memref_slice %arg5[%run_scoped3A_142, %dma_wait3A_578] : memref<4x128xi32, #tpu.memory_space<vmem>> -> memref<1x128xi32, #tpu.memory_space<vmem>>
      %dma_wait3A_580 = tpu.memref_squeeze %dma_wait3A_579 : memref<1x128xi32, #tpu.memory_space<vmem>> -> memref<128xi32, #tpu.memory_space<vmem>>
      %dma_wait3A_581 = tpu.memref_slice %arg2[%add3A_141] : memref<16384xi32, #tpu.memory_space<hbm>> -> memref<128xi32, #tpu.memory_space<hbm>>
      %dma_wait3A_582 = arith.constant 0 : i32
      %dma_wait3A_583 = tpu.memref_slice %arg5[%run_scoped3A_142, %dma_wait3A_582] : memref<4x128xi32, #tpu.memory_space<vmem>> -> memref<1x128xi32, #tpu.memory_space<vmem>>
      %dma_wait3A_584 = tpu.memref_squeeze %dma_wait3A_583 : memref<1x128xi32, #tpu.memory_space<vmem>> -> memref<128xi32, #tpu.memory_space<vmem>>
      %dma_wait3A_585 = tpu.memref_slice %arg2[%add3A_141] : memref<16384xi32, #tpu.memory_space<hbm>> -> memref<128xi32, #tpu.memory_space<hbm>>
      tpu.wait_dma2 semaphore(%run_scoped3A_569 : memref<!tpu.dma_semaphore, #tpu.memory_space<semaphore_mem>>) src(%dma_wait3A_585 : memref<128xi32, #tpu.memory_space<hbm>>) dst(%dma_wait3A_584 : memref<128xi32, #tpu.memory_space<vmem>>)
      tpu.yield
    }) : () -> ()
    %add3A_143 = arith.constant 128 : i32
    %add3A_144 = arith.addi %mul3A_2, %add3A_143 : i32
    %iota3A_145 = tpu.iota {dimensions = array<i32: 0>} : vector<16xi32>
    %add3A_146 = vector.broadcast %add3A_144 : i32 to vector<16xi32>
    %add3A_147 = arith.addi %add3A_146, %iota3A_145 : vector<16xi32>
    %shift_right_logical3A_148 = arith.constant 1 : i32
    %shift_right_logical3A_149 = vector.broadcast %shift_right_logical3A_148 : i32 to vector<16xi32>
    %shift_right_logical3A_150 = arith.shrui %add3A_147, %shift_right_logical3A_149 : vector<16xi32>
    %swap3A_151 = arith.constant 1 : i32
    %swap3A_152 = arith.index_cast %swap3A_151 : i32 to index
    %swap3A_153 = arith.constant 0 : index
    %swap3A_154 = tpu.vector_load %arg6[%swap3A_152, %swap3A_153] {strides = array<i32>} : memref<4x128xi32, #tpu.memory_space<vmem>>, vector<1x16xi32>,
    %swap3A_155 = vector.shape_cast %swap3A_154 : vector<1x16xi32> to vector<16xi32>
    %swap3A_156 = vector.shape_cast %shift_right_logical3A_150 : vector<16xi32> to vector<1x16xi32>
    tpu.vector_store %arg6[%swap3A_152, %swap3A_153], %swap3A_156 {strides = array<i32>} : memref<4x128xi32, #tpu.memory_space<vmem>>, vector<1x16xi32>,
    %add3A_157 = arith.constant 144 : i32
    %add3A_158 = arith.addi %mul3A_2, %add3A_157 : i32
    %iota3A_159 = tpu.iota {dimensions = array<i32: 0>} : vector<16xi32>
    %add3A_160 = vector.broadcast %add3A_158 : i32 to vector<16xi32>
    %add3A_161 = arith.addi %add3A_160, %iota3A_159 : vector<16xi32>
    %shift_right_logical3A_162 = arith.constant 1 : i32
    %shift_right_logical3A_163 = vector.broadcast %shift_right_logical3A_162 : i32 to vector<16xi32>
    %shift_right_logical3A_164 = arith.shrui %add3A_161, %shift_right_logical3A_163 : vector<16xi32>
    %swap3A_165 = arith.constant 1 : i32
    %swap3A_166 = arith.index_cast %swap3A_165 : i32 to index
    %swap3A_167 = arith.constant 16 : index
    %swap3A_168 = tpu.vector_load %arg6[%swap3A_166, %swap3A_167] {strides = array<i32>} : memref<4x128xi32, #tpu.memory_space<vmem>>, vector<1x16xi32>,
    %swap3A_169 = vector.shape_cast %swap3A_168 : vector<1x16xi32> to vector<16xi32>
    %swap3A_170 = vector.shape_cast %shift_right_logical3A_164 : vector<16xi32> to vector<1x16xi32>
    tpu.vector_store %arg6[%swap3A_166, %swap3A_167], %swap3A_170 {strides = array<i32>} : memref<4x128xi32, #tpu.memory_space<vmem>>, vector<1x16xi32>,
    %add3A_171 = arith.constant 160 : i32
    %add3A_172 = arith.addi %mul3A_2, %add3A_171 : i32
    %iota3A_173 = tpu.iota {dimensions = array<i32: 0>} : vector<16xi32>
    %add3A_174 = vector.broadcast %add3A_172 : i32 to vector<16xi32>
    %add3A_175 = arith.addi %add3A_174, %iota3A_173 : vector<16xi32>
    %shift_right_logical3A_176 = arith.constant 1 : i32
    %shift_right_logical3A_177 = vector.broadcast %shift_right_logical3A_176 : i32 to vector<16xi32>
    %shift_right_logical3A_178 = arith.shrui %add3A_175, %shift_right_logical3A_177 : vector<16xi32>
    %swap3A_179 = arith.constant 1 : i32
    %swap3A_180 = arith.index_cast %swap3A_179 : i32 to index
    %swap3A_181 = arith.constant 32 : index
    %swap3A_182 = tpu.vector_load %arg6[%swap3A_180, %swap3A_181] {strides = array<i32>} : memref<4x128xi32, #tpu.memory_space<vmem>>, vector<1x16xi32>,
    %swap3A_183 = vector.shape_cast %swap3A_182 : vector<1x16xi32> to vector<16xi32>
    %swap3A_184 = vector.shape_cast %shift_right_logical3A_178 : vector<16xi32> to vector<1x16xi32>
    tpu.vector_store %arg6[%swap3A_180, %swap3A_181], %swap3A_184 {strides = array<i32>} : memref<4x128xi32, #tpu.memory_space<vmem>>, vector<1x16xi32>,
    %add3A_185 = arith.constant 176 : i32
    %add3A_186 = arith.addi %mul3A_2, %add3A_185 : i32
    %iota3A_187 = tpu.iota {dimensions = array<i32: 0>} : vector<16xi32>
    %add3A_188 = vector.broadcast %add3A_186 : i32 to vector<16xi32>
    %add3A_189 = arith.addi %add3A_188, %iota3A_187 : vector<16xi32>
    %shift_right_logical3A_190 = arith.constant 1 : i32
    %shift_right_logical3A_191 = vector.broadcast %shift_right_logical3A_190 : i32 to vector<16xi32>
    %shift_right_logical3A_192 = arith.shrui %add3A_189, %shift_right_logical3A_191 : vector<16xi32>
    %swap3A_193 = arith.constant 1 : i32
    %swap3A_194 = arith.index_cast %swap3A_193 : i32 to index
    %swap3A_195 = arith.constant 48 : index
    %swap3A_196 = tpu.vector_load %arg6[%swap3A_194, %swap3A_195] {strides = array<i32>} : memref<4x128xi32, #tpu.memory_space<vmem>>, vector<1x16xi32>,
    %swap3A_197 = vector.shape_cast %swap3A_196 : vector<1x16xi32> to vector<16xi32>
    %swap3A_198 = vector.shape_cast %shift_right_logical3A_192 : vector<16xi32> to vector<1x16xi32>
    tpu.vector_store %arg6[%swap3A_194, %swap3A_195], %swap3A_198 {strides = array<i32>} : memref<4x128xi32, #tpu.memory_space<vmem>>, vector<1x16xi32>,
    %add3A_199 = arith.constant 192 : i32
    %add3A_200 = arith.addi %mul3A_2, %add3A_199 : i32
    %iota3A_201 = tpu.iota {dimensions = array<i32: 0>} : vector<16xi32>
    %add3A_202 = vector.broadcast %add3A_200 : i32 to vector<16xi32>
    %add3A_203 = arith.addi %add3A_202, %iota3A_201 : vector<16xi32>
    %shift_right_logical3A_204 = arith.constant 1 : i32
    %shift_right_logical3A_205 = vector.broadcast %shift_right_logical3A_204 : i32 to vector<16xi32>
    %shift_right_logical3A_206 = arith.shrui %add3A_203, %shift_right_logical3A_205 : vector<16xi32>
    %swap3A_207 = arith.constant 1 : i32
    %swap3A_208 = arith.index_cast %swap3A_207 : i32 to index
    %swap3A_209 = arith.constant 64 : index
    %swap3A_210 = tpu.vector_load %arg6[%swap3A_208, %swap3A_209] {strides = array<i32>} : memref<4x128xi32, #tpu.memory_space<vmem>>, vector<1x16xi32>,
    %swap3A_211 = vector.shape_cast %swap3A_210 : vector<1x16xi32> to vector<16xi32>
    %swap3A_212 = vector.shape_cast %shift_right_logical3A_206 : vector<16xi32> to vector<1x16xi32>
    tpu.vector_store %arg6[%swap3A_208, %swap3A_209], %swap3A_212 {strides = array<i32>} : memref<4x128xi32, #tpu.memory_space<vmem>>, vector<1x16xi32>,
    %add3A_213 = arith.constant 208 : i32
    %add3A_214 = arith.addi %mul3A_2, %add3A_213 : i32
    %iota3A_215 = tpu.iota {dimensions = array<i32: 0>} : vector<16xi32>
    %add3A_216 = vector.broadcast %add3A_214 : i32 to vector<16xi32>
    %add3A_217 = arith.addi %add3A_216, %iota3A_215 : vector<16xi32>
    %shift_right_logical3A_218 = arith.constant 1 : i32
    %shift_right_logical3A_219 = vector.broadcast %shift_right_logical3A_218 : i32 to vector<16xi32>
    %shift_right_logical3A_220 = arith.shrui %add3A_217, %shift_right_logical3A_219 : vector<16xi32>
    %swap3A_221 = arith.constant 1 : i32
    %swap3A_222 = arith.index_cast %swap3A_221 : i32 to index
    %swap3A_223 = arith.constant 80 : index
    %swap3A_224 = tpu.vector_load %arg6[%swap3A_222, %swap3A_223] {strides = array<i32>} : memref<4x128xi32, #tpu.memory_space<vmem>>, vector<1x16xi32>,
    %swap3A_225 = vector.shape_cast %swap3A_224 : vector<1x16xi32> to vector<16xi32>
    %swap3A_226 = vector.shape_cast %shift_right_logical3A_220 : vector<16xi32> to vector<1x16xi32>
    tpu.vector_store %arg6[%swap3A_222, %swap3A_223], %swap3A_226 {strides = array<i32>} : memref<4x128xi32, #tpu.memory_space<vmem>>, vector<1x16xi32>,
    %add3A_227 = arith.constant 224 : i32
    %add3A_228 = arith.addi %mul3A_2, %add3A_227 : i32
    %iota3A_229 = tpu.iota {dimensions = array<i32: 0>} : vector<16xi32>
    %add3A_230 = vector.broadcast %add3A_228 : i32 to vector<16xi32>
    %add3A_231 = arith.addi %add3A_230, %iota3A_229 : vector<16xi32>
    %shift_right_logical3A_232 = arith.constant 1 : i32
    %shift_right_logical3A_233 = vector.broadcast %shift_right_logical3A_232 : i32 to vector<16xi32>
    %shift_right_logical3A_234 = arith.shrui %add3A_231, %shift_right_logical3A_233 : vector<16xi32>
    %swap3A_235 = arith.constant 1 : i32
    %swap3A_236 = arith.index_cast %swap3A_235 : i32 to index
    %swap3A_237 = arith.constant 96 : index
    %swap3A_238 = tpu.vector_load %arg6[%swap3A_236, %swap3A_237] {strides = array<i32>} : memref<4x128xi32, #tpu.memory_space<vmem>>, vector<1x16xi32>,
    %swap3A_239 = vector.shape_cast %swap3A_238 : vector<1x16xi32> to vector<16xi32>
    %swap3A_240 = vector.shape_cast %shift_right_logical3A_234 : vector<16xi32> to vector<1x16xi32>
    tpu.vector_store %arg6[%swap3A_236, %swap3A_237], %swap3A_240 {strides = array<i32>} : memref<4x128xi32, #tpu.memory_space<vmem>>, vector<1x16xi32>,
    %add3A_241 = arith.constant 240 : i32
    %add3A_242 = arith.addi %mul3A_2, %add3A_241 : i32
    %iota3A_243 = tpu.iota {dimensions = array<i32: 0>} : vector<16xi32>
    %add3A_244 = vector.broadcast %add3A_242 : i32 to vector<16xi32>
    %add3A_245 = arith.addi %add3A_244, %iota3A_243 : vector<16xi32>
    %shift_right_logical3A_246 = arith.constant 1 : i32
    %shift_right_logical3A_247 = vector.broadcast %shift_right_logical3A_246 : i32 to vector<16xi32>
    %shift_right_logical3A_248 = arith.shrui %add3A_245, %shift_right_logical3A_247 : vector<16xi32>
    %swap3A_249 = arith.constant 1 : i32
    %swap3A_250 = arith.index_cast %swap3A_249 : i32 to index
    %swap3A_251 = arith.constant 112 : index
    %swap3A_252 = tpu.vector_load %arg6[%swap3A_250, %swap3A_251] {strides = array<i32>} : memref<4x128xi32, #tpu.memory_space<vmem>>, vector<1x16xi32>,
    %swap3A_253 = vector.shape_cast %swap3A_252 : vector<1x16xi32> to vector<16xi32>
    %swap3A_254 = vector.shape_cast %shift_right_logical3A_248 : vector<16xi32> to vector<1x16xi32>
    tpu.vector_store %arg6[%swap3A_250, %swap3A_251], %swap3A_254 {strides = array<i32>} : memref<4x128xi32, #tpu.memory_space<vmem>>, vector<1x16xi32>,
    %dma_start3A_255 = arith.constant 1 : i32
    %dma_start3A_256 = arith.constant 0 : i32
    %dma_start3A_257 = tpu.memref_slice %arg6[%dma_start3A_255, %dma_start3A_256] : memref<4x128xi32, #tpu.memory_space<vmem>> -> memref<1x128xi32, #tpu.memory_space<vmem>>
    %dma_start3A_258 = tpu.memref_squeeze %dma_start3A_257 : memref<1x128xi32, #tpu.memory_space<vmem>> -> memref<128xi32, #tpu.memory_space<vmem>>
    %dma_start3A_259 = arith.constant 0 : i32
    %dma_start3A_260 = arith.constant 0 : i32
    %dma_start3A_261 = tpu.memref_slice %arg3[%dma_start3A_259, %dma_start3A_260] : memref<8192x768xf32, #tpu.memory_space<hbm>> -> memref<8192x768xf32, #tpu.memory_space<hbm>>
    tpu.enqueue_indirect_dma source(%dma_start3A_261 : memref<8192x768xf32, #tpu.memory_space<hbm>>) target(%arg7 : memref<128x768xf32, #tpu.memory_space<vmem>>) offsets(%dma_start3A_258 : memref<128xi32, #tpu.memory_space<vmem>>) semaphore(%arg8 : memref<!tpu.dma_semaphore, #tpu.memory_space<semaphore_mem>>)
    %dma_wait3A_262 = arith.constant 1 : i32
    %dma_wait3A_263 = arith.constant 0 : i32
    %dma_wait3A_264 = tpu.memref_slice %arg6[%dma_wait3A_262, %dma_wait3A_263] : memref<4x128xi32, #tpu.memory_space<vmem>> -> memref<1x128xi32, #tpu.memory_space<vmem>>
    %dma_wait3A_265 = tpu.memref_squeeze %dma_wait3A_264 : memref<1x128xi32, #tpu.memory_space<vmem>> -> memref<128xi32, #tpu.memory_space<vmem>>
    %dma_wait3A_266 = arith.constant 0 : i32
    %dma_wait3A_267 = arith.constant 0 : i32
    %dma_wait3A_268 = tpu.memref_slice %arg3[%dma_wait3A_266, %dma_wait3A_267] : memref<8192x768xf32, #tpu.memory_space<hbm>> -> memref<8192x768xf32, #tpu.memory_space<hbm>>
    tpu.wait_indirect_dma semaphore(%arg8 : memref<!tpu.dma_semaphore, #tpu.memory_space<semaphore_mem>>) src(%dma_wait3A_268 : memref<8192x768xf32, #tpu.memory_space<hbm>>) dst(%arg7 : memref<128x768xf32, #tpu.memory_space<vmem>>)
    %dma_start3A_269 = arith.constant 1 : i32
    %dma_start3A_270 = arith.constant 0 : i32
    %dma_start3A_271 = tpu.memref_slice %arg5[%dma_start3A_269, %dma_start3A_270] : memref<4x128xi32, #tpu.memory_space<vmem>> -> memref<1x128xi32, #tpu.memory_space<vmem>>
    %dma_start3A_272 = tpu.memref_squeeze %dma_start3A_271 : memref<1x128xi32, #tpu.memory_space<vmem>> -> memref<128xi32, #tpu.memory_space<vmem>>
    %dma_start3A_273 = arith.constant 0 : i32
    %dma_start3A_274 = arith.constant 0 : i32
    %dma_start3A_275 = tpu.memref_slice %arg4[%dma_start3A_273, %dma_start3A_274] : memref<20480x768xf32, #tpu.memory_space<hbm>> -> memref<20480x768xf32, #tpu.memory_space<hbm>>
    tpu.enqueue_indirect_dma source(%arg7 : memref<128x768xf32, #tpu.memory_space<vmem>>) target(%dma_start3A_275 : memref<20480x768xf32, #tpu.memory_space<hbm>>) offsets(%dma_start3A_272 : memref<128xi32, #tpu.memory_space<vmem>>) semaphore(%arg8 : memref<!tpu.dma_semaphore, #tpu.memory_space<semaphore_mem>>)
    %dma_wait3A_276 = arith.constant 1 : i32
    %dma_wait3A_277 = arith.constant 0 : i32
    %dma_wait3A_278 = tpu.memref_slice %arg5[%dma_wait3A_276, %dma_wait3A_277] : memref<4x128xi32, #tpu.memory_space<vmem>> -> memref<1x128xi32, #tpu.memory_space<vmem>>
    %dma_wait3A_279 = tpu.memref_squeeze %dma_wait3A_278 : memref<1x128xi32, #tpu.memory_space<vmem>> -> memref<128xi32, #tpu.memory_space<vmem>>
    %dma_wait3A_280 = arith.constant 0 : i32
    %dma_wait3A_281 = arith.constant 0 : i32
    %dma_wait3A_282 = tpu.memref_slice %arg4[%dma_wait3A_280, %dma_wait3A_281] : memref<20480x768xf32, #tpu.memory_space<hbm>> -> memref<20480x768xf32, #tpu.memory_space<hbm>>
    tpu.wait_indirect_dma semaphore(%arg8 : memref<!tpu.dma_semaphore, #tpu.memory_space<semaphore_mem>>) src(%arg7 : memref<128x768xf32, #tpu.memory_space<vmem>>) dst(%dma_wait3A_282 : memref<20480x768xf32, #tpu.memory_space<hbm>>)
    %add3A_283 = arith.constant 256 : i32
    %add3A_284 = arith.addi %mul3A_2, %add3A_283 : i32
    %run_scoped3A_285 = arith.constant 2 : i32
    "tpu.region"() ({
      %run_scoped3A_569 = tpu.sem_alloc : memref<!tpu.dma_semaphore, #tpu.memory_space<semaphore_mem>>
      %dma_start3A_570 = arith.constant 0 : i32
      %dma_start3A_571 = tpu.memref_slice %arg5[%run_scoped3A_285, %dma_start3A_570] : memref<4x128xi32, #tpu.memory_space<vmem>> -> memref<1x128xi32, #tpu.memory_space<vmem>>
      %dma_start3A_572 = tpu.memref_squeeze %dma_start3A_571 : memref<1x128xi32, #tpu.memory_space<vmem>> -> memref<128xi32, #tpu.memory_space<vmem>>
      %dma_start3A_573 = tpu.memref_slice %arg2[%add3A_284] : memref<16384xi32, #tpu.memory_space<hbm>> -> memref<128xi32, #tpu.memory_space<hbm>>
      %dma_start3A_574 = arith.constant 0 : i32
      %dma_start3A_575 = tpu.memref_slice %arg5[%run_scoped3A_285, %dma_start3A_574] : memref<4x128xi32, #tpu.memory_space<vmem>> -> memref<1x128xi32, #tpu.memory_space<vmem>>
      %dma_start3A_576 = tpu.memref_squeeze %dma_start3A_575 : memref<1x128xi32, #tpu.memory_space<vmem>> -> memref<128xi32, #tpu.memory_space<vmem>>
      %dma_start3A_577 = tpu.memref_slice %arg2[%add3A_284] : memref<16384xi32, #tpu.memory_space<hbm>> -> memref<128xi32, #tpu.memory_space<hbm>>
      tpu.enqueue_dma source(%dma_start3A_577 : memref<128xi32, #tpu.memory_space<hbm>>) target(%dma_start3A_576 : memref<128xi32, #tpu.memory_space<vmem>>) target_semaphore(%run_scoped3A_569 : memref<!tpu.dma_semaphore, #tpu.memory_space<semaphore_mem>>)
      %dma_wait3A_578 = arith.constant 0 : i32
      %dma_wait3A_579 = tpu.memref_slice %arg5[%run_scoped3A_285, %dma_wait3A_578] : memref<4x128xi32, #tpu.memory_space<vmem>> -> memref<1x128xi32, #tpu.memory_space<vmem>>
      %dma_wait3A_580 = tpu.memref_squeeze %dma_wait3A_579 : memref<1x128xi32, #tpu.memory_space<vmem>> -> memref<128xi32, #tpu.memory_space<vmem>>
      %dma_wait3A_581 = tpu.memref_slice %arg2[%add3A_284] : memref<16384xi32, #tpu.memory_space<hbm>> -> memref<128xi32, #tpu.memory_space<hbm>>
      %dma_wait3A_582 = arith.constant 0 : i32
      %dma_wait3A_583 = tpu.memref_slice %arg5[%run_scoped3A_285, %dma_wait3A_582] : memref<4x128xi32, #tpu.memory_space<vmem>> -> memref<1x128xi32, #tpu.memory_space<vmem>>
      %dma_wait3A_584 = tpu.memref_squeeze %dma_wait3A_583 : memref<1x128xi32, #tpu.memory_space<vmem>> -> memref<128xi32, #tpu.memory_space<vmem>>
      %dma_wait3A_585 = tpu.memref_slice %arg2[%add3A_284] : memref<16384xi32, #tpu.memory_space<hbm>> -> memref<128xi32, #tpu.memory_space<hbm>>
      tpu.wait_dma2 semaphore(%run_scoped3A_569 : memref<!tpu.dma_semaphore, #tpu.memory_space<semaphore_mem>>) src(%dma_wait3A_585 : memref<128xi32, #tpu.memory_space<hbm>>) dst(%dma_wait3A_584 : memref<128xi32, #tpu.memory_space<vmem>>)
      tpu.yield
    }) : () -> ()
    %add3A_286 = arith.constant 256 : i32
    %add3A_287 = arith.addi %mul3A_2, %add3A_286 : i32
    %iota3A_288 = tpu.iota {dimensions = array<i32: 0>} : vector<16xi32>
    %add3A_289 = vector.broadcast %add3A_287 : i32 to vector<16xi32>
    %add3A_290 = arith.addi %add3A_289, %iota3A_288 : vector<16xi32>
    %shift_right_logical3A_291 = arith.constant 1 : i32
    %shift_right_logical3A_292 = vector.broadcast %shift_right_logical3A_291 : i32 to vector<16xi32>
    %shift_right_logical3A_293 = arith.shrui %add3A_290, %shift_right_logical3A_292 : vector<16xi32>
    %swap3A_294 = arith.constant 2 : i32
    %swap3A_295 = arith.index_cast %swap3A_294 : i32 to index
    %swap3A_296 = arith.constant 0 : index
    %swap3A_297 = tpu.vector_load %arg6[%swap3A_295, %swap3A_296] {strides = array<i32>} : memref<4x128xi32, #tpu.memory_space<vmem>>, vector<1x16xi32>,
    %swap3A_298 = vector.shape_cast %swap3A_297 : vector<1x16xi32> to vector<16xi32>
    %swap3A_299 = vector.shape_cast %shift_right_logical3A_293 : vector<16xi32> to vector<1x16xi32>
    tpu.vector_store %arg6[%swap3A_295, %swap3A_296], %swap3A_299 {strides = array<i32>} : memref<4x128xi32, #tpu.memory_space<vmem>>, vector<1x16xi32>,
    %add3A_300 = arith.constant 272 : i32
    %add3A_301 = arith.addi %mul3A_2, %add3A_300 : i32
    %iota3A_302 = tpu.iota {dimensions = array<i32: 0>} : vector<16xi32>
    %add3A_303 = vector.broadcast %add3A_301 : i32 to vector<16xi32>
    %add3A_304 = arith.addi %add3A_303, %iota3A_302 : vector<16xi32>
    %shift_right_logical3A_305 = arith.constant 1 : i32
    %shift_right_logical3A_306 = vector.broadcast %shift_right_logical3A_305 : i32 to vector<16xi32>
    %shift_right_logical3A_307 = arith.shrui %add3A_304, %shift_right_logical3A_306 : vector<16xi32>
    %swap3A_308 = arith.constant 2 : i32
    %swap3A_309 = arith.index_cast %swap3A_308 : i32 to index
    %swap3A_310 = arith.constant 16 : index
    %swap3A_311 = tpu.vector_load %arg6[%swap3A_309, %swap3A_310] {strides = array<i32>} : memref<4x128xi32, #tpu.memory_space<vmem>>, vector<1x16xi32>,
    %swap3A_312 = vector.shape_cast %swap3A_311 : vector<1x16xi32> to vector<16xi32>
    %swap3A_313 = vector.shape_cast %shift_right_logical3A_307 : vector<16xi32> to vector<1x16xi32>
    tpu.vector_store %arg6[%swap3A_309, %swap3A_310], %swap3A_313 {strides = array<i32>} : memref<4x128xi32, #tpu.memory_space<vmem>>, vector<1x16xi32>,
    %add3A_314 = arith.constant 288 : i32
    %add3A_315 = arith.addi %mul3A_2, %add3A_314 : i32
    %iota3A_316 = tpu.iota {dimensions = array<i32: 0>} : vector<16xi32>
    %add3A_317 = vector.broadcast %add3A_315 : i32 to vector<16xi32>
    %add3A_318 = arith.addi %add3A_317, %iota3A_316 : vector<16xi32>
    %shift_right_logical3A_319 = arith.constant 1 : i32
    %shift_right_logical3A_320 = vector.broadcast %shift_right_logical3A_319 : i32 to vector<16xi32>
    %shift_right_logical3A_321 = arith.shrui %add3A_318, %shift_right_logical3A_320 : vector<16xi32>
    %swap3A_322 = arith.constant 2 : i32
    %swap3A_323 = arith.index_cast %swap3A_322 : i32 to index
    %swap3A_324 = arith.constant 32 : index
    %swap3A_325 = tpu.vector_load %arg6[%swap3A_323, %swap3A_324] {strides = array<i32>} : memref<4x128xi32, #tpu.memory_space<vmem>>, vector<1x16xi32>,
    %swap3A_326 = vector.shape_cast %swap3A_325 : vector<1x16xi32> to vector<16xi32>
    %swap3A_327 = vector.shape_cast %shift_right_logical3A_321 : vector<16xi32> to vector<1x16xi32>
    tpu.vector_store %arg6[%swap3A_323, %swap3A_324], %swap3A_327 {strides = array<i32>} : memref<4x128xi32, #tpu.memory_space<vmem>>, vector<1x16xi32>,
    %add3A_328 = arith.constant 304 : i32
    %add3A_329 = arith.addi %mul3A_2, %add3A_328 : i32
    %iota3A_330 = tpu.iota {dimensions = array<i32: 0>} : vector<16xi32>
    %add3A_331 = vector.broadcast %add3A_329 : i32 to vector<16xi32>
    %add3A_332 = arith.addi %add3A_331, %iota3A_330 : vector<16xi32>
    %shift_right_logical3A_333 = arith.constant 1 : i32
    %shift_right_logical3A_334 = vector.broadcast %shift_right_logical3A_333 : i32 to vector<16xi32>
    %shift_right_logical3A_335 = arith.shrui %add3A_332, %shift_right_logical3A_334 : vector<16xi32>
    %swap3A_336 = arith.constant 2 : i32
    %swap3A_337 = arith.index_cast %swap3A_336 : i32 to index
    %swap3A_338 = arith.constant 48 : index
    %swap3A_339 = tpu.vector_load %arg6[%swap3A_337, %swap3A_338] {strides = array<i32>} : memref<4x128xi32, #tpu.memory_space<vmem>>, vector<1x16xi32>,
    %swap3A_340 = vector.shape_cast %swap3A_339 : vector<1x16xi32> to vector<16xi32>
    %swap3A_341 = vector.shape_cast %shift_right_logical3A_335 : vector<16xi32> to vector<1x16xi32>
    tpu.vector_store %arg6[%swap3A_337, %swap3A_338], %swap3A_341 {strides = array<i32>} : memref<4x128xi32, #tpu.memory_space<vmem>>, vector<1x16xi32>,
    %add3A_342 = arith.constant 320 : i32
    %add3A_343 = arith.addi %mul3A_2, %add3A_342 : i32
    %iota3A_344 = tpu.iota {dimensions = array<i32: 0>} : vector<16xi32>
    %add3A_345 = vector.broadcast %add3A_343 : i32 to vector<16xi32>
    %add3A_346 = arith.addi %add3A_345, %iota3A_344 : vector<16xi32>
    %shift_right_logical3A_347 = arith.constant 1 : i32
    %shift_right_logical3A_348 = vector.broadcast %shift_right_logical3A_347 : i32 to vector<16xi32>
    %shift_right_logical3A_349 = arith.shrui %add3A_346, %shift_right_logical3A_348 : vector<16xi32>
    %swap3A_350 = arith.constant 2 : i32
    %swap3A_351 = arith.index_cast %swap3A_350 : i32 to index
    %swap3A_352 = arith.constant 64 : index
    %swap3A_353 = tpu.vector_load %arg6[%swap3A_351, %swap3A_352] {strides = array<i32>} : memref<4x128xi32, #tpu.memory_space<vmem>>, vector<1x16xi32>,
    %swap3A_354 = vector.shape_cast %swap3A_353 : vector<1x16xi32> to vector<16xi32>
    %swap3A_355 = vector.shape_cast %shift_right_logical3A_349 : vector<16xi32> to vector<1x16xi32>
    tpu.vector_store %arg6[%swap3A_351, %swap3A_352], %swap3A_355 {strides = array<i32>} : memref<4x128xi32, #tpu.memory_space<vmem>>, vector<1x16xi32>,
    %add3A_356 = arith.constant 336 : i32
    %add3A_357 = arith.addi %mul3A_2, %add3A_356 : i32
    %iota3A_358 = tpu.iota {dimensions = array<i32: 0>} : vector<16xi32>
    %add3A_359 = vector.broadcast %add3A_357 : i32 to vector<16xi32>
    %add3A_360 = arith.addi %add3A_359, %iota3A_358 : vector<16xi32>
    %shift_right_logical3A_361 = arith.constant 1 : i32
    %shift_right_logical3A_362 = vector.broadcast %shift_right_logical3A_361 : i32 to vector<16xi32>
    %shift_right_logical3A_363 = arith.shrui %add3A_360, %shift_right_logical3A_362 : vector<16xi32>
    %swap3A_364 = arith.constant 2 : i32
    %swap3A_365 = arith.index_cast %swap3A_364 : i32 to index
    %swap3A_366 = arith.constant 80 : index
    %swap3A_367 = tpu.vector_load %arg6[%swap3A_365, %swap3A_366] {strides = array<i32>} : memref<4x128xi32, #tpu.memory_space<vmem>>, vector<1x16xi32>,
    %swap3A_368 = vector.shape_cast %swap3A_367 : vector<1x16xi32> to vector<16xi32>
    %swap3A_369 = vector.shape_cast %shift_right_logical3A_363 : vector<16xi32> to vector<1x16xi32>
    tpu.vector_store %arg6[%swap3A_365, %swap3A_366], %swap3A_369 {strides = array<i32>} : memref<4x128xi32, #tpu.memory_space<vmem>>, vector<1x16xi32>,
    %add3A_370 = arith.constant 352 : i32
    %add3A_371 = arith.addi %mul3A_2, %add3A_370 : i32
    %iota3A_372 = tpu.iota {dimensions = array<i32: 0>} : vector<16xi32>
    %add3A_373 = vector.broadcast %add3A_371 : i32 to vector<16xi32>
    %add3A_374 = arith.addi %add3A_373, %iota3A_372 : vector<16xi32>
    %shift_right_logical3A_375 = arith.constant 1 : i32
    %shift_right_logical3A_376 = vector.broadcast %shift_right_logical3A_375 : i32 to vector<16xi32>
    %shift_right_logical3A_377 = arith.shrui %add3A_374, %shift_right_logical3A_376 : vector<16xi32>
    %swap3A_378 = arith.constant 2 : i32
    %swap3A_379 = arith.index_cast %swap3A_378 : i32 to index
    %swap3A_380 = arith.constant 96 : index
    %swap3A_381 = tpu.vector_load %arg6[%swap3A_379, %swap3A_380] {strides = array<i32>} : memref<4x128xi32, #tpu.memory_space<vmem>>, vector<1x16xi32>,
    %swap3A_382 = vector.shape_cast %swap3A_381 : vector<1x16xi32> to vector<16xi32>
    %swap3A_383 = vector.shape_cast %shift_right_logical3A_377 : vector<16xi32> to vector<1x16xi32>
    tpu.vector_store %arg6[%swap3A_379, %swap3A_380], %swap3A_383 {strides = array<i32>} : memref<4x128xi32, #tpu.memory_space<vmem>>, vector<1x16xi32>,
    %add3A_384 = arith.constant 368 : i32
    %add3A_385 = arith.addi %mul3A_2, %add3A_384 : i32
    %iota3A_386 = tpu.iota {dimensions = array<i32: 0>} : vector<16xi32>
    %add3A_387 = vector.broadcast %add3A_385 : i32 to vector<16xi32>
    %add3A_388 = arith.addi %add3A_387, %iota3A_386 : vector<16xi32>
    %shift_right_logical3A_389 = arith.constant 1 : i32
    %shift_right_logical3A_390 = vector.broadcast %shift_right_logical3A_389 : i32 to vector<16xi32>
    %shift_right_logical3A_391 = arith.shrui %add3A_388, %shift_right_logical3A_390 : vector<16xi32>
    %swap3A_392 = arith.constant 2 : i32
    %swap3A_393 = arith.index_cast %swap3A_392 : i32 to index
    %swap3A_394 = arith.constant 112 : index
    %swap3A_395 = tpu.vector_load %arg6[%swap3A_393, %swap3A_394] {strides = array<i32>} : memref<4x128xi32, #tpu.memory_space<vmem>>, vector<1x16xi32>,
    %swap3A_396 = vector.shape_cast %swap3A_395 : vector<1x16xi32> to vector<16xi32>
    %swap3A_397 = vector.shape_cast %shift_right_logical3A_391 : vector<16xi32> to vector<1x16xi32>
    tpu.vector_store %arg6[%swap3A_393, %swap3A_394], %swap3A_397 {strides = array<i32>} : memref<4x128xi32, #tpu.memory_space<vmem>>, vector<1x16xi32>,
    %dma_start3A_398 = arith.constant 2 : i32
    %dma_start3A_399 = arith.constant 0 : i32
    %dma_start3A_400 = tpu.memref_slice %arg6[%dma_start3A_398, %dma_start3A_399] : memref<4x128xi32, #tpu.memory_space<vmem>> -> memref<1x128xi32, #tpu.memory_space<vmem>>
    %dma_start3A_401 = tpu.memref_squeeze %dma_start3A_400 : memref<1x128xi32, #tpu.memory_space<vmem>> -> memref<128xi32, #tpu.memory_space<vmem>>
    %dma_start3A_402 = arith.constant 0 : i32
    %dma_start3A_403 = arith.constant 0 : i32
    %dma_start3A_404 = tpu.memref_slice %arg3[%dma_start3A_402, %dma_start3A_403] : memref<8192x768xf32, #tpu.memory_space<hbm>> -> memref<8192x768xf32, #tpu.memory_space<hbm>>
    tpu.enqueue_indirect_dma source(%dma_start3A_404 : memref<8192x768xf32, #tpu.memory_space<hbm>>) target(%arg7 : memref<128x768xf32, #tpu.memory_space<vmem>>) offsets(%dma_start3A_401 : memref<128xi32, #tpu.memory_space<vmem>>) semaphore(%arg8 : memref<!tpu.dma_semaphore, #tpu.memory_space<semaphore_mem>>)
    %dma_wait3A_405 = arith.constant 2 : i32
    %dma_wait3A_406 = arith.constant 0 : i32
    %dma_wait3A_407 = tpu.memref_slice %arg6[%dma_wait3A_405, %dma_wait3A_406] : memref<4x128xi32, #tpu.memory_space<vmem>> -> memref<1x128xi32, #tpu.memory_space<vmem>>
    %dma_wait3A_408 = tpu.memref_squeeze %dma_wait3A_407 : memref<1x128xi32, #tpu.memory_space<vmem>> -> memref<128xi32, #tpu.memory_space<vmem>>
    %dma_wait3A_409 = arith.constant 0 : i32
    %dma_wait3A_410 = arith.constant 0 : i32
    %dma_wait3A_411 = tpu.memref_slice %arg3[%dma_wait3A_409, %dma_wait3A_410] : memref<8192x768xf32, #tpu.memory_space<hbm>> -> memref<8192x768xf32, #tpu.memory_space<hbm>>
    tpu.wait_indirect_dma semaphore(%arg8 : memref<!tpu.dma_semaphore, #tpu.memory_space<semaphore_mem>>) src(%dma_wait3A_411 : memref<8192x768xf32, #tpu.memory_space<hbm>>) dst(%arg7 : memref<128x768xf32, #tpu.memory_space<vmem>>)
    %dma_start3A_412 = arith.constant 2 : i32
    %dma_start3A_413 = arith.constant 0 : i32
    %dma_start3A_414 = tpu.memref_slice %arg5[%dma_start3A_412, %dma_start3A_413] : memref<4x128xi32, #tpu.memory_space<vmem>> -> memref<1x128xi32, #tpu.memory_space<vmem>>
    %dma_start3A_415 = tpu.memref_squeeze %dma_start3A_414 : memref<1x128xi32, #tpu.memory_space<vmem>> -> memref<128xi32, #tpu.memory_space<vmem>>
    %dma_start3A_416 = arith.constant 0 : i32
    %dma_start3A_417 = arith.constant 0 : i32
    %dma_start3A_418 = tpu.memref_slice %arg4[%dma_start3A_416, %dma_start3A_417] : memref<20480x768xf32, #tpu.memory_space<hbm>> -> memref<20480x768xf32, #tpu.memory_space<hbm>>
    tpu.enqueue_indirect_dma source(%arg7 : memref<128x768xf32, #tpu.memory_space<vmem>>) target(%dma_start3A_418 : memref<20480x768xf32, #tpu.memory_space<hbm>>) offsets(%dma_start3A_415 : memref<128xi32, #tpu.memory_space<vmem>>) semaphore(%arg8 : memref<!tpu.dma_semaphore, #tpu.memory_space<semaphore_mem>>)
    %dma_wait3A_419 = arith.constant 2 : i32
    %dma_wait3A_420 = arith.constant 0 : i32
    %dma_wait3A_421 = tpu.memref_slice %arg5[%dma_wait3A_419, %dma_wait3A_420] : memref<4x128xi32, #tpu.memory_space<vmem>> -> memref<1x128xi32, #tpu.memory_space<vmem>>
    %dma_wait3A_422 = tpu.memref_squeeze %dma_wait3A_421 : memref<1x128xi32, #tpu.memory_space<vmem>> -> memref<128xi32, #tpu.memory_space<vmem>>
    %dma_wait3A_423 = arith.constant 0 : i32
    %dma_wait3A_424 = arith.constant 0 : i32
    %dma_wait3A_425 = tpu.memref_slice %arg4[%dma_wait3A_423, %dma_wait3A_424] : memref<20480x768xf32, #tpu.memory_space<hbm>> -> memref<20480x768xf32, #tpu.memory_space<hbm>>
    tpu.wait_indirect_dma semaphore(%arg8 : memref<!tpu.dma_semaphore, #tpu.memory_space<semaphore_mem>>) src(%arg7 : memref<128x768xf32, #tpu.memory_space<vmem>>) dst(%dma_wait3A_425 : memref<20480x768xf32, #tpu.memory_space<hbm>>)
    %add3A_426 = arith.constant 384 : i32
    %add3A_427 = arith.addi %mul3A_2, %add3A_426 : i32
    %run_scoped3A_428 = arith.constant 3 : i32
    "tpu.region"() ({
      %run_scoped3A_569 = tpu.sem_alloc : memref<!tpu.dma_semaphore, #tpu.memory_space<semaphore_mem>>
      %dma_start3A_570 = arith.constant 0 : i32
      %dma_start3A_571 = tpu.memref_slice %arg5[%run_scoped3A_428, %dma_start3A_570] : memref<4x128xi32, #tpu.memory_space<vmem>> -> memref<1x128xi32, #tpu.memory_space<vmem>>
      %dma_start3A_572 = tpu.memref_squeeze %dma_start3A_571 : memref<1x128xi32, #tpu.memory_space<vmem>> -> memref<128xi32, #tpu.memory_space<vmem>>
      %dma_start3A_573 = tpu.memref_slice %arg2[%add3A_427] : memref<16384xi32, #tpu.memory_space<hbm>> -> memref<128xi32, #tpu.memory_space<hbm>>
      %dma_start3A_574 = arith.constant 0 : i32
      %dma_start3A_575 = tpu.memref_slice %arg5[%run_scoped3A_428, %dma_start3A_574] : memref<4x128xi32, #tpu.memory_space<vmem>> -> memref<1x128xi32, #tpu.memory_space<vmem>>
      %dma_start3A_576 = tpu.memref_squeeze %dma_start3A_575 : memref<1x128xi32, #tpu.memory_space<vmem>> -> memref<128xi32, #tpu.memory_space<vmem>>
      %dma_start3A_577 = tpu.memref_slice %arg2[%add3A_427] : memref<16384xi32, #tpu.memory_space<hbm>> -> memref<128xi32, #tpu.memory_space<hbm>>
      tpu.enqueue_dma source(%dma_start3A_577 : memref<128xi32, #tpu.memory_space<hbm>>) target(%dma_start3A_576 : memref<128xi32, #tpu.memory_space<vmem>>) target_semaphore(%run_scoped3A_569 : memref<!tpu.dma_semaphore, #tpu.memory_space<semaphore_mem>>)
      %dma_wait3A_578 = arith.constant 0 : i32
      %dma_wait3A_579 = tpu.memref_slice %arg5[%run_scoped3A_428, %dma_wait3A_578] : memref<4x128xi32, #tpu.memory_space<vmem>> -> memref<1x128xi32, #tpu.memory_space<vmem>>
      %dma_wait3A_580 = tpu.memref_squeeze %dma_wait3A_579 : memref<1x128xi32, #tpu.memory_space<vmem>> -> memref<128xi32, #tpu.memory_space<vmem>>
      %dma_wait3A_581 = tpu.memref_slice %arg2[%add3A_427] : memref<16384xi32, #tpu.memory_space<hbm>> -> memref<128xi32, #tpu.memory_space<hbm>>
      %dma_wait3A_582 = arith.constant 0 : i32
      %dma_wait3A_583 = tpu.memref_slice %arg5[%run_scoped3A_428, %dma_wait3A_582] : memref<4x128xi32, #tpu.memory_space<vmem>> -> memref<1x128xi32, #tpu.memory_space<vmem>>
      %dma_wait3A_584 = tpu.memref_squeeze %dma_wait3A_583 : memref<1x128xi32, #tpu.memory_space<vmem>> -> memref<128xi32, #tpu.memory_space<vmem>>
      %dma_wait3A_585 = tpu.memref_slice %arg2[%add3A_427] : memref<16384xi32, #tpu.memory_space<hbm>> -> memref<128xi32, #tpu.memory_space<hbm>>
      tpu.wait_dma2 semaphore(%run_scoped3A_569 : memref<!tpu.dma_semaphore, #tpu.memory_space<semaphore_mem>>) src(%dma_wait3A_585 : memref<128xi32, #tpu.memory_space<hbm>>) dst(%dma_wait3A_584 : memref<128xi32, #tpu.memory_space<vmem>>)
      tpu.yield
    }) : () -> ()
    %add3A_429 = arith.constant 384 : i32
    %add3A_430 = arith.addi %mul3A_2, %add3A_429 : i32
    %iota3A_431 = tpu.iota {dimensions = array<i32: 0>} : vector<16xi32>
    %add3A_432 = vector.broadcast %add3A_430 : i32 to vector<16xi32>
    %add3A_433 = arith.addi %add3A_432, %iota3A_431 : vector<16xi32>
    %shift_right_logical3A_434 = arith.constant 1 : i32
    %shift_right_logical3A_435 = vector.broadcast %shift_right_logical3A_434 : i32 to vector<16xi32>
    %shift_right_logical3A_436 = arith.shrui %add3A_433, %shift_right_logical3A_435 : vector<16xi32>
    %swap3A_437 = arith.constant 3 : i32
    %swap3A_438 = arith.index_cast %swap3A_437 : i32 to index
    %swap3A_439 = arith.constant 0 : index
    %swap3A_440 = tpu.vector_load %arg6[%swap3A_438, %swap3A_439] {strides = array<i32>} : memref<4x128xi32, #tpu.memory_space<vmem>>, vector<1x16xi32>,
    %swap3A_441 = vector.shape_cast %swap3A_440 : vector<1x16xi32> to vector<16xi32>
    %swap3A_442 = vector.shape_cast %shift_right_logical3A_436 : vector<16xi32> to vector<1x16xi32>
    tpu.vector_store %arg6[%swap3A_438, %swap3A_439], %swap3A_442 {strides = array<i32>} : memref<4x128xi32, #tpu.memory_space<vmem>>, vector<1x16xi32>,
    %add3A_443 = arith.constant 400 : i32
    %add3A_444 = arith.addi %mul3A_2, %add3A_443 : i32
    %iota3A_445 = tpu.iota {dimensions = array<i32: 0>} : vector<16xi32>
    %add3A_446 = vector.broadcast %add3A_444 : i32 to vector<16xi32>
    %add3A_447 = arith.addi %add3A_446, %iota3A_445 : vector<16xi32>
    %shift_right_logical3A_448 = arith.constant 1 : i32
    %shift_right_logical3A_449 = vector.broadcast %shift_right_logical3A_448 : i32 to vector<16xi32>
    %shift_right_logical3A_450 = arith.shrui %add3A_447, %shift_right_logical3A_449 : vector<16xi32>
    %swap3A_451 = arith.constant 3 : i32
    %swap3A_452 = arith.index_cast %swap3A_451 : i32 to index
    %swap3A_453 = arith.constant 16 : index
    %swap3A_454 = tpu.vector_load %arg6[%swap3A_452, %swap3A_453] {strides = array<i32>} : memref<4x128xi32, #tpu.memory_space<vmem>>, vector<1x16xi32>,
    %swap3A_455 = vector.shape_cast %swap3A_454 : vector<1x16xi32> to vector<16xi32>
    %swap3A_456 = vector.shape_cast %shift_right_logical3A_450 : vector<16xi32> to vector<1x16xi32>
    tpu.vector_store %arg6[%swap3A_452, %swap3A_453], %swap3A_456 {strides = array<i32>} : memref<4x128xi32, #tpu.memory_space<vmem>>, vector<1x16xi32>,
    %add3A_457 = arith.constant 416 : i32
    %add3A_458 = arith.addi %mul3A_2, %add3A_457 : i32
    %iota3A_459 = tpu.iota {dimensions = array<i32: 0>} : vector<16xi32>
    %add3A_460 = vector.broadcast %add3A_458 : i32 to vector<16xi32>
    %add3A_461 = arith.addi %add3A_460, %iota3A_459 : vector<16xi32>
    %shift_right_logical3A_462 = arith.constant 1 : i32
    %shift_right_logical3A_463 = vector.broadcast %shift_right_logical3A_462 : i32 to vector<16xi32>
    %shift_right_logical3A_464 = arith.shrui %add3A_461, %shift_right_logical3A_463 : vector<16xi32>
    %swap3A_465 = arith.constant 3 : i32
    %swap3A_466 = arith.index_cast %swap3A_465 : i32 to index
    %swap3A_467 = arith.constant 32 : index
    %swap3A_468 = tpu.vector_load %arg6[%swap3A_466, %swap3A_467] {strides = array<i32>} : memref<4x128xi32, #tpu.memory_space<vmem>>, vector<1x16xi32>,
    %swap3A_469 = vector.shape_cast %swap3A_468 : vector<1x16xi32> to vector<16xi32>
    %swap3A_470 = vector.shape_cast %shift_right_logical3A_464 : vector<16xi32> to vector<1x16xi32>
    tpu.vector_store %arg6[%swap3A_466, %swap3A_467], %swap3A_470 {strides = array<i32>} : memref<4x128xi32, #tpu.memory_space<vmem>>, vector<1x16xi32>,
    %add3A_471 = arith.constant 432 : i32
    %add3A_472 = arith.addi %mul3A_2, %add3A_471 : i32
    %iota3A_473 = tpu.iota {dimensions = array<i32: 0>} : vector<16xi32>
    %add3A_474 = vector.broadcast %add3A_472 : i32 to vector<16xi32>
    %add3A_475 = arith.addi %add3A_474, %iota3A_473 : vector<16xi32>
    %shift_right_logical3A_476 = arith.constant 1 : i32
    %shift_right_logical3A_477 = vector.broadcast %shift_right_logical3A_476 : i32 to vector<16xi32>
    %shift_right_logical3A_478 = arith.shrui %add3A_475, %shift_right_logical3A_477 : vector<16xi32>
    %swap3A_479 = arith.constant 3 : i32
    %swap3A_480 = arith.index_cast %swap3A_479 : i32 to index
    %swap3A_481 = arith.constant 48 : index
    %swap3A_482 = tpu.vector_load %arg6[%swap3A_480, %swap3A_481] {strides = array<i32>} : memref<4x128xi32, #tpu.memory_space<vmem>>, vector<1x16xi32>,
    %swap3A_483 = vector.shape_cast %swap3A_482 : vector<1x16xi32> to vector<16xi32>
    %swap3A_484 = vector.shape_cast %shift_right_logical3A_478 : vector<16xi32> to vector<1x16xi32>
    tpu.vector_store %arg6[%swap3A_480, %swap3A_481], %swap3A_484 {strides = array<i32>} : memref<4x128xi32, #tpu.memory_space<vmem>>, vector<1x16xi32>,
    %add3A_485 = arith.constant 448 : i32
    %add3A_486 = arith.addi %mul3A_2, %add3A_485 : i32
    %iota3A_487 = tpu.iota {dimensions = array<i32: 0>} : vector<16xi32>
    %add3A_488 = vector.broadcast %add3A_486 : i32 to vector<16xi32>
    %add3A_489 = arith.addi %add3A_488, %iota3A_487 : vector<16xi32>
    %shift_right_logical3A_490 = arith.constant 1 : i32
    %shift_right_logical3A_491 = vector.broadcast %shift_right_logical3A_490 : i32 to vector<16xi32>
    %shift_right_logical3A_492 = arith.shrui %add3A_489, %shift_right_logical3A_491 : vector<16xi32>
    %swap3A_493 = arith.constant 3 : i32
    %swap3A_494 = arith.index_cast %swap3A_493 : i32 to index
    %swap3A_495 = arith.constant 64 : index
    %swap3A_496 = tpu.vector_load %arg6[%swap3A_494, %swap3A_495] {strides = array<i32>} : memref<4x128xi32, #tpu.memory_space<vmem>>, vector<1x16xi32>,
    %swap3A_497 = vector.shape_cast %swap3A_496 : vector<1x16xi32> to vector<16xi32>
    %swap3A_498 = vector.shape_cast %shift_right_logical3A_492 : vector<16xi32> to vector<1x16xi32>
    tpu.vector_store %arg6[%swap3A_494, %swap3A_495], %swap3A_498 {strides = array<i32>} : memref<4x128xi32, #tpu.memory_space<vmem>>, vector<1x16xi32>,
    %add3A_499 = arith.constant 464 : i32
    %add3A_500 = arith.addi %mul3A_2, %add3A_499 : i32
    %iota3A_501 = tpu.iota {dimensions = array<i32: 0>} : vector<16xi32>
    %add3A_502 = vector.broadcast %add3A_500 : i32 to vector<16xi32>
    %add3A_503 = arith.addi %add3A_502, %iota3A_501 : vector<16xi32>
    %shift_right_logical3A_504 = arith.constant 1 : i32
    %shift_right_logical3A_505 = vector.broadcast %shift_right_logical3A_504 : i32 to vector<16xi32>
    %shift_right_logical3A_506 = arith.shrui %add3A_503, %shift_right_logical3A_505 : vector<16xi32>
    %swap3A_507 = arith.constant 3 : i32
    %swap3A_508 = arith.index_cast %swap3A_507 : i32 to index
    %swap3A_509 = arith.constant 80 : index
    %swap3A_510 = tpu.vector_load %arg6[%swap3A_508, %swap3A_509] {strides = array<i32>} : memref<4x128xi32, #tpu.memory_space<vmem>>, vector<1x16xi32>,
    %swap3A_511 = vector.shape_cast %swap3A_510 : vector<1x16xi32> to vector<16xi32>
    %swap3A_512 = vector.shape_cast %shift_right_logical3A_506 : vector<16xi32> to vector<1x16xi32>
    tpu.vector_store %arg6[%swap3A_508, %swap3A_509], %swap3A_512 {strides = array<i32>} : memref<4x128xi32, #tpu.memory_space<vmem>>, vector<1x16xi32>,
    %add3A_513 = arith.constant 480 : i32
    %add3A_514 = arith.addi %mul3A_2, %add3A_513 : i32
    %iota3A_515 = tpu.iota {dimensions = array<i32: 0>} : vector<16xi32>
    %add3A_516 = vector.broadcast %add3A_514 : i32 to vector<16xi32>
    %add3A_517 = arith.addi %add3A_516, %iota3A_515 : vector<16xi32>
    %shift_right_logical3A_518 = arith.constant 1 : i32
    %shift_right_logical3A_519 = vector.broadcast %shift_right_logical3A_518 : i32 to vector<16xi32>
    %shift_right_logical3A_520 = arith.shrui %add3A_517, %shift_right_logical3A_519 : vector<16xi32>
    %swap3A_521 = arith.constant 3 : i32
    %swap3A_522 = arith.index_cast %swap3A_521 : i32 to index
    %swap3A_523 = arith.constant 96 : index
    %swap3A_524 = tpu.vector_load %arg6[%swap3A_522, %swap3A_523] {strides = array<i32>} : memref<4x128xi32, #tpu.memory_space<vmem>>, vector<1x16xi32>,
    %swap3A_525 = vector.shape_cast %swap3A_524 : vector<1x16xi32> to vector<16xi32>
    %swap3A_526 = vector.shape_cast %shift_right_logical3A_520 : vector<16xi32> to vector<1x16xi32>
    tpu.vector_store %arg6[%swap3A_522, %swap3A_523], %swap3A_526 {strides = array<i32>} : memref<4x128xi32, #tpu.memory_space<vmem>>, vector<1x16xi32>,
    %add3A_527 = arith.constant 496 : i32
    %add3A_528 = arith.addi %mul3A_2, %add3A_527 : i32
    %iota3A_529 = tpu.iota {dimensions = array<i32: 0>} : vector<16xi32>
    %add3A_530 = vector.broadcast %add3A_528 : i32 to vector<16xi32>
    %add3A_531 = arith.addi %add3A_530, %iota3A_529 : vector<16xi32>
    %shift_right_logical3A_532 = arith.constant 1 : i32
    %shift_right_logical3A_533 = vector.broadcast %shift_right_logical3A_532 : i32 to vector<16xi32>
    %shift_right_logical3A_534 = arith.shrui %add3A_531, %shift_right_logical3A_533 : vector<16xi32>
    %swap3A_535 = arith.constant 3 : i32
    %swap3A_536 = arith.index_cast %swap3A_535 : i32 to index
    %swap3A_537 = arith.constant 112 : index
    %swap3A_538 = tpu.vector_load %arg6[%swap3A_536, %swap3A_537] {strides = array<i32>} : memref<4x128xi32, #tpu.memory_space<vmem>>, vector<1x16xi32>,
    %swap3A_539 = vector.shape_cast %swap3A_538 : vector<1x16xi32> to vector<16xi32>
    %swap3A_540 = vector.shape_cast %shift_right_logical3A_534 : vector<16xi32> to vector<1x16xi32>
    tpu.vector_store %arg6[%swap3A_536, %swap3A_537], %swap3A_540 {strides = array<i32>} : memref<4x128xi32, #tpu.memory_space<vmem>>, vector<1x16xi32>,
    %dma_start3A_541 = arith.constant 3 : i32
    %dma_start3A_542 = arith.constant 0 : i32
    %dma_start3A_543 = tpu.memref_slice %arg6[%dma_start3A_541, %dma_start3A_542] : memref<4x128xi32, #tpu.memory_space<vmem>> -> memref<1x128xi32, #tpu.memory_space<vmem>>
    %dma_start3A_544 = tpu.memref_squeeze %dma_start3A_543 : memref<1x128xi32, #tpu.memory_space<vmem>> -> memref<128xi32, #tpu.memory_space<vmem>>
    %dma_start3A_545 = arith.constant 0 : i32
    %dma_start3A_546 = arith.constant 0 : i32
    %dma_start3A_547 = tpu.memref_slice %arg3[%dma_start3A_545, %dma_start3A_546] : memref<8192x768xf32, #tpu.memory_space<hbm>> -> memref<8192x768xf32, #tpu.memory_space<hbm>>
    tpu.enqueue_indirect_dma source(%dma_start3A_547 : memref<8192x768xf32, #tpu.memory_space<hbm>>) target(%arg7 : memref<128x768xf32, #tpu.memory_space<vmem>>) offsets(%dma_start3A_544 : memref<128xi32, #tpu.memory_space<vmem>>) semaphore(%arg8 : memref<!tpu.dma_semaphore, #tpu.memory_space<semaphore_mem>>)
    %dma_wait3A_548 = arith.constant 3 : i32
    %dma_wait3A_549 = arith.constant 0 : i32
    %dma_wait3A_550 = tpu.memref_slice %arg6[%dma_wait3A_548, %dma_wait3A_549] : memref<4x128xi32, #tpu.memory_space<vmem>> -> memref<1x128xi32, #tpu.memory_space<vmem>>
    %dma_wait3A_551 = tpu.memref_squeeze %dma_wait3A_550 : memref<1x128xi32, #tpu.memory_space<vmem>> -> memref<128xi32, #tpu.memory_space<vmem>>
    %dma_wait3A_552 = arith.constant 0 : i32
    %dma_wait3A_553 = arith.constant 0 : i32
    %dma_wait3A_554 = tpu.memref_slice %arg3[%dma_wait3A_552, %dma_wait3A_553] : memref<8192x768xf32, #tpu.memory_space<hbm>> -> memref<8192x768xf32, #tpu.memory_space<hbm>>
    tpu.wait_indirect_dma semaphore(%arg8 : memref<!tpu.dma_semaphore, #tpu.memory_space<semaphore_mem>>) src(%dma_wait3A_554 : memref<8192x768xf32, #tpu.memory_space<hbm>>) dst(%arg7 : memref<128x768xf32, #tpu.memory_space<vmem>>)
    %dma_start3A_555 = arith.constant 3 : i32
    %dma_start3A_556 = arith.constant 0 : i32
    %dma_start3A_557 = tpu.memref_slice %arg5[%dma_start3A_555, %dma_start3A_556] : memref<4x128xi32, #tpu.memory_space<vmem>> -> memref<1x128xi32, #tpu.memory_space<vmem>>
    %dma_start3A_558 = tpu.memref_squeeze %dma_start3A_557 : memref<1x128xi32, #tpu.memory_space<vmem>> -> memref<128xi32, #tpu.memory_space<vmem>>
    %dma_start3A_559 = arith.constant 0 : i32
    %dma_start3A_560 = arith.constant 0 : i32
    %dma_start3A_561 = tpu.memref_slice %arg4[%dma_start3A_559, %dma_start3A_560] : memref<20480x768xf32, #tpu.memory_space<hbm>> -> memref<20480x768xf32, #tpu.memory_space<hbm>>
    tpu.enqueue_indirect_dma source(%arg7 : memref<128x768xf32, #tpu.memory_space<vmem>>) target(%dma_start3A_561 : memref<20480x768xf32, #tpu.memory_space<hbm>>) offsets(%dma_start3A_558 : memref<128xi32, #tpu.memory_space<vmem>>) semaphore(%arg8 : memref<!tpu.dma_semaphore, #tpu.memory_space<semaphore_mem>>)
    %dma_wait3A_562 = arith.constant 3 : i32
    %dma_wait3A_563 = arith.constant 0 : i32
    %dma_wait3A_564 = tpu.memref_slice %arg5[%dma_wait3A_562, %dma_wait3A_563] : memref<4x128xi32, #tpu.memory_space<vmem>> -> memref<1x128xi32, #tpu.memory_space<vmem>>
    %dma_wait3A_565 = tpu.memref_squeeze %dma_wait3A_564 : memref<1x128xi32, #tpu.memory_space<vmem>> -> memref<128xi32, #tpu.memory_space<vmem>>
    %dma_wait3A_566 = arith.constant 0 : i32
    %dma_wait3A_567 = arith.constant 0 : i32
    %dma_wait3A_568 = tpu.memref_slice %arg4[%dma_wait3A_566, %dma_wait3A_567] : memref<20480x768xf32, #tpu.memory_space<hbm>> -> memref<20480x768xf32, #tpu.memory_space<hbm>>
    tpu.wait_indirect_dma semaphore(%arg8 : memref<!tpu.dma_semaphore, #tpu.memory_space<semaphore_mem>>) src(%arg7 : memref<128x768xf32, #tpu.memory_space<vmem>>) dst(%dma_wait3A_568 : memref<20480x768xf32, #tpu.memory_space<hbm>>)
    return
  }
}

#map = affine_map<(d0, d1) -> (0, 0)>
#map1 = affine_map<(d0, d1) -> (0)>
module attributes {stable_mosaic.version = 14 : i64} {
  func.func @combine(%arg0: i32, %arg1: i32, %arg2: memref<20480x768xf32, #tpu.memory_space<hbm>>, %arg3: memref<16384xi32, #tpu.memory_space<hbm>>, %arg4: memref<262144xf32, #tpu.memory_space<hbm>>, %arg5: memref<8192x768xf32, #tpu.memory_space<hbm>>, %arg6: memref<8192xf32, #tpu.memory_space<vmem>>, %arg7: memref<8x64xi32, #tpu.memory_space<vmem>>, %arg8: memref<64x768xf32, #tpu.memory_space<vmem>>, %arg9: memref<32x768xf32, #tpu.memory_space<vmem>>, %arg10: memref<!tpu.dma_semaphore, #tpu.memory_space<semaphore_mem>>) attributes {dimension_semantics = [#tpu.dimension_semantics<core_parallel>, #tpu.dimension_semantics<subcore_parallel>], iteration_bounds = array<i64: 2, 16>, scalar_prefetch = 0 : i64, scratch_operands = 5 : i64, tpu.core_type = #tpu.core_type<sc_vector_subcore>, window_params = [{transform_indices = #map}, {transform_indices = #map1}, {transform_indices = #map1}, {transform_indices = #map}]} {
    %mul3A = arith.constant 2 : i32
    %mul3A_0 = arith.muli %arg1, %mul3A : i32
    %add3A = arith.addi %mul3A_0, %arg0 : i32
    %mul3A_1 = arith.constant 256 : i32
    %mul3A_2 = arith.muli %add3A, %mul3A_1 : i32
    %mul3A_3 = arith.constant 32 : i32
    %mul3A_4 = arith.muli %mul3A_3, %mul3A_2 : i32
    "tpu.region"() ({
      %run_scoped3A_225 = tpu.sem_alloc : memref<!tpu.dma_semaphore, #tpu.memory_space<semaphore_mem>>
      %dma_start3A_226 = tpu.memref_slice %arg4[%mul3A_4] : memref<262144xf32, #tpu.memory_space<hbm>> -> memref<8192xf32, #tpu.memory_space<hbm>>
      %dma_start3A_227 = tpu.memref_slice %arg4[%mul3A_4] : memref<262144xf32, #tpu.memory_space<hbm>> -> memref<8192xf32, #tpu.memory_space<hbm>>
      tpu.enqueue_dma source(%dma_start3A_227 : memref<8192xf32, #tpu.memory_space<hbm>>) target(%arg6 : memref<8192xf32, #tpu.memory_space<vmem>>) target_semaphore(%run_scoped3A_225 : memref<!tpu.dma_semaphore, #tpu.memory_space<semaphore_mem>>)
      %dma_wait3A_228 = tpu.memref_slice %arg4[%mul3A_4] : memref<262144xf32, #tpu.memory_space<hbm>> -> memref<8192xf32, #tpu.memory_space<hbm>>
      %dma_wait3A_229 = tpu.memref_slice %arg4[%mul3A_4] : memref<262144xf32, #tpu.memory_space<hbm>> -> memref<8192xf32, #tpu.memory_space<hbm>>
      tpu.wait_dma2 semaphore(%run_scoped3A_225 : memref<!tpu.dma_semaphore, #tpu.memory_space<semaphore_mem>>) src(%dma_wait3A_229 : memref<8192xf32, #tpu.memory_space<hbm>>) dst(%arg6 : memref<8192xf32, #tpu.memory_space<vmem>>)
      tpu.yield
    }) : () -> ()
    %mul3A_5 = arith.constant 2 : i32
    %mul3A_6 = arith.muli %mul3A_5, %mul3A_2 : i32
    %add3A_7 = arith.constant 0 : i32
    %add3A_8 = arith.addi %mul3A_6, %add3A_7 : i32
    %run_scoped3A = arith.constant 0 : i32
    "tpu.region"() ({
      %run_scoped3A_225 = tpu.sem_alloc : memref<!tpu.dma_semaphore, #tpu.memory_space<semaphore_mem>>
      %dma_start3A_226 = arith.constant 0 : i32
      %dma_start3A_227 = tpu.memref_slice %arg7[%run_scoped3A, %dma_start3A_226] : memref<8x64xi32, #tpu.memory_space<vmem>> -> memref<1x64xi32, #tpu.memory_space<vmem>>
      %dma_start3A_228 = tpu.memref_squeeze %dma_start3A_227 : memref<1x64xi32, #tpu.memory_space<vmem>> -> memref<64xi32, #tpu.memory_space<vmem>>
      %dma_start3A_229 = tpu.memref_slice %arg3[%add3A_8] : memref<16384xi32, #tpu.memory_space<hbm>> -> memref<64xi32, #tpu.memory_space<hbm>>
      %dma_start3A_230 = arith.constant 0 : i32
      %dma_start3A_231 = tpu.memref_slice %arg7[%run_scoped3A, %dma_start3A_230] : memref<8x64xi32, #tpu.memory_space<vmem>> -> memref<1x64xi32, #tpu.memory_space<vmem>>
      %dma_start3A_232 = tpu.memref_squeeze %dma_start3A_231 : memref<1x64xi32, #tpu.memory_space<vmem>> -> memref<64xi32, #tpu.memory_space<vmem>>
      %dma_start3A_233 = tpu.memref_slice %arg3[%add3A_8] : memref<16384xi32, #tpu.memory_space<hbm>> -> memref<64xi32, #tpu.memory_space<hbm>>
      tpu.enqueue_dma source(%dma_start3A_233 : memref<64xi32, #tpu.memory_space<hbm>>) target(%dma_start3A_232 : memref<64xi32, #tpu.memory_space<vmem>>) target_semaphore(%run_scoped3A_225 : memref<!tpu.dma_semaphore, #tpu.memory_space<semaphore_mem>>)
      %dma_wait3A_234 = arith.constant 0 : i32
      %dma_wait3A_235 = tpu.memref_slice %arg7[%run_scoped3A, %dma_wait3A_234] : memref<8x64xi32, #tpu.memory_space<vmem>> -> memref<1x64xi32, #tpu.memory_space<vmem>>
      %dma_wait3A_236 = tpu.memref_squeeze %dma_wait3A_235 : memref<1x64xi32, #tpu.memory_space<vmem>> -> memref<64xi32, #tpu.memory_space<vmem>>
      %dma_wait3A_237 = tpu.memref_slice %arg3[%add3A_8] : memref<16384xi32, #tpu.memory_space<hbm>> -> memref<64xi32, #tpu.memory_space<hbm>>
      %dma_wait3A_238 = arith.constant 0 : i32
      %dma_wait3A_239 = tpu.memref_slice %arg7[%run_scoped3A, %dma_wait3A_238] : memref<8x64xi32, #tpu.memory_space<vmem>> -> memref<1x64xi32, #tpu.memory_space<vmem>>
      %dma_wait3A_240 = tpu.memref_squeeze %dma_wait3A_239 : memref<1x64xi32, #tpu.memory_space<vmem>> -> memref<64xi32, #tpu.memory_space<vmem>>
      %dma_wait3A_241 = tpu.memref_slice %arg3[%add3A_8] : memref<16384xi32, #tpu.memory_space<hbm>> -> memref<64xi32, #tpu.memory_space<hbm>>
      tpu.wait_dma2 semaphore(%run_scoped3A_225 : memref<!tpu.dma_semaphore, #tpu.memory_space<semaphore_mem>>) src(%dma_wait3A_241 : memref<64xi32, #tpu.memory_space<hbm>>) dst(%dma_wait3A_240 : memref<64xi32, #tpu.memory_space<vmem>>)
      tpu.yield
    }) : () -> ()
    %dma_start3A = arith.constant 0 : i32
    %dma_start3A_9 = arith.constant 0 : i32
    %dma_start3A_10 = tpu.memref_slice %arg7[%dma_start3A, %dma_start3A_9] : memref<8x64xi32, #tpu.memory_space<vmem>> -> memref<1x64xi32, #tpu.memory_space<vmem>>
    %dma_start3A_11 = tpu.memref_squeeze %dma_start3A_10 : memref<1x64xi32, #tpu.memory_space<vmem>> -> memref<64xi32, #tpu.memory_space<vmem>>
    %dma_start3A_12 = arith.constant 0 : i32
    %dma_start3A_13 = arith.constant 0 : i32
    %dma_start3A_14 = tpu.memref_slice %arg2[%dma_start3A_12, %dma_start3A_13] : memref<20480x768xf32, #tpu.memory_space<hbm>> -> memref<20480x768xf32, #tpu.memory_space<hbm>>
    tpu.enqueue_indirect_dma source(%dma_start3A_14 : memref<20480x768xf32, #tpu.memory_space<hbm>>) target(%arg8 : memref<64x768xf32, #tpu.memory_space<vmem>>) offsets(%dma_start3A_11 : memref<64xi32, #tpu.memory_space<vmem>>) semaphore(%arg10 : memref<!tpu.dma_semaphore, #tpu.memory_space<semaphore_mem>>)
    %dma_wait3A = arith.constant 0 : i32
    %dma_wait3A_15 = arith.constant 0 : i32
    %dma_wait3A_16 = tpu.memref_slice %arg7[%dma_wait3A, %dma_wait3A_15] : memref<8x64xi32, #tpu.memory_space<vmem>> -> memref<1x64xi32, #tpu.memory_space<vmem>>
    %dma_wait3A_17 = tpu.memref_squeeze %dma_wait3A_16 : memref<1x64xi32, #tpu.memory_space<vmem>> -> memref<64xi32, #tpu.memory_space<vmem>>
    %dma_wait3A_18 = arith.constant 0 : i32
    %dma_wait3A_19 = arith.constant 0 : i32
    %dma_wait3A_20 = tpu.memref_slice %arg2[%dma_wait3A_18, %dma_wait3A_19] : memref<20480x768xf32, #tpu.memory_space<hbm>> -> memref<20480x768xf32, #tpu.memory_space<hbm>>
    tpu.wait_indirect_dma semaphore(%arg10 : memref<!tpu.dma_semaphore, #tpu.memory_space<semaphore_mem>>) src(%dma_wait3A_20 : memref<20480x768xf32, #tpu.memory_space<hbm>>) dst(%arg8 : memref<64x768xf32, #tpu.memory_space<vmem>>)
    %scan3A = arith.constant 0 : i32
    %scan3A_21 = arith.constant 0 : i32
    %scan3A_22 = arith.constant 32 : i32
    %scan3A_23 = arith.addi %scan3A_21, %scan3A_22 : i32
    %scan3A_24 = arith.constant 1 : i32
    %scan3A_25 = scf.for %scan3A_225 = %scan3A_21 to %scan3A_23 step %scan3A_24 iter_args(%scan3A_226 = %scan3A) -> (i32)  : i32 {
      %add3A_227 = arith.constant 0 : i32
      %add3A_228 = arith.addi %add3A_227, %scan3A_225 : i32
      %mul3A_229 = arith.constant 32 : i32
      %mul3A_230 = arith.muli %mul3A_229, %add3A_228 : i32
      %get3A = arith.index_cast %mul3A_230 : i32 to index
      %get3A_231 = tpu.vector_load %arg6[%get3A] {strides = array<i32>} : memref<8192xf32, #tpu.memory_space<vmem>>, vector<16xf32>,
      %get3A_232 = vector.shape_cast %get3A_231 : vector<16xf32> to vector<16xf32>
      %add3A_233 = arith.constant 16 : i32
      %add3A_234 = arith.addi %mul3A_230, %add3A_233 : i32
      %get3A_235 = arith.index_cast %add3A_234 : i32 to index
      %get3A_236 = tpu.vector_load %arg6[%get3A_235] {strides = array<i32>} : memref<8192xf32, #tpu.memory_space<vmem>>, vector<16xf32>,
      %get3A_237 = vector.shape_cast %get3A_236 : vector<16xf32> to vector<16xf32>
      %scan3A_238 = arith.constant 0 : i32
      %scan3A_239 = arith.constant 0 : i32
      %scan3A_240 = arith.constant 48 : i32
      %scan3A_241 = arith.addi %scan3A_239, %scan3A_240 : i32
      %scan3A_242 = arith.constant 4 : i32
      %scan3A_243 = scf.for %scan3A_245 = %scan3A_239 to %scan3A_241 step %scan3A_242 iter_args(%scan3A_246 = %scan3A_238) -> (i32)  : i32 {
        %mul3A_247 = arith.constant 2 : i32
        %mul3A_248 = arith.muli %mul3A_247, %scan3A_225 : i32
        %mul3A_249 = arith.constant 16 : i32
        %mul3A_250 = arith.muli %scan3A_245, %mul3A_249 : i32
        %get3A_251 = arith.index_cast %mul3A_248 : i32 to index
        %get3A_252 = arith.index_cast %mul3A_250 : i32 to index
        %get3A_253 = tpu.vector_load %arg8[%get3A_251, %get3A_252] {strides = array<i32>} : memref<64x768xf32, #tpu.memory_space<vmem>>, vector<1x16xf32>,
        %get3A_254 = vector.shape_cast %get3A_253 : vector<1x16xf32> to vector<16xf32>
        %mul3A_255 = arith.constant 2 : i32
        %mul3A_256 = arith.muli %mul3A_255, %scan3A_225 : i32
        %add3A_257 = arith.constant 1 : i32
        %add3A_258 = arith.addi %mul3A_256, %add3A_257 : i32
        %mul3A_259 = arith.constant 16 : i32
        %mul3A_260 = arith.muli %scan3A_245, %mul3A_259 : i32
        %get3A_261 = arith.index_cast %add3A_258 : i32 to index
        %get3A_262 = arith.index_cast %mul3A_260 : i32 to index
        %get3A_263 = tpu.vector_load %arg8[%get3A_261, %get3A_262] {strides = array<i32>} : memref<64x768xf32, #tpu.memory_space<vmem>>, vector<1x16xf32>,
        %get3A_264 = vector.shape_cast %get3A_263 : vector<1x16xf32> to vector<16xf32>
        %mul3A_265 = arith.mulf %get3A_254, %get3A_232 : vector<16xf32>
        %mul3A_266 = arith.mulf %get3A_264, %get3A_237 : vector<16xf32>
        %add3A_267 = arith.addf %mul3A_265, %mul3A_266 : vector<16xf32>
        %mul3A_268 = arith.constant 16 : i32
        %mul3A_269 = arith.muli %scan3A_245, %mul3A_268 : i32
        %swap3A = arith.index_cast %scan3A_225 : i32 to index
        %swap3A_270 = arith.index_cast %mul3A_269 : i32 to index
        %swap3A_271 = tpu.vector_load %arg9[%swap3A, %swap3A_270] {strides = array<i32>} : memref<32x768xf32, #tpu.memory_space<vmem>>, vector<1x16xf32>,
        %swap3A_272 = vector.shape_cast %swap3A_271 : vector<1x16xf32> to vector<16xf32>
        %swap3A_273 = vector.shape_cast %add3A_267 : vector<16xf32> to vector<1x16xf32>
        tpu.vector_store %arg9[%swap3A, %swap3A_270], %swap3A_273 {strides = array<i32>} : memref<32x768xf32, #tpu.memory_space<vmem>>, vector<1x16xf32>,
        %scan3A_274 = arith.constant 0 : i32
        %scan3A_275 = arith.constant 1 : i32
        %scan3A_276 = arith.addi %scan3A_245, %scan3A_275 : i32
        %mul3A_277 = arith.constant 2 : i32
        %mul3A_278 = arith.muli %mul3A_277, %scan3A_225 : i32
        %mul3A_279 = arith.constant 16 : i32
        %mul3A_280 = arith.muli %scan3A_276, %mul3A_279 : i32
        %get3A_281 = arith.index_cast %mul3A_278 : i32 to index
        %get3A_282 = arith.index_cast %mul3A_280 : i32 to index
        %get3A_283 = tpu.vector_load %arg8[%get3A_281, %get3A_282] {strides = array<i32>} : memref<64x768xf32, #tpu.memory_space<vmem>>, vector<1x16xf32>,
        %get3A_284 = vector.shape_cast %get3A_283 : vector<1x16xf32> to vector<16xf32>
        %mul3A_285 = arith.constant 2 : i32
        %mul3A_286 = arith.muli %mul3A_285, %scan3A_225 : i32
        %add3A_287 = arith.constant 1 : i32
        %add3A_288 = arith.addi %mul3A_286, %add3A_287 : i32
        %mul3A_289 = arith.constant 16 : i32
        %mul3A_290 = arith.muli %scan3A_276, %mul3A_289 : i32
        %get3A_291 = arith.index_cast %add3A_288 : i32 to index
        %get3A_292 = arith.index_cast %mul3A_290 : i32 to index
        %get3A_293 = tpu.vector_load %arg8[%get3A_291, %get3A_292] {strides = array<i32>} : memref<64x768xf32, #tpu.memory_space<vmem>>, vector<1x16xf32>,
        %get3A_294 = vector.shape_cast %get3A_293 : vector<1x16xf32> to vector<16xf32>
        %mul3A_295 = arith.mulf %get3A_284, %get3A_232 : vector<16xf32>
        %mul3A_296 = arith.mulf %get3A_294, %get3A_237 : vector<16xf32>
        %add3A_297 = arith.addf %mul3A_295, %mul3A_296 : vector<16xf32>
        %mul3A_298 = arith.constant 16 : i32
        %mul3A_299 = arith.muli %scan3A_276, %mul3A_298 : i32
        %swap3A_300 = arith.index_cast %scan3A_225 : i32 to index
        %swap3A_301 = arith.index_cast %mul3A_299 : i32 to index
        %swap3A_302 = tpu.vector_load %arg9[%swap3A_300, %swap3A_301] {strides = array<i32>} : memref<32x768xf32, #tpu.memory_space<vmem>>, vector<1x16xf32>,
        %swap3A_303 = vector.shape_cast %swap3A_302 : vector<1x16xf32> to vector<16xf32>
        %swap3A_304 = vector.shape_cast %add3A_297 : vector<16xf32> to vector<1x16xf32>
        tpu.vector_store %arg9[%swap3A_300, %swap3A_301], %swap3A_304 {strides = array<i32>} : memref<32x768xf32, #tpu.memory_space<vmem>>, vector<1x16xf32>,
        %scan3A_305 = arith.constant 0 : i32
        %scan3A_306 = arith.constant 2 : i32
        %scan3A_307 = arith.addi %scan3A_245, %scan3A_306 : i32
        %mul3A_308 = arith.constant 2 : i32
        %mul3A_309 = arith.muli %mul3A_308, %scan3A_225 : i32
        %mul3A_310 = arith.constant 16 : i32
        %mul3A_311 = arith.muli %scan3A_307, %mul3A_310 : i32
        %get3A_312 = arith.index_cast %mul3A_309 : i32 to index
        %get3A_313 = arith.index_cast %mul3A_311 : i32 to index
        %get3A_314 = tpu.vector_load %arg8[%get3A_312, %get3A_313] {strides = array<i32>} : memref<64x768xf32, #tpu.memory_space<vmem>>, vector<1x16xf32>,
        %get3A_315 = vector.shape_cast %get3A_314 : vector<1x16xf32> to vector<16xf32>
        %mul3A_316 = arith.constant 2 : i32
        %mul3A_317 = arith.muli %mul3A_316, %scan3A_225 : i32
        %add3A_318 = arith.constant 1 : i32
        %add3A_319 = arith.addi %mul3A_317, %add3A_318 : i32
        %mul3A_320 = arith.constant 16 : i32
        %mul3A_321 = arith.muli %scan3A_307, %mul3A_320 : i32
        %get3A_322 = arith.index_cast %add3A_319 : i32 to index
        %get3A_323 = arith.index_cast %mul3A_321 : i32 to index
        %get3A_324 = tpu.vector_load %arg8[%get3A_322, %get3A_323] {strides = array<i32>} : memref<64x768xf32, #tpu.memory_space<vmem>>, vector<1x16xf32>,
        %get3A_325 = vector.shape_cast %get3A_324 : vector<1x16xf32> to vector<16xf32>
        %mul3A_326 = arith.mulf %get3A_315, %get3A_232 : vector<16xf32>
        %mul3A_327 = arith.mulf %get3A_325, %get3A_237 : vector<16xf32>
        %add3A_328 = arith.addf %mul3A_326, %mul3A_327 : vector<16xf32>
        %mul3A_329 = arith.constant 16 : i32
        %mul3A_330 = arith.muli %scan3A_307, %mul3A_329 : i32
        %swap3A_331 = arith.index_cast %scan3A_225 : i32 to index
        %swap3A_332 = arith.index_cast %mul3A_330 : i32 to index
        %swap3A_333 = tpu.vector_load %arg9[%swap3A_331, %swap3A_332] {strides = array<i32>} : memref<32x768xf32, #tpu.memory_space<vmem>>, vector<1x16xf32>,
        %swap3A_334 = vector.shape_cast %swap3A_333 : vector<1x16xf32> to vector<16xf32>
        %swap3A_335 = vector.shape_cast %add3A_328 : vector<16xf32> to vector<1x16xf32>
        tpu.vector_store %arg9[%swap3A_331, %swap3A_332], %swap3A_335 {strides = array<i32>} : memref<32x768xf32, #tpu.memory_space<vmem>>, vector<1x16xf32>,
        %scan3A_336 = arith.constant 0 : i32
        %scan3A_337 = arith.constant 3 : i32
        %scan3A_338 = arith.addi %scan3A_245, %scan3A_337 : i32
        %mul3A_339 = arith.constant 2 : i32
        %mul3A_340 = arith.muli %mul3A_339, %scan3A_225 : i32
        %mul3A_341 = arith.constant 16 : i32
        %mul3A_342 = arith.muli %scan3A_338, %mul3A_341 : i32
        %get3A_343 = arith.index_cast %mul3A_340 : i32 to index
        %get3A_344 = arith.index_cast %mul3A_342 : i32 to index
        %get3A_345 = tpu.vector_load %arg8[%get3A_343, %get3A_344] {strides = array<i32>} : memref<64x768xf32, #tpu.memory_space<vmem>>, vector<1x16xf32>,
        %get3A_346 = vector.shape_cast %get3A_345 : vector<1x16xf32> to vector<16xf32>
        %mul3A_347 = arith.constant 2 : i32
        %mul3A_348 = arith.muli %mul3A_347, %scan3A_225 : i32
        %add3A_349 = arith.constant 1 : i32
        %add3A_350 = arith.addi %mul3A_348, %add3A_349 : i32
        %mul3A_351 = arith.constant 16 : i32
        %mul3A_352 = arith.muli %scan3A_338, %mul3A_351 : i32
        %get3A_353 = arith.index_cast %add3A_350 : i32 to index
        %get3A_354 = arith.index_cast %mul3A_352 : i32 to index
        %get3A_355 = tpu.vector_load %arg8[%get3A_353, %get3A_354] {strides = array<i32>} : memref<64x768xf32, #tpu.memory_space<vmem>>, vector<1x16xf32>,
        %get3A_356 = vector.shape_cast %get3A_355 : vector<1x16xf32> to vector<16xf32>
        %mul3A_357 = arith.mulf %get3A_346, %get3A_232 : vector<16xf32>
        %mul3A_358 = arith.mulf %get3A_356, %get3A_237 : vector<16xf32>
        %add3A_359 = arith.addf %mul3A_357, %mul3A_358 : vector<16xf32>
        %mul3A_360 = arith.constant 16 : i32
        %mul3A_361 = arith.muli %scan3A_338, %mul3A_360 : i32
        %swap3A_362 = arith.index_cast %scan3A_225 : i32 to index
        %swap3A_363 = arith.index_cast %mul3A_361 : i32 to index
        %swap3A_364 = tpu.vector_load %arg9[%swap3A_362, %swap3A_363] {strides = array<i32>} : memref<32x768xf32, #tpu.memory_space<vmem>>, vector<1x16xf32>,
        %swap3A_365 = vector.shape_cast %swap3A_364 : vector<1x16xf32> to vector<16xf32>
        %swap3A_366 = vector.shape_cast %add3A_359 : vector<16xf32> to vector<1x16xf32>
        tpu.vector_store %arg9[%swap3A_362, %swap3A_363], %swap3A_366 {strides = array<i32>} : memref<32x768xf32, #tpu.memory_space<vmem>>, vector<1x16xf32>,
        %scan3A_367 = arith.constant 0 : i32
        scf.yield %scan3A_367 : i32
      }
      %scan3A_244 = arith.constant 48 : i32
      scf.yield %scan3A_243 : i32
    }
    %scan3A_26 = arith.constant 32 : i32
    %add3A_27 = arith.constant 0 : i32
    %add3A_28 = arith.addi %mul3A_2, %add3A_27 : i32
    "tpu.region"() ({
      %run_scoped3A_225 = tpu.sem_alloc : memref<!tpu.dma_semaphore, #tpu.memory_space<semaphore_mem>>
      %dma_start3A_226 = arith.constant 0 : i32
      %dma_start3A_227 = tpu.memref_slice %arg5[%add3A_28, %dma_start3A_226] : memref<8192x768xf32, #tpu.memory_space<hbm>> -> memref<32x768xf32, #tpu.memory_space<hbm>>
      %dma_start3A_228 = arith.constant 0 : i32
      %dma_start3A_229 = tpu.memref_slice %arg5[%add3A_28, %dma_start3A_228] : memref<8192x768xf32, #tpu.memory_space<hbm>> -> memref<32x768xf32, #tpu.memory_space<hbm>>
      tpu.enqueue_dma source(%arg9 : memref<32x768xf32, #tpu.memory_space<vmem>>) target(%dma_start3A_229 : memref<32x768xf32, #tpu.memory_space<hbm>>) target_semaphore(%run_scoped3A_225 : memref<!tpu.dma_semaphore, #tpu.memory_space<semaphore_mem>>)
      %dma_wait3A_230 = arith.constant 0 : i32
      %dma_wait3A_231 = tpu.memref_slice %arg5[%add3A_28, %dma_wait3A_230] : memref<8192x768xf32, #tpu.memory_space<hbm>> -> memref<32x768xf32, #tpu.memory_space<hbm>>
      %dma_wait3A_232 = arith.constant 0 : i32
      %dma_wait3A_233 = tpu.memref_slice %arg5[%add3A_28, %dma_wait3A_232] : memref<8192x768xf32, #tpu.memory_space<hbm>> -> memref<32x768xf32, #tpu.memory_space<hbm>>
      tpu.wait_dma2 semaphore(%run_scoped3A_225 : memref<!tpu.dma_semaphore, #tpu.memory_space<semaphore_mem>>) src(%arg9 : memref<32x768xf32, #tpu.memory_space<vmem>>) dst(%dma_wait3A_233 : memref<32x768xf32, #tpu.memory_space<hbm>>)
      tpu.yield
    }) : () -> ()
    %mul3A_29 = arith.constant 2 : i32
    %mul3A_30 = arith.muli %mul3A_29, %mul3A_2 : i32
    %add3A_31 = arith.constant 64 : i32
    %add3A_32 = arith.addi %mul3A_30, %add3A_31 : i32
    %run_scoped3A_33 = arith.constant 1 : i32
    "tpu.region"() ({
      %run_scoped3A_225 = tpu.sem_alloc : memref<!tpu.dma_semaphore, #tpu.memory_space<semaphore_mem>>
      %dma_start3A_226 = arith.constant 0 : i32
      %dma_start3A_227 = tpu.memref_slice %arg7[%run_scoped3A_33, %dma_start3A_226] : memref<8x64xi32, #tpu.memory_space<vmem>> -> memref<1x64xi32, #tpu.memory_space<vmem>>
      %dma_start3A_228 = tpu.memref_squeeze %dma_start3A_227 : memref<1x64xi32, #tpu.memory_space<vmem>> -> memref<64xi32, #tpu.memory_space<vmem>>
      %dma_start3A_229 = tpu.memref_slice %arg3[%add3A_32] : memref<16384xi32, #tpu.memory_space<hbm>> -> memref<64xi32, #tpu.memory_space<hbm>>
      %dma_start3A_230 = arith.constant 0 : i32
      %dma_start3A_231 = tpu.memref_slice %arg7[%run_scoped3A_33, %dma_start3A_230] : memref<8x64xi32, #tpu.memory_space<vmem>> -> memref<1x64xi32, #tpu.memory_space<vmem>>
      %dma_start3A_232 = tpu.memref_squeeze %dma_start3A_231 : memref<1x64xi32, #tpu.memory_space<vmem>> -> memref<64xi32, #tpu.memory_space<vmem>>
      %dma_start3A_233 = tpu.memref_slice %arg3[%add3A_32] : memref<16384xi32, #tpu.memory_space<hbm>> -> memref<64xi32, #tpu.memory_space<hbm>>
      tpu.enqueue_dma source(%dma_start3A_233 : memref<64xi32, #tpu.memory_space<hbm>>) target(%dma_start3A_232 : memref<64xi32, #tpu.memory_space<vmem>>) target_semaphore(%run_scoped3A_225 : memref<!tpu.dma_semaphore, #tpu.memory_space<semaphore_mem>>)
      %dma_wait3A_234 = arith.constant 0 : i32
      %dma_wait3A_235 = tpu.memref_slice %arg7[%run_scoped3A_33, %dma_wait3A_234] : memref<8x64xi32, #tpu.memory_space<vmem>> -> memref<1x64xi32, #tpu.memory_space<vmem>>
      %dma_wait3A_236 = tpu.memref_squeeze %dma_wait3A_235 : memref<1x64xi32, #tpu.memory_space<vmem>> -> memref<64xi32, #tpu.memory_space<vmem>>
      %dma_wait3A_237 = tpu.memref_slice %arg3[%add3A_32] : memref<16384xi32, #tpu.memory_space<hbm>> -> memref<64xi32, #tpu.memory_space<hbm>>
      %dma_wait3A_238 = arith.constant 0 : i32
      %dma_wait3A_239 = tpu.memref_slice %arg7[%run_scoped3A_33, %dma_wait3A_238] : memref<8x64xi32, #tpu.memory_space<vmem>> -> memref<1x64xi32, #tpu.memory_space<vmem>>
      %dma_wait3A_240 = tpu.memref_squeeze %dma_wait3A_239 : memref<1x64xi32, #tpu.memory_space<vmem>> -> memref<64xi32, #tpu.memory_space<vmem>>
      %dma_wait3A_241 = tpu.memref_slice %arg3[%add3A_32] : memref<16384xi32, #tpu.memory_space<hbm>> -> memref<64xi32, #tpu.memory_space<hbm>>
      tpu.wait_dma2 semaphore(%run_scoped3A_225 : memref<!tpu.dma_semaphore, #tpu.memory_space<semaphore_mem>>) src(%dma_wait3A_241 : memref<64xi32, #tpu.memory_space<hbm>>) dst(%dma_wait3A_240 : memref<64xi32, #tpu.memory_space<vmem>>)
      tpu.yield
    }) : () -> ()
    %dma_start3A_34 = arith.constant 1 : i32
    %dma_start3A_35 = arith.constant 0 : i32
    %dma_start3A_36 = tpu.memref_slice %arg7[%dma_start3A_34, %dma_start3A_35] : memref<8x64xi32, #tpu.memory_space<vmem>> -> memref<1x64xi32, #tpu.memory_space<vmem>>
    %dma_start3A_37 = tpu.memref_squeeze %dma_start3A_36 : memref<1x64xi32, #tpu.memory_space<vmem>> -> memref<64xi32, #tpu.memory_space<vmem>>
    %dma_start3A_38 = arith.constant 0 : i32
    %dma_start3A_39 = arith.constant 0 : i32
    %dma_start3A_40 = tpu.memref_slice %arg2[%dma_start3A_38, %dma_start3A_39] : memref<20480x768xf32, #tpu.memory_space<hbm>> -> memref<20480x768xf32, #tpu.memory_space<hbm>>
    tpu.enqueue_indirect_dma source(%dma_start3A_40 : memref<20480x768xf32, #tpu.memory_space<hbm>>) target(%arg8 : memref<64x768xf32, #tpu.memory_space<vmem>>) offsets(%dma_start3A_37 : memref<64xi32, #tpu.memory_space<vmem>>) semaphore(%arg10 : memref<!tpu.dma_semaphore, #tpu.memory_space<semaphore_mem>>)
    %dma_wait3A_41 = arith.constant 1 : i32
    %dma_wait3A_42 = arith.constant 0 : i32
    %dma_wait3A_43 = tpu.memref_slice %arg7[%dma_wait3A_41, %dma_wait3A_42] : memref<8x64xi32, #tpu.memory_space<vmem>> -> memref<1x64xi32, #tpu.memory_space<vmem>>
    %dma_wait3A_44 = tpu.memref_squeeze %dma_wait3A_43 : memref<1x64xi32, #tpu.memory_space<vmem>> -> memref<64xi32, #tpu.memory_space<vmem>>
    %dma_wait3A_45 = arith.constant 0 : i32
    %dma_wait3A_46 = arith.constant 0 : i32
    %dma_wait3A_47 = tpu.memref_slice %arg2[%dma_wait3A_45, %dma_wait3A_46] : memref<20480x768xf32, #tpu.memory_space<hbm>> -> memref<20480x768xf32, #tpu.memory_space<hbm>>
    tpu.wait_indirect_dma semaphore(%arg10 : memref<!tpu.dma_semaphore, #tpu.memory_space<semaphore_mem>>) src(%dma_wait3A_47 : memref<20480x768xf32, #tpu.memory_space<hbm>>) dst(%arg8 : memref<64x768xf32, #tpu.memory_space<vmem>>)
    %scan3A_48 = arith.constant 0 : i32
    %scan3A_49 = arith.constant 0 : i32
    %scan3A_50 = arith.constant 32 : i32
    %scan3A_51 = arith.addi %scan3A_49, %scan3A_50 : i32
    %scan3A_52 = arith.constant 1 : i32
    %scan3A_53 = scf.for %scan3A_225 = %scan3A_49 to %scan3A_51 step %scan3A_52 iter_args(%scan3A_226 = %scan3A_48) -> (i32)  : i32 {
      %add3A_227 = arith.constant 32 : i32
      %add3A_228 = arith.addi %add3A_227, %scan3A_225 : i32
      %mul3A_229 = arith.constant 32 : i32
      %mul3A_230 = arith.muli %mul3A_229, %add3A_228 : i32
      %get3A = arith.index_cast %mul3A_230 : i32 to index
      %get3A_231 = tpu.vector_load %arg6[%get3A] {strides = array<i32>} : memref<8192xf32, #tpu.memory_space<vmem>>, vector<16xf32>,
      %get3A_232 = vector.shape_cast %get3A_231 : vector<16xf32> to vector<16xf32>
      %add3A_233 = arith.constant 16 : i32
      %add3A_234 = arith.addi %mul3A_230, %add3A_233 : i32
      %get3A_235 = arith.index_cast %add3A_234 : i32 to index
      %get3A_236 = tpu.vector_load %arg6[%get3A_235] {strides = array<i32>} : memref<8192xf32, #tpu.memory_space<vmem>>, vector<16xf32>,
      %get3A_237 = vector.shape_cast %get3A_236 : vector<16xf32> to vector<16xf32>
      %scan3A_238 = arith.constant 0 : i32
      %scan3A_239 = arith.constant 0 : i32
      %scan3A_240 = arith.constant 48 : i32
      %scan3A_241 = arith.addi %scan3A_239, %scan3A_240 : i32
      %scan3A_242 = arith.constant 4 : i32
      %scan3A_243 = scf.for %scan3A_245 = %scan3A_239 to %scan3A_241 step %scan3A_242 iter_args(%scan3A_246 = %scan3A_238) -> (i32)  : i32 {
        %mul3A_247 = arith.constant 2 : i32
        %mul3A_248 = arith.muli %mul3A_247, %scan3A_225 : i32
        %mul3A_249 = arith.constant 16 : i32
        %mul3A_250 = arith.muli %scan3A_245, %mul3A_249 : i32
        %get3A_251 = arith.index_cast %mul3A_248 : i32 to index
        %get3A_252 = arith.index_cast %mul3A_250 : i32 to index
        %get3A_253 = tpu.vector_load %arg8[%get3A_251, %get3A_252] {strides = array<i32>} : memref<64x768xf32, #tpu.memory_space<vmem>>, vector<1x16xf32>,
        %get3A_254 = vector.shape_cast %get3A_253 : vector<1x16xf32> to vector<16xf32>
        %mul3A_255 = arith.constant 2 : i32
        %mul3A_256 = arith.muli %mul3A_255, %scan3A_225 : i32
        %add3A_257 = arith.constant 1 : i32
        %add3A_258 = arith.addi %mul3A_256, %add3A_257 : i32
        %mul3A_259 = arith.constant 16 : i32
        %mul3A_260 = arith.muli %scan3A_245, %mul3A_259 : i32
        %get3A_261 = arith.index_cast %add3A_258 : i32 to index
        %get3A_262 = arith.index_cast %mul3A_260 : i32 to index
        %get3A_263 = tpu.vector_load %arg8[%get3A_261, %get3A_262] {strides = array<i32>} : memref<64x768xf32, #tpu.memory_space<vmem>>, vector<1x16xf32>,
        %get3A_264 = vector.shape_cast %get3A_263 : vector<1x16xf32> to vector<16xf32>
        %mul3A_265 = arith.mulf %get3A_254, %get3A_232 : vector<16xf32>
        %mul3A_266 = arith.mulf %get3A_264, %get3A_237 : vector<16xf32>
        %add3A_267 = arith.addf %mul3A_265, %mul3A_266 : vector<16xf32>
        %mul3A_268 = arith.constant 16 : i32
        %mul3A_269 = arith.muli %scan3A_245, %mul3A_268 : i32
        %swap3A = arith.index_cast %scan3A_225 : i32 to index
        %swap3A_270 = arith.index_cast %mul3A_269 : i32 to index
        %swap3A_271 = tpu.vector_load %arg9[%swap3A, %swap3A_270] {strides = array<i32>} : memref<32x768xf32, #tpu.memory_space<vmem>>, vector<1x16xf32>,
        %swap3A_272 = vector.shape_cast %swap3A_271 : vector<1x16xf32> to vector<16xf32>
        %swap3A_273 = vector.shape_cast %add3A_267 : vector<16xf32> to vector<1x16xf32>
        tpu.vector_store %arg9[%swap3A, %swap3A_270], %swap3A_273 {strides = array<i32>} : memref<32x768xf32, #tpu.memory_space<vmem>>, vector<1x16xf32>,
        %scan3A_274 = arith.constant 0 : i32
        %scan3A_275 = arith.constant 1 : i32
        %scan3A_276 = arith.addi %scan3A_245, %scan3A_275 : i32
        %mul3A_277 = arith.constant 2 : i32
        %mul3A_278 = arith.muli %mul3A_277, %scan3A_225 : i32
        %mul3A_279 = arith.constant 16 : i32
        %mul3A_280 = arith.muli %scan3A_276, %mul3A_279 : i32
        %get3A_281 = arith.index_cast %mul3A_278 : i32 to index
        %get3A_282 = arith.index_cast %mul3A_280 : i32 to index
        %get3A_283 = tpu.vector_load %arg8[%get3A_281, %get3A_282] {strides = array<i32>} : memref<64x768xf32, #tpu.memory_space<vmem>>, vector<1x16xf32>,
        %get3A_284 = vector.shape_cast %get3A_283 : vector<1x16xf32> to vector<16xf32>
        %mul3A_285 = arith.constant 2 : i32
        %mul3A_286 = arith.muli %mul3A_285, %scan3A_225 : i32
        %add3A_287 = arith.constant 1 : i32
        %add3A_288 = arith.addi %mul3A_286, %add3A_287 : i32
        %mul3A_289 = arith.constant 16 : i32
        %mul3A_290 = arith.muli %scan3A_276, %mul3A_289 : i32
        %get3A_291 = arith.index_cast %add3A_288 : i32 to index
        %get3A_292 = arith.index_cast %mul3A_290 : i32 to index
        %get3A_293 = tpu.vector_load %arg8[%get3A_291, %get3A_292] {strides = array<i32>} : memref<64x768xf32, #tpu.memory_space<vmem>>, vector<1x16xf32>,
        %get3A_294 = vector.shape_cast %get3A_293 : vector<1x16xf32> to vector<16xf32>
        %mul3A_295 = arith.mulf %get3A_284, %get3A_232 : vector<16xf32>
        %mul3A_296 = arith.mulf %get3A_294, %get3A_237 : vector<16xf32>
        %add3A_297 = arith.addf %mul3A_295, %mul3A_296 : vector<16xf32>
        %mul3A_298 = arith.constant 16 : i32
        %mul3A_299 = arith.muli %scan3A_276, %mul3A_298 : i32
        %swap3A_300 = arith.index_cast %scan3A_225 : i32 to index
        %swap3A_301 = arith.index_cast %mul3A_299 : i32 to index
        %swap3A_302 = tpu.vector_load %arg9[%swap3A_300, %swap3A_301] {strides = array<i32>} : memref<32x768xf32, #tpu.memory_space<vmem>>, vector<1x16xf32>,
        %swap3A_303 = vector.shape_cast %swap3A_302 : vector<1x16xf32> to vector<16xf32>
        %swap3A_304 = vector.shape_cast %add3A_297 : vector<16xf32> to vector<1x16xf32>
        tpu.vector_store %arg9[%swap3A_300, %swap3A_301], %swap3A_304 {strides = array<i32>} : memref<32x768xf32, #tpu.memory_space<vmem>>, vector<1x16xf32>,
        %scan3A_305 = arith.constant 0 : i32
        %scan3A_306 = arith.constant 2 : i32
        %scan3A_307 = arith.addi %scan3A_245, %scan3A_306 : i32
        %mul3A_308 = arith.constant 2 : i32
        %mul3A_309 = arith.muli %mul3A_308, %scan3A_225 : i32
        %mul3A_310 = arith.constant 16 : i32
        %mul3A_311 = arith.muli %scan3A_307, %mul3A_310 : i32
        %get3A_312 = arith.index_cast %mul3A_309 : i32 to index
        %get3A_313 = arith.index_cast %mul3A_311 : i32 to index
        %get3A_314 = tpu.vector_load %arg8[%get3A_312, %get3A_313] {strides = array<i32>} : memref<64x768xf32, #tpu.memory_space<vmem>>, vector<1x16xf32>,
        %get3A_315 = vector.shape_cast %get3A_314 : vector<1x16xf32> to vector<16xf32>
        %mul3A_316 = arith.constant 2 : i32
        %mul3A_317 = arith.muli %mul3A_316, %scan3A_225 : i32
        %add3A_318 = arith.constant 1 : i32
        %add3A_319 = arith.addi %mul3A_317, %add3A_318 : i32
        %mul3A_320 = arith.constant 16 : i32
        %mul3A_321 = arith.muli %scan3A_307, %mul3A_320 : i32
        %get3A_322 = arith.index_cast %add3A_319 : i32 to index
        %get3A_323 = arith.index_cast %mul3A_321 : i32 to index
        %get3A_324 = tpu.vector_load %arg8[%get3A_322, %get3A_323] {strides = array<i32>} : memref<64x768xf32, #tpu.memory_space<vmem>>, vector<1x16xf32>,
        %get3A_325 = vector.shape_cast %get3A_324 : vector<1x16xf32> to vector<16xf32>
        %mul3A_326 = arith.mulf %get3A_315, %get3A_232 : vector<16xf32>
        %mul3A_327 = arith.mulf %get3A_325, %get3A_237 : vector<16xf32>
        %add3A_328 = arith.addf %mul3A_326, %mul3A_327 : vector<16xf32>
        %mul3A_329 = arith.constant 16 : i32
        %mul3A_330 = arith.muli %scan3A_307, %mul3A_329 : i32
        %swap3A_331 = arith.index_cast %scan3A_225 : i32 to index
        %swap3A_332 = arith.index_cast %mul3A_330 : i32 to index
        %swap3A_333 = tpu.vector_load %arg9[%swap3A_331, %swap3A_332] {strides = array<i32>} : memref<32x768xf32, #tpu.memory_space<vmem>>, vector<1x16xf32>,
        %swap3A_334 = vector.shape_cast %swap3A_333 : vector<1x16xf32> to vector<16xf32>
        %swap3A_335 = vector.shape_cast %add3A_328 : vector<16xf32> to vector<1x16xf32>
        tpu.vector_store %arg9[%swap3A_331, %swap3A_332], %swap3A_335 {strides = array<i32>} : memref<32x768xf32, #tpu.memory_space<vmem>>, vector<1x16xf32>,
        %scan3A_336 = arith.constant 0 : i32
        %scan3A_337 = arith.constant 3 : i32
        %scan3A_338 = arith.addi %scan3A_245, %scan3A_337 : i32
        %mul3A_339 = arith.constant 2 : i32
        %mul3A_340 = arith.muli %mul3A_339, %scan3A_225 : i32
        %mul3A_341 = arith.constant 16 : i32
        %mul3A_342 = arith.muli %scan3A_338, %mul3A_341 : i32
        %get3A_343 = arith.index_cast %mul3A_340 : i32 to index
        %get3A_344 = arith.index_cast %mul3A_342 : i32 to index
        %get3A_345 = tpu.vector_load %arg8[%get3A_343, %get3A_344] {strides = array<i32>} : memref<64x768xf32, #tpu.memory_space<vmem>>, vector<1x16xf32>,
        %get3A_346 = vector.shape_cast %get3A_345 : vector<1x16xf32> to vector<16xf32>
        %mul3A_347 = arith.constant 2 : i32
        %mul3A_348 = arith.muli %mul3A_347, %scan3A_225 : i32
        %add3A_349 = arith.constant 1 : i32
        %add3A_350 = arith.addi %mul3A_348, %add3A_349 : i32
        %mul3A_351 = arith.constant 16 : i32
        %mul3A_352 = arith.muli %scan3A_338, %mul3A_351 : i32
        %get3A_353 = arith.index_cast %add3A_350 : i32 to index
        %get3A_354 = arith.index_cast %mul3A_352 : i32 to index
        %get3A_355 = tpu.vector_load %arg8[%get3A_353, %get3A_354] {strides = array<i32>} : memref<64x768xf32, #tpu.memory_space<vmem>>, vector<1x16xf32>,
        %get3A_356 = vector.shape_cast %get3A_355 : vector<1x16xf32> to vector<16xf32>
        %mul3A_357 = arith.mulf %get3A_346, %get3A_232 : vector<16xf32>
        %mul3A_358 = arith.mulf %get3A_356, %get3A_237 : vector<16xf32>
        %add3A_359 = arith.addf %mul3A_357, %mul3A_358 : vector<16xf32>
        %mul3A_360 = arith.constant 16 : i32
        %mul3A_361 = arith.muli %scan3A_338, %mul3A_360 : i32
        %swap3A_362 = arith.index_cast %scan3A_225 : i32 to index
        %swap3A_363 = arith.index_cast %mul3A_361 : i32 to index
        %swap3A_364 = tpu.vector_load %arg9[%swap3A_362, %swap3A_363] {strides = array<i32>} : memref<32x768xf32, #tpu.memory_space<vmem>>, vector<1x16xf32>,
        %swap3A_365 = vector.shape_cast %swap3A_364 : vector<1x16xf32> to vector<16xf32>
        %swap3A_366 = vector.shape_cast %add3A_359 : vector<16xf32> to vector<1x16xf32>
        tpu.vector_store %arg9[%swap3A_362, %swap3A_363], %swap3A_366 {strides = array<i32>} : memref<32x768xf32, #tpu.memory_space<vmem>>, vector<1x16xf32>,
        %scan3A_367 = arith.constant 0 : i32
        scf.yield %scan3A_367 : i32
      }
      %scan3A_244 = arith.constant 48 : i32
      scf.yield %scan3A_243 : i32
    }
    %scan3A_54 = arith.constant 32 : i32
    %add3A_55 = arith.constant 32 : i32
    %add3A_56 = arith.addi %mul3A_2, %add3A_55 : i32
    "tpu.region"() ({
      %run_scoped3A_225 = tpu.sem_alloc : memref<!tpu.dma_semaphore, #tpu.memory_space<semaphore_mem>>
      %dma_start3A_226 = arith.constant 0 : i32
      %dma_start3A_227 = tpu.memref_slice %arg5[%add3A_56, %dma_start3A_226] : memref<8192x768xf32, #tpu.memory_space<hbm>> -> memref<32x768xf32, #tpu.memory_space<hbm>>
      %dma_start3A_228 = arith.constant 0 : i32
      %dma_start3A_229 = tpu.memref_slice %arg5[%add3A_56, %dma_start3A_228] : memref<8192x768xf32, #tpu.memory_space<hbm>> -> memref<32x768xf32, #tpu.memory_space<hbm>>
      tpu.enqueue_dma source(%arg9 : memref<32x768xf32, #tpu.memory_space<vmem>>) target(%dma_start3A_229 : memref<32x768xf32, #tpu.memory_space<hbm>>) target_semaphore(%run_scoped3A_225 : memref<!tpu.dma_semaphore, #tpu.memory_space<semaphore_mem>>)
      %dma_wait3A_230 = arith.constant 0 : i32
      %dma_wait3A_231 = tpu.memref_slice %arg5[%add3A_56, %dma_wait3A_230] : memref<8192x768xf32, #tpu.memory_space<hbm>> -> memref<32x768xf32, #tpu.memory_space<hbm>>
      %dma_wait3A_232 = arith.constant 0 : i32
      %dma_wait3A_233 = tpu.memref_slice %arg5[%add3A_56, %dma_wait3A_232] : memref<8192x768xf32, #tpu.memory_space<hbm>> -> memref<32x768xf32, #tpu.memory_space<hbm>>
      tpu.wait_dma2 semaphore(%run_scoped3A_225 : memref<!tpu.dma_semaphore, #tpu.memory_space<semaphore_mem>>) src(%arg9 : memref<32x768xf32, #tpu.memory_space<vmem>>) dst(%dma_wait3A_233 : memref<32x768xf32, #tpu.memory_space<hbm>>)
      tpu.yield
    }) : () -> ()
    %mul3A_57 = arith.constant 2 : i32
    %mul3A_58 = arith.muli %mul3A_57, %mul3A_2 : i32
    %add3A_59 = arith.constant 128 : i32
    %add3A_60 = arith.addi %mul3A_58, %add3A_59 : i32
    %run_scoped3A_61 = arith.constant 2 : i32
    "tpu.region"() ({
      %run_scoped3A_225 = tpu.sem_alloc : memref<!tpu.dma_semaphore, #tpu.memory_space<semaphore_mem>>
      %dma_start3A_226 = arith.constant 0 : i32
      %dma_start3A_227 = tpu.memref_slice %arg7[%run_scoped3A_61, %dma_start3A_226] : memref<8x64xi32, #tpu.memory_space<vmem>> -> memref<1x64xi32, #tpu.memory_space<vmem>>
      %dma_start3A_228 = tpu.memref_squeeze %dma_start3A_227 : memref<1x64xi32, #tpu.memory_space<vmem>> -> memref<64xi32, #tpu.memory_space<vmem>>
      %dma_start3A_229 = tpu.memref_slice %arg3[%add3A_60] : memref<16384xi32, #tpu.memory_space<hbm>> -> memref<64xi32, #tpu.memory_space<hbm>>
      %dma_start3A_230 = arith.constant 0 : i32
      %dma_start3A_231 = tpu.memref_slice %arg7[%run_scoped3A_61, %dma_start3A_230] : memref<8x64xi32, #tpu.memory_space<vmem>> -> memref<1x64xi32, #tpu.memory_space<vmem>>
      %dma_start3A_232 = tpu.memref_squeeze %dma_start3A_231 : memref<1x64xi32, #tpu.memory_space<vmem>> -> memref<64xi32, #tpu.memory_space<vmem>>
      %dma_start3A_233 = tpu.memref_slice %arg3[%add3A_60] : memref<16384xi32, #tpu.memory_space<hbm>> -> memref<64xi32, #tpu.memory_space<hbm>>
      tpu.enqueue_dma source(%dma_start3A_233 : memref<64xi32, #tpu.memory_space<hbm>>) target(%dma_start3A_232 : memref<64xi32, #tpu.memory_space<vmem>>) target_semaphore(%run_scoped3A_225 : memref<!tpu.dma_semaphore, #tpu.memory_space<semaphore_mem>>)
      %dma_wait3A_234 = arith.constant 0 : i32
      %dma_wait3A_235 = tpu.memref_slice %arg7[%run_scoped3A_61, %dma_wait3A_234] : memref<8x64xi32, #tpu.memory_space<vmem>> -> memref<1x64xi32, #tpu.memory_space<vmem>>
      %dma_wait3A_236 = tpu.memref_squeeze %dma_wait3A_235 : memref<1x64xi32, #tpu.memory_space<vmem>> -> memref<64xi32, #tpu.memory_space<vmem>>
      %dma_wait3A_237 = tpu.memref_slice %arg3[%add3A_60] : memref<16384xi32, #tpu.memory_space<hbm>> -> memref<64xi32, #tpu.memory_space<hbm>>
      %dma_wait3A_238 = arith.constant 0 : i32
      %dma_wait3A_239 = tpu.memref_slice %arg7[%run_scoped3A_61, %dma_wait3A_238] : memref<8x64xi32, #tpu.memory_space<vmem>> -> memref<1x64xi32, #tpu.memory_space<vmem>>
      %dma_wait3A_240 = tpu.memref_squeeze %dma_wait3A_239 : memref<1x64xi32, #tpu.memory_space<vmem>> -> memref<64xi32, #tpu.memory_space<vmem>>
      %dma_wait3A_241 = tpu.memref_slice %arg3[%add3A_60] : memref<16384xi32, #tpu.memory_space<hbm>> -> memref<64xi32, #tpu.memory_space<hbm>>
      tpu.wait_dma2 semaphore(%run_scoped3A_225 : memref<!tpu.dma_semaphore, #tpu.memory_space<semaphore_mem>>) src(%dma_wait3A_241 : memref<64xi32, #tpu.memory_space<hbm>>) dst(%dma_wait3A_240 : memref<64xi32, #tpu.memory_space<vmem>>)
      tpu.yield
    }) : () -> ()
    %dma_start3A_62 = arith.constant 2 : i32
    %dma_start3A_63 = arith.constant 0 : i32
    %dma_start3A_64 = tpu.memref_slice %arg7[%dma_start3A_62, %dma_start3A_63] : memref<8x64xi32, #tpu.memory_space<vmem>> -> memref<1x64xi32, #tpu.memory_space<vmem>>
    %dma_start3A_65 = tpu.memref_squeeze %dma_start3A_64 : memref<1x64xi32, #tpu.memory_space<vmem>> -> memref<64xi32, #tpu.memory_space<vmem>>
    %dma_start3A_66 = arith.constant 0 : i32
    %dma_start3A_67 = arith.constant 0 : i32
    %dma_start3A_68 = tpu.memref_slice %arg2[%dma_start3A_66, %dma_start3A_67] : memref<20480x768xf32, #tpu.memory_space<hbm>> -> memref<20480x768xf32, #tpu.memory_space<hbm>>
    tpu.enqueue_indirect_dma source(%dma_start3A_68 : memref<20480x768xf32, #tpu.memory_space<hbm>>) target(%arg8 : memref<64x768xf32, #tpu.memory_space<vmem>>) offsets(%dma_start3A_65 : memref<64xi32, #tpu.memory_space<vmem>>) semaphore(%arg10 : memref<!tpu.dma_semaphore, #tpu.memory_space<semaphore_mem>>)
    %dma_wait3A_69 = arith.constant 2 : i32
    %dma_wait3A_70 = arith.constant 0 : i32
    %dma_wait3A_71 = tpu.memref_slice %arg7[%dma_wait3A_69, %dma_wait3A_70] : memref<8x64xi32, #tpu.memory_space<vmem>> -> memref<1x64xi32, #tpu.memory_space<vmem>>
    %dma_wait3A_72 = tpu.memref_squeeze %dma_wait3A_71 : memref<1x64xi32, #tpu.memory_space<vmem>> -> memref<64xi32, #tpu.memory_space<vmem>>
    %dma_wait3A_73 = arith.constant 0 : i32
    %dma_wait3A_74 = arith.constant 0 : i32
    %dma_wait3A_75 = tpu.memref_slice %arg2[%dma_wait3A_73, %dma_wait3A_74] : memref<20480x768xf32, #tpu.memory_space<hbm>> -> memref<20480x768xf32, #tpu.memory_space<hbm>>
    tpu.wait_indirect_dma semaphore(%arg10 : memref<!tpu.dma_semaphore, #tpu.memory_space<semaphore_mem>>) src(%dma_wait3A_75 : memref<20480x768xf32, #tpu.memory_space<hbm>>) dst(%arg8 : memref<64x768xf32, #tpu.memory_space<vmem>>)
    %scan3A_76 = arith.constant 0 : i32
    %scan3A_77 = arith.constant 0 : i32
    %scan3A_78 = arith.constant 32 : i32
    %scan3A_79 = arith.addi %scan3A_77, %scan3A_78 : i32
    %scan3A_80 = arith.constant 1 : i32
    %scan3A_81 = scf.for %scan3A_225 = %scan3A_77 to %scan3A_79 step %scan3A_80 iter_args(%scan3A_226 = %scan3A_76) -> (i32)  : i32 {
      %add3A_227 = arith.constant 64 : i32
      %add3A_228 = arith.addi %add3A_227, %scan3A_225 : i32
      %mul3A_229 = arith.constant 32 : i32
      %mul3A_230 = arith.muli %mul3A_229, %add3A_228 : i32
      %get3A = arith.index_cast %mul3A_230 : i32 to index
      %get3A_231 = tpu.vector_load %arg6[%get3A] {strides = array<i32>} : memref<8192xf32, #tpu.memory_space<vmem>>, vector<16xf32>,
      %get3A_232 = vector.shape_cast %get3A_231 : vector<16xf32> to vector<16xf32>
      %add3A_233 = arith.constant 16 : i32
      %add3A_234 = arith.addi %mul3A_230, %add3A_233 : i32
      %get3A_235 = arith.index_cast %add3A_234 : i32 to index
      %get3A_236 = tpu.vector_load %arg6[%get3A_235] {strides = array<i32>} : memref<8192xf32, #tpu.memory_space<vmem>>, vector<16xf32>,
      %get3A_237 = vector.shape_cast %get3A_236 : vector<16xf32> to vector<16xf32>
      %scan3A_238 = arith.constant 0 : i32
      %scan3A_239 = arith.constant 0 : i32
      %scan3A_240 = arith.constant 48 : i32
      %scan3A_241 = arith.addi %scan3A_239, %scan3A_240 : i32
      %scan3A_242 = arith.constant 4 : i32
      %scan3A_243 = scf.for %scan3A_245 = %scan3A_239 to %scan3A_241 step %scan3A_242 iter_args(%scan3A_246 = %scan3A_238) -> (i32)  : i32 {
        %mul3A_247 = arith.constant 2 : i32
        %mul3A_248 = arith.muli %mul3A_247, %scan3A_225 : i32
        %mul3A_249 = arith.constant 16 : i32
        %mul3A_250 = arith.muli %scan3A_245, %mul3A_249 : i32
        %get3A_251 = arith.index_cast %mul3A_248 : i32 to index
        %get3A_252 = arith.index_cast %mul3A_250 : i32 to index
        %get3A_253 = tpu.vector_load %arg8[%get3A_251, %get3A_252] {strides = array<i32>} : memref<64x768xf32, #tpu.memory_space<vmem>>, vector<1x16xf32>,
        %get3A_254 = vector.shape_cast %get3A_253 : vector<1x16xf32> to vector<16xf32>
        %mul3A_255 = arith.constant 2 : i32
        %mul3A_256 = arith.muli %mul3A_255, %scan3A_225 : i32
        %add3A_257 = arith.constant 1 : i32
        %add3A_258 = arith.addi %mul3A_256, %add3A_257 : i32
        %mul3A_259 = arith.constant 16 : i32
        %mul3A_260 = arith.muli %scan3A_245, %mul3A_259 : i32
        %get3A_261 = arith.index_cast %add3A_258 : i32 to index
        %get3A_262 = arith.index_cast %mul3A_260 : i32 to index
        %get3A_263 = tpu.vector_load %arg8[%get3A_261, %get3A_262] {strides = array<i32>} : memref<64x768xf32, #tpu.memory_space<vmem>>, vector<1x16xf32>,
        %get3A_264 = vector.shape_cast %get3A_263 : vector<1x16xf32> to vector<16xf32>
        %mul3A_265 = arith.mulf %get3A_254, %get3A_232 : vector<16xf32>
        %mul3A_266 = arith.mulf %get3A_264, %get3A_237 : vector<16xf32>
        %add3A_267 = arith.addf %mul3A_265, %mul3A_266 : vector<16xf32>
        %mul3A_268 = arith.constant 16 : i32
        %mul3A_269 = arith.muli %scan3A_245, %mul3A_268 : i32
        %swap3A = arith.index_cast %scan3A_225 : i32 to index
        %swap3A_270 = arith.index_cast %mul3A_269 : i32 to index
        %swap3A_271 = tpu.vector_load %arg9[%swap3A, %swap3A_270] {strides = array<i32>} : memref<32x768xf32, #tpu.memory_space<vmem>>, vector<1x16xf32>,
        %swap3A_272 = vector.shape_cast %swap3A_271 : vector<1x16xf32> to vector<16xf32>
        %swap3A_273 = vector.shape_cast %add3A_267 : vector<16xf32> to vector<1x16xf32>
        tpu.vector_store %arg9[%swap3A, %swap3A_270], %swap3A_273 {strides = array<i32>} : memref<32x768xf32, #tpu.memory_space<vmem>>, vector<1x16xf32>,
        %scan3A_274 = arith.constant 0 : i32
        %scan3A_275 = arith.constant 1 : i32
        %scan3A_276 = arith.addi %scan3A_245, %scan3A_275 : i32
        %mul3A_277 = arith.constant 2 : i32
        %mul3A_278 = arith.muli %mul3A_277, %scan3A_225 : i32
        %mul3A_279 = arith.constant 16 : i32
        %mul3A_280 = arith.muli %scan3A_276, %mul3A_279 : i32
        %get3A_281 = arith.index_cast %mul3A_278 : i32 to index
        %get3A_282 = arith.index_cast %mul3A_280 : i32 to index
        %get3A_283 = tpu.vector_load %arg8[%get3A_281, %get3A_282] {strides = array<i32>} : memref<64x768xf32, #tpu.memory_space<vmem>>, vector<1x16xf32>,
        %get3A_284 = vector.shape_cast %get3A_283 : vector<1x16xf32> to vector<16xf32>
        %mul3A_285 = arith.constant 2 : i32
        %mul3A_286 = arith.muli %mul3A_285, %scan3A_225 : i32
        %add3A_287 = arith.constant 1 : i32
        %add3A_288 = arith.addi %mul3A_286, %add3A_287 : i32
        %mul3A_289 = arith.constant 16 : i32
        %mul3A_290 = arith.muli %scan3A_276, %mul3A_289 : i32
        %get3A_291 = arith.index_cast %add3A_288 : i32 to index
        %get3A_292 = arith.index_cast %mul3A_290 : i32 to index
        %get3A_293 = tpu.vector_load %arg8[%get3A_291, %get3A_292] {strides = array<i32>} : memref<64x768xf32, #tpu.memory_space<vmem>>, vector<1x16xf32>,
        %get3A_294 = vector.shape_cast %get3A_293 : vector<1x16xf32> to vector<16xf32>
        %mul3A_295 = arith.mulf %get3A_284, %get3A_232 : vector<16xf32>
        %mul3A_296 = arith.mulf %get3A_294, %get3A_237 : vector<16xf32>
        %add3A_297 = arith.addf %mul3A_295, %mul3A_296 : vector<16xf32>
        %mul3A_298 = arith.constant 16 : i32
        %mul3A_299 = arith.muli %scan3A_276, %mul3A_298 : i32
        %swap3A_300 = arith.index_cast %scan3A_225 : i32 to index
        %swap3A_301 = arith.index_cast %mul3A_299 : i32 to index
        %swap3A_302 = tpu.vector_load %arg9[%swap3A_300, %swap3A_301] {strides = array<i32>} : memref<32x768xf32, #tpu.memory_space<vmem>>, vector<1x16xf32>,
        %swap3A_303 = vector.shape_cast %swap3A_302 : vector<1x16xf32> to vector<16xf32>
        %swap3A_304 = vector.shape_cast %add3A_297 : vector<16xf32> to vector<1x16xf32>
        tpu.vector_store %arg9[%swap3A_300, %swap3A_301], %swap3A_304 {strides = array<i32>} : memref<32x768xf32, #tpu.memory_space<vmem>>, vector<1x16xf32>,
        %scan3A_305 = arith.constant 0 : i32
        %scan3A_306 = arith.constant 2 : i32
        %scan3A_307 = arith.addi %scan3A_245, %scan3A_306 : i32
        %mul3A_308 = arith.constant 2 : i32
        %mul3A_309 = arith.muli %mul3A_308, %scan3A_225 : i32
        %mul3A_310 = arith.constant 16 : i32
        %mul3A_311 = arith.muli %scan3A_307, %mul3A_310 : i32
        %get3A_312 = arith.index_cast %mul3A_309 : i32 to index
        %get3A_313 = arith.index_cast %mul3A_311 : i32 to index
        %get3A_314 = tpu.vector_load %arg8[%get3A_312, %get3A_313] {strides = array<i32>} : memref<64x768xf32, #tpu.memory_space<vmem>>, vector<1x16xf32>,
        %get3A_315 = vector.shape_cast %get3A_314 : vector<1x16xf32> to vector<16xf32>
        %mul3A_316 = arith.constant 2 : i32
        %mul3A_317 = arith.muli %mul3A_316, %scan3A_225 : i32
        %add3A_318 = arith.constant 1 : i32
        %add3A_319 = arith.addi %mul3A_317, %add3A_318 : i32
        %mul3A_320 = arith.constant 16 : i32
        %mul3A_321 = arith.muli %scan3A_307, %mul3A_320 : i32
        %get3A_322 = arith.index_cast %add3A_319 : i32 to index
        %get3A_323 = arith.index_cast %mul3A_321 : i32 to index
        %get3A_324 = tpu.vector_load %arg8[%get3A_322, %get3A_323] {strides = array<i32>} : memref<64x768xf32, #tpu.memory_space<vmem>>, vector<1x16xf32>,
        %get3A_325 = vector.shape_cast %get3A_324 : vector<1x16xf32> to vector<16xf32>
        %mul3A_326 = arith.mulf %get3A_315, %get3A_232 : vector<16xf32>
        %mul3A_327 = arith.mulf %get3A_325, %get3A_237 : vector<16xf32>
        %add3A_328 = arith.addf %mul3A_326, %mul3A_327 : vector<16xf32>
        %mul3A_329 = arith.constant 16 : i32
        %mul3A_330 = arith.muli %scan3A_307, %mul3A_329 : i32
        %swap3A_331 = arith.index_cast %scan3A_225 : i32 to index
        %swap3A_332 = arith.index_cast %mul3A_330 : i32 to index
        %swap3A_333 = tpu.vector_load %arg9[%swap3A_331, %swap3A_332] {strides = array<i32>} : memref<32x768xf32, #tpu.memory_space<vmem>>, vector<1x16xf32>,
        %swap3A_334 = vector.shape_cast %swap3A_333 : vector<1x16xf32> to vector<16xf32>
        %swap3A_335 = vector.shape_cast %add3A_328 : vector<16xf32> to vector<1x16xf32>
        tpu.vector_store %arg9[%swap3A_331, %swap3A_332], %swap3A_335 {strides = array<i32>} : memref<32x768xf32, #tpu.memory_space<vmem>>, vector<1x16xf32>,
        %scan3A_336 = arith.constant 0 : i32
        %scan3A_337 = arith.constant 3 : i32
        %scan3A_338 = arith.addi %scan3A_245, %scan3A_337 : i32
        %mul3A_339 = arith.constant 2 : i32
        %mul3A_340 = arith.muli %mul3A_339, %scan3A_225 : i32
        %mul3A_341 = arith.constant 16 : i32
        %mul3A_342 = arith.muli %scan3A_338, %mul3A_341 : i32
        %get3A_343 = arith.index_cast %mul3A_340 : i32 to index
        %get3A_344 = arith.index_cast %mul3A_342 : i32 to index
        %get3A_345 = tpu.vector_load %arg8[%get3A_343, %get3A_344] {strides = array<i32>} : memref<64x768xf32, #tpu.memory_space<vmem>>, vector<1x16xf32>,
        %get3A_346 = vector.shape_cast %get3A_345 : vector<1x16xf32> to vector<16xf32>
        %mul3A_347 = arith.constant 2 : i32
        %mul3A_348 = arith.muli %mul3A_347, %scan3A_225 : i32
        %add3A_349 = arith.constant 1 : i32
        %add3A_350 = arith.addi %mul3A_348, %add3A_349 : i32
        %mul3A_351 = arith.constant 16 : i32
        %mul3A_352 = arith.muli %scan3A_338, %mul3A_351 : i32
        %get3A_353 = arith.index_cast %add3A_350 : i32 to index
        %get3A_354 = arith.index_cast %mul3A_352 : i32 to index
        %get3A_355 = tpu.vector_load %arg8[%get3A_353, %get3A_354] {strides = array<i32>} : memref<64x768xf32, #tpu.memory_space<vmem>>, vector<1x16xf32>,
        %get3A_356 = vector.shape_cast %get3A_355 : vector<1x16xf32> to vector<16xf32>
        %mul3A_357 = arith.mulf %get3A_346, %get3A_232 : vector<16xf32>
        %mul3A_358 = arith.mulf %get3A_356, %get3A_237 : vector<16xf32>
        %add3A_359 = arith.addf %mul3A_357, %mul3A_358 : vector<16xf32>
        %mul3A_360 = arith.constant 16 : i32
        %mul3A_361 = arith.muli %scan3A_338, %mul3A_360 : i32
        %swap3A_362 = arith.index_cast %scan3A_225 : i32 to index
        %swap3A_363 = arith.index_cast %mul3A_361 : i32 to index
        %swap3A_364 = tpu.vector_load %arg9[%swap3A_362, %swap3A_363] {strides = array<i32>} : memref<32x768xf32, #tpu.memory_space<vmem>>, vector<1x16xf32>,
        %swap3A_365 = vector.shape_cast %swap3A_364 : vector<1x16xf32> to vector<16xf32>
        %swap3A_366 = vector.shape_cast %add3A_359 : vector<16xf32> to vector<1x16xf32>
        tpu.vector_store %arg9[%swap3A_362, %swap3A_363], %swap3A_366 {strides = array<i32>} : memref<32x768xf32, #tpu.memory_space<vmem>>, vector<1x16xf32>,
        %scan3A_367 = arith.constant 0 : i32
        scf.yield %scan3A_367 : i32
      }
      %scan3A_244 = arith.constant 48 : i32
      scf.yield %scan3A_243 : i32
    }
    %scan3A_82 = arith.constant 32 : i32
    %add3A_83 = arith.constant 64 : i32
    %add3A_84 = arith.addi %mul3A_2, %add3A_83 : i32
    "tpu.region"() ({
      %run_scoped3A_225 = tpu.sem_alloc : memref<!tpu.dma_semaphore, #tpu.memory_space<semaphore_mem>>
      %dma_start3A_226 = arith.constant 0 : i32
      %dma_start3A_227 = tpu.memref_slice %arg5[%add3A_84, %dma_start3A_226] : memref<8192x768xf32, #tpu.memory_space<hbm>> -> memref<32x768xf32, #tpu.memory_space<hbm>>
      %dma_start3A_228 = arith.constant 0 : i32
      %dma_start3A_229 = tpu.memref_slice %arg5[%add3A_84, %dma_start3A_228] : memref<8192x768xf32, #tpu.memory_space<hbm>> -> memref<32x768xf32, #tpu.memory_space<hbm>>
      tpu.enqueue_dma source(%arg9 : memref<32x768xf32, #tpu.memory_space<vmem>>) target(%dma_start3A_229 : memref<32x768xf32, #tpu.memory_space<hbm>>) target_semaphore(%run_scoped3A_225 : memref<!tpu.dma_semaphore, #tpu.memory_space<semaphore_mem>>)
      %dma_wait3A_230 = arith.constant 0 : i32
      %dma_wait3A_231 = tpu.memref_slice %arg5[%add3A_84, %dma_wait3A_230] : memref<8192x768xf32, #tpu.memory_space<hbm>> -> memref<32x768xf32, #tpu.memory_space<hbm>>
      %dma_wait3A_232 = arith.constant 0 : i32
      %dma_wait3A_233 = tpu.memref_slice %arg5[%add3A_84, %dma_wait3A_232] : memref<8192x768xf32, #tpu.memory_space<hbm>> -> memref<32x768xf32, #tpu.memory_space<hbm>>
      tpu.wait_dma2 semaphore(%run_scoped3A_225 : memref<!tpu.dma_semaphore, #tpu.memory_space<semaphore_mem>>) src(%arg9 : memref<32x768xf32, #tpu.memory_space<vmem>>) dst(%dma_wait3A_233 : memref<32x768xf32, #tpu.memory_space<hbm>>)
      tpu.yield
    }) : () -> ()
    %mul3A_85 = arith.constant 2 : i32
    %mul3A_86 = arith.muli %mul3A_85, %mul3A_2 : i32
    %add3A_87 = arith.constant 192 : i32
    %add3A_88 = arith.addi %mul3A_86, %add3A_87 : i32
    %run_scoped3A_89 = arith.constant 3 : i32
    "tpu.region"() ({
      %run_scoped3A_225 = tpu.sem_alloc : memref<!tpu.dma_semaphore, #tpu.memory_space<semaphore_mem>>
      %dma_start3A_226 = arith.constant 0 : i32
      %dma_start3A_227 = tpu.memref_slice %arg7[%run_scoped3A_89, %dma_start3A_226] : memref<8x64xi32, #tpu.memory_space<vmem>> -> memref<1x64xi32, #tpu.memory_space<vmem>>
      %dma_start3A_228 = tpu.memref_squeeze %dma_start3A_227 : memref<1x64xi32, #tpu.memory_space<vmem>> -> memref<64xi32, #tpu.memory_space<vmem>>
      %dma_start3A_229 = tpu.memref_slice %arg3[%add3A_88] : memref<16384xi32, #tpu.memory_space<hbm>> -> memref<64xi32, #tpu.memory_space<hbm>>
      %dma_start3A_230 = arith.constant 0 : i32
      %dma_start3A_231 = tpu.memref_slice %arg7[%run_scoped3A_89, %dma_start3A_230] : memref<8x64xi32, #tpu.memory_space<vmem>> -> memref<1x64xi32, #tpu.memory_space<vmem>>
      %dma_start3A_232 = tpu.memref_squeeze %dma_start3A_231 : memref<1x64xi32, #tpu.memory_space<vmem>> -> memref<64xi32, #tpu.memory_space<vmem>>
      %dma_start3A_233 = tpu.memref_slice %arg3[%add3A_88] : memref<16384xi32, #tpu.memory_space<hbm>> -> memref<64xi32, #tpu.memory_space<hbm>>
      tpu.enqueue_dma source(%dma_start3A_233 : memref<64xi32, #tpu.memory_space<hbm>>) target(%dma_start3A_232 : memref<64xi32, #tpu.memory_space<vmem>>) target_semaphore(%run_scoped3A_225 : memref<!tpu.dma_semaphore, #tpu.memory_space<semaphore_mem>>)
      %dma_wait3A_234 = arith.constant 0 : i32
      %dma_wait3A_235 = tpu.memref_slice %arg7[%run_scoped3A_89, %dma_wait3A_234] : memref<8x64xi32, #tpu.memory_space<vmem>> -> memref<1x64xi32, #tpu.memory_space<vmem>>
      %dma_wait3A_236 = tpu.memref_squeeze %dma_wait3A_235 : memref<1x64xi32, #tpu.memory_space<vmem>> -> memref<64xi32, #tpu.memory_space<vmem>>
      %dma_wait3A_237 = tpu.memref_slice %arg3[%add3A_88] : memref<16384xi32, #tpu.memory_space<hbm>> -> memref<64xi32, #tpu.memory_space<hbm>>
      %dma_wait3A_238 = arith.constant 0 : i32
      %dma_wait3A_239 = tpu.memref_slice %arg7[%run_scoped3A_89, %dma_wait3A_238] : memref<8x64xi32, #tpu.memory_space<vmem>> -> memref<1x64xi32, #tpu.memory_space<vmem>>
      %dma_wait3A_240 = tpu.memref_squeeze %dma_wait3A_239 : memref<1x64xi32, #tpu.memory_space<vmem>> -> memref<64xi32, #tpu.memory_space<vmem>>
      %dma_wait3A_241 = tpu.memref_slice %arg3[%add3A_88] : memref<16384xi32, #tpu.memory_space<hbm>> -> memref<64xi32, #tpu.memory_space<hbm>>
      tpu.wait_dma2 semaphore(%run_scoped3A_225 : memref<!tpu.dma_semaphore, #tpu.memory_space<semaphore_mem>>) src(%dma_wait3A_241 : memref<64xi32, #tpu.memory_space<hbm>>) dst(%dma_wait3A_240 : memref<64xi32, #tpu.memory_space<vmem>>)
      tpu.yield
    }) : () -> ()
    %dma_start3A_90 = arith.constant 3 : i32
    %dma_start3A_91 = arith.constant 0 : i32
    %dma_start3A_92 = tpu.memref_slice %arg7[%dma_start3A_90, %dma_start3A_91] : memref<8x64xi32, #tpu.memory_space<vmem>> -> memref<1x64xi32, #tpu.memory_space<vmem>>
    %dma_start3A_93 = tpu.memref_squeeze %dma_start3A_92 : memref<1x64xi32, #tpu.memory_space<vmem>> -> memref<64xi32, #tpu.memory_space<vmem>>
    %dma_start3A_94 = arith.constant 0 : i32
    %dma_start3A_95 = arith.constant 0 : i32
    %dma_start3A_96 = tpu.memref_slice %arg2[%dma_start3A_94, %dma_start3A_95] : memref<20480x768xf32, #tpu.memory_space<hbm>> -> memref<20480x768xf32, #tpu.memory_space<hbm>>
    tpu.enqueue_indirect_dma source(%dma_start3A_96 : memref<20480x768xf32, #tpu.memory_space<hbm>>) target(%arg8 : memref<64x768xf32, #tpu.memory_space<vmem>>) offsets(%dma_start3A_93 : memref<64xi32, #tpu.memory_space<vmem>>) semaphore(%arg10 : memref<!tpu.dma_semaphore, #tpu.memory_space<semaphore_mem>>)
    %dma_wait3A_97 = arith.constant 3 : i32
    %dma_wait3A_98 = arith.constant 0 : i32
    %dma_wait3A_99 = tpu.memref_slice %arg7[%dma_wait3A_97, %dma_wait3A_98] : memref<8x64xi32, #tpu.memory_space<vmem>> -> memref<1x64xi32, #tpu.memory_space<vmem>>
    %dma_wait3A_100 = tpu.memref_squeeze %dma_wait3A_99 : memref<1x64xi32, #tpu.memory_space<vmem>> -> memref<64xi32, #tpu.memory_space<vmem>>
    %dma_wait3A_101 = arith.constant 0 : i32
    %dma_wait3A_102 = arith.constant 0 : i32
    %dma_wait3A_103 = tpu.memref_slice %arg2[%dma_wait3A_101, %dma_wait3A_102] : memref<20480x768xf32, #tpu.memory_space<hbm>> -> memref<20480x768xf32, #tpu.memory_space<hbm>>
    tpu.wait_indirect_dma semaphore(%arg10 : memref<!tpu.dma_semaphore, #tpu.memory_space<semaphore_mem>>) src(%dma_wait3A_103 : memref<20480x768xf32, #tpu.memory_space<hbm>>) dst(%arg8 : memref<64x768xf32, #tpu.memory_space<vmem>>)
    %scan3A_104 = arith.constant 0 : i32
    %scan3A_105 = arith.constant 0 : i32
    %scan3A_106 = arith.constant 32 : i32
    %scan3A_107 = arith.addi %scan3A_105, %scan3A_106 : i32
    %scan3A_108 = arith.constant 1 : i32
    %scan3A_109 = scf.for %scan3A_225 = %scan3A_105 to %scan3A_107 step %scan3A_108 iter_args(%scan3A_226 = %scan3A_104) -> (i32)  : i32 {
      %add3A_227 = arith.constant 96 : i32
      %add3A_228 = arith.addi %add3A_227, %scan3A_225 : i32
      %mul3A_229 = arith.constant 32 : i32
      %mul3A_230 = arith.muli %mul3A_229, %add3A_228 : i32
      %get3A = arith.index_cast %mul3A_230 : i32 to index
      %get3A_231 = tpu.vector_load %arg6[%get3A] {strides = array<i32>} : memref<8192xf32, #tpu.memory_space<vmem>>, vector<16xf32>,
      %get3A_232 = vector.shape_cast %get3A_231 : vector<16xf32> to vector<16xf32>
      %add3A_233 = arith.constant 16 : i32
      %add3A_234 = arith.addi %mul3A_230, %add3A_233 : i32
      %get3A_235 = arith.index_cast %add3A_234 : i32 to index
      %get3A_236 = tpu.vector_load %arg6[%get3A_235] {strides = array<i32>} : memref<8192xf32, #tpu.memory_space<vmem>>, vector<16xf32>,
      %get3A_237 = vector.shape_cast %get3A_236 : vector<16xf32> to vector<16xf32>
      %scan3A_238 = arith.constant 0 : i32
      %scan3A_239 = arith.constant 0 : i32
      %scan3A_240 = arith.constant 48 : i32
      %scan3A_241 = arith.addi %scan3A_239, %scan3A_240 : i32
      %scan3A_242 = arith.constant 4 : i32
      %scan3A_243 = scf.for %scan3A_245 = %scan3A_239 to %scan3A_241 step %scan3A_242 iter_args(%scan3A_246 = %scan3A_238) -> (i32)  : i32 {
        %mul3A_247 = arith.constant 2 : i32
        %mul3A_248 = arith.muli %mul3A_247, %scan3A_225 : i32
        %mul3A_249 = arith.constant 16 : i32
        %mul3A_250 = arith.muli %scan3A_245, %mul3A_249 : i32
        %get3A_251 = arith.index_cast %mul3A_248 : i32 to index
        %get3A_252 = arith.index_cast %mul3A_250 : i32 to index
        %get3A_253 = tpu.vector_load %arg8[%get3A_251, %get3A_252] {strides = array<i32>} : memref<64x768xf32, #tpu.memory_space<vmem>>, vector<1x16xf32>,
        %get3A_254 = vector.shape_cast %get3A_253 : vector<1x16xf32> to vector<16xf32>
        %mul3A_255 = arith.constant 2 : i32
        %mul3A_256 = arith.muli %mul3A_255, %scan3A_225 : i32
        %add3A_257 = arith.constant 1 : i32
        %add3A_258 = arith.addi %mul3A_256, %add3A_257 : i32
        %mul3A_259 = arith.constant 16 : i32
        %mul3A_260 = arith.muli %scan3A_245, %mul3A_259 : i32
        %get3A_261 = arith.index_cast %add3A_258 : i32 to index
        %get3A_262 = arith.index_cast %mul3A_260 : i32 to index
        %get3A_263 = tpu.vector_load %arg8[%get3A_261, %get3A_262] {strides = array<i32>} : memref<64x768xf32, #tpu.memory_space<vmem>>, vector<1x16xf32>,
        %get3A_264 = vector.shape_cast %get3A_263 : vector<1x16xf32> to vector<16xf32>
        %mul3A_265 = arith.mulf %get3A_254, %get3A_232 : vector<16xf32>
        %mul3A_266 = arith.mulf %get3A_264, %get3A_237 : vector<16xf32>
        %add3A_267 = arith.addf %mul3A_265, %mul3A_266 : vector<16xf32>
        %mul3A_268 = arith.constant 16 : i32
        %mul3A_269 = arith.muli %scan3A_245, %mul3A_268 : i32
        %swap3A = arith.index_cast %scan3A_225 : i32 to index
        %swap3A_270 = arith.index_cast %mul3A_269 : i32 to index
        %swap3A_271 = tpu.vector_load %arg9[%swap3A, %swap3A_270] {strides = array<i32>} : memref<32x768xf32, #tpu.memory_space<vmem>>, vector<1x16xf32>,
        %swap3A_272 = vector.shape_cast %swap3A_271 : vector<1x16xf32> to vector<16xf32>
        %swap3A_273 = vector.shape_cast %add3A_267 : vector<16xf32> to vector<1x16xf32>
        tpu.vector_store %arg9[%swap3A, %swap3A_270], %swap3A_273 {strides = array<i32>} : memref<32x768xf32, #tpu.memory_space<vmem>>, vector<1x16xf32>,
        %scan3A_274 = arith.constant 0 : i32
        %scan3A_275 = arith.constant 1 : i32
        %scan3A_276 = arith.addi %scan3A_245, %scan3A_275 : i32
        %mul3A_277 = arith.constant 2 : i32
        %mul3A_278 = arith.muli %mul3A_277, %scan3A_225 : i32
        %mul3A_279 = arith.constant 16 : i32
        %mul3A_280 = arith.muli %scan3A_276, %mul3A_279 : i32
        %get3A_281 = arith.index_cast %mul3A_278 : i32 to index
        %get3A_282 = arith.index_cast %mul3A_280 : i32 to index
        %get3A_283 = tpu.vector_load %arg8[%get3A_281, %get3A_282] {strides = array<i32>} : memref<64x768xf32, #tpu.memory_space<vmem>>, vector<1x16xf32>,
        %get3A_284 = vector.shape_cast %get3A_283 : vector<1x16xf32> to vector<16xf32>
        %mul3A_285 = arith.constant 2 : i32
        %mul3A_286 = arith.muli %mul3A_285, %scan3A_225 : i32
        %add3A_287 = arith.constant 1 : i32
        %add3A_288 = arith.addi %mul3A_286, %add3A_287 : i32
        %mul3A_289 = arith.constant 16 : i32
        %mul3A_290 = arith.muli %scan3A_276, %mul3A_289 : i32
        %get3A_291 = arith.index_cast %add3A_288 : i32 to index
        %get3A_292 = arith.index_cast %mul3A_290 : i32 to index
        %get3A_293 = tpu.vector_load %arg8[%get3A_291, %get3A_292] {strides = array<i32>} : memref<64x768xf32, #tpu.memory_space<vmem>>, vector<1x16xf32>,
        %get3A_294 = vector.shape_cast %get3A_293 : vector<1x16xf32> to vector<16xf32>
        %mul3A_295 = arith.mulf %get3A_284, %get3A_232 : vector<16xf32>
        %mul3A_296 = arith.mulf %get3A_294, %get3A_237 : vector<16xf32>
        %add3A_297 = arith.addf %mul3A_295, %mul3A_296 : vector<16xf32>
        %mul3A_298 = arith.constant 16 : i32
        %mul3A_299 = arith.muli %scan3A_276, %mul3A_298 : i32
        %swap3A_300 = arith.index_cast %scan3A_225 : i32 to index
        %swap3A_301 = arith.index_cast %mul3A_299 : i32 to index
        %swap3A_302 = tpu.vector_load %arg9[%swap3A_300, %swap3A_301] {strides = array<i32>} : memref<32x768xf32, #tpu.memory_space<vmem>>, vector<1x16xf32>,
        %swap3A_303 = vector.shape_cast %swap3A_302 : vector<1x16xf32> to vector<16xf32>
        %swap3A_304 = vector.shape_cast %add3A_297 : vector<16xf32> to vector<1x16xf32>
        tpu.vector_store %arg9[%swap3A_300, %swap3A_301], %swap3A_304 {strides = array<i32>} : memref<32x768xf32, #tpu.memory_space<vmem>>, vector<1x16xf32>,
        %scan3A_305 = arith.constant 0 : i32
        %scan3A_306 = arith.constant 2 : i32
        %scan3A_307 = arith.addi %scan3A_245, %scan3A_306 : i32
        %mul3A_308 = arith.constant 2 : i32
        %mul3A_309 = arith.muli %mul3A_308, %scan3A_225 : i32
        %mul3A_310 = arith.constant 16 : i32
        %mul3A_311 = arith.muli %scan3A_307, %mul3A_310 : i32
        %get3A_312 = arith.index_cast %mul3A_309 : i32 to index
        %get3A_313 = arith.index_cast %mul3A_311 : i32 to index
        %get3A_314 = tpu.vector_load %arg8[%get3A_312, %get3A_313] {strides = array<i32>} : memref<64x768xf32, #tpu.memory_space<vmem>>, vector<1x16xf32>,
        %get3A_315 = vector.shape_cast %get3A_314 : vector<1x16xf32> to vector<16xf32>
        %mul3A_316 = arith.constant 2 : i32
        %mul3A_317 = arith.muli %mul3A_316, %scan3A_225 : i32
        %add3A_318 = arith.constant 1 : i32
        %add3A_319 = arith.addi %mul3A_317, %add3A_318 : i32
        %mul3A_320 = arith.constant 16 : i32
        %mul3A_321 = arith.muli %scan3A_307, %mul3A_320 : i32
        %get3A_322 = arith.index_cast %add3A_319 : i32 to index
        %get3A_323 = arith.index_cast %mul3A_321 : i32 to index
        %get3A_324 = tpu.vector_load %arg8[%get3A_322, %get3A_323] {strides = array<i32>} : memref<64x768xf32, #tpu.memory_space<vmem>>, vector<1x16xf32>,
        %get3A_325 = vector.shape_cast %get3A_324 : vector<1x16xf32> to vector<16xf32>
        %mul3A_326 = arith.mulf %get3A_315, %get3A_232 : vector<16xf32>
        %mul3A_327 = arith.mulf %get3A_325, %get3A_237 : vector<16xf32>
        %add3A_328 = arith.addf %mul3A_326, %mul3A_327 : vector<16xf32>
        %mul3A_329 = arith.constant 16 : i32
        %mul3A_330 = arith.muli %scan3A_307, %mul3A_329 : i32
        %swap3A_331 = arith.index_cast %scan3A_225 : i32 to index
        %swap3A_332 = arith.index_cast %mul3A_330 : i32 to index
        %swap3A_333 = tpu.vector_load %arg9[%swap3A_331, %swap3A_332] {strides = array<i32>} : memref<32x768xf32, #tpu.memory_space<vmem>>, vector<1x16xf32>,
        %swap3A_334 = vector.shape_cast %swap3A_333 : vector<1x16xf32> to vector<16xf32>
        %swap3A_335 = vector.shape_cast %add3A_328 : vector<16xf32> to vector<1x16xf32>
        tpu.vector_store %arg9[%swap3A_331, %swap3A_332], %swap3A_335 {strides = array<i32>} : memref<32x768xf32, #tpu.memory_space<vmem>>, vector<1x16xf32>,
        %scan3A_336 = arith.constant 0 : i32
        %scan3A_337 = arith.constant 3 : i32
        %scan3A_338 = arith.addi %scan3A_245, %scan3A_337 : i32
        %mul3A_339 = arith.constant 2 : i32
        %mul3A_340 = arith.muli %mul3A_339, %scan3A_225 : i32
        %mul3A_341 = arith.constant 16 : i32
        %mul3A_342 = arith.muli %scan3A_338, %mul3A_341 : i32
        %get3A_343 = arith.index_cast %mul3A_340 : i32 to index
        %get3A_344 = arith.index_cast %mul3A_342 : i32 to index
        %get3A_345 = tpu.vector_load %arg8[%get3A_343, %get3A_344] {strides = array<i32>} : memref<64x768xf32, #tpu.memory_space<vmem>>, vector<1x16xf32>,
        %get3A_346 = vector.shape_cast %get3A_345 : vector<1x16xf32> to vector<16xf32>
        %mul3A_347 = arith.constant 2 : i32
        %mul3A_348 = arith.muli %mul3A_347, %scan3A_225 : i32
        %add3A_349 = arith.constant 1 : i32
        %add3A_350 = arith.addi %mul3A_348, %add3A_349 : i32
        %mul3A_351 = arith.constant 16 : i32
        %mul3A_352 = arith.muli %scan3A_338, %mul3A_351 : i32
        %get3A_353 = arith.index_cast %add3A_350 : i32 to index
        %get3A_354 = arith.index_cast %mul3A_352 : i32 to index
        %get3A_355 = tpu.vector_load %arg8[%get3A_353, %get3A_354] {strides = array<i32>} : memref<64x768xf32, #tpu.memory_space<vmem>>, vector<1x16xf32>,
        %get3A_356 = vector.shape_cast %get3A_355 : vector<1x16xf32> to vector<16xf32>
        %mul3A_357 = arith.mulf %get3A_346, %get3A_232 : vector<16xf32>
        %mul3A_358 = arith.mulf %get3A_356, %get3A_237 : vector<16xf32>
        %add3A_359 = arith.addf %mul3A_357, %mul3A_358 : vector<16xf32>
        %mul3A_360 = arith.constant 16 : i32
        %mul3A_361 = arith.muli %scan3A_338, %mul3A_360 : i32
        %swap3A_362 = arith.index_cast %scan3A_225 : i32 to index
        %swap3A_363 = arith.index_cast %mul3A_361 : i32 to index
        %swap3A_364 = tpu.vector_load %arg9[%swap3A_362, %swap3A_363] {strides = array<i32>} : memref<32x768xf32, #tpu.memory_space<vmem>>, vector<1x16xf32>,
        %swap3A_365 = vector.shape_cast %swap3A_364 : vector<1x16xf32> to vector<16xf32>
        %swap3A_366 = vector.shape_cast %add3A_359 : vector<16xf32> to vector<1x16xf32>
        tpu.vector_store %arg9[%swap3A_362, %swap3A_363], %swap3A_366 {strides = array<i32>} : memref<32x768xf32, #tpu.memory_space<vmem>>, vector<1x16xf32>,
        %scan3A_367 = arith.constant 0 : i32
        scf.yield %scan3A_367 : i32
      }
      %scan3A_244 = arith.constant 48 : i32
      scf.yield %scan3A_243 : i32
    }
    %scan3A_110 = arith.constant 32 : i32
    %add3A_111 = arith.constant 96 : i32
    %add3A_112 = arith.addi %mul3A_2, %add3A_111 : i32
    "tpu.region"() ({
      %run_scoped3A_225 = tpu.sem_alloc : memref<!tpu.dma_semaphore, #tpu.memory_space<semaphore_mem>>
      %dma_start3A_226 = arith.constant 0 : i32
      %dma_start3A_227 = tpu.memref_slice %arg5[%add3A_112, %dma_start3A_226] : memref<8192x768xf32, #tpu.memory_space<hbm>> -> memref<32x768xf32, #tpu.memory_space<hbm>>
      %dma_start3A_228 = arith.constant 0 : i32
      %dma_start3A_229 = tpu.memref_slice %arg5[%add3A_112, %dma_start3A_228] : memref<8192x768xf32, #tpu.memory_space<hbm>> -> memref<32x768xf32, #tpu.memory_space<hbm>>
      tpu.enqueue_dma source(%arg9 : memref<32x768xf32, #tpu.memory_space<vmem>>) target(%dma_start3A_229 : memref<32x768xf32, #tpu.memory_space<hbm>>) target_semaphore(%run_scoped3A_225 : memref<!tpu.dma_semaphore, #tpu.memory_space<semaphore_mem>>)
      %dma_wait3A_230 = arith.constant 0 : i32
      %dma_wait3A_231 = tpu.memref_slice %arg5[%add3A_112, %dma_wait3A_230] : memref<8192x768xf32, #tpu.memory_space<hbm>> -> memref<32x768xf32, #tpu.memory_space<hbm>>
      %dma_wait3A_232 = arith.constant 0 : i32
      %dma_wait3A_233 = tpu.memref_slice %arg5[%add3A_112, %dma_wait3A_232] : memref<8192x768xf32, #tpu.memory_space<hbm>> -> memref<32x768xf32, #tpu.memory_space<hbm>>
      tpu.wait_dma2 semaphore(%run_scoped3A_225 : memref<!tpu.dma_semaphore, #tpu.memory_space<semaphore_mem>>) src(%arg9 : memref<32x768xf32, #tpu.memory_space<vmem>>) dst(%dma_wait3A_233 : memref<32x768xf32, #tpu.memory_space<hbm>>)
      tpu.yield
    }) : () -> ()
    %mul3A_113 = arith.constant 2 : i32
    %mul3A_114 = arith.muli %mul3A_113, %mul3A_2 : i32
    %add3A_115 = arith.constant 256 : i32
    %add3A_116 = arith.addi %mul3A_114, %add3A_115 : i32
    %run_scoped3A_117 = arith.constant 4 : i32
    "tpu.region"() ({
      %run_scoped3A_225 = tpu.sem_alloc : memref<!tpu.dma_semaphore, #tpu.memory_space<semaphore_mem>>
      %dma_start3A_226 = arith.constant 0 : i32
      %dma_start3A_227 = tpu.memref_slice %arg7[%run_scoped3A_117, %dma_start3A_226] : memref<8x64xi32, #tpu.memory_space<vmem>> -> memref<1x64xi32, #tpu.memory_space<vmem>>
      %dma_start3A_228 = tpu.memref_squeeze %dma_start3A_227 : memref<1x64xi32, #tpu.memory_space<vmem>> -> memref<64xi32, #tpu.memory_space<vmem>>
      %dma_start3A_229 = tpu.memref_slice %arg3[%add3A_116] : memref<16384xi32, #tpu.memory_space<hbm>> -> memref<64xi32, #tpu.memory_space<hbm>>
      %dma_start3A_230 = arith.constant 0 : i32
      %dma_start3A_231 = tpu.memref_slice %arg7[%run_scoped3A_117, %dma_start3A_230] : memref<8x64xi32, #tpu.memory_space<vmem>> -> memref<1x64xi32, #tpu.memory_space<vmem>>
      %dma_start3A_232 = tpu.memref_squeeze %dma_start3A_231 : memref<1x64xi32, #tpu.memory_space<vmem>> -> memref<64xi32, #tpu.memory_space<vmem>>
      %dma_start3A_233 = tpu.memref_slice %arg3[%add3A_116] : memref<16384xi32, #tpu.memory_space<hbm>> -> memref<64xi32, #tpu.memory_space<hbm>>
      tpu.enqueue_dma source(%dma_start3A_233 : memref<64xi32, #tpu.memory_space<hbm>>) target(%dma_start3A_232 : memref<64xi32, #tpu.memory_space<vmem>>) target_semaphore(%run_scoped3A_225 : memref<!tpu.dma_semaphore, #tpu.memory_space<semaphore_mem>>)
      %dma_wait3A_234 = arith.constant 0 : i32
      %dma_wait3A_235 = tpu.memref_slice %arg7[%run_scoped3A_117, %dma_wait3A_234] : memref<8x64xi32, #tpu.memory_space<vmem>> -> memref<1x64xi32, #tpu.memory_space<vmem>>
      %dma_wait3A_236 = tpu.memref_squeeze %dma_wait3A_235 : memref<1x64xi32, #tpu.memory_space<vmem>> -> memref<64xi32, #tpu.memory_space<vmem>>
      %dma_wait3A_237 = tpu.memref_slice %arg3[%add3A_116] : memref<16384xi32, #tpu.memory_space<hbm>> -> memref<64xi32, #tpu.memory_space<hbm>>
      %dma_wait3A_238 = arith.constant 0 : i32
      %dma_wait3A_239 = tpu.memref_slice %arg7[%run_scoped3A_117, %dma_wait3A_238] : memref<8x64xi32, #tpu.memory_space<vmem>> -> memref<1x64xi32, #tpu.memory_space<vmem>>
      %dma_wait3A_240 = tpu.memref_squeeze %dma_wait3A_239 : memref<1x64xi32, #tpu.memory_space<vmem>> -> memref<64xi32, #tpu.memory_space<vmem>>
      %dma_wait3A_241 = tpu.memref_slice %arg3[%add3A_116] : memref<16384xi32, #tpu.memory_space<hbm>> -> memref<64xi32, #tpu.memory_space<hbm>>
      tpu.wait_dma2 semaphore(%run_scoped3A_225 : memref<!tpu.dma_semaphore, #tpu.memory_space<semaphore_mem>>) src(%dma_wait3A_241 : memref<64xi32, #tpu.memory_space<hbm>>) dst(%dma_wait3A_240 : memref<64xi32, #tpu.memory_space<vmem>>)
      tpu.yield
    }) : () -> ()
    %dma_start3A_118 = arith.constant 4 : i32
    %dma_start3A_119 = arith.constant 0 : i32
    %dma_start3A_120 = tpu.memref_slice %arg7[%dma_start3A_118, %dma_start3A_119] : memref<8x64xi32, #tpu.memory_space<vmem>> -> memref<1x64xi32, #tpu.memory_space<vmem>>
    %dma_start3A_121 = tpu.memref_squeeze %dma_start3A_120 : memref<1x64xi32, #tpu.memory_space<vmem>> -> memref<64xi32, #tpu.memory_space<vmem>>
    %dma_start3A_122 = arith.constant 0 : i32
    %dma_start3A_123 = arith.constant 0 : i32
    %dma_start3A_124 = tpu.memref_slice %arg2[%dma_start3A_122, %dma_start3A_123] : memref<20480x768xf32, #tpu.memory_space<hbm>> -> memref<20480x768xf32, #tpu.memory_space<hbm>>
    tpu.enqueue_indirect_dma source(%dma_start3A_124 : memref<20480x768xf32, #tpu.memory_space<hbm>>) target(%arg8 : memref<64x768xf32, #tpu.memory_space<vmem>>) offsets(%dma_start3A_121 : memref<64xi32, #tpu.memory_space<vmem>>) semaphore(%arg10 : memref<!tpu.dma_semaphore, #tpu.memory_space<semaphore_mem>>)
    %dma_wait3A_125 = arith.constant 4 : i32
    %dma_wait3A_126 = arith.constant 0 : i32
    %dma_wait3A_127 = tpu.memref_slice %arg7[%dma_wait3A_125, %dma_wait3A_126] : memref<8x64xi32, #tpu.memory_space<vmem>> -> memref<1x64xi32, #tpu.memory_space<vmem>>
    %dma_wait3A_128 = tpu.memref_squeeze %dma_wait3A_127 : memref<1x64xi32, #tpu.memory_space<vmem>> -> memref<64xi32, #tpu.memory_space<vmem>>
    %dma_wait3A_129 = arith.constant 0 : i32
    %dma_wait3A_130 = arith.constant 0 : i32
    %dma_wait3A_131 = tpu.memref_slice %arg2[%dma_wait3A_129, %dma_wait3A_130] : memref<20480x768xf32, #tpu.memory_space<hbm>> -> memref<20480x768xf32, #tpu.memory_space<hbm>>
    tpu.wait_indirect_dma semaphore(%arg10 : memref<!tpu.dma_semaphore, #tpu.memory_space<semaphore_mem>>) src(%dma_wait3A_131 : memref<20480x768xf32, #tpu.memory_space<hbm>>) dst(%arg8 : memref<64x768xf32, #tpu.memory_space<vmem>>)
    %scan3A_132 = arith.constant 0 : i32
    %scan3A_133 = arith.constant 0 : i32
    %scan3A_134 = arith.constant 32 : i32
    %scan3A_135 = arith.addi %scan3A_133, %scan3A_134 : i32
    %scan3A_136 = arith.constant 1 : i32
    %scan3A_137 = scf.for %scan3A_225 = %scan3A_133 to %scan3A_135 step %scan3A_136 iter_args(%scan3A_226 = %scan3A_132) -> (i32)  : i32 {
      %add3A_227 = arith.constant 128 : i32
      %add3A_228 = arith.addi %add3A_227, %scan3A_225 : i32
      %mul3A_229 = arith.constant 32 : i32
      %mul3A_230 = arith.muli %mul3A_229, %add3A_228 : i32
      %get3A = arith.index_cast %mul3A_230 : i32 to index
      %get3A_231 = tpu.vector_load %arg6[%get3A] {strides = array<i32>} : memref<8192xf32, #tpu.memory_space<vmem>>, vector<16xf32>,
      %get3A_232 = vector.shape_cast %get3A_231 : vector<16xf32> to vector<16xf32>
      %add3A_233 = arith.constant 16 : i32
      %add3A_234 = arith.addi %mul3A_230, %add3A_233 : i32
      %get3A_235 = arith.index_cast %add3A_234 : i32 to index
      %get3A_236 = tpu.vector_load %arg6[%get3A_235] {strides = array<i32>} : memref<8192xf32, #tpu.memory_space<vmem>>, vector<16xf32>,
      %get3A_237 = vector.shape_cast %get3A_236 : vector<16xf32> to vector<16xf32>
      %scan3A_238 = arith.constant 0 : i32
      %scan3A_239 = arith.constant 0 : i32
      %scan3A_240 = arith.constant 48 : i32
      %scan3A_241 = arith.addi %scan3A_239, %scan3A_240 : i32
      %scan3A_242 = arith.constant 4 : i32
      %scan3A_243 = scf.for %scan3A_245 = %scan3A_239 to %scan3A_241 step %scan3A_242 iter_args(%scan3A_246 = %scan3A_238) -> (i32)  : i32 {
        %mul3A_247 = arith.constant 2 : i32
        %mul3A_248 = arith.muli %mul3A_247, %scan3A_225 : i32
        %mul3A_249 = arith.constant 16 : i32
        %mul3A_250 = arith.muli %scan3A_245, %mul3A_249 : i32
        %get3A_251 = arith.index_cast %mul3A_248 : i32 to index
        %get3A_252 = arith.index_cast %mul3A_250 : i32 to index
        %get3A_253 = tpu.vector_load %arg8[%get3A_251, %get3A_252] {strides = array<i32>} : memref<64x768xf32, #tpu.memory_space<vmem>>, vector<1x16xf32>,
        %get3A_254 = vector.shape_cast %get3A_253 : vector<1x16xf32> to vector<16xf32>
        %mul3A_255 = arith.constant 2 : i32
        %mul3A_256 = arith.muli %mul3A_255, %scan3A_225 : i32
        %add3A_257 = arith.constant 1 : i32
        %add3A_258 = arith.addi %mul3A_256, %add3A_257 : i32
        %mul3A_259 = arith.constant 16 : i32
        %mul3A_260 = arith.muli %scan3A_245, %mul3A_259 : i32
        %get3A_261 = arith.index_cast %add3A_258 : i32 to index
        %get3A_262 = arith.index_cast %mul3A_260 : i32 to index
        %get3A_263 = tpu.vector_load %arg8[%get3A_261, %get3A_262] {strides = array<i32>} : memref<64x768xf32, #tpu.memory_space<vmem>>, vector<1x16xf32>,
        %get3A_264 = vector.shape_cast %get3A_263 : vector<1x16xf32> to vector<16xf32>
        %mul3A_265 = arith.mulf %get3A_254, %get3A_232 : vector<16xf32>
        %mul3A_266 = arith.mulf %get3A_264, %get3A_237 : vector<16xf32>
        %add3A_267 = arith.addf %mul3A_265, %mul3A_266 : vector<16xf32>
        %mul3A_268 = arith.constant 16 : i32
        %mul3A_269 = arith.muli %scan3A_245, %mul3A_268 : i32
        %swap3A = arith.index_cast %scan3A_225 : i32 to index
        %swap3A_270 = arith.index_cast %mul3A_269 : i32 to index
        %swap3A_271 = tpu.vector_load %arg9[%swap3A, %swap3A_270] {strides = array<i32>} : memref<32x768xf32, #tpu.memory_space<vmem>>, vector<1x16xf32>,
        %swap3A_272 = vector.shape_cast %swap3A_271 : vector<1x16xf32> to vector<16xf32>
        %swap3A_273 = vector.shape_cast %add3A_267 : vector<16xf32> to vector<1x16xf32>
        tpu.vector_store %arg9[%swap3A, %swap3A_270], %swap3A_273 {strides = array<i32>} : memref<32x768xf32, #tpu.memory_space<vmem>>, vector<1x16xf32>,
        %scan3A_274 = arith.constant 0 : i32
        %scan3A_275 = arith.constant 1 : i32
        %scan3A_276 = arith.addi %scan3A_245, %scan3A_275 : i32
        %mul3A_277 = arith.constant 2 : i32
        %mul3A_278 = arith.muli %mul3A_277, %scan3A_225 : i32
        %mul3A_279 = arith.constant 16 : i32
        %mul3A_280 = arith.muli %scan3A_276, %mul3A_279 : i32
        %get3A_281 = arith.index_cast %mul3A_278 : i32 to index
        %get3A_282 = arith.index_cast %mul3A_280 : i32 to index
        %get3A_283 = tpu.vector_load %arg8[%get3A_281, %get3A_282] {strides = array<i32>} : memref<64x768xf32, #tpu.memory_space<vmem>>, vector<1x16xf32>,
        %get3A_284 = vector.shape_cast %get3A_283 : vector<1x16xf32> to vector<16xf32>
        %mul3A_285 = arith.constant 2 : i32
        %mul3A_286 = arith.muli %mul3A_285, %scan3A_225 : i32
        %add3A_287 = arith.constant 1 : i32
        %add3A_288 = arith.addi %mul3A_286, %add3A_287 : i32
        %mul3A_289 = arith.constant 16 : i32
        %mul3A_290 = arith.muli %scan3A_276, %mul3A_289 : i32
        %get3A_291 = arith.index_cast %add3A_288 : i32 to index
        %get3A_292 = arith.index_cast %mul3A_290 : i32 to index
        %get3A_293 = tpu.vector_load %arg8[%get3A_291, %get3A_292] {strides = array<i32>} : memref<64x768xf32, #tpu.memory_space<vmem>>, vector<1x16xf32>,
        %get3A_294 = vector.shape_cast %get3A_293 : vector<1x16xf32> to vector<16xf32>
        %mul3A_295 = arith.mulf %get3A_284, %get3A_232 : vector<16xf32>
        %mul3A_296 = arith.mulf %get3A_294, %get3A_237 : vector<16xf32>
        %add3A_297 = arith.addf %mul3A_295, %mul3A_296 : vector<16xf32>
        %mul3A_298 = arith.constant 16 : i32
        %mul3A_299 = arith.muli %scan3A_276, %mul3A_298 : i32
        %swap3A_300 = arith.index_cast %scan3A_225 : i32 to index
        %swap3A_301 = arith.index_cast %mul3A_299 : i32 to index
        %swap3A_302 = tpu.vector_load %arg9[%swap3A_300, %swap3A_301] {strides = array<i32>} : memref<32x768xf32, #tpu.memory_space<vmem>>, vector<1x16xf32>,
        %swap3A_303 = vector.shape_cast %swap3A_302 : vector<1x16xf32> to vector<16xf32>
        %swap3A_304 = vector.shape_cast %add3A_297 : vector<16xf32> to vector<1x16xf32>
        tpu.vector_store %arg9[%swap3A_300, %swap3A_301], %swap3A_304 {strides = array<i32>} : memref<32x768xf32, #tpu.memory_space<vmem>>, vector<1x16xf32>,
        %scan3A_305 = arith.constant 0 : i32
        %scan3A_306 = arith.constant 2 : i32
        %scan3A_307 = arith.addi %scan3A_245, %scan3A_306 : i32
        %mul3A_308 = arith.constant 2 : i32
        %mul3A_309 = arith.muli %mul3A_308, %scan3A_225 : i32
        %mul3A_310 = arith.constant 16 : i32
        %mul3A_311 = arith.muli %scan3A_307, %mul3A_310 : i32
        %get3A_312 = arith.index_cast %mul3A_309 : i32 to index
        %get3A_313 = arith.index_cast %mul3A_311 : i32 to index
        %get3A_314 = tpu.vector_load %arg8[%get3A_312, %get3A_313] {strides = array<i32>} : memref<64x768xf32, #tpu.memory_space<vmem>>, vector<1x16xf32>,
        %get3A_315 = vector.shape_cast %get3A_314 : vector<1x16xf32> to vector<16xf32>
        %mul3A_316 = arith.constant 2 : i32
        %mul3A_317 = arith.muli %mul3A_316, %scan3A_225 : i32
        %add3A_318 = arith.constant 1 : i32
        %add3A_319 = arith.addi %mul3A_317, %add3A_318 : i32
        %mul3A_320 = arith.constant 16 : i32
        %mul3A_321 = arith.muli %scan3A_307, %mul3A_320 : i32
        %get3A_322 = arith.index_cast %add3A_319 : i32 to index
        %get3A_323 = arith.index_cast %mul3A_321 : i32 to index
        %get3A_324 = tpu.vector_load %arg8[%get3A_322, %get3A_323] {strides = array<i32>} : memref<64x768xf32, #tpu.memory_space<vmem>>, vector<1x16xf32>,
        %get3A_325 = vector.shape_cast %get3A_324 : vector<1x16xf32> to vector<16xf32>
        %mul3A_326 = arith.mulf %get3A_315, %get3A_232 : vector<16xf32>
        %mul3A_327 = arith.mulf %get3A_325, %get3A_237 : vector<16xf32>
        %add3A_328 = arith.addf %mul3A_326, %mul3A_327 : vector<16xf32>
        %mul3A_329 = arith.constant 16 : i32
        %mul3A_330 = arith.muli %scan3A_307, %mul3A_329 : i32
        %swap3A_331 = arith.index_cast %scan3A_225 : i32 to index
        %swap3A_332 = arith.index_cast %mul3A_330 : i32 to index
        %swap3A_333 = tpu.vector_load %arg9[%swap3A_331, %swap3A_332] {strides = array<i32>} : memref<32x768xf32, #tpu.memory_space<vmem>>, vector<1x16xf32>,
        %swap3A_334 = vector.shape_cast %swap3A_333 : vector<1x16xf32> to vector<16xf32>
        %swap3A_335 = vector.shape_cast %add3A_328 : vector<16xf32> to vector<1x16xf32>
        tpu.vector_store %arg9[%swap3A_331, %swap3A_332], %swap3A_335 {strides = array<i32>} : memref<32x768xf32, #tpu.memory_space<vmem>>, vector<1x16xf32>,
        %scan3A_336 = arith.constant 0 : i32
        %scan3A_337 = arith.constant 3 : i32
        %scan3A_338 = arith.addi %scan3A_245, %scan3A_337 : i32
        %mul3A_339 = arith.constant 2 : i32
        %mul3A_340 = arith.muli %mul3A_339, %scan3A_225 : i32
        %mul3A_341 = arith.constant 16 : i32
        %mul3A_342 = arith.muli %scan3A_338, %mul3A_341 : i32
        %get3A_343 = arith.index_cast %mul3A_340 : i32 to index
        %get3A_344 = arith.index_cast %mul3A_342 : i32 to index
        %get3A_345 = tpu.vector_load %arg8[%get3A_343, %get3A_344] {strides = array<i32>} : memref<64x768xf32, #tpu.memory_space<vmem>>, vector<1x16xf32>,
        %get3A_346 = vector.shape_cast %get3A_345 : vector<1x16xf32> to vector<16xf32>
        %mul3A_347 = arith.constant 2 : i32
        %mul3A_348 = arith.muli %mul3A_347, %scan3A_225 : i32
        %add3A_349 = arith.constant 1 : i32
        %add3A_350 = arith.addi %mul3A_348, %add3A_349 : i32
        %mul3A_351 = arith.constant 16 : i32
        %mul3A_352 = arith.muli %scan3A_338, %mul3A_351 : i32
        %get3A_353 = arith.index_cast %add3A_350 : i32 to index
        %get3A_354 = arith.index_cast %mul3A_352 : i32 to index
        %get3A_355 = tpu.vector_load %arg8[%get3A_353, %get3A_354] {strides = array<i32>} : memref<64x768xf32, #tpu.memory_space<vmem>>, vector<1x16xf32>,
        %get3A_356 = vector.shape_cast %get3A_355 : vector<1x16xf32> to vector<16xf32>
        %mul3A_357 = arith.mulf %get3A_346, %get3A_232 : vector<16xf32>
        %mul3A_358 = arith.mulf %get3A_356, %get3A_237 : vector<16xf32>
        %add3A_359 = arith.addf %mul3A_357, %mul3A_358 : vector<16xf32>
        %mul3A_360 = arith.constant 16 : i32
        %mul3A_361 = arith.muli %scan3A_338, %mul3A_360 : i32
        %swap3A_362 = arith.index_cast %scan3A_225 : i32 to index
        %swap3A_363 = arith.index_cast %mul3A_361 : i32 to index
        %swap3A_364 = tpu.vector_load %arg9[%swap3A_362, %swap3A_363] {strides = array<i32>} : memref<32x768xf32, #tpu.memory_space<vmem>>, vector<1x16xf32>,
        %swap3A_365 = vector.shape_cast %swap3A_364 : vector<1x16xf32> to vector<16xf32>
        %swap3A_366 = vector.shape_cast %add3A_359 : vector<16xf32> to vector<1x16xf32>
        tpu.vector_store %arg9[%swap3A_362, %swap3A_363], %swap3A_366 {strides = array<i32>} : memref<32x768xf32, #tpu.memory_space<vmem>>, vector<1x16xf32>,
        %scan3A_367 = arith.constant 0 : i32
        scf.yield %scan3A_367 : i32
      }
      %scan3A_244 = arith.constant 48 : i32
      scf.yield %scan3A_243 : i32
    }
    %scan3A_138 = arith.constant 32 : i32
    %add3A_139 = arith.constant 128 : i32
    %add3A_140 = arith.addi %mul3A_2, %add3A_139 : i32
    "tpu.region"() ({
      %run_scoped3A_225 = tpu.sem_alloc : memref<!tpu.dma_semaphore, #tpu.memory_space<semaphore_mem>>
      %dma_start3A_226 = arith.constant 0 : i32
      %dma_start3A_227 = tpu.memref_slice %arg5[%add3A_140, %dma_start3A_226] : memref<8192x768xf32, #tpu.memory_space<hbm>> -> memref<32x768xf32, #tpu.memory_space<hbm>>
      %dma_start3A_228 = arith.constant 0 : i32
      %dma_start3A_229 = tpu.memref_slice %arg5[%add3A_140, %dma_start3A_228] : memref<8192x768xf32, #tpu.memory_space<hbm>> -> memref<32x768xf32, #tpu.memory_space<hbm>>
      tpu.enqueue_dma source(%arg9 : memref<32x768xf32, #tpu.memory_space<vmem>>) target(%dma_start3A_229 : memref<32x768xf32, #tpu.memory_space<hbm>>) target_semaphore(%run_scoped3A_225 : memref<!tpu.dma_semaphore, #tpu.memory_space<semaphore_mem>>)
      %dma_wait3A_230 = arith.constant 0 : i32
      %dma_wait3A_231 = tpu.memref_slice %arg5[%add3A_140, %dma_wait3A_230] : memref<8192x768xf32, #tpu.memory_space<hbm>> -> memref<32x768xf32, #tpu.memory_space<hbm>>
      %dma_wait3A_232 = arith.constant 0 : i32
      %dma_wait3A_233 = tpu.memref_slice %arg5[%add3A_140, %dma_wait3A_232] : memref<8192x768xf32, #tpu.memory_space<hbm>> -> memref<32x768xf32, #tpu.memory_space<hbm>>
      tpu.wait_dma2 semaphore(%run_scoped3A_225 : memref<!tpu.dma_semaphore, #tpu.memory_space<semaphore_mem>>) src(%arg9 : memref<32x768xf32, #tpu.memory_space<vmem>>) dst(%dma_wait3A_233 : memref<32x768xf32, #tpu.memory_space<hbm>>)
      tpu.yield
    }) : () -> ()
    %mul3A_141 = arith.constant 2 : i32
    %mul3A_142 = arith.muli %mul3A_141, %mul3A_2 : i32
    %add3A_143 = arith.constant 320 : i32
    %add3A_144 = arith.addi %mul3A_142, %add3A_143 : i32
    %run_scoped3A_145 = arith.constant 5 : i32
    "tpu.region"() ({
      %run_scoped3A_225 = tpu.sem_alloc : memref<!tpu.dma_semaphore, #tpu.memory_space<semaphore_mem>>
      %dma_start3A_226 = arith.constant 0 : i32
      %dma_start3A_227 = tpu.memref_slice %arg7[%run_scoped3A_145, %dma_start3A_226] : memref<8x64xi32, #tpu.memory_space<vmem>> -> memref<1x64xi32, #tpu.memory_space<vmem>>
      %dma_start3A_228 = tpu.memref_squeeze %dma_start3A_227 : memref<1x64xi32, #tpu.memory_space<vmem>> -> memref<64xi32, #tpu.memory_space<vmem>>
      %dma_start3A_229 = tpu.memref_slice %arg3[%add3A_144] : memref<16384xi32, #tpu.memory_space<hbm>> -> memref<64xi32, #tpu.memory_space<hbm>>
      %dma_start3A_230 = arith.constant 0 : i32
      %dma_start3A_231 = tpu.memref_slice %arg7[%run_scoped3A_145, %dma_start3A_230] : memref<8x64xi32, #tpu.memory_space<vmem>> -> memref<1x64xi32, #tpu.memory_space<vmem>>
      %dma_start3A_232 = tpu.memref_squeeze %dma_start3A_231 : memref<1x64xi32, #tpu.memory_space<vmem>> -> memref<64xi32, #tpu.memory_space<vmem>>
      %dma_start3A_233 = tpu.memref_slice %arg3[%add3A_144] : memref<16384xi32, #tpu.memory_space<hbm>> -> memref<64xi32, #tpu.memory_space<hbm>>
      tpu.enqueue_dma source(%dma_start3A_233 : memref<64xi32, #tpu.memory_space<hbm>>) target(%dma_start3A_232 : memref<64xi32, #tpu.memory_space<vmem>>) target_semaphore(%run_scoped3A_225 : memref<!tpu.dma_semaphore, #tpu.memory_space<semaphore_mem>>)
      %dma_wait3A_234 = arith.constant 0 : i32
      %dma_wait3A_235 = tpu.memref_slice %arg7[%run_scoped3A_145, %dma_wait3A_234] : memref<8x64xi32, #tpu.memory_space<vmem>> -> memref<1x64xi32, #tpu.memory_space<vmem>>
      %dma_wait3A_236 = tpu.memref_squeeze %dma_wait3A_235 : memref<1x64xi32, #tpu.memory_space<vmem>> -> memref<64xi32, #tpu.memory_space<vmem>>
      %dma_wait3A_237 = tpu.memref_slice %arg3[%add3A_144] : memref<16384xi32, #tpu.memory_space<hbm>> -> memref<64xi32, #tpu.memory_space<hbm>>
      %dma_wait3A_238 = arith.constant 0 : i32
      %dma_wait3A_239 = tpu.memref_slice %arg7[%run_scoped3A_145, %dma_wait3A_238] : memref<8x64xi32, #tpu.memory_space<vmem>> -> memref<1x64xi32, #tpu.memory_space<vmem>>
      %dma_wait3A_240 = tpu.memref_squeeze %dma_wait3A_239 : memref<1x64xi32, #tpu.memory_space<vmem>> -> memref<64xi32, #tpu.memory_space<vmem>>
      %dma_wait3A_241 = tpu.memref_slice %arg3[%add3A_144] : memref<16384xi32, #tpu.memory_space<hbm>> -> memref<64xi32, #tpu.memory_space<hbm>>
      tpu.wait_dma2 semaphore(%run_scoped3A_225 : memref<!tpu.dma_semaphore, #tpu.memory_space<semaphore_mem>>) src(%dma_wait3A_241 : memref<64xi32, #tpu.memory_space<hbm>>) dst(%dma_wait3A_240 : memref<64xi32, #tpu.memory_space<vmem>>)
      tpu.yield
    }) : () -> ()
    %dma_start3A_146 = arith.constant 5 : i32
    %dma_start3A_147 = arith.constant 0 : i32
    %dma_start3A_148 = tpu.memref_slice %arg7[%dma_start3A_146, %dma_start3A_147] : memref<8x64xi32, #tpu.memory_space<vmem>> -> memref<1x64xi32, #tpu.memory_space<vmem>>
    %dma_start3A_149 = tpu.memref_squeeze %dma_start3A_148 : memref<1x64xi32, #tpu.memory_space<vmem>> -> memref<64xi32, #tpu.memory_space<vmem>>
    %dma_start3A_150 = arith.constant 0 : i32
    %dma_start3A_151 = arith.constant 0 : i32
    %dma_start3A_152 = tpu.memref_slice %arg2[%dma_start3A_150, %dma_start3A_151] : memref<20480x768xf32, #tpu.memory_space<hbm>> -> memref<20480x768xf32, #tpu.memory_space<hbm>>
    tpu.enqueue_indirect_dma source(%dma_start3A_152 : memref<20480x768xf32, #tpu.memory_space<hbm>>) target(%arg8 : memref<64x768xf32, #tpu.memory_space<vmem>>) offsets(%dma_start3A_149 : memref<64xi32, #tpu.memory_space<vmem>>) semaphore(%arg10 : memref<!tpu.dma_semaphore, #tpu.memory_space<semaphore_mem>>)
    %dma_wait3A_153 = arith.constant 5 : i32
    %dma_wait3A_154 = arith.constant 0 : i32
    %dma_wait3A_155 = tpu.memref_slice %arg7[%dma_wait3A_153, %dma_wait3A_154] : memref<8x64xi32, #tpu.memory_space<vmem>> -> memref<1x64xi32, #tpu.memory_space<vmem>>
    %dma_wait3A_156 = tpu.memref_squeeze %dma_wait3A_155 : memref<1x64xi32, #tpu.memory_space<vmem>> -> memref<64xi32, #tpu.memory_space<vmem>>
    %dma_wait3A_157 = arith.constant 0 : i32
    %dma_wait3A_158 = arith.constant 0 : i32
    %dma_wait3A_159 = tpu.memref_slice %arg2[%dma_wait3A_157, %dma_wait3A_158] : memref<20480x768xf32, #tpu.memory_space<hbm>> -> memref<20480x768xf32, #tpu.memory_space<hbm>>
    tpu.wait_indirect_dma semaphore(%arg10 : memref<!tpu.dma_semaphore, #tpu.memory_space<semaphore_mem>>) src(%dma_wait3A_159 : memref<20480x768xf32, #tpu.memory_space<hbm>>) dst(%arg8 : memref<64x768xf32, #tpu.memory_space<vmem>>)
    %scan3A_160 = arith.constant 0 : i32
    %scan3A_161 = arith.constant 0 : i32
    %scan3A_162 = arith.constant 32 : i32
    %scan3A_163 = arith.addi %scan3A_161, %scan3A_162 : i32
    %scan3A_164 = arith.constant 1 : i32
    %scan3A_165 = scf.for %scan3A_225 = %scan3A_161 to %scan3A_163 step %scan3A_164 iter_args(%scan3A_226 = %scan3A_160) -> (i32)  : i32 {
      %add3A_227 = arith.constant 160 : i32
      %add3A_228 = arith.addi %add3A_227, %scan3A_225 : i32
      %mul3A_229 = arith.constant 32 : i32
      %mul3A_230 = arith.muli %mul3A_229, %add3A_228 : i32
      %get3A = arith.index_cast %mul3A_230 : i32 to index
      %get3A_231 = tpu.vector_load %arg6[%get3A] {strides = array<i32>} : memref<8192xf32, #tpu.memory_space<vmem>>, vector<16xf32>,
      %get3A_232 = vector.shape_cast %get3A_231 : vector<16xf32> to vector<16xf32>
      %add3A_233 = arith.constant 16 : i32
      %add3A_234 = arith.addi %mul3A_230, %add3A_233 : i32
      %get3A_235 = arith.index_cast %add3A_234 : i32 to index
      %get3A_236 = tpu.vector_load %arg6[%get3A_235] {strides = array<i32>} : memref<8192xf32, #tpu.memory_space<vmem>>, vector<16xf32>,
      %get3A_237 = vector.shape_cast %get3A_236 : vector<16xf32> to vector<16xf32>
      %scan3A_238 = arith.constant 0 : i32
      %scan3A_239 = arith.constant 0 : i32
      %scan3A_240 = arith.constant 48 : i32
      %scan3A_241 = arith.addi %scan3A_239, %scan3A_240 : i32
      %scan3A_242 = arith.constant 4 : i32
      %scan3A_243 = scf.for %scan3A_245 = %scan3A_239 to %scan3A_241 step %scan3A_242 iter_args(%scan3A_246 = %scan3A_238) -> (i32)  : i32 {
        %mul3A_247 = arith.constant 2 : i32
        %mul3A_248 = arith.muli %mul3A_247, %scan3A_225 : i32
        %mul3A_249 = arith.constant 16 : i32
        %mul3A_250 = arith.muli %scan3A_245, %mul3A_249 : i32
        %get3A_251 = arith.index_cast %mul3A_248 : i32 to index
        %get3A_252 = arith.index_cast %mul3A_250 : i32 to index
        %get3A_253 = tpu.vector_load %arg8[%get3A_251, %get3A_252] {strides = array<i32>} : memref<64x768xf32, #tpu.memory_space<vmem>>, vector<1x16xf32>,
        %get3A_254 = vector.shape_cast %get3A_253 : vector<1x16xf32> to vector<16xf32>
        %mul3A_255 = arith.constant 2 : i32
        %mul3A_256 = arith.muli %mul3A_255, %scan3A_225 : i32
        %add3A_257 = arith.constant 1 : i32
        %add3A_258 = arith.addi %mul3A_256, %add3A_257 : i32
        %mul3A_259 = arith.constant 16 : i32
        %mul3A_260 = arith.muli %scan3A_245, %mul3A_259 : i32
        %get3A_261 = arith.index_cast %add3A_258 : i32 to index
        %get3A_262 = arith.index_cast %mul3A_260 : i32 to index
        %get3A_263 = tpu.vector_load %arg8[%get3A_261, %get3A_262] {strides = array<i32>} : memref<64x768xf32, #tpu.memory_space<vmem>>, vector<1x16xf32>,
        %get3A_264 = vector.shape_cast %get3A_263 : vector<1x16xf32> to vector<16xf32>
        %mul3A_265 = arith.mulf %get3A_254, %get3A_232 : vector<16xf32>
        %mul3A_266 = arith.mulf %get3A_264, %get3A_237 : vector<16xf32>
        %add3A_267 = arith.addf %mul3A_265, %mul3A_266 : vector<16xf32>
        %mul3A_268 = arith.constant 16 : i32
        %mul3A_269 = arith.muli %scan3A_245, %mul3A_268 : i32
        %swap3A = arith.index_cast %scan3A_225 : i32 to index
        %swap3A_270 = arith.index_cast %mul3A_269 : i32 to index
        %swap3A_271 = tpu.vector_load %arg9[%swap3A, %swap3A_270] {strides = array<i32>} : memref<32x768xf32, #tpu.memory_space<vmem>>, vector<1x16xf32>,
        %swap3A_272 = vector.shape_cast %swap3A_271 : vector<1x16xf32> to vector<16xf32>
        %swap3A_273 = vector.shape_cast %add3A_267 : vector<16xf32> to vector<1x16xf32>
        tpu.vector_store %arg9[%swap3A, %swap3A_270], %swap3A_273 {strides = array<i32>} : memref<32x768xf32, #tpu.memory_space<vmem>>, vector<1x16xf32>,
        %scan3A_274 = arith.constant 0 : i32
        %scan3A_275 = arith.constant 1 : i32
        %scan3A_276 = arith.addi %scan3A_245, %scan3A_275 : i32
        %mul3A_277 = arith.constant 2 : i32
        %mul3A_278 = arith.muli %mul3A_277, %scan3A_225 : i32
        %mul3A_279 = arith.constant 16 : i32
        %mul3A_280 = arith.muli %scan3A_276, %mul3A_279 : i32
        %get3A_281 = arith.index_cast %mul3A_278 : i32 to index
        %get3A_282 = arith.index_cast %mul3A_280 : i32 to index
        %get3A_283 = tpu.vector_load %arg8[%get3A_281, %get3A_282] {strides = array<i32>} : memref<64x768xf32, #tpu.memory_space<vmem>>, vector<1x16xf32>,
        %get3A_284 = vector.shape_cast %get3A_283 : vector<1x16xf32> to vector<16xf32>
        %mul3A_285 = arith.constant 2 : i32
        %mul3A_286 = arith.muli %mul3A_285, %scan3A_225 : i32
        %add3A_287 = arith.constant 1 : i32
        %add3A_288 = arith.addi %mul3A_286, %add3A_287 : i32
        %mul3A_289 = arith.constant 16 : i32
        %mul3A_290 = arith.muli %scan3A_276, %mul3A_289 : i32
        %get3A_291 = arith.index_cast %add3A_288 : i32 to index
        %get3A_292 = arith.index_cast %mul3A_290 : i32 to index
        %get3A_293 = tpu.vector_load %arg8[%get3A_291, %get3A_292] {strides = array<i32>} : memref<64x768xf32, #tpu.memory_space<vmem>>, vector<1x16xf32>,
        %get3A_294 = vector.shape_cast %get3A_293 : vector<1x16xf32> to vector<16xf32>
        %mul3A_295 = arith.mulf %get3A_284, %get3A_232 : vector<16xf32>
        %mul3A_296 = arith.mulf %get3A_294, %get3A_237 : vector<16xf32>
        %add3A_297 = arith.addf %mul3A_295, %mul3A_296 : vector<16xf32>
        %mul3A_298 = arith.constant 16 : i32
        %mul3A_299 = arith.muli %scan3A_276, %mul3A_298 : i32
        %swap3A_300 = arith.index_cast %scan3A_225 : i32 to index
        %swap3A_301 = arith.index_cast %mul3A_299 : i32 to index
        %swap3A_302 = tpu.vector_load %arg9[%swap3A_300, %swap3A_301] {strides = array<i32>} : memref<32x768xf32, #tpu.memory_space<vmem>>, vector<1x16xf32>,
        %swap3A_303 = vector.shape_cast %swap3A_302 : vector<1x16xf32> to vector<16xf32>
        %swap3A_304 = vector.shape_cast %add3A_297 : vector<16xf32> to vector<1x16xf32>
        tpu.vector_store %arg9[%swap3A_300, %swap3A_301], %swap3A_304 {strides = array<i32>} : memref<32x768xf32, #tpu.memory_space<vmem>>, vector<1x16xf32>,
        %scan3A_305 = arith.constant 0 : i32
        %scan3A_306 = arith.constant 2 : i32
        %scan3A_307 = arith.addi %scan3A_245, %scan3A_306 : i32
        %mul3A_308 = arith.constant 2 : i32
        %mul3A_309 = arith.muli %mul3A_308, %scan3A_225 : i32
        %mul3A_310 = arith.constant 16 : i32
        %mul3A_311 = arith.muli %scan3A_307, %mul3A_310 : i32
        %get3A_312 = arith.index_cast %mul3A_309 : i32 to index
        %get3A_313 = arith.index_cast %mul3A_311 : i32 to index
        %get3A_314 = tpu.vector_load %arg8[%get3A_312, %get3A_313] {strides = array<i32>} : memref<64x768xf32, #tpu.memory_space<vmem>>, vector<1x16xf32>,
        %get3A_315 = vector.shape_cast %get3A_314 : vector<1x16xf32> to vector<16xf32>
        %mul3A_316 = arith.constant 2 : i32
        %mul3A_317 = arith.muli %mul3A_316, %scan3A_225 : i32
        %add3A_318 = arith.constant 1 : i32
        %add3A_319 = arith.addi %mul3A_317, %add3A_318 : i32
        %mul3A_320 = arith.constant 16 : i32
        %mul3A_321 = arith.muli %scan3A_307, %mul3A_320 : i32
        %get3A_322 = arith.index_cast %add3A_319 : i32 to index
        %get3A_323 = arith.index_cast %mul3A_321 : i32 to index
        %get3A_324 = tpu.vector_load %arg8[%get3A_322, %get3A_323] {strides = array<i32>} : memref<64x768xf32, #tpu.memory_space<vmem>>, vector<1x16xf32>,
        %get3A_325 = vector.shape_cast %get3A_324 : vector<1x16xf32> to vector<16xf32>
        %mul3A_326 = arith.mulf %get3A_315, %get3A_232 : vector<16xf32>
        %mul3A_327 = arith.mulf %get3A_325, %get3A_237 : vector<16xf32>
        %add3A_328 = arith.addf %mul3A_326, %mul3A_327 : vector<16xf32>
        %mul3A_329 = arith.constant 16 : i32
        %mul3A_330 = arith.muli %scan3A_307, %mul3A_329 : i32
        %swap3A_331 = arith.index_cast %scan3A_225 : i32 to index
        %swap3A_332 = arith.index_cast %mul3A_330 : i32 to index
        %swap3A_333 = tpu.vector_load %arg9[%swap3A_331, %swap3A_332] {strides = array<i32>} : memref<32x768xf32, #tpu.memory_space<vmem>>, vector<1x16xf32>,
        %swap3A_334 = vector.shape_cast %swap3A_333 : vector<1x16xf32> to vector<16xf32>
        %swap3A_335 = vector.shape_cast %add3A_328 : vector<16xf32> to vector<1x16xf32>
        tpu.vector_store %arg9[%swap3A_331, %swap3A_332], %swap3A_335 {strides = array<i32>} : memref<32x768xf32, #tpu.memory_space<vmem>>, vector<1x16xf32>,
        %scan3A_336 = arith.constant 0 : i32
        %scan3A_337 = arith.constant 3 : i32
        %scan3A_338 = arith.addi %scan3A_245, %scan3A_337 : i32
        %mul3A_339 = arith.constant 2 : i32
        %mul3A_340 = arith.muli %mul3A_339, %scan3A_225 : i32
        %mul3A_341 = arith.constant 16 : i32
        %mul3A_342 = arith.muli %scan3A_338, %mul3A_341 : i32
        %get3A_343 = arith.index_cast %mul3A_340 : i32 to index
        %get3A_344 = arith.index_cast %mul3A_342 : i32 to index
        %get3A_345 = tpu.vector_load %arg8[%get3A_343, %get3A_344] {strides = array<i32>} : memref<64x768xf32, #tpu.memory_space<vmem>>, vector<1x16xf32>,
        %get3A_346 = vector.shape_cast %get3A_345 : vector<1x16xf32> to vector<16xf32>
        %mul3A_347 = arith.constant 2 : i32
        %mul3A_348 = arith.muli %mul3A_347, %scan3A_225 : i32
        %add3A_349 = arith.constant 1 : i32
        %add3A_350 = arith.addi %mul3A_348, %add3A_349 : i32
        %mul3A_351 = arith.constant 16 : i32
        %mul3A_352 = arith.muli %scan3A_338, %mul3A_351 : i32
        %get3A_353 = arith.index_cast %add3A_350 : i32 to index
        %get3A_354 = arith.index_cast %mul3A_352 : i32 to index
        %get3A_355 = tpu.vector_load %arg8[%get3A_353, %get3A_354] {strides = array<i32>} : memref<64x768xf32, #tpu.memory_space<vmem>>, vector<1x16xf32>,
        %get3A_356 = vector.shape_cast %get3A_355 : vector<1x16xf32> to vector<16xf32>
        %mul3A_357 = arith.mulf %get3A_346, %get3A_232 : vector<16xf32>
        %mul3A_358 = arith.mulf %get3A_356, %get3A_237 : vector<16xf32>
        %add3A_359 = arith.addf %mul3A_357, %mul3A_358 : vector<16xf32>
        %mul3A_360 = arith.constant 16 : i32
        %mul3A_361 = arith.muli %scan3A_338, %mul3A_360 : i32
        %swap3A_362 = arith.index_cast %scan3A_225 : i32 to index
        %swap3A_363 = arith.index_cast %mul3A_361 : i32 to index
        %swap3A_364 = tpu.vector_load %arg9[%swap3A_362, %swap3A_363] {strides = array<i32>} : memref<32x768xf32, #tpu.memory_space<vmem>>, vector<1x16xf32>,
        %swap3A_365 = vector.shape_cast %swap3A_364 : vector<1x16xf32> to vector<16xf32>
        %swap3A_366 = vector.shape_cast %add3A_359 : vector<16xf32> to vector<1x16xf32>
        tpu.vector_store %arg9[%swap3A_362, %swap3A_363], %swap3A_366 {strides = array<i32>} : memref<32x768xf32, #tpu.memory_space<vmem>>, vector<1x16xf32>,
        %scan3A_367 = arith.constant 0 : i32
        scf.yield %scan3A_367 : i32
      }
      %scan3A_244 = arith.constant 48 : i32
      scf.yield %scan3A_243 : i32
    }
    %scan3A_166 = arith.constant 32 : i32
    %add3A_167 = arith.constant 160 : i32
    %add3A_168 = arith.addi %mul3A_2, %add3A_167 : i32
    "tpu.region"() ({
      %run_scoped3A_225 = tpu.sem_alloc : memref<!tpu.dma_semaphore, #tpu.memory_space<semaphore_mem>>
      %dma_start3A_226 = arith.constant 0 : i32
      %dma_start3A_227 = tpu.memref_slice %arg5[%add3A_168, %dma_start3A_226] : memref<8192x768xf32, #tpu.memory_space<hbm>> -> memref<32x768xf32, #tpu.memory_space<hbm>>
      %dma_start3A_228 = arith.constant 0 : i32
      %dma_start3A_229 = tpu.memref_slice %arg5[%add3A_168, %dma_start3A_228] : memref<8192x768xf32, #tpu.memory_space<hbm>> -> memref<32x768xf32, #tpu.memory_space<hbm>>
      tpu.enqueue_dma source(%arg9 : memref<32x768xf32, #tpu.memory_space<vmem>>) target(%dma_start3A_229 : memref<32x768xf32, #tpu.memory_space<hbm>>) target_semaphore(%run_scoped3A_225 : memref<!tpu.dma_semaphore, #tpu.memory_space<semaphore_mem>>)
      %dma_wait3A_230 = arith.constant 0 : i32
      %dma_wait3A_231 = tpu.memref_slice %arg5[%add3A_168, %dma_wait3A_230] : memref<8192x768xf32, #tpu.memory_space<hbm>> -> memref<32x768xf32, #tpu.memory_space<hbm>>
      %dma_wait3A_232 = arith.constant 0 : i32
      %dma_wait3A_233 = tpu.memref_slice %arg5[%add3A_168, %dma_wait3A_232] : memref<8192x768xf32, #tpu.memory_space<hbm>> -> memref<32x768xf32, #tpu.memory_space<hbm>>
      tpu.wait_dma2 semaphore(%run_scoped3A_225 : memref<!tpu.dma_semaphore, #tpu.memory_space<semaphore_mem>>) src(%arg9 : memref<32x768xf32, #tpu.memory_space<vmem>>) dst(%dma_wait3A_233 : memref<32x768xf32, #tpu.memory_space<hbm>>)
      tpu.yield
    }) : () -> ()
    %mul3A_169 = arith.constant 2 : i32
    %mul3A_170 = arith.muli %mul3A_169, %mul3A_2 : i32
    %add3A_171 = arith.constant 384 : i32
    %add3A_172 = arith.addi %mul3A_170, %add3A_171 : i32
    %run_scoped3A_173 = arith.constant 6 : i32
    "tpu.region"() ({
      %run_scoped3A_225 = tpu.sem_alloc : memref<!tpu.dma_semaphore, #tpu.memory_space<semaphore_mem>>
      %dma_start3A_226 = arith.constant 0 : i32
      %dma_start3A_227 = tpu.memref_slice %arg7[%run_scoped3A_173, %dma_start3A_226] : memref<8x64xi32, #tpu.memory_space<vmem>> -> memref<1x64xi32, #tpu.memory_space<vmem>>
      %dma_start3A_228 = tpu.memref_squeeze %dma_start3A_227 : memref<1x64xi32, #tpu.memory_space<vmem>> -> memref<64xi32, #tpu.memory_space<vmem>>
      %dma_start3A_229 = tpu.memref_slice %arg3[%add3A_172] : memref<16384xi32, #tpu.memory_space<hbm>> -> memref<64xi32, #tpu.memory_space<hbm>>
      %dma_start3A_230 = arith.constant 0 : i32
      %dma_start3A_231 = tpu.memref_slice %arg7[%run_scoped3A_173, %dma_start3A_230] : memref<8x64xi32, #tpu.memory_space<vmem>> -> memref<1x64xi32, #tpu.memory_space<vmem>>
      %dma_start3A_232 = tpu.memref_squeeze %dma_start3A_231 : memref<1x64xi32, #tpu.memory_space<vmem>> -> memref<64xi32, #tpu.memory_space<vmem>>
      %dma_start3A_233 = tpu.memref_slice %arg3[%add3A_172] : memref<16384xi32, #tpu.memory_space<hbm>> -> memref<64xi32, #tpu.memory_space<hbm>>
      tpu.enqueue_dma source(%dma_start3A_233 : memref<64xi32, #tpu.memory_space<hbm>>) target(%dma_start3A_232 : memref<64xi32, #tpu.memory_space<vmem>>) target_semaphore(%run_scoped3A_225 : memref<!tpu.dma_semaphore, #tpu.memory_space<semaphore_mem>>)
      %dma_wait3A_234 = arith.constant 0 : i32
      %dma_wait3A_235 = tpu.memref_slice %arg7[%run_scoped3A_173, %dma_wait3A_234] : memref<8x64xi32, #tpu.memory_space<vmem>> -> memref<1x64xi32, #tpu.memory_space<vmem>>
      %dma_wait3A_236 = tpu.memref_squeeze %dma_wait3A_235 : memref<1x64xi32, #tpu.memory_space<vmem>> -> memref<64xi32, #tpu.memory_space<vmem>>
      %dma_wait3A_237 = tpu.memref_slice %arg3[%add3A_172] : memref<16384xi32, #tpu.memory_space<hbm>> -> memref<64xi32, #tpu.memory_space<hbm>>
      %dma_wait3A_238 = arith.constant 0 : i32
      %dma_wait3A_239 = tpu.memref_slice %arg7[%run_scoped3A_173, %dma_wait3A_238] : memref<8x64xi32, #tpu.memory_space<vmem>> -> memref<1x64xi32, #tpu.memory_space<vmem>>
      %dma_wait3A_240 = tpu.memref_squeeze %dma_wait3A_239 : memref<1x64xi32, #tpu.memory_space<vmem>> -> memref<64xi32, #tpu.memory_space<vmem>>
      %dma_wait3A_241 = tpu.memref_slice %arg3[%add3A_172] : memref<16384xi32, #tpu.memory_space<hbm>> -> memref<64xi32, #tpu.memory_space<hbm>>
      tpu.wait_dma2 semaphore(%run_scoped3A_225 : memref<!tpu.dma_semaphore, #tpu.memory_space<semaphore_mem>>) src(%dma_wait3A_241 : memref<64xi32, #tpu.memory_space<hbm>>) dst(%dma_wait3A_240 : memref<64xi32, #tpu.memory_space<vmem>>)
      tpu.yield
    }) : () -> ()
    %dma_start3A_174 = arith.constant 6 : i32
    %dma_start3A_175 = arith.constant 0 : i32
    %dma_start3A_176 = tpu.memref_slice %arg7[%dma_start3A_174, %dma_start3A_175] : memref<8x64xi32, #tpu.memory_space<vmem>> -> memref<1x64xi32, #tpu.memory_space<vmem>>
    %dma_start3A_177 = tpu.memref_squeeze %dma_start3A_176 : memref<1x64xi32, #tpu.memory_space<vmem>> -> memref<64xi32, #tpu.memory_space<vmem>>
    %dma_start3A_178 = arith.constant 0 : i32
    %dma_start3A_179 = arith.constant 0 : i32
    %dma_start3A_180 = tpu.memref_slice %arg2[%dma_start3A_178, %dma_start3A_179] : memref<20480x768xf32, #tpu.memory_space<hbm>> -> memref<20480x768xf32, #tpu.memory_space<hbm>>
    tpu.enqueue_indirect_dma source(%dma_start3A_180 : memref<20480x768xf32, #tpu.memory_space<hbm>>) target(%arg8 : memref<64x768xf32, #tpu.memory_space<vmem>>) offsets(%dma_start3A_177 : memref<64xi32, #tpu.memory_space<vmem>>) semaphore(%arg10 : memref<!tpu.dma_semaphore, #tpu.memory_space<semaphore_mem>>)
    %dma_wait3A_181 = arith.constant 6 : i32
    %dma_wait3A_182 = arith.constant 0 : i32
    %dma_wait3A_183 = tpu.memref_slice %arg7[%dma_wait3A_181, %dma_wait3A_182] : memref<8x64xi32, #tpu.memory_space<vmem>> -> memref<1x64xi32, #tpu.memory_space<vmem>>
    %dma_wait3A_184 = tpu.memref_squeeze %dma_wait3A_183 : memref<1x64xi32, #tpu.memory_space<vmem>> -> memref<64xi32, #tpu.memory_space<vmem>>
    %dma_wait3A_185 = arith.constant 0 : i32
    %dma_wait3A_186 = arith.constant 0 : i32
    %dma_wait3A_187 = tpu.memref_slice %arg2[%dma_wait3A_185, %dma_wait3A_186] : memref<20480x768xf32, #tpu.memory_space<hbm>> -> memref<20480x768xf32, #tpu.memory_space<hbm>>
    tpu.wait_indirect_dma semaphore(%arg10 : memref<!tpu.dma_semaphore, #tpu.memory_space<semaphore_mem>>) src(%dma_wait3A_187 : memref<20480x768xf32, #tpu.memory_space<hbm>>) dst(%arg8 : memref<64x768xf32, #tpu.memory_space<vmem>>)
    %scan3A_188 = arith.constant 0 : i32
    %scan3A_189 = arith.constant 0 : i32
    %scan3A_190 = arith.constant 32 : i32
    %scan3A_191 = arith.addi %scan3A_189, %scan3A_190 : i32
    %scan3A_192 = arith.constant 1 : i32
    %scan3A_193 = scf.for %scan3A_225 = %scan3A_189 to %scan3A_191 step %scan3A_192 iter_args(%scan3A_226 = %scan3A_188) -> (i32)  : i32 {
      %add3A_227 = arith.constant 192 : i32
      %add3A_228 = arith.addi %add3A_227, %scan3A_225 : i32
      %mul3A_229 = arith.constant 32 : i32
      %mul3A_230 = arith.muli %mul3A_229, %add3A_228 : i32
      %get3A = arith.index_cast %mul3A_230 : i32 to index
      %get3A_231 = tpu.vector_load %arg6[%get3A] {strides = array<i32>} : memref<8192xf32, #tpu.memory_space<vmem>>, vector<16xf32>,
      %get3A_232 = vector.shape_cast %get3A_231 : vector<16xf32> to vector<16xf32>
      %add3A_233 = arith.constant 16 : i32
      %add3A_234 = arith.addi %mul3A_230, %add3A_233 : i32
      %get3A_235 = arith.index_cast %add3A_234 : i32 to index
      %get3A_236 = tpu.vector_load %arg6[%get3A_235] {strides = array<i32>} : memref<8192xf32, #tpu.memory_space<vmem>>, vector<16xf32>,
      %get3A_237 = vector.shape_cast %get3A_236 : vector<16xf32> to vector<16xf32>
      %scan3A_238 = arith.constant 0 : i32
      %scan3A_239 = arith.constant 0 : i32
      %scan3A_240 = arith.constant 48 : i32
      %scan3A_241 = arith.addi %scan3A_239, %scan3A_240 : i32
      %scan3A_242 = arith.constant 4 : i32
      %scan3A_243 = scf.for %scan3A_245 = %scan3A_239 to %scan3A_241 step %scan3A_242 iter_args(%scan3A_246 = %scan3A_238) -> (i32)  : i32 {
        %mul3A_247 = arith.constant 2 : i32
        %mul3A_248 = arith.muli %mul3A_247, %scan3A_225 : i32
        %mul3A_249 = arith.constant 16 : i32
        %mul3A_250 = arith.muli %scan3A_245, %mul3A_249 : i32
        %get3A_251 = arith.index_cast %mul3A_248 : i32 to index
        %get3A_252 = arith.index_cast %mul3A_250 : i32 to index
        %get3A_253 = tpu.vector_load %arg8[%get3A_251, %get3A_252] {strides = array<i32>} : memref<64x768xf32, #tpu.memory_space<vmem>>, vector<1x16xf32>,
        %get3A_254 = vector.shape_cast %get3A_253 : vector<1x16xf32> to vector<16xf32>
        %mul3A_255 = arith.constant 2 : i32
        %mul3A_256 = arith.muli %mul3A_255, %scan3A_225 : i32
        %add3A_257 = arith.constant 1 : i32
        %add3A_258 = arith.addi %mul3A_256, %add3A_257 : i32
        %mul3A_259 = arith.constant 16 : i32
        %mul3A_260 = arith.muli %scan3A_245, %mul3A_259 : i32
        %get3A_261 = arith.index_cast %add3A_258 : i32 to index
        %get3A_262 = arith.index_cast %mul3A_260 : i32 to index
        %get3A_263 = tpu.vector_load %arg8[%get3A_261, %get3A_262] {strides = array<i32>} : memref<64x768xf32, #tpu.memory_space<vmem>>, vector<1x16xf32>,
        %get3A_264 = vector.shape_cast %get3A_263 : vector<1x16xf32> to vector<16xf32>
        %mul3A_265 = arith.mulf %get3A_254, %get3A_232 : vector<16xf32>
        %mul3A_266 = arith.mulf %get3A_264, %get3A_237 : vector<16xf32>
        %add3A_267 = arith.addf %mul3A_265, %mul3A_266 : vector<16xf32>
        %mul3A_268 = arith.constant 16 : i32
        %mul3A_269 = arith.muli %scan3A_245, %mul3A_268 : i32
        %swap3A = arith.index_cast %scan3A_225 : i32 to index
        %swap3A_270 = arith.index_cast %mul3A_269 : i32 to index
        %swap3A_271 = tpu.vector_load %arg9[%swap3A, %swap3A_270] {strides = array<i32>} : memref<32x768xf32, #tpu.memory_space<vmem>>, vector<1x16xf32>,
        %swap3A_272 = vector.shape_cast %swap3A_271 : vector<1x16xf32> to vector<16xf32>
        %swap3A_273 = vector.shape_cast %add3A_267 : vector<16xf32> to vector<1x16xf32>
        tpu.vector_store %arg9[%swap3A, %swap3A_270], %swap3A_273 {strides = array<i32>} : memref<32x768xf32, #tpu.memory_space<vmem>>, vector<1x16xf32>,
        %scan3A_274 = arith.constant 0 : i32
        %scan3A_275 = arith.constant 1 : i32
        %scan3A_276 = arith.addi %scan3A_245, %scan3A_275 : i32
        %mul3A_277 = arith.constant 2 : i32
        %mul3A_278 = arith.muli %mul3A_277, %scan3A_225 : i32
        %mul3A_279 = arith.constant 16 : i32
        %mul3A_280 = arith.muli %scan3A_276, %mul3A_279 : i32
        %get3A_281 = arith.index_cast %mul3A_278 : i32 to index
        %get3A_282 = arith.index_cast %mul3A_280 : i32 to index
        %get3A_283 = tpu.vector_load %arg8[%get3A_281, %get3A_282] {strides = array<i32>} : memref<64x768xf32, #tpu.memory_space<vmem>>, vector<1x16xf32>,
        %get3A_284 = vector.shape_cast %get3A_283 : vector<1x16xf32> to vector<16xf32>
        %mul3A_285 = arith.constant 2 : i32
        %mul3A_286 = arith.muli %mul3A_285, %scan3A_225 : i32
        %add3A_287 = arith.constant 1 : i32
        %add3A_288 = arith.addi %mul3A_286, %add3A_287 : i32
        %mul3A_289 = arith.constant 16 : i32
        %mul3A_290 = arith.muli %scan3A_276, %mul3A_289 : i32
        %get3A_291 = arith.index_cast %add3A_288 : i32 to index
        %get3A_292 = arith.index_cast %mul3A_290 : i32 to index
        %get3A_293 = tpu.vector_load %arg8[%get3A_291, %get3A_292] {strides = array<i32>} : memref<64x768xf32, #tpu.memory_space<vmem>>, vector<1x16xf32>,
        %get3A_294 = vector.shape_cast %get3A_293 : vector<1x16xf32> to vector<16xf32>
        %mul3A_295 = arith.mulf %get3A_284, %get3A_232 : vector<16xf32>
        %mul3A_296 = arith.mulf %get3A_294, %get3A_237 : vector<16xf32>
        %add3A_297 = arith.addf %mul3A_295, %mul3A_296 : vector<16xf32>
        %mul3A_298 = arith.constant 16 : i32
        %mul3A_299 = arith.muli %scan3A_276, %mul3A_298 : i32
        %swap3A_300 = arith.index_cast %scan3A_225 : i32 to index
        %swap3A_301 = arith.index_cast %mul3A_299 : i32 to index
        %swap3A_302 = tpu.vector_load %arg9[%swap3A_300, %swap3A_301] {strides = array<i32>} : memref<32x768xf32, #tpu.memory_space<vmem>>, vector<1x16xf32>,
        %swap3A_303 = vector.shape_cast %swap3A_302 : vector<1x16xf32> to vector<16xf32>
        %swap3A_304 = vector.shape_cast %add3A_297 : vector<16xf32> to vector<1x16xf32>
        tpu.vector_store %arg9[%swap3A_300, %swap3A_301], %swap3A_304 {strides = array<i32>} : memref<32x768xf32, #tpu.memory_space<vmem>>, vector<1x16xf32>,
        %scan3A_305 = arith.constant 0 : i32
        %scan3A_306 = arith.constant 2 : i32
        %scan3A_307 = arith.addi %scan3A_245, %scan3A_306 : i32
        %mul3A_308 = arith.constant 2 : i32
        %mul3A_309 = arith.muli %mul3A_308, %scan3A_225 : i32
        %mul3A_310 = arith.constant 16 : i32
        %mul3A_311 = arith.muli %scan3A_307, %mul3A_310 : i32
        %get3A_312 = arith.index_cast %mul3A_309 : i32 to index
        %get3A_313 = arith.index_cast %mul3A_311 : i32 to index
        %get3A_314 = tpu.vector_load %arg8[%get3A_312, %get3A_313] {strides = array<i32>} : memref<64x768xf32, #tpu.memory_space<vmem>>, vector<1x16xf32>,
        %get3A_315 = vector.shape_cast %get3A_314 : vector<1x16xf32> to vector<16xf32>
        %mul3A_316 = arith.constant 2 : i32
        %mul3A_317 = arith.muli %mul3A_316, %scan3A_225 : i32
        %add3A_318 = arith.constant 1 : i32
        %add3A_319 = arith.addi %mul3A_317, %add3A_318 : i32
        %mul3A_320 = arith.constant 16 : i32
        %mul3A_321 = arith.muli %scan3A_307, %mul3A_320 : i32
        %get3A_322 = arith.index_cast %add3A_319 : i32 to index
        %get3A_323 = arith.index_cast %mul3A_321 : i32 to index
        %get3A_324 = tpu.vector_load %arg8[%get3A_322, %get3A_323] {strides = array<i32>} : memref<64x768xf32, #tpu.memory_space<vmem>>, vector<1x16xf32>,
        %get3A_325 = vector.shape_cast %get3A_324 : vector<1x16xf32> to vector<16xf32>
        %mul3A_326 = arith.mulf %get3A_315, %get3A_232 : vector<16xf32>
        %mul3A_327 = arith.mulf %get3A_325, %get3A_237 : vector<16xf32>
        %add3A_328 = arith.addf %mul3A_326, %mul3A_327 : vector<16xf32>
        %mul3A_329 = arith.constant 16 : i32
        %mul3A_330 = arith.muli %scan3A_307, %mul3A_329 : i32
        %swap3A_331 = arith.index_cast %scan3A_225 : i32 to index
        %swap3A_332 = arith.index_cast %mul3A_330 : i32 to index
        %swap3A_333 = tpu.vector_load %arg9[%swap3A_331, %swap3A_332] {strides = array<i32>} : memref<32x768xf32, #tpu.memory_space<vmem>>, vector<1x16xf32>,
        %swap3A_334 = vector.shape_cast %swap3A_333 : vector<1x16xf32> to vector<16xf32>
        %swap3A_335 = vector.shape_cast %add3A_328 : vector<16xf32> to vector<1x16xf32>
        tpu.vector_store %arg9[%swap3A_331, %swap3A_332], %swap3A_335 {strides = array<i32>} : memref<32x768xf32, #tpu.memory_space<vmem>>, vector<1x16xf32>,
        %scan3A_336 = arith.constant 0 : i32
        %scan3A_337 = arith.constant 3 : i32
        %scan3A_338 = arith.addi %scan3A_245, %scan3A_337 : i32
        %mul3A_339 = arith.constant 2 : i32
        %mul3A_340 = arith.muli %mul3A_339, %scan3A_225 : i32
        %mul3A_341 = arith.constant 16 : i32
        %mul3A_342 = arith.muli %scan3A_338, %mul3A_341 : i32
        %get3A_343 = arith.index_cast %mul3A_340 : i32 to index
        %get3A_344 = arith.index_cast %mul3A_342 : i32 to index
        %get3A_345 = tpu.vector_load %arg8[%get3A_343, %get3A_344] {strides = array<i32>} : memref<64x768xf32, #tpu.memory_space<vmem>>, vector<1x16xf32>,
        %get3A_346 = vector.shape_cast %get3A_345 : vector<1x16xf32> to vector<16xf32>
        %mul3A_347 = arith.constant 2 : i32
        %mul3A_348 = arith.muli %mul3A_347, %scan3A_225 : i32
        %add3A_349 = arith.constant 1 : i32
        %add3A_350 = arith.addi %mul3A_348, %add3A_349 : i32
        %mul3A_351 = arith.constant 16 : i32
        %mul3A_352 = arith.muli %scan3A_338, %mul3A_351 : i32
        %get3A_353 = arith.index_cast %add3A_350 : i32 to index
        %get3A_354 = arith.index_cast %mul3A_352 : i32 to index
        %get3A_355 = tpu.vector_load %arg8[%get3A_353, %get3A_354] {strides = array<i32>} : memref<64x768xf32, #tpu.memory_space<vmem>>, vector<1x16xf32>,
        %get3A_356 = vector.shape_cast %get3A_355 : vector<1x16xf32> to vector<16xf32>
        %mul3A_357 = arith.mulf %get3A_346, %get3A_232 : vector<16xf32>
        %mul3A_358 = arith.mulf %get3A_356, %get3A_237 : vector<16xf32>
        %add3A_359 = arith.addf %mul3A_357, %mul3A_358 : vector<16xf32>
        %mul3A_360 = arith.constant 16 : i32
        %mul3A_361 = arith.muli %scan3A_338, %mul3A_360 : i32
        %swap3A_362 = arith.index_cast %scan3A_225 : i32 to index
        %swap3A_363 = arith.index_cast %mul3A_361 : i32 to index
        %swap3A_364 = tpu.vector_load %arg9[%swap3A_362, %swap3A_363] {strides = array<i32>} : memref<32x768xf32, #tpu.memory_space<vmem>>, vector<1x16xf32>,
        %swap3A_365 = vector.shape_cast %swap3A_364 : vector<1x16xf32> to vector<16xf32>
        %swap3A_366 = vector.shape_cast %add3A_359 : vector<16xf32> to vector<1x16xf32>
        tpu.vector_store %arg9[%swap3A_362, %swap3A_363], %swap3A_366 {strides = array<i32>} : memref<32x768xf32, #tpu.memory_space<vmem>>, vector<1x16xf32>,
        %scan3A_367 = arith.constant 0 : i32
        scf.yield %scan3A_367 : i32
      }
      %scan3A_244 = arith.constant 48 : i32
      scf.yield %scan3A_243 : i32
    }
    %scan3A_194 = arith.constant 32 : i32
    %add3A_195 = arith.constant 192 : i32
    %add3A_196 = arith.addi %mul3A_2, %add3A_195 : i32
    "tpu.region"() ({
      %run_scoped3A_225 = tpu.sem_alloc : memref<!tpu.dma_semaphore, #tpu.memory_space<semaphore_mem>>
      %dma_start3A_226 = arith.constant 0 : i32
      %dma_start3A_227 = tpu.memref_slice %arg5[%add3A_196, %dma_start3A_226] : memref<8192x768xf32, #tpu.memory_space<hbm>> -> memref<32x768xf32, #tpu.memory_space<hbm>>
      %dma_start3A_228 = arith.constant 0 : i32
      %dma_start3A_229 = tpu.memref_slice %arg5[%add3A_196, %dma_start3A_228] : memref<8192x768xf32, #tpu.memory_space<hbm>> -> memref<32x768xf32, #tpu.memory_space<hbm>>
      tpu.enqueue_dma source(%arg9 : memref<32x768xf32, #tpu.memory_space<vmem>>) target(%dma_start3A_229 : memref<32x768xf32, #tpu.memory_space<hbm>>) target_semaphore(%run_scoped3A_225 : memref<!tpu.dma_semaphore, #tpu.memory_space<semaphore_mem>>)
      %dma_wait3A_230 = arith.constant 0 : i32
      %dma_wait3A_231 = tpu.memref_slice %arg5[%add3A_196, %dma_wait3A_230] : memref<8192x768xf32, #tpu.memory_space<hbm>> -> memref<32x768xf32, #tpu.memory_space<hbm>>
      %dma_wait3A_232 = arith.constant 0 : i32
      %dma_wait3A_233 = tpu.memref_slice %arg5[%add3A_196, %dma_wait3A_232] : memref<8192x768xf32, #tpu.memory_space<hbm>> -> memref<32x768xf32, #tpu.memory_space<hbm>>
      tpu.wait_dma2 semaphore(%run_scoped3A_225 : memref<!tpu.dma_semaphore, #tpu.memory_space<semaphore_mem>>) src(%arg9 : memref<32x768xf32, #tpu.memory_space<vmem>>) dst(%dma_wait3A_233 : memref<32x768xf32, #tpu.memory_space<hbm>>)
      tpu.yield
    }) : () -> ()
    %mul3A_197 = arith.constant 2 : i32
    %mul3A_198 = arith.muli %mul3A_197, %mul3A_2 : i32
    %add3A_199 = arith.constant 448 : i32
    %add3A_200 = arith.addi %mul3A_198, %add3A_199 : i32
    %run_scoped3A_201 = arith.constant 7 : i32
    "tpu.region"() ({
      %run_scoped3A_225 = tpu.sem_alloc : memref<!tpu.dma_semaphore, #tpu.memory_space<semaphore_mem>>
      %dma_start3A_226 = arith.constant 0 : i32
      %dma_start3A_227 = tpu.memref_slice %arg7[%run_scoped3A_201, %dma_start3A_226] : memref<8x64xi32, #tpu.memory_space<vmem>> -> memref<1x64xi32, #tpu.memory_space<vmem>>
      %dma_start3A_228 = tpu.memref_squeeze %dma_start3A_227 : memref<1x64xi32, #tpu.memory_space<vmem>> -> memref<64xi32, #tpu.memory_space<vmem>>
      %dma_start3A_229 = tpu.memref_slice %arg3[%add3A_200] : memref<16384xi32, #tpu.memory_space<hbm>> -> memref<64xi32, #tpu.memory_space<hbm>>
      %dma_start3A_230 = arith.constant 0 : i32
      %dma_start3A_231 = tpu.memref_slice %arg7[%run_scoped3A_201, %dma_start3A_230] : memref<8x64xi32, #tpu.memory_space<vmem>> -> memref<1x64xi32, #tpu.memory_space<vmem>>
      %dma_start3A_232 = tpu.memref_squeeze %dma_start3A_231 : memref<1x64xi32, #tpu.memory_space<vmem>> -> memref<64xi32, #tpu.memory_space<vmem>>
      %dma_start3A_233 = tpu.memref_slice %arg3[%add3A_200] : memref<16384xi32, #tpu.memory_space<hbm>> -> memref<64xi32, #tpu.memory_space<hbm>>
      tpu.enqueue_dma source(%dma_start3A_233 : memref<64xi32, #tpu.memory_space<hbm>>) target(%dma_start3A_232 : memref<64xi32, #tpu.memory_space<vmem>>) target_semaphore(%run_scoped3A_225 : memref<!tpu.dma_semaphore, #tpu.memory_space<semaphore_mem>>)
      %dma_wait3A_234 = arith.constant 0 : i32
      %dma_wait3A_235 = tpu.memref_slice %arg7[%run_scoped3A_201, %dma_wait3A_234] : memref<8x64xi32, #tpu.memory_space<vmem>> -> memref<1x64xi32, #tpu.memory_space<vmem>>
      %dma_wait3A_236 = tpu.memref_squeeze %dma_wait3A_235 : memref<1x64xi32, #tpu.memory_space<vmem>> -> memref<64xi32, #tpu.memory_space<vmem>>
      %dma_wait3A_237 = tpu.memref_slice %arg3[%add3A_200] : memref<16384xi32, #tpu.memory_space<hbm>> -> memref<64xi32, #tpu.memory_space<hbm>>
      %dma_wait3A_238 = arith.constant 0 : i32
      %dma_wait3A_239 = tpu.memref_slice %arg7[%run_scoped3A_201, %dma_wait3A_238] : memref<8x64xi32, #tpu.memory_space<vmem>> -> memref<1x64xi32, #tpu.memory_space<vmem>>
      %dma_wait3A_240 = tpu.memref_squeeze %dma_wait3A_239 : memref<1x64xi32, #tpu.memory_space<vmem>> -> memref<64xi32, #tpu.memory_space<vmem>>
      %dma_wait3A_241 = tpu.memref_slice %arg3[%add3A_200] : memref<16384xi32, #tpu.memory_space<hbm>> -> memref<64xi32, #tpu.memory_space<hbm>>
      tpu.wait_dma2 semaphore(%run_scoped3A_225 : memref<!tpu.dma_semaphore, #tpu.memory_space<semaphore_mem>>) src(%dma_wait3A_241 : memref<64xi32, #tpu.memory_space<hbm>>) dst(%dma_wait3A_240 : memref<64xi32, #tpu.memory_space<vmem>>)
      tpu.yield
    }) : () -> ()
    %dma_start3A_202 = arith.constant 7 : i32
    %dma_start3A_203 = arith.constant 0 : i32
    %dma_start3A_204 = tpu.memref_slice %arg7[%dma_start3A_202, %dma_start3A_203] : memref<8x64xi32, #tpu.memory_space<vmem>> -> memref<1x64xi32, #tpu.memory_space<vmem>>
    %dma_start3A_205 = tpu.memref_squeeze %dma_start3A_204 : memref<1x64xi32, #tpu.memory_space<vmem>> -> memref<64xi32, #tpu.memory_space<vmem>>
    %dma_start3A_206 = arith.constant 0 : i32
    %dma_start3A_207 = arith.constant 0 : i32
    %dma_start3A_208 = tpu.memref_slice %arg2[%dma_start3A_206, %dma_start3A_207] : memref<20480x768xf32, #tpu.memory_space<hbm>> -> memref<20480x768xf32, #tpu.memory_space<hbm>>
    tpu.enqueue_indirect_dma source(%dma_start3A_208 : memref<20480x768xf32, #tpu.memory_space<hbm>>) target(%arg8 : memref<64x768xf32, #tpu.memory_space<vmem>>) offsets(%dma_start3A_205 : memref<64xi32, #tpu.memory_space<vmem>>) semaphore(%arg10 : memref<!tpu.dma_semaphore, #tpu.memory_space<semaphore_mem>>)
    %dma_wait3A_209 = arith.constant 7 : i32
    %dma_wait3A_210 = arith.constant 0 : i32
    %dma_wait3A_211 = tpu.memref_slice %arg7[%dma_wait3A_209, %dma_wait3A_210] : memref<8x64xi32, #tpu.memory_space<vmem>> -> memref<1x64xi32, #tpu.memory_space<vmem>>
    %dma_wait3A_212 = tpu.memref_squeeze %dma_wait3A_211 : memref<1x64xi32, #tpu.memory_space<vmem>> -> memref<64xi32, #tpu.memory_space<vmem>>
    %dma_wait3A_213 = arith.constant 0 : i32
    %dma_wait3A_214 = arith.constant 0 : i32
    %dma_wait3A_215 = tpu.memref_slice %arg2[%dma_wait3A_213, %dma_wait3A_214] : memref<20480x768xf32, #tpu.memory_space<hbm>> -> memref<20480x768xf32, #tpu.memory_space<hbm>>
    tpu.wait_indirect_dma semaphore(%arg10 : memref<!tpu.dma_semaphore, #tpu.memory_space<semaphore_mem>>) src(%dma_wait3A_215 : memref<20480x768xf32, #tpu.memory_space<hbm>>) dst(%arg8 : memref<64x768xf32, #tpu.memory_space<vmem>>)
    %scan3A_216 = arith.constant 0 : i32
    %scan3A_217 = arith.constant 0 : i32
    %scan3A_218 = arith.constant 32 : i32
    %scan3A_219 = arith.addi %scan3A_217, %scan3A_218 : i32
    %scan3A_220 = arith.constant 1 : i32
    %scan3A_221 = scf.for %scan3A_225 = %scan3A_217 to %scan3A_219 step %scan3A_220 iter_args(%scan3A_226 = %scan3A_216) -> (i32)  : i32 {
      %add3A_227 = arith.constant 224 : i32
      %add3A_228 = arith.addi %add3A_227, %scan3A_225 : i32
      %mul3A_229 = arith.constant 32 : i32
      %mul3A_230 = arith.muli %mul3A_229, %add3A_228 : i32
      %get3A = arith.index_cast %mul3A_230 : i32 to index
      %get3A_231 = tpu.vector_load %arg6[%get3A] {strides = array<i32>} : memref<8192xf32, #tpu.memory_space<vmem>>, vector<16xf32>,
      %get3A_232 = vector.shape_cast %get3A_231 : vector<16xf32> to vector<16xf32>
      %add3A_233 = arith.constant 16 : i32
      %add3A_234 = arith.addi %mul3A_230, %add3A_233 : i32
      %get3A_235 = arith.index_cast %add3A_234 : i32 to index
      %get3A_236 = tpu.vector_load %arg6[%get3A_235] {strides = array<i32>} : memref<8192xf32, #tpu.memory_space<vmem>>, vector<16xf32>,
      %get3A_237 = vector.shape_cast %get3A_236 : vector<16xf32> to vector<16xf32>
      %scan3A_238 = arith.constant 0 : i32
      %scan3A_239 = arith.constant 0 : i32
      %scan3A_240 = arith.constant 48 : i32
      %scan3A_241 = arith.addi %scan3A_239, %scan3A_240 : i32
      %scan3A_242 = arith.constant 4 : i32
      %scan3A_243 = scf.for %scan3A_245 = %scan3A_239 to %scan3A_241 step %scan3A_242 iter_args(%scan3A_246 = %scan3A_238) -> (i32)  : i32 {
        %mul3A_247 = arith.constant 2 : i32
        %mul3A_248 = arith.muli %mul3A_247, %scan3A_225 : i32
        %mul3A_249 = arith.constant 16 : i32
        %mul3A_250 = arith.muli %scan3A_245, %mul3A_249 : i32
        %get3A_251 = arith.index_cast %mul3A_248 : i32 to index
        %get3A_252 = arith.index_cast %mul3A_250 : i32 to index
        %get3A_253 = tpu.vector_load %arg8[%get3A_251, %get3A_252] {strides = array<i32>} : memref<64x768xf32, #tpu.memory_space<vmem>>, vector<1x16xf32>,
        %get3A_254 = vector.shape_cast %get3A_253 : vector<1x16xf32> to vector<16xf32>
        %mul3A_255 = arith.constant 2 : i32
        %mul3A_256 = arith.muli %mul3A_255, %scan3A_225 : i32
        %add3A_257 = arith.constant 1 : i32
        %add3A_258 = arith.addi %mul3A_256, %add3A_257 : i32
        %mul3A_259 = arith.constant 16 : i32
        %mul3A_260 = arith.muli %scan3A_245, %mul3A_259 : i32
        %get3A_261 = arith.index_cast %add3A_258 : i32 to index
        %get3A_262 = arith.index_cast %mul3A_260 : i32 to index
        %get3A_263 = tpu.vector_load %arg8[%get3A_261, %get3A_262] {strides = array<i32>} : memref<64x768xf32, #tpu.memory_space<vmem>>, vector<1x16xf32>,
        %get3A_264 = vector.shape_cast %get3A_263 : vector<1x16xf32> to vector<16xf32>
        %mul3A_265 = arith.mulf %get3A_254, %get3A_232 : vector<16xf32>
        %mul3A_266 = arith.mulf %get3A_264, %get3A_237 : vector<16xf32>
        %add3A_267 = arith.addf %mul3A_265, %mul3A_266 : vector<16xf32>
        %mul3A_268 = arith.constant 16 : i32
        %mul3A_269 = arith.muli %scan3A_245, %mul3A_268 : i32
        %swap3A = arith.index_cast %scan3A_225 : i32 to index
        %swap3A_270 = arith.index_cast %mul3A_269 : i32 to index
        %swap3A_271 = tpu.vector_load %arg9[%swap3A, %swap3A_270] {strides = array<i32>} : memref<32x768xf32, #tpu.memory_space<vmem>>, vector<1x16xf32>,
        %swap3A_272 = vector.shape_cast %swap3A_271 : vector<1x16xf32> to vector<16xf32>
        %swap3A_273 = vector.shape_cast %add3A_267 : vector<16xf32> to vector<1x16xf32>
        tpu.vector_store %arg9[%swap3A, %swap3A_270], %swap3A_273 {strides = array<i32>} : memref<32x768xf32, #tpu.memory_space<vmem>>, vector<1x16xf32>,
        %scan3A_274 = arith.constant 0 : i32
        %scan3A_275 = arith.constant 1 : i32
        %scan3A_276 = arith.addi %scan3A_245, %scan3A_275 : i32
        %mul3A_277 = arith.constant 2 : i32
        %mul3A_278 = arith.muli %mul3A_277, %scan3A_225 : i32
        %mul3A_279 = arith.constant 16 : i32
        %mul3A_280 = arith.muli %scan3A_276, %mul3A_279 : i32
        %get3A_281 = arith.index_cast %mul3A_278 : i32 to index
        %get3A_282 = arith.index_cast %mul3A_280 : i32 to index
        %get3A_283 = tpu.vector_load %arg8[%get3A_281, %get3A_282] {strides = array<i32>} : memref<64x768xf32, #tpu.memory_space<vmem>>, vector<1x16xf32>,
        %get3A_284 = vector.shape_cast %get3A_283 : vector<1x16xf32> to vector<16xf32>
        %mul3A_285 = arith.constant 2 : i32
        %mul3A_286 = arith.muli %mul3A_285, %scan3A_225 : i32
        %add3A_287 = arith.constant 1 : i32
        %add3A_288 = arith.addi %mul3A_286, %add3A_287 : i32
        %mul3A_289 = arith.constant 16 : i32
        %mul3A_290 = arith.muli %scan3A_276, %mul3A_289 : i32
        %get3A_291 = arith.index_cast %add3A_288 : i32 to index
        %get3A_292 = arith.index_cast %mul3A_290 : i32 to index
        %get3A_293 = tpu.vector_load %arg8[%get3A_291, %get3A_292] {strides = array<i32>} : memref<64x768xf32, #tpu.memory_space<vmem>>, vector<1x16xf32>,
        %get3A_294 = vector.shape_cast %get3A_293 : vector<1x16xf32> to vector<16xf32>
        %mul3A_295 = arith.mulf %get3A_284, %get3A_232 : vector<16xf32>
        %mul3A_296 = arith.mulf %get3A_294, %get3A_237 : vector<16xf32>
        %add3A_297 = arith.addf %mul3A_295, %mul3A_296 : vector<16xf32>
        %mul3A_298 = arith.constant 16 : i32
        %mul3A_299 = arith.muli %scan3A_276, %mul3A_298 : i32
        %swap3A_300 = arith.index_cast %scan3A_225 : i32 to index
        %swap3A_301 = arith.index_cast %mul3A_299 : i32 to index
        %swap3A_302 = tpu.vector_load %arg9[%swap3A_300, %swap3A_301] {strides = array<i32>} : memref<32x768xf32, #tpu.memory_space<vmem>>, vector<1x16xf32>,
        %swap3A_303 = vector.shape_cast %swap3A_302 : vector<1x16xf32> to vector<16xf32>
        %swap3A_304 = vector.shape_cast %add3A_297 : vector<16xf32> to vector<1x16xf32>
        tpu.vector_store %arg9[%swap3A_300, %swap3A_301], %swap3A_304 {strides = array<i32>} : memref<32x768xf32, #tpu.memory_space<vmem>>, vector<1x16xf32>,
        %scan3A_305 = arith.constant 0 : i32
        %scan3A_306 = arith.constant 2 : i32
        %scan3A_307 = arith.addi %scan3A_245, %scan3A_306 : i32
        %mul3A_308 = arith.constant 2 : i32
        %mul3A_309 = arith.muli %mul3A_308, %scan3A_225 : i32
        %mul3A_310 = arith.constant 16 : i32
        %mul3A_311 = arith.muli %scan3A_307, %mul3A_310 : i32
        %get3A_312 = arith.index_cast %mul3A_309 : i32 to index
        %get3A_313 = arith.index_cast %mul3A_311 : i32 to index
        %get3A_314 = tpu.vector_load %arg8[%get3A_312, %get3A_313] {strides = array<i32>} : memref<64x768xf32, #tpu.memory_space<vmem>>, vector<1x16xf32>,
        %get3A_315 = vector.shape_cast %get3A_314 : vector<1x16xf32> to vector<16xf32>
        %mul3A_316 = arith.constant 2 : i32
        %mul3A_317 = arith.muli %mul3A_316, %scan3A_225 : i32
        %add3A_318 = arith.constant 1 : i32
        %add3A_319 = arith.addi %mul3A_317, %add3A_318 : i32
        %mul3A_320 = arith.constant 16 : i32
        %mul3A_321 = arith.muli %scan3A_307, %mul3A_320 : i32
        %get3A_322 = arith.index_cast %add3A_319 : i32 to index
        %get3A_323 = arith.index_cast %mul3A_321 : i32 to index
        %get3A_324 = tpu.vector_load %arg8[%get3A_322, %get3A_323] {strides = array<i32>} : memref<64x768xf32, #tpu.memory_space<vmem>>, vector<1x16xf32>,
        %get3A_325 = vector.shape_cast %get3A_324 : vector<1x16xf32> to vector<16xf32>
        %mul3A_326 = arith.mulf %get3A_315, %get3A_232 : vector<16xf32>
        %mul3A_327 = arith.mulf %get3A_325, %get3A_237 : vector<16xf32>
        %add3A_328 = arith.addf %mul3A_326, %mul3A_327 : vector<16xf32>
        %mul3A_329 = arith.constant 16 : i32
        %mul3A_330 = arith.muli %scan3A_307, %mul3A_329 : i32
        %swap3A_331 = arith.index_cast %scan3A_225 : i32 to index
        %swap3A_332 = arith.index_cast %mul3A_330 : i32 to index
        %swap3A_333 = tpu.vector_load %arg9[%swap3A_331, %swap3A_332] {strides = array<i32>} : memref<32x768xf32, #tpu.memory_space<vmem>>, vector<1x16xf32>,
        %swap3A_334 = vector.shape_cast %swap3A_333 : vector<1x16xf32> to vector<16xf32>
        %swap3A_335 = vector.shape_cast %add3A_328 : vector<16xf32> to vector<1x16xf32>
        tpu.vector_store %arg9[%swap3A_331, %swap3A_332], %swap3A_335 {strides = array<i32>} : memref<32x768xf32, #tpu.memory_space<vmem>>, vector<1x16xf32>,
        %scan3A_336 = arith.constant 0 : i32
        %scan3A_337 = arith.constant 3 : i32
        %scan3A_338 = arith.addi %scan3A_245, %scan3A_337 : i32
        %mul3A_339 = arith.constant 2 : i32
        %mul3A_340 = arith.muli %mul3A_339, %scan3A_225 : i32
        %mul3A_341 = arith.constant 16 : i32
        %mul3A_342 = arith.muli %scan3A_338, %mul3A_341 : i32
        %get3A_343 = arith.index_cast %mul3A_340 : i32 to index
        %get3A_344 = arith.index_cast %mul3A_342 : i32 to index
        %get3A_345 = tpu.vector_load %arg8[%get3A_343, %get3A_344] {strides = array<i32>} : memref<64x768xf32, #tpu.memory_space<vmem>>, vector<1x16xf32>,
        %get3A_346 = vector.shape_cast %get3A_345 : vector<1x16xf32> to vector<16xf32>
        %mul3A_347 = arith.constant 2 : i32
        %mul3A_348 = arith.muli %mul3A_347, %scan3A_225 : i32
        %add3A_349 = arith.constant 1 : i32
        %add3A_350 = arith.addi %mul3A_348, %add3A_349 : i32
        %mul3A_351 = arith.constant 16 : i32
        %mul3A_352 = arith.muli %scan3A_338, %mul3A_351 : i32
        %get3A_353 = arith.index_cast %add3A_350 : i32 to index
        %get3A_354 = arith.index_cast %mul3A_352 : i32 to index
        %get3A_355 = tpu.vector_load %arg8[%get3A_353, %get3A_354] {strides = array<i32>} : memref<64x768xf32, #tpu.memory_space<vmem>>, vector<1x16xf32>,
        %get3A_356 = vector.shape_cast %get3A_355 : vector<1x16xf32> to vector<16xf32>
        %mul3A_357 = arith.mulf %get3A_346, %get3A_232 : vector<16xf32>
        %mul3A_358 = arith.mulf %get3A_356, %get3A_237 : vector<16xf32>
        %add3A_359 = arith.addf %mul3A_357, %mul3A_358 : vector<16xf32>
        %mul3A_360 = arith.constant 16 : i32
        %mul3A_361 = arith.muli %scan3A_338, %mul3A_360 : i32
        %swap3A_362 = arith.index_cast %scan3A_225 : i32 to index
        %swap3A_363 = arith.index_cast %mul3A_361 : i32 to index
        %swap3A_364 = tpu.vector_load %arg9[%swap3A_362, %swap3A_363] {strides = array<i32>} : memref<32x768xf32, #tpu.memory_space<vmem>>, vector<1x16xf32>,
        %swap3A_365 = vector.shape_cast %swap3A_364 : vector<1x16xf32> to vector<16xf32>
        %swap3A_366 = vector.shape_cast %add3A_359 : vector<16xf32> to vector<1x16xf32>
        tpu.vector_store %arg9[%swap3A_362, %swap3A_363], %swap3A_366 {strides = array<i32>} : memref<32x768xf32, #tpu.memory_space<vmem>>, vector<1x16xf32>,
        %scan3A_367 = arith.constant 0 : i32
        scf.yield %scan3A_367 : i32
      }
      %scan3A_244 = arith.constant 48 : i32
      scf.yield %scan3A_243 : i32
    }
    %scan3A_222 = arith.constant 32 : i32
    %add3A_223 = arith.constant 224 : i32
    %add3A_224 = arith.addi %mul3A_2, %add3A_223 : i32
    "tpu.region"() ({
      %run_scoped3A_225 = tpu.sem_alloc : memref<!tpu.dma_semaphore, #tpu.memory_space<semaphore_mem>>
      %dma_start3A_226 = arith.constant 0 : i32
      %dma_start3A_227 = tpu.memref_slice %arg5[%add3A_224, %dma_start3A_226] : memref<8192x768xf32, #tpu.memory_space<hbm>> -> memref<32x768xf32, #tpu.memory_space<hbm>>
      %dma_start3A_228 = arith.constant 0 : i32
      %dma_start3A_229 = tpu.memref_slice %arg5[%add3A_224, %dma_start3A_228] : memref<8192x768xf32, #tpu.memory_space<hbm>> -> memref<32x768xf32, #tpu.memory_space<hbm>>
      tpu.enqueue_dma source(%arg9 : memref<32x768xf32, #tpu.memory_space<vmem>>) target(%dma_start3A_229 : memref<32x768xf32, #tpu.memory_space<hbm>>) target_semaphore(%run_scoped3A_225 : memref<!tpu.dma_semaphore, #tpu.memory_space<semaphore_mem>>)
      %dma_wait3A_230 = arith.constant 0 : i32
      %dma_wait3A_231 = tpu.memref_slice %arg5[%add3A_224, %dma_wait3A_230] : memref<8192x768xf32, #tpu.memory_space<hbm>> -> memref<32x768xf32, #tpu.memory_space<hbm>>
      %dma_wait3A_232 = arith.constant 0 : i32
      %dma_wait3A_233 = tpu.memref_slice %arg5[%add3A_224, %dma_wait3A_232] : memref<8192x768xf32, #tpu.memory_space<hbm>> -> memref<32x768xf32, #tpu.memory_space<hbm>>
      tpu.wait_dma2 semaphore(%run_scoped3A_225 : memref<!tpu.dma_semaphore, #tpu.memory_space<semaphore_mem>>) src(%arg9 : memref<32x768xf32, #tpu.memory_space<vmem>>) dst(%dma_wait3A_233 : memref<32x768xf32, #tpu.memory_space<hbm>>)
      tpu.yield
    }) : () -> ()
    return
  }
}

module attributes {stable_mosaic.version = 14 : i64} {
  func.func @_posfix_kernel(%arg0: i32, %arg1: memref<512x2xi32, #tpu.memory_space<vmem>>, %arg2: memref<512x2xi32, #tpu.memory_space<vmem>>, %arg3: memref<512x2xf32, #tpu.memory_space<vmem>>, %arg4: memref<1x8xi32, #tpu.memory_space<vmem>>, %arg5: memref<512x2xi32, #tpu.memory_space<vmem>>, %arg6: memref<512x32xf32, #tpu.memory_space<vmem>>) attributes {dimension_semantics = [#tpu.dimension_semantics<arbitrary>], iteration_bounds = array<i64: 16>, scalar_prefetch = 0 : i64, scratch_operands = 0 : i64, tpu.core_type = #tpu.core_type<tc>, window_params = [{transform_indices = @transform_0, window_bounds = array<i64: 512, 2>}, {transform_indices = @transform_1, window_bounds = array<i64: 512, 2>}, {transform_indices = @transform_2, window_bounds = array<i64: 512, 2>}, {pipeline_mode = #tpu.pipeline_mode<synchronous>, transform_indices = @transform_3, window_bounds = array<i64: 1, 8>}, {transform_indices = @transform_4, window_bounds = array<i64: 512, 2>}, {transform_indices = @transform_5, window_bounds = array<i64: 512, 32>}]} {
    %iota3A = tpu.iota {dimensions = array<i32: 1>} : vector<512x8xi32>
    %get3A = arith.constant 0 : index
    %get3A_0 = arith.constant 0 : index
    %get3A_1 = vector.load %arg4[%get3A, %get3A_0] : memref<1x8xi32, #tpu.memory_space<vmem>>, vector<1x8xi32>
    %get3A_2 = arith.constant 0 : index
    %get3A_3 = arith.constant 0 : index
    %get3A_4 = vector.load %arg1[%get3A_2, %get3A_3] : memref<512x2xi32, #tpu.memory_space<vmem>>, vector<512x1xi32>
    %eq3A = vector.broadcast %get3A_4 : vector<512x1xi32> to vector<512x8xi32>
    %eq3A_5 = arith.cmpi eq, %iota3A, %eq3A : vector<512x8xi32>
    %jit3A = arith.constant 0 : i32
    %broadcast_in_dim3A = vector.shape_cast %get3A_1 : vector<1x8xi32> to vector<1x8xi32>
    %broadcast_in_dim3A_6 = vector.broadcast %broadcast_in_dim3A : vector<1x8xi32> to vector<512x8xi32>
    %broadcast_in_dim3A_7 = vector.broadcast %jit3A : i32 to vector<512x8xi32>
    %select_n3A = arith.select %eq3A_5, %broadcast_in_dim3A_6, %broadcast_in_dim3A_7 : vector<512x8xi1>, vector<512x8xi32>
    %reduce_sum3A = arith.constant dense<0> : vector<512xi32>
    %reduce_sum3A_8 = vector.multi_reduction <add>, %select_n3A, %reduce_sum3A [1] : vector<512x8xi32> to vector<512xi32>
    %broadcast_in_dim3A_9 = vector.shape_cast %reduce_sum3A_8 : vector<512xi32> to vector<512x1xi32>
    %get3A_10 = arith.constant 0 : index
    %get3A_11 = arith.constant 0 : index
    %get3A_12 = vector.load %arg2[%get3A_10, %get3A_11] : memref<512x2xi32, #tpu.memory_space<vmem>>, vector<512x1xi32>
    %add3A = arith.addi %broadcast_in_dim3A_9, %get3A_12 : vector<512x1xi32>
    %get3A_13 = arith.constant 0 : index
    %get3A_14 = arith.constant 1 : index
    %get3A_15 = vector.load %arg1[%get3A_13, %get3A_14] : memref<512x2xi32, #tpu.memory_space<vmem>>, vector<512x1xi32>
    %eq3A_16 = vector.broadcast %get3A_15 : vector<512x1xi32> to vector<512x8xi32>
    %eq3A_17 = arith.cmpi eq, %iota3A, %eq3A_16 : vector<512x8xi32>
    %jit3A_18 = arith.constant 0 : i32
    %broadcast_in_dim3A_19 = vector.shape_cast %get3A_1 : vector<1x8xi32> to vector<1x8xi32>
    %broadcast_in_dim3A_20 = vector.broadcast %broadcast_in_dim3A_19 : vector<1x8xi32> to vector<512x8xi32>
    %broadcast_in_dim3A_21 = vector.broadcast %jit3A_18 : i32 to vector<512x8xi32>
    %select_n3A_22 = arith.select %eq3A_17, %broadcast_in_dim3A_20, %broadcast_in_dim3A_21 : vector<512x8xi1>, vector<512x8xi32>
    %reduce_sum3A_23 = arith.constant dense<0> : vector<512xi32>
    %reduce_sum3A_24 = vector.multi_reduction <add>, %select_n3A_22, %reduce_sum3A_23 [1] : vector<512x8xi32> to vector<512xi32>
    %broadcast_in_dim3A_25 = vector.shape_cast %reduce_sum3A_24 : vector<512xi32> to vector<512x1xi32>
    %get3A_26 = arith.constant 0 : index
    %get3A_27 = arith.constant 1 : index
    %get3A_28 = vector.load %arg2[%get3A_26, %get3A_27] : memref<512x2xi32, #tpu.memory_space<vmem>>, vector<512x1xi32>
    %add3A_29 = arith.addi %broadcast_in_dim3A_25, %get3A_28 : vector<512x1xi32>
    %concatenate3A = tpu.concatenate %add3A, %add3A_29 in 1 : vector<512x1xi32>, vector<512x1xi32> -> vector<512x2xi32>
    %swap3A = arith.constant 0 : index
    %swap3A_30 = arith.constant 0 : index
    %swap3A_31 = vector.load %arg5[%swap3A, %swap3A_30] : memref<512x2xi32, #tpu.memory_space<vmem>>, vector<512x2xi32>
    tpu.vector_store %arg5[%swap3A, %swap3A_30], %concatenate3A {strides = array<i32>} : memref<512x2xi32, #tpu.memory_space<vmem>>, vector<512x2xi32>,
    %get3A_32 = arith.constant 0 : index
    %get3A_33 = arith.constant 0 : index
    %get3A_34 = vector.load %arg3[%get3A_32, %get3A_33] : memref<512x2xf32, #tpu.memory_space<vmem>>, vector<512x1xf32>
    %broadcast_in_dim3A_35 = vector.shape_cast %get3A_34 : vector<512x1xf32> to vector<512x1xf32>
    %broadcast_in_dim3A_36 = vector.broadcast %broadcast_in_dim3A_35 : vector<512x1xf32> to vector<512x16xf32>
    %get3A_37 = arith.constant 0 : index
    %get3A_38 = arith.constant 1 : index
    %get3A_39 = vector.load %arg3[%get3A_37, %get3A_38] : memref<512x2xf32, #tpu.memory_space<vmem>>, vector<512x1xf32>
    %broadcast_in_dim3A_40 = vector.shape_cast %get3A_39 : vector<512x1xf32> to vector<512x1xf32>
    %broadcast_in_dim3A_41 = vector.broadcast %broadcast_in_dim3A_40 : vector<512x1xf32> to vector<512x16xf32>
    %concatenate3A_42 = tpu.concatenate %broadcast_in_dim3A_36, %broadcast_in_dim3A_41 in 1 : vector<512x16xf32>, vector<512x16xf32> -> vector<512x32xf32>
    %swap3A_43 = arith.constant 0 : index
    %swap3A_44 = arith.constant 0 : index
    %swap3A_45 = vector.load %arg6[%swap3A_43, %swap3A_44] : memref<512x32xf32, #tpu.memory_space<vmem>>, vector<512x32xf32>
    tpu.vector_store %arg6[%swap3A_43, %swap3A_44], %concatenate3A_42 {strides = array<i32>} : memref<512x32xf32, #tpu.memory_space<vmem>>, vector<512x32xf32>,
    return
  }
  func.func @transform_0(%arg0: i32) -> (i32, i32) {
    %c0_i32 = arith.constant 0 : i32
    %c0_i32_0 = arith.constant 0 : i32
    return %arg0, %c0_i32 : i32, i32
  }
  func.func @transform_1(%arg0: i32) -> (i32, i32) {
    %c0_i32 = arith.constant 0 : i32
    %c0_i32_0 = arith.constant 0 : i32
    return %arg0, %c0_i32 : i32, i32
  }
  func.func @transform_2(%arg0: i32) -> (i32, i32) {
    %c0_i32 = arith.constant 0 : i32
    %c0_i32_0 = arith.constant 0 : i32
    return %arg0, %c0_i32 : i32, i32
  }
  func.func @transform_3(%arg0: i32) -> (i32, i32) {
    %c0_i32 = arith.constant 0 : i32
    %c0_i32_0 = arith.constant 0 : i32
    %c0_i32_1 = arith.constant 0 : i32
    return %c0_i32, %c0_i32_0 : i32, i32
  }
  func.func @transform_4(%arg0: i32) -> (i32, i32) {
    %c0_i32 = arith.constant 0 : i32
    %c0_i32_0 = arith.constant 0 : i32
    return %arg0, %c0_i32 : i32, i32
  }
  func.func @transform_5(%arg0: i32) -> (i32, i32) {
    %c0_i32 = arith.constant 0 : i32
    %c0_i32_0 = arith.constant 0 : i32
    return %arg0, %c0_i32 : i32, i32
  }
}

module attributes {stable_mosaic.version = 14 : i64} {
  func.func @_router_kernel(%arg0: i32, %arg1: memref<512x768xf32, #tpu.memory_space<vmem>>, %arg2: memref<768x8xf32, #tpu.memory_space<vmem>>, %arg3: memref<1x8xf32, #tpu.memory_space<vmem>>, %arg4: memref<512x2xi32, #tpu.memory_space<vmem>>, %arg5: memref<512x2xi32, #tpu.memory_space<vmem>>, %arg6: memref<512x2xf32, #tpu.memory_space<vmem>>, %arg7: memref<1x8xi32, #tpu.memory_space<vmem>>, %arg8: memref<1x40xi32, #tpu.memory_space<vmem>>, %arg9: memref<1x1xf32, #tpu.memory_space<vmem>>, %arg10: memref<1x8xf32, #tpu.memory_space<vmem>>, %arg11: memref<1x8xf32, #tpu.memory_space<vmem>>, %arg12: memref<1024x1024xbf16, #tpu.memory_space<vmem>>) attributes {dimension_semantics = [#tpu.dimension_semantics<arbitrary>], iteration_bounds = array<i64: 16>, scalar_prefetch = 0 : i64, scratch_operands = 3 : i64, tpu.core_type = #tpu.core_type<tc>, window_params = [{transform_indices = @transform_0, window_bounds = array<i64: 512, 768>}, {pipeline_mode = #tpu.pipeline_mode<synchronous>, transform_indices = @transform_1, window_bounds = array<i64: 768, 8>}, {pipeline_mode = #tpu.pipeline_mode<synchronous>, transform_indices = @transform_2, window_bounds = array<i64: 1, 8>}, {transform_indices = @transform_3, window_bounds = array<i64: 512, 2>}, {transform_indices = @transform_4, window_bounds = array<i64: 512, 2>}, {transform_indices = @transform_5, window_bounds = array<i64: 512, 2>}, {pipeline_mode = #tpu.pipeline_mode<synchronous>, transform_indices = @transform_6, window_bounds = array<i64: 1, 8>}, {pipeline_mode = #tpu.pipeline_mode<synchronous>, transform_indices = @transform_7, window_bounds = array<i64: 1, 40>}, {pipeline_mode = #tpu.pipeline_mode<synchronous>, transform_indices = @transform_8, window_bounds = array<i64: 1, 1>}]} {
    %get3A = arith.constant 0 : index
    %get3A_0 = arith.constant 0 : index
    %get3A_1 = vector.load %arg1[%get3A, %get3A_0] : memref<512x768xf32, #tpu.memory_space<vmem>>, vector<512x768xf32>
    %convert_element_type3A = arith.truncf %get3A_1 : vector<512x768xf32> to vector<512x768xbf16>
    %get3A_2 = arith.constant 0 : index
    %get3A_3 = arith.constant 0 : index
    %get3A_4 = vector.load %arg2[%get3A_2, %get3A_3] : memref<768x8xf32, #tpu.memory_space<vmem>>, vector<768x8xf32>
    %convert_element_type3A_5 = arith.truncf %get3A_4 : vector<768x8xf32> to vector<768x8xbf16>
    %dot_general3A = arith.constant dense<0.000000e+00> : vector<512x8xf32>
    %dot_general3A_6 = tpu.matmul %convert_element_type3A, %convert_element_type3A_5, %dot_general3A {dimension_numbers = #tpu.dot_dimension_numbers<[1], [0], [0], [1], [0, 0, 1, 1], [], []>, transpose_lhs_hint = false} : vector<512x768xbf16>, vector<768x8xbf16>, vector<512x8xf32> -> vector<512x8xf32>
    %get3A_7 = arith.constant 0 : index
    %get3A_8 = arith.constant 0 : index
    %get3A_9 = vector.load %arg3[%get3A_7, %get3A_8] : memref<1x8xf32, #tpu.memory_space<vmem>>, vector<1x8xf32>
    %add3A = vector.broadcast %get3A_9 : vector<1x8xf32> to vector<512x8xf32>
    %add3A_10 = arith.addf %dot_general3A_6, %add3A : vector<512x8xf32>
    %reduce_max3A = arith.constant dense<0xFF800000> : vector<512xf32>
    %reduce_max3A_11 = vector.multi_reduction <maximumf>, %add3A_10, %reduce_max3A [1] : vector<512x8xf32> to vector<512xf32>
    %broadcast_in_dim3A = vector.shape_cast %reduce_max3A_11 : vector<512xf32> to vector<512x1xf32>
    %sub3A = vector.broadcast %broadcast_in_dim3A : vector<512x1xf32> to vector<512x8xf32>
    %sub3A_12 = arith.subf %add3A_10, %sub3A : vector<512x8xf32>
    %exp3A = math.exp %sub3A_12 : vector<512x8xf32>
    %reduce_sum3A = arith.constant dense<0.000000e+00> : vector<512xf32>
    %reduce_sum3A_13 = vector.multi_reduction <add>, %exp3A, %reduce_sum3A [1] : vector<512x8xf32> to vector<512xf32>
    %broadcast_in_dim3A_14 = vector.shape_cast %reduce_sum3A_13 : vector<512xf32> to vector<512x1xf32>
    %div3A = vector.broadcast %broadcast_in_dim3A_14 : vector<512x1xf32> to vector<512x8xf32>
    %div3A_15 = arith.divf %exp3A, %div3A : vector<512x8xf32>
    %iota3A = tpu.iota {dimensions = array<i32: 1>} : vector<512x8xi32>
    %argmax3A = tpu.reduce_index %div3A_15 {axis = 1 : i32, kind = #tpu.reduction_kind<arg_max>} : vector<512x8xf32> -> vector<512xi32>
    %reduce_max3A_16 = arith.constant dense<0xFF800000> : vector<512xf32>
    %reduce_max3A_17 = vector.multi_reduction <maximumf>, %div3A_15, %reduce_max3A_16 [1] : vector<512x8xf32> to vector<512xf32>
    %broadcast_in_dim3A_18 = vector.shape_cast %argmax3A : vector<512xi32> to vector<512x1xi32>
    %eq3A = vector.broadcast %broadcast_in_dim3A_18 : vector<512x1xi32> to vector<512x8xi32>
    %eq3A_19 = arith.cmpi eq, %iota3A, %eq3A : vector<512x8xi32>
    %jit3A = arith.constant -1.000000e+00 : f32
    %broadcast_in_dim3A_20 = vector.broadcast %jit3A : f32 to vector<512x8xf32>
    %select_n3A = arith.select %eq3A_19, %broadcast_in_dim3A_20, %div3A_15 : vector<512x8xi1>, vector<512x8xf32>
    %argmax3A_21 = tpu.reduce_index %select_n3A {axis = 1 : i32, kind = #tpu.reduction_kind<arg_max>} : vector<512x8xf32> -> vector<512xi32>
    %reduce_max3A_22 = arith.constant dense<0xFF800000> : vector<512xf32>
    %reduce_max3A_23 = vector.multi_reduction <maximumf>, %select_n3A, %reduce_max3A_22 [1] : vector<512x8xf32> to vector<512xf32>
    %add3A_24 = arith.addf %reduce_max3A_17, %reduce_max3A_23 : vector<512xf32>
    %max3A = arith.constant 9.99999971E-10 : f32
    %max3A_25 = vector.broadcast %max3A : f32 to vector<512xf32>
    %max3A_26 = arith.maximumf %add3A_24, %max3A_25 : vector<512xf32>
    %div3A_27 = arith.divf %reduce_max3A_17, %max3A_26 : vector<512xf32>
    %div3A_28 = arith.divf %reduce_max3A_23, %max3A_26 : vector<512xf32>
    %broadcast_in_dim3A_29 = vector.shape_cast %argmax3A : vector<512xi32> to vector<512x1xi32>
    %eq3A_30 = vector.broadcast %broadcast_in_dim3A_29 : vector<512x1xi32> to vector<512x8xi32>
    %eq3A_31 = arith.cmpi eq, %iota3A, %eq3A_30 : vector<512x8xi32>
    %convert_element_type3A_32 = arith.extui %eq3A_31 : vector<512x8xi1> to vector<512x8xi32>
    %convert_element_type3A_33 = arith.sitofp %convert_element_type3A_32 : vector<512x8xi32> to vector<512x8xf32>
    %convert_element_type3A_34 = arith.truncf %convert_element_type3A_33 : vector<512x8xf32> to vector<512x8xbf16>
    %broadcast_in_dim3A_35 = vector.shape_cast %argmax3A_21 : vector<512xi32> to vector<512x1xi32>
    %eq3A_36 = vector.broadcast %broadcast_in_dim3A_35 : vector<512x1xi32> to vector<512x8xi32>
    %eq3A_37 = arith.cmpi eq, %iota3A, %eq3A_36 : vector<512x8xi32>
    %convert_element_type3A_38 = arith.extui %eq3A_37 : vector<512x8xi1> to vector<512x8xi32>
    %convert_element_type3A_39 = arith.sitofp %convert_element_type3A_38 : vector<512x8xi32> to vector<512x8xf32>
    %convert_element_type3A_40 = arith.truncf %convert_element_type3A_39 : vector<512x8xf32> to vector<512x8xbf16>
    %eq3A_41 = arith.constant 0 : i32
    %eq3A_42 = arith.cmpi eq, %arg0, %eq3A_41 : i32
    %convert_element_type3A_43 = arith.extui %eq3A_42 : i1 to i32
    %cond3A = arith.constant 0 : i32
    %cond3A_44 = arith.cmpi ne, %convert_element_type3A_43, %cond3A : i32
    scf.if %cond3A_44 {
      %broadcast_in_dim3A_108 = arith.constant 0.000000e+00 : f32
      %broadcast_in_dim3A_109 = vector.broadcast %broadcast_in_dim3A_108 : f32 to vector<1x8xf32>
      %swap3A_110 = arith.constant 0 : index
      %swap3A_111 = arith.constant 0 : index
      %swap3A_112 = vector.load %arg10[%swap3A_110, %swap3A_111] : memref<1x8xf32, #tpu.memory_space<vmem>>, vector<1x8xf32>
      tpu.vector_store %arg10[%swap3A_110, %swap3A_111], %broadcast_in_dim3A_109 {strides = array<i32>} : memref<1x8xf32, #tpu.memory_space<vmem>>, vector<1x8xf32>,
      %broadcast_in_dim3A_113 = arith.constant 0.000000e+00 : f32
      %broadcast_in_dim3A_114 = vector.broadcast %broadcast_in_dim3A_113 : f32 to vector<1x8xf32>
      %swap3A_115 = arith.constant 0 : index
      %swap3A_116 = arith.constant 0 : index
      %swap3A_117 = vector.load %arg11[%swap3A_115, %swap3A_116] : memref<1x8xf32, #tpu.memory_space<vmem>>, vector<1x8xf32>
      tpu.vector_store %arg11[%swap3A_115, %swap3A_116], %broadcast_in_dim3A_114 {strides = array<i32>} : memref<1x8xf32, #tpu.memory_space<vmem>>, vector<1x8xf32>,
      %iota3A_118 = tpu.iota {dimensions = array<i32: 0>} : vector<1024x1024xi32>
      %iota3A_119 = tpu.iota {dimensions = array<i32: 1>} : vector<1024x1024xi32>
      %lt3A = arith.cmpi slt, %iota3A_119, %iota3A_118 : vector<1024x1024xi32>
      %convert_element_type3A_120 = arith.extui %lt3A : vector<1024x1024xi1> to vector<1024x1024xi32>
      %convert_element_type3A_121 = arith.sitofp %convert_element_type3A_120 : vector<1024x1024xi32> to vector<1024x1024xf32>
      %convert_element_type3A_122 = arith.truncf %convert_element_type3A_121 : vector<1024x1024xf32> to vector<1024x1024xbf16>
      %swap3A_123 = arith.constant 0 : index
      %swap3A_124 = arith.constant 0 : index
      %swap3A_125 = vector.load %arg12[%swap3A_123, %swap3A_124] : memref<1024x1024xbf16, #tpu.memory_space<vmem>>, vector<1024x1024xbf16>
      tpu.vector_store %arg12[%swap3A_123, %swap3A_124], %convert_element_type3A_122 {strides = array<i32>} : memref<1024x1024xbf16, #tpu.memory_space<vmem>>, vector<1024x1024xbf16>,
    } else {
    }
    %concatenate3A = tpu.concatenate %convert_element_type3A_34, %convert_element_type3A_40 in 0 : vector<512x8xbf16>, vector<512x8xbf16> -> vector<1024x8xbf16>
    %get3A_45 = arith.constant 0 : index
    %get3A_46 = arith.constant 0 : index
    %get3A_47 = vector.load %arg12[%get3A_45, %get3A_46] : memref<1024x1024xbf16, #tpu.memory_space<vmem>>, vector<1024x1024xbf16>
    %dot_general3A_48 = arith.constant dense<0.000000e+00> : vector<1024x8xf32>
    %dot_general3A_49 = tpu.matmul %get3A_47, %concatenate3A, %dot_general3A_48 {dimension_numbers = #tpu.dot_dimension_numbers<[1], [0], [0], [1], [0, 0, 1, 1], [], []>, transpose_lhs_hint = false} : vector<1024x1024xbf16>, vector<1024x8xbf16>, vector<1024x8xf32> -> vector<1024x8xf32>
    %get3A_50 = arith.constant 0 : index
    %get3A_51 = arith.constant 0 : index
    %get3A_52 = vector.load %arg10[%get3A_50, %get3A_51] : memref<1x8xf32, #tpu.memory_space<vmem>>, vector<1x8xf32>
    %convert_element_type3A_53 = arith.extf %convert_element_type3A_34 : vector<512x8xbf16> to vector<512x8xf32>
    %convert_element_type3A_54 = arith.extf %convert_element_type3A_40 : vector<512x8xbf16> to vector<512x8xf32>
    %slice3A = vector.extract_strided_slice %dot_general3A_49 {offsets = [0, 0], sizes = [512, 8], strides = [1, 1]} : vector<1024x8xf32> to vector<512x8xf32>
    %add3A_55 = vector.broadcast %get3A_52 : vector<1x8xf32> to vector<512x8xf32>
    %add3A_56 = arith.addf %slice3A, %add3A_55 : vector<512x8xf32>
    %mul3A = arith.mulf %add3A_56, %convert_element_type3A_53 : vector<512x8xf32>
    %reduce_sum3A_57 = arith.constant dense<0.000000e+00> : vector<512xf32>
    %reduce_sum3A_58 = vector.multi_reduction <add>, %mul3A, %reduce_sum3A_57 [1] : vector<512x8xf32> to vector<512xf32>
    %slice3A_59 = vector.extract_strided_slice %dot_general3A_49 {offsets = [512, 0], sizes = [512, 8], strides = [1, 1]} : vector<1024x8xf32> to vector<512x8xf32>
    %add3A_60 = vector.broadcast %get3A_52 : vector<1x8xf32> to vector<512x8xf32>
    %add3A_61 = arith.addf %slice3A_59, %add3A_60 : vector<512x8xf32>
    %mul3A_62 = arith.mulf %add3A_61, %convert_element_type3A_54 : vector<512x8xf32>
    %reduce_sum3A_63 = arith.constant dense<0.000000e+00> : vector<512xf32>
    %reduce_sum3A_64 = vector.multi_reduction <add>, %mul3A_62, %reduce_sum3A_63 [1] : vector<512x8xf32> to vector<512xf32>
    %broadcast_in_dim3A_65 = vector.shape_cast %argmax3A : vector<512xi32> to vector<512x1xi32>
    %broadcast_in_dim3A_66 = vector.shape_cast %argmax3A_21 : vector<512xi32> to vector<512x1xi32>
    %concatenate3A_67 = tpu.concatenate %broadcast_in_dim3A_65, %broadcast_in_dim3A_66 in 1 : vector<512x1xi32>, vector<512x1xi32> -> vector<512x2xi32>
    %swap3A = arith.constant 0 : index
    %swap3A_68 = arith.constant 0 : index
    %swap3A_69 = vector.load %arg4[%swap3A, %swap3A_68] : memref<512x2xi32, #tpu.memory_space<vmem>>, vector<512x2xi32>
    tpu.vector_store %arg4[%swap3A, %swap3A_68], %concatenate3A_67 {strides = array<i32>} : memref<512x2xi32, #tpu.memory_space<vmem>>, vector<512x2xi32>,
    %broadcast_in_dim3A_70 = vector.shape_cast %reduce_sum3A_58 : vector<512xf32> to vector<512x1xf32>
    %broadcast_in_dim3A_71 = vector.shape_cast %reduce_sum3A_64 : vector<512xf32> to vector<512x1xf32>
    %concatenate3A_72 = tpu.concatenate %broadcast_in_dim3A_70, %broadcast_in_dim3A_71 in 1 : vector<512x1xf32>, vector<512x1xf32> -> vector<512x2xf32>
    %convert_element_type3A_73 = arith.fptosi %concatenate3A_72 : vector<512x2xf32> to vector<512x2xi32>
    %swap3A_74 = arith.constant 0 : index
    %swap3A_75 = arith.constant 0 : index
    %swap3A_76 = vector.load %arg5[%swap3A_74, %swap3A_75] : memref<512x2xi32, #tpu.memory_space<vmem>>, vector<512x2xi32>
    tpu.vector_store %arg5[%swap3A_74, %swap3A_75], %convert_element_type3A_73 {strides = array<i32>} : memref<512x2xi32, #tpu.memory_space<vmem>>, vector<512x2xi32>,
    %broadcast_in_dim3A_77 = vector.shape_cast %div3A_27 : vector<512xf32> to vector<512x1xf32>
    %broadcast_in_dim3A_78 = vector.shape_cast %div3A_28 : vector<512xf32> to vector<512x1xf32>
    %concatenate3A_79 = tpu.concatenate %broadcast_in_dim3A_77, %broadcast_in_dim3A_78 in 1 : vector<512x1xf32>, vector<512x1xf32> -> vector<512x2xf32>
    %swap3A_80 = arith.constant 0 : index
    %swap3A_81 = arith.constant 0 : index
    %swap3A_82 = vector.load %arg6[%swap3A_80, %swap3A_81] : memref<512x2xf32, #tpu.memory_space<vmem>>, vector<512x2xf32>
    tpu.vector_store %arg6[%swap3A_80, %swap3A_81], %concatenate3A_79 {strides = array<i32>} : memref<512x2xf32, #tpu.memory_space<vmem>>, vector<512x2xf32>,
    %convert_element_type3A_83 = arith.extf %concatenate3A : vector<1024x8xbf16> to vector<1024x8xf32>
    %reduce_sum3A_84 = arith.constant dense<0.000000e+00> : vector<8xf32>
    %reduce_sum3A_85 = vector.multi_reduction <add>, %convert_element_type3A_83, %reduce_sum3A_84 [0] : vector<1024x8xf32> to vector<8xf32>
    %broadcast_in_dim3A_86 = vector.shape_cast %reduce_sum3A_85 : vector<8xf32> to vector<1x8xf32>
    %convert_element_type3A_87 = arith.truncf %broadcast_in_dim3A_86 : vector<1x8xf32> to vector<1x8xbf16>
    %convert_element_type3A_88 = arith.extf %convert_element_type3A_87 : vector<1x8xbf16> to vector<1x8xf32>
    %add3A_89 = arith.addf %get3A_52, %convert_element_type3A_88 : vector<1x8xf32>
    %swap3A_90 = arith.constant 0 : index
    %swap3A_91 = arith.constant 0 : index
    %swap3A_92 = vector.load %arg10[%swap3A_90, %swap3A_91] : memref<1x8xf32, #tpu.memory_space<vmem>>, vector<1x8xf32>
    tpu.vector_store %arg10[%swap3A_90, %swap3A_91], %add3A_89 {strides = array<i32>} : memref<1x8xf32, #tpu.memory_space<vmem>>, vector<1x8xf32>,
    %get3A_93 = arith.constant 0 : index
    %get3A_94 = arith.constant 0 : index
    %get3A_95 = vector.load %arg11[%get3A_93, %get3A_94] : memref<1x8xf32, #tpu.memory_space<vmem>>, vector<1x8xf32>
    %reduce_sum3A_96 = arith.constant dense<0.000000e+00> : vector<8xf32>
    %reduce_sum3A_97 = vector.multi_reduction <add>, %div3A_15, %reduce_sum3A_96 [0] : vector<512x8xf32> to vector<8xf32>
    %broadcast_in_dim3A_98 = vector.shape_cast %reduce_sum3A_97 : vector<8xf32> to vector<1x8xf32>
    %add3A_99 = arith.addf %get3A_95, %broadcast_in_dim3A_98 : vector<1x8xf32>
    %swap3A_100 = arith.constant 0 : index
    %swap3A_101 = arith.constant 0 : index
    %swap3A_102 = vector.load %arg11[%swap3A_100, %swap3A_101] : memref<1x8xf32, #tpu.memory_space<vmem>>, vector<1x8xf32>
    tpu.vector_store %arg11[%swap3A_100, %swap3A_101], %add3A_99 {strides = array<i32>} : memref<1x8xf32, #tpu.memory_space<vmem>>, vector<1x8xf32>,
    %eq3A_103 = arith.constant 15 : i32
    %eq3A_104 = arith.cmpi eq, %arg0, %eq3A_103 : i32
    %convert_element_type3A_105 = arith.extui %eq3A_104 : i1 to i32
    %cond3A_106 = arith.constant 0 : i32
    %cond3A_107 = arith.cmpi ne, %convert_element_type3A_105, %cond3A_106 : i32
    scf.if %cond3A_107 {
      %get3A_108 = arith.constant 0 : index
      %get3A_109 = arith.constant 0 : index
      %get3A_110 = vector.load %arg10[%get3A_108, %get3A_109] : memref<1x8xf32, #tpu.memory_space<vmem>>, vector<1x8xf32>
      %div3A_111 = arith.constant 5.120000e+02 : f32
      %div3A_112 = vector.broadcast %div3A_111 : f32 to vector<1x8xf32>
      %div3A_113 = arith.divf %get3A_110, %div3A_112 : vector<1x8xf32>
      %ceil3A = math.ceil %div3A_113 : vector<1x8xf32>
      %mul3A_114 = arith.constant 5.120000e+02 : f32
      %mul3A_115 = vector.broadcast %mul3A_114 : f32 to vector<1x8xf32>
      %mul3A_116 = arith.mulf %ceil3A, %mul3A_115 : vector<1x8xf32>
      %iota3A_117 = tpu.iota {dimensions = array<i32: 0>} : vector<8x8xi32>
      %iota3A_118 = tpu.iota {dimensions = array<i32: 1>} : vector<8x8xi32>
      %lt3A = arith.cmpi slt, %iota3A_117, %iota3A_118 : vector<8x8xi32>
      %convert_element_type3A_119 = arith.extui %lt3A : vector<8x8xi1> to vector<8x8xi32>
      %convert_element_type3A_120 = arith.sitofp %convert_element_type3A_119 : vector<8x8xi32> to vector<8x8xf32>
      %dot_general3A_121 = arith.constant dense<0.000000e+00> : vector<1x8xf32>
      %dot_general3A_122 = tpu.matmul %mul3A_116, %convert_element_type3A_120, %dot_general3A_121 {dimension_numbers = #tpu.dot_dimension_numbers<[1], [0], [0], [1], [0, 0, 1, 1], [], []>, transpose_lhs_hint = false} : vector<1x8xf32>, vector<8x8xf32>, vector<1x8xf32> -> vector<1x8xf32>
      %convert_element_type3A_123 = arith.fptosi %dot_general3A_122 : vector<1x8xf32> to vector<1x8xi32>
      %swap3A_124 = arith.constant 0 : index
      %swap3A_125 = arith.constant 0 : index
      %swap3A_126 = vector.load %arg7[%swap3A_124, %swap3A_125] : memref<1x8xi32, #tpu.memory_space<vmem>>, vector<1x8xi32>
      tpu.vector_store %arg7[%swap3A_124, %swap3A_125], %convert_element_type3A_123 {strides = array<i32>} : memref<1x8xi32, #tpu.memory_space<vmem>>, vector<1x8xi32>,
      %iota3A_127 = tpu.iota {dimensions = array<i32: 1>} : vector<1x40xi32>
      %mul3A_128 = arith.constant 512 : i32
      %mul3A_129 = vector.broadcast %mul3A_128 : i32 to vector<1x40xi32>
      %mul3A_130 = arith.muli %iota3A_127, %mul3A_129 : vector<1x40xi32>
      %broadcast_in_dim3A_131 = arith.constant 0 : i32
      %broadcast_in_dim3A_132 = vector.broadcast %broadcast_in_dim3A_131 : i32 to vector<1x40xi32>
      %slice3A_133 = vector.extract_strided_slice %dot_general3A_122 {offsets = [0, 1], sizes = [1, 1], strides = [1, 1]} : vector<1x8xf32> to vector<1x1xf32>
      %squeeze3A = vector.extract %slice3A_133[0, 0] : f32 from vector<1x1xf32>
      %convert_element_type3A_134 = arith.fptosi %squeeze3A : f32 to i32
      %ge3A = vector.broadcast %convert_element_type3A_134 : i32 to vector<1x40xi32>
      %ge3A_135 = arith.cmpi sge, %mul3A_130, %ge3A : vector<1x40xi32>
      %convert_element_type3A_136 = arith.extui %ge3A_135 : vector<1x40xi1> to vector<1x40xi32>
      %add3A_137 = arith.addi %broadcast_in_dim3A_132, %convert_element_type3A_136 : vector<1x40xi32>
      %slice3A_138 = vector.extract_strided_slice %dot_general3A_122 {offsets = [0, 2], sizes = [1, 1], strides = [1, 1]} : vector<1x8xf32> to vector<1x1xf32>
      %squeeze3A_139 = vector.extract %slice3A_138[0, 0] : f32 from vector<1x1xf32>
      %convert_element_type3A_140 = arith.fptosi %squeeze3A_139 : f32 to i32
      %ge3A_141 = vector.broadcast %convert_element_type3A_140 : i32 to vector<1x40xi32>
      %ge3A_142 = arith.cmpi sge, %mul3A_130, %ge3A_141 : vector<1x40xi32>
      %convert_element_type3A_143 = arith.extui %ge3A_142 : vector<1x40xi1> to vector<1x40xi32>
      %add3A_144 = arith.addi %add3A_137, %convert_element_type3A_143 : vector<1x40xi32>
      %slice3A_145 = vector.extract_strided_slice %dot_general3A_122 {offsets = [0, 3], sizes = [1, 1], strides = [1, 1]} : vector<1x8xf32> to vector<1x1xf32>
      %squeeze3A_146 = vector.extract %slice3A_145[0, 0] : f32 from vector<1x1xf32>
      %convert_element_type3A_147 = arith.fptosi %squeeze3A_146 : f32 to i32
      %ge3A_148 = vector.broadcast %convert_element_type3A_147 : i32 to vector<1x40xi32>
      %ge3A_149 = arith.cmpi sge, %mul3A_130, %ge3A_148 : vector<1x40xi32>
      %convert_element_type3A_150 = arith.extui %ge3A_149 : vector<1x40xi1> to vector<1x40xi32>
      %add3A_151 = arith.addi %add3A_144, %convert_element_type3A_150 : vector<1x40xi32>
      %slice3A_152 = vector.extract_strided_slice %dot_general3A_122 {offsets = [0, 4], sizes = [1, 1], strides = [1, 1]} : vector<1x8xf32> to vector<1x1xf32>
      %squeeze3A_153 = vector.extract %slice3A_152[0, 0] : f32 from vector<1x1xf32>
      %convert_element_type3A_154 = arith.fptosi %squeeze3A_153 : f32 to i32
      %ge3A_155 = vector.broadcast %convert_element_type3A_154 : i32 to vector<1x40xi32>
      %ge3A_156 = arith.cmpi sge, %mul3A_130, %ge3A_155 : vector<1x40xi32>
      %convert_element_type3A_157 = arith.extui %ge3A_156 : vector<1x40xi1> to vector<1x40xi32>
      %add3A_158 = arith.addi %add3A_151, %convert_element_type3A_157 : vector<1x40xi32>
      %slice3A_159 = vector.extract_strided_slice %dot_general3A_122 {offsets = [0, 5], sizes = [1, 1], strides = [1, 1]} : vector<1x8xf32> to vector<1x1xf32>
      %squeeze3A_160 = vector.extract %slice3A_159[0, 0] : f32 from vector<1x1xf32>
      %convert_element_type3A_161 = arith.fptosi %squeeze3A_160 : f32 to i32
      %ge3A_162 = vector.broadcast %convert_element_type3A_161 : i32 to vector<1x40xi32>
      %ge3A_163 = arith.cmpi sge, %mul3A_130, %ge3A_162 : vector<1x40xi32>
      %convert_element_type3A_164 = arith.extui %ge3A_163 : vector<1x40xi1> to vector<1x40xi32>
      %add3A_165 = arith.addi %add3A_158, %convert_element_type3A_164 : vector<1x40xi32>
      %slice3A_166 = vector.extract_strided_slice %dot_general3A_122 {offsets = [0, 6], sizes = [1, 1], strides = [1, 1]} : vector<1x8xf32> to vector<1x1xf32>
      %squeeze3A_167 = vector.extract %slice3A_166[0, 0] : f32 from vector<1x1xf32>
      %convert_element_type3A_168 = arith.fptosi %squeeze3A_167 : f32 to i32
      %ge3A_169 = vector.broadcast %convert_element_type3A_168 : i32 to vector<1x40xi32>
      %ge3A_170 = arith.cmpi sge, %mul3A_130, %ge3A_169 : vector<1x40xi32>
      %convert_element_type3A_171 = arith.extui %ge3A_170 : vector<1x40xi1> to vector<1x40xi32>
      %add3A_172 = arith.addi %add3A_165, %convert_element_type3A_171 : vector<1x40xi32>
      %slice3A_173 = vector.extract_strided_slice %dot_general3A_122 {offsets = [0, 7], sizes = [1, 1], strides = [1, 1]} : vector<1x8xf32> to vector<1x1xf32>
      %squeeze3A_174 = vector.extract %slice3A_173[0, 0] : f32 from vector<1x1xf32>
      %convert_element_type3A_175 = arith.fptosi %squeeze3A_174 : f32 to i32
      %ge3A_176 = vector.broadcast %convert_element_type3A_175 : i32 to vector<1x40xi32>
      %ge3A_177 = arith.cmpi sge, %mul3A_130, %ge3A_176 : vector<1x40xi32>
      %convert_element_type3A_178 = arith.extui %ge3A_177 : vector<1x40xi1> to vector<1x40xi32>
      %add3A_179 = arith.addi %add3A_172, %convert_element_type3A_178 : vector<1x40xi32>
      %swap3A_180 = arith.constant 0 : index
      %swap3A_181 = arith.constant 0 : index
      %swap3A_182 = vector.load %arg8[%swap3A_180, %swap3A_181] : memref<1x40xi32, #tpu.memory_space<vmem>>, vector<1x40xi32>
      tpu.vector_store %arg8[%swap3A_180, %swap3A_181], %add3A_179 {strides = array<i32>} : memref<1x40xi32, #tpu.memory_space<vmem>>, vector<1x40xi32>,
      %get3A_183 = arith.constant 0 : index
      %get3A_184 = arith.constant 0 : index
      %get3A_185 = vector.load %arg11[%get3A_183, %get3A_184] : memref<1x8xf32, #tpu.memory_space<vmem>>, vector<1x8xf32>
      %div3A_186 = arith.constant 8.192000e+03 : f32
      %div3A_187 = vector.broadcast %div3A_186 : f32 to vector<1x8xf32>
      %div3A_188 = arith.divf %get3A_185, %div3A_187 : vector<1x8xf32>
      %max3A_189 = arith.constant 9.99999971E-10 : f32
      %max3A_190 = vector.broadcast %max3A_189 : f32 to vector<1x8xf32>
      %max3A_191 = arith.maximumf %div3A_188, %max3A_190 : vector<1x8xf32>
      %log3A = math.log %max3A_191 : vector<1x8xf32>
      %mul3A_192 = arith.mulf %div3A_188, %log3A : vector<1x8xf32>
      %reduce_sum3A_193 = arith.constant dense<0.000000e+00> : vector<1xf32>
      %reduce_sum3A_194 = vector.multi_reduction <add>, %mul3A_192, %reduce_sum3A_193 [1] : vector<1x8xf32> to vector<1xf32>
      %broadcast_in_dim3A_195 = vector.shape_cast %reduce_sum3A_194 : vector<1xf32> to vector<1x1xf32>
      %log3A_196 = arith.constant 8.000000e+00 : f32
      %log3A_197 = math.log %log3A_196 : f32
      %add3A_198 = vector.broadcast %log3A_197 : f32 to vector<1x1xf32>
      %add3A_199 = arith.addf %broadcast_in_dim3A_195, %add3A_198 : vector<1x1xf32>
      %mul3A_200 = arith.constant 0.00999999977 : f32
      %mul3A_201 = vector.broadcast %mul3A_200 : f32 to vector<1x1xf32>
      %mul3A_202 = arith.mulf %mul3A_201, %add3A_199 : vector<1x1xf32>
      %swap3A_203 = arith.constant 0 : index
      %swap3A_204 = arith.constant 0 : index
      %swap3A_205 = vector.load %arg9[%swap3A_203, %swap3A_204] : memref<1x1xf32, #tpu.memory_space<vmem>>, vector<1x1xf32>
      tpu.vector_store %arg9[%swap3A_203, %swap3A_204], %mul3A_202 {strides = array<i32>} : memref<1x1xf32, #tpu.memory_space<vmem>>, vector<1x1xf32>,
    } else {
    }
    return
  }
  func.func @transform_0(%arg0: i32) -> (i32, i32) {
    %c0_i32 = arith.constant 0 : i32
    %c0_i32_0 = arith.constant 0 : i32
    return %arg0, %c0_i32 : i32, i32
  }
  func.func @transform_1(%arg0: i32) -> (i32, i32) {
    %c0_i32 = arith.constant 0 : i32
    %c0_i32_0 = arith.constant 0 : i32
    %c0_i32_1 = arith.constant 0 : i32
    return %c0_i32, %c0_i32_0 : i32, i32
  }
  func.func @transform_2(%arg0: i32) -> (i32, i32) {
    %c0_i32 = arith.constant 0 : i32
    %c0_i32_0 = arith.constant 0 : i32
    %c0_i32_1 = arith.constant 0 : i32
    return %c0_i32, %c0_i32_0 : i32, i32
  }
  func.func @transform_3(%arg0: i32) -> (i32, i32) {
    %c0_i32 = arith.constant 0 : i32
    %c0_i32_0 = arith.constant 0 : i32
    return %arg0, %c0_i32 : i32, i32
  }
  func.func @transform_4(%arg0: i32) -> (i32, i32) {
    %c0_i32 = arith.constant 0 : i32
    %c0_i32_0 = arith.constant 0 : i32
    return %arg0, %c0_i32 : i32, i32
  }
  func.func @transform_5(%arg0: i32) -> (i32, i32) {
    %c0_i32 = arith.constant 0 : i32
    %c0_i32_0 = arith.constant 0 : i32
    return %arg0, %c0_i32 : i32, i32
  }
  func.func @transform_6(%arg0: i32) -> (i32, i32) {
    %c0_i32 = arith.constant 0 : i32
    %c0_i32_0 = arith.constant 0 : i32
    %c0_i32_1 = arith.constant 0 : i32
    return %c0_i32, %c0_i32_0 : i32, i32
  }
  func.func @transform_7(%arg0: i32) -> (i32, i32) {
    %c0_i32 = arith.constant 0 : i32
    %c0_i32_0 = arith.constant 0 : i32
    %c0_i32_1 = arith.constant 0 : i32
    return %c0_i32, %c0_i32_0 : i32, i32
  }
  func.func @transform_8(%arg0: i32) -> (i32, i32) {
    %c0_i32 = arith.constant 0 : i32
    %c0_i32_0 = arith.constant 0 : i32
    %c0_i32_1 = arith.constant 0 : i32
    return %c0_i32, %c0_i32_0 : i32, i32
  }
}

module attributes {stable_mosaic.version = 14 : i64} {
  func.func @_gmm_kernel(%arg0: i32, %arg1: memref<40xi32, #tpu.memory_space<smem>>, %arg2: memref<512x768xf32, #tpu.memory_space<vmem>>, %arg3: memref<8x768x768xf32, #tpu.memory_space<vmem>>, %arg4: memref<8x768xf32, #tpu.memory_space<vmem>>, %arg5: memref<512x768xf32, #tpu.memory_space<vmem>>, %arg6: memref<8x768x768xbf16, #tpu.memory_space<vmem>>) attributes {dimension_semantics = [#tpu.dimension_semantics<arbitrary>], iteration_bounds = array<i64: 40>, scalar_prefetch = 1 : i64, scratch_operands = 1 : i64, tpu.core_type = #tpu.core_type<tc>, window_params = [{transform_indices = @transform_0, window_bounds = array<i64: 512, 768>}, {pipeline_mode = #tpu.pipeline_mode<synchronous>, transform_indices = @transform_1, window_bounds = array<i64: 8, 768, 768>}, {pipeline_mode = #tpu.pipeline_mode<synchronous>, transform_indices = @transform_2, window_bounds = array<i64: 8, 768>}, {transform_indices = @transform_3, window_bounds = array<i64: 512, 768>}]} {
    %get3A = arith.index_cast %arg0 : i32 to index
    %get3A_0 = memref.load %arg1[%get3A] : memref<40xi32, #tpu.memory_space<smem>>
    %eq3A = arith.constant 0 : i32
    %eq3A_1 = arith.cmpi eq, %arg0, %eq3A : i32
    %convert_element_type3A = arith.extui %eq3A_1 : i1 to i32
    %cond3A = arith.constant 0 : i32
    %cond3A_2 = arith.cmpi ne, %convert_element_type3A, %cond3A : i32
    scf.if %cond3A_2 {
      %get3A_20 = arith.constant 0 : index
      %get3A_21 = arith.constant 0 : index
      %get3A_22 = arith.constant 0 : index
      %get3A_23 = vector.load %arg3[%get3A_20, %get3A_21, %get3A_22] : memref<8x768x768xf32, #tpu.memory_space<vmem>>, vector<8x768x768xf32>
      %convert_element_type3A_24 = arith.truncf %get3A_23 : vector<8x768x768xf32> to vector<8x768x768xbf16>
      %swap3A_25 = arith.constant 0 : index
      %swap3A_26 = arith.constant 0 : index
      %swap3A_27 = arith.constant 0 : index
      %swap3A_28 = vector.load %arg6[%swap3A_25, %swap3A_26, %swap3A_27] : memref<8x768x768xbf16, #tpu.memory_space<vmem>>, vector<8x768x768xbf16>
      tpu.vector_store %arg6[%swap3A_25, %swap3A_26, %swap3A_27], %convert_element_type3A_24 {strides = array<i32>} : memref<8x768x768xbf16, #tpu.memory_space<vmem>>, vector<8x768x768xbf16>,
    } else {
    }
    %get3A_3 = arith.constant 0 : index
    %get3A_4 = arith.constant 0 : index
    %get3A_5 = vector.load %arg2[%get3A_3, %get3A_4] : memref<512x768xf32, #tpu.memory_space<vmem>>, vector<512x768xf32>
    %convert_element_type3A_6 = arith.truncf %get3A_5 : vector<512x768xf32> to vector<512x768xbf16>
    %get3A_7 = arith.index_cast %get3A_0 : i32 to index
    %get3A_8 = arith.constant 0 : index
    %get3A_9 = arith.constant 0 : index
    %get3A_10 = vector.load %arg6[%get3A_7, %get3A_8, %get3A_9] : memref<8x768x768xbf16, #tpu.memory_space<vmem>>, vector<1x768x768xbf16>
    %get3A_11 = vector.shape_cast %get3A_10 : vector<1x768x768xbf16> to vector<768x768xbf16>
    %dot_general3A = arith.constant dense<0.000000e+00> : vector<512x768xf32>
    %dot_general3A_12 = tpu.matmul %convert_element_type3A_6, %get3A_11, %dot_general3A {dimension_numbers = #tpu.dot_dimension_numbers<[1], [0], [0], [1], [0, 0, 1, 1], [], []>, transpose_lhs_hint = false} : vector<512x768xbf16>, vector<768x768xbf16>, vector<512x768xf32> -> vector<512x768xf32>
    %get3A_13 = arith.index_cast %get3A_0 : i32 to index
    %get3A_14 = arith.constant 0 : index
    %get3A_15 = vector.load %arg4[%get3A_13, %get3A_14] : memref<8x768xf32, #tpu.memory_space<vmem>>, vector<1x768xf32>
    %get3A_16 = vector.shape_cast %get3A_15 : vector<1x768xf32> to vector<768xf32>
    %broadcast_in_dim3A = vector.shape_cast %get3A_16 : vector<768xf32> to vector<1x768xf32>
    %add3A = vector.broadcast %broadcast_in_dim3A : vector<1x768xf32> to vector<512x768xf32>
    %add3A_17 = arith.addf %dot_general3A_12, %add3A : vector<512x768xf32>
    %swap3A = arith.constant 0 : index
    %swap3A_18 = arith.constant 0 : index
    %swap3A_19 = vector.load %arg5[%swap3A, %swap3A_18] : memref<512x768xf32, #tpu.memory_space<vmem>>, vector<512x768xf32>
    tpu.vector_store %arg5[%swap3A, %swap3A_18], %add3A_17 {strides = array<i32>} : memref<512x768xf32, #tpu.memory_space<vmem>>, vector<512x768xf32>,
    return
  }
  func.func @transform_0(%arg0: i32, %arg1: memref<40xi32, #tpu.memory_space<smem>>) -> (i32, i32) {
    %c0_i32 = arith.constant 0 : i32
    %c0_i32_0 = arith.constant 0 : i32
    return %arg0, %c0_i32 : i32, i32
  }
  func.func @transform_1(%arg0: i32, %arg1: memref<40xi32, #tpu.memory_space<smem>>) -> (i32, i32, i32) {
    %c0_i32 = arith.constant 0 : i32
    %c0_i32_0 = arith.constant 0 : i32
    %c0_i32_1 = arith.constant 0 : i32
    %c0_i32_2 = arith.constant 0 : i32
    return %c0_i32, %c0_i32_0, %c0_i32_1 : i32, i32, i32
  }
  func.func @transform_2(%arg0: i32, %arg1: memref<40xi32, #tpu.memory_space<smem>>) -> (i32, i32) {
    %c0_i32 = arith.constant 0 : i32
    %c0_i32_0 = arith.constant 0 : i32
    %c0_i32_1 = arith.constant 0 : i32
    return %c0_i32, %c0_i32_0 : i32, i32
  }
  func.func @transform_3(%arg0: i32, %arg1: memref<40xi32, #tpu.memory_space<smem>>) -> (i32, i32) {
    %c0_i32 = arith.constant 0 : i32
    %c0_i32_0 = arith.constant 0 : i32
    return %arg0, %c0_i32 : i32, i32
  }
}

</mosaic_0001>

<sc_bundles>
// kernel: kernel.10.cloned.1.call-start
scs
__scs_entry_jumppad:
0x0: {  	(pc) =	sbr.rel $0x88, $3  }
0x1: {  	(tag) =	ssettag $0x0;
	lr =	simm.s32 $0x1  }
0x2: {  	[smem:$0x3F9C] =	sst lr;
	_ =	strace $0xD0000000  }
0x3: {  	_ = 	snop  }
0x4: {  	_ = 	snop  }
0x5: {  	_ = 	snop  }
0x6: {  	_ = 	snop  }
0x7: {  	_ = 	snop  }
__scs_overlays_trampoline_lowered:
0x8: {  	[smem:$0x3FAB] =	sst s0  }
0x9: {  	[smem:$0x3FAC] =	sst s1  }
0xa: {  	[smem:$0x3FAD] =	sst s2  }
0xb: {  	[smem:$0x3FAE] =	sst s3  }
0xc: {  	[smem:$0x3FAF] =	sst s4  }
0xd: {  	[smem:$0x3FB0] =	sst s5  }
0xe: {  	[smem:$0x3FB1] =	sst s6  }
0xf: {  	[smem:$0x3FB2] =	sst s7  }
0x10: {  	[smem:$0x3FB3] =	sst s8  }
0x11: {  	[smem:$0x3FB4] =	sst s9;
	s0 =	simm.s32 @!p0 $0x0  }
0x12: {  	s1 =	sld [smem:$0x3F9A];
	s0 =	simm.s32 @p0 $0x1  }
0x13: {  	[smem:$0x3FB5] =	sst s0;
	s0 =	simm.s32 @!p1 $0x0  }
0x14: {  	s2 =	sld [smem:$0x3F99];
	s0 =	simm.s32 @p1 $0x1  }
0x15: {  	[smem:$0x3FB6] =	sst s0;
	s0 =	simm.s32 @!p2 $0x0  }
0x16: {  	s3 =	sld [smem:$0x3FDB];
	s0 =	simm.s32 @p2 $0x1  }
0x17: {  	s4 =	simm.s32 $0x1BF5;
	[smem:$0x3FB8] =	sst s0  }
0x18: {  	s0 =	sld [smem:$0x3F9B];
	_ =	swait.ge [sflag:s4], $0x0  }
0x19: {  	s7 =	sld [smem:$0x3F9C]  }
0x1a: {  	s8 =	sadd.s32 $0xFFFFE003, lr  }
0x1b: {  	s9 =	sadd.s32 $0xFFFFFEF7, lr;
	s5 =	simm.s32 $0xFFFFFFFF;
	p2 =	slt.u32 s8, $0xFFFFF086  }
0x1c: {  	p1 =	slt.u32 s9, $0xF7A;
	s5 =	simm.s32 @!p2 $0x0  }
0x1d: {  	s5 =	simm.s32 @p1 $0x1;
	p0 =	seq.s32 s7, s2  }
0x1e: {  	s7 =	smul.u32 @!p0 $0xF7A, s2;
	p2 =	seq.s32 @!p0 s5, $0x0  }
0x1f: {  	s9 =	smul.u32 $0xF7A, s1;
	s8 =	simm.s32 @!p0 $0x1BF5;
	p2 =	por !p2, p0  }
0x20: {  	[sflag:s8] =	ssyncset.s32 @!p0 $0xFFFFF086;
	s6 =	sadd.s32 @!p0 s3, s7;
	s7 =	simm.s32 @!p0 $0x108  }
0x21: {  	s3 =	sadd.s32 s3, s9;
	s6 =	sadd.s32 @!p0 $0x88, s6;
	s7 =	simm.s32 @p2 $0x1082  }
0x22: {  	[simem:s7], [sflag:s8] =	dma.local @!p0 [hbm:s6], $0xF7A  }
0x23: {  	s9 =	sor.u32 $0xD0000000, s2;
	s6 =	simm.s32 $0x108;
	_ =	swait.ge @!p0 [sflag:s8], $0x0  }
0x24: {  	s3 =	sadd.s32 $0x88, s3;
	s6 =	simm.s32 @!p1 $0x1082;
	[sflag:s4] =	ssyncset.s32 $0xFFFFF086  }
0x25: {  	[simem:s6], [sflag:s4] =	dma.local [hbm:s3], $0xF7A  }
0x26: {  	[smem:$0x3F9C] =	sst s1;
	(tag) =	ssettag s2;
	_ =	strace s9  }
0x27: {  	s1 =	sld [smem:$0x3FAC]  }
0x28: {  	s2 =	sld [smem:$0x3FAD]  }
0x29: {  	s4 =	sld [smem:$0x3FAF]  }
0x2a: {  	p0 =	seq.s32 s5, $0x0;
	s5 =	sld [smem:$0x3FB0]  }
0x2b: {  	s6 =	sld [smem:$0x3FB1]  }
0x2c: {  	s7 =	sld [smem:$0x3FB2]  }
0x2d: {  	s3 =	simm.s32 $0x108;
	s8 =	sld [smem:$0x3FB3]  }
0x2e: {  	s3 =	simm.s32 @!p0 $0x1082;
	s9 =	sld [smem:$0x3FB4]  }
0x2f: {  	lr =	sadd.s32 s0, s3;
	s0 =	sld [smem:$0x3FAB]  }
0x30: {  	s3 =	sld [smem:$0x3FAE]  }
0x31: {  	[smem:$0x3FB7] =	sst s10  }
0x32: {  	s10 =	sld [smem:$0x3FB5];
	_ =	sdelay $0x3  }
0x33: {  	p0 =	seq.s32 s10, $0x1;
	s10 =	sld [smem:$0x3FB7];
	_ =	sdelay $0x3  }
0x34: {  	[smem:$0x3FB7] =	sst s10  }
0x35: {  	s10 =	sld [smem:$0x3FB6];
	_ =	sdelay $0x3  }
0x36: {  	p1 =	seq.s32 s10, $0x1;
	s10 =	sld [smem:$0x3FB7];
	_ =	sdelay $0x3  }
0x37: {  	[smem:$0x3FB7] =	sst s10  }
0x38: {  	s10 =	sld [smem:$0x3FB8]  }
0x39: {  	_ = 	snop;
	(pc) =	sbr.ind lr, $3  }
0x3a: {  	_ = 	snop  }
0x3b: {  	_ = 	snop  }
0x3c: {  	p2 =	seq.s32 s10, $0x1;
	s10 =	sld [smem:$0x3FB7]  }
0x3d: {  	_ =	shalt  }
0x3e: {  	_ =	shalt  }
0x3f: {  	_ =	shalt  }
0x40: {  	_ =	shalt  }
0x41: {  	_ =	shalt  }
0x42: {  	_ =	shalt  }
0x43: {  	_ =	shalt  }
0x44: {  	_ =	shalt  }
0x45: {  	_ =	shalt  }
0x46: {  	_ =	shalt  }
0x47: {  	_ =	shalt  }
0x48: {  	_ =	shalt  }
0x49: {  	_ =	shalt  }
0x4a: {  	_ =	shalt  }
0x4b: {  	_ =	shalt  }
0x4c: {  	_ =	shalt  }
0x4d: {  	_ =	shalt  }
0x4e: {  	_ =	shalt  }
0x4f: {  	_ =	shalt  }
0x50: {  	_ =	shalt  }
0x51: {  	_ =	shalt  }
0x52: {  	_ =	shalt  }
0x53: {  	_ =	shalt  }
0x54: {  	_ =	shalt  }
0x55: {  	_ =	shalt  }
0x56: {  	_ =	shalt  }
0x57: {  	_ =	shalt  }
0x58: {  	_ =	shalt  }
0x59: {  	_ =	shalt  }
0x5a: {  	_ =	shalt  }
0x5b: {  	_ =	shalt  }
0x5c: {  	_ =	shalt  }
0x5d: {  	_ =	shalt  }
0x5e: {  	_ =	shalt  }
0x5f: {  	_ =	shalt  }
0x60: {  	_ =	shalt  }
0x61: {  	_ =	shalt  }
0x62: {  	_ =	shalt  }
0x63: {  	_ =	shalt  }
0x64: {  	_ =	shalt  }
0x65: {  	_ =	shalt  }
0x66: {  	_ =	shalt  }
0x67: {  	_ =	shalt  }
0x68: {  	_ =	shalt  }
0x69: {  	_ =	shalt  }
0x6a: {  	_ =	shalt  }
0x6b: {  	_ =	shalt  }
0x6c: {  	_ =	shalt  }
0x6d: {  	_ =	shalt  }
0x6e: {  	_ =	shalt  }
0x6f: {  	_ =	shalt  }
0x70: {  	_ =	shalt  }
0x71: {  	_ =	shalt  }
0x72: {  	_ =	shalt  }
0x73: {  	_ =	shalt  }
0x74: {  	_ =	shalt  }
0x75: {  	_ =	shalt  }
0x76: {  	_ =	shalt  }
0x77: {  	_ =	shalt  }
0x78: {  	_ =	shalt  }
0x79: {  	_ =	shalt  }
0x7a: {  	_ =	shalt  }
0x7b: {  	_ =	shalt  }
0x7c: {  	_ =	shalt  }
0x7d: {  	_ =	shalt  }
0x7e: {  	_ =	shalt  }
0x7f: {  	_ =	shalt  }
0x80: {  	_ =	shalt  }
0x81: {  	_ =	shalt  }
0x82: {  	_ =	shalt  }
0x83: {  	_ =	shalt  }
0x84: {  	_ =	shalt  }
0x85: {  	_ =	shalt  }
0x86: {  	_ =	shalt  }
0x87: {  	_ =	shalt  }
.Lfunc_end0:
.L_simem_size_0:
called_computation.1_lowered:
.L_overlay_start_0:
0x88: {  	s2 =	sld [smem:$0x3FD9]  }
0x89: {  	s3 =	sld [smem:$0x3FFE];
	_ =	sdelay $0x1  }
0x8a: {  	s1 =	srdreg.scid  }
0x8b: {  	s0 =	sand.u32 $0x1, s1  }
0x8c: {  	s14 =	sshll.u32 s0, $0xA;
	s2 =	sadd.s32 s3, s2  }
0x8d: {  	s2 =	sadd.s32 s2, s14  }
0x8e: {  	[smem:$0x3FC3] =	sst s2  }
0x8f: {  	_ = 	snop  }
0x90: {  	s2 =	sld [smem:$0x3FD0];
	_ =	sdelay $0x2  }
0x91: {  	s15 =	simm.s32 $0xA;
	s4 =	simm.s32 $0x10  }
0x92: {  	[smem:s4], [sflag:s15] =	dma.local [hbm:s2], $0x1  }
0x93: {  	_ =	swait.eq [sflag:s15], $0x1  }
0x94: {  	[sflag:s15] =	ssyncset.done $0x0  }
0x95: {  	[sflag:s15] =	ssyncadd.s32 $0xFFFFFFFF  }
0x96: {  	s16 =	sld [smem:$0x10];
	(tm) =	ssettm $0x1  }
0x97: {  	s17 =	sld [smem:$0x3FFB];
	_ =	sdelay $0x3  }
0x98: {  	_ =	strace s17  }
0x99: {  	s3 =	sld [smem:$0x3FFC];
	_ =	sdelay $0x3  }
0x9a: {  	_ =	strace s3  }
0x9b: {  	s3 =	sld [smem:$0x3FFD];
	_ =	sdelay $0x3  }
0x9c: {  	_ =	strace s3  }
0x9d: {  	_ =	strace $0x8FFFFFFF  }
0x9e: {  	s18 =	sld [smem:$0x3FDB];
	_ =	sdelay $0x1  }
0x9f: {  	s19 =	simm.s32 $_scs_section_size  }
0xa0: {  	s5 =	simm.s32 $_size__tile_overlayer_lowered;
	s6 =	simm.s32 $_tile_overlayer_lowered  }
0xa1: {  	s22 =	simm.s32 $0x1BFF;
	s21 =	sshll.u32 s6, $0x1;
	s3 =	sadd.s32 s19, s18  }
0xa2: {  	s7 =	simm.s32 $0x0;
	s20 =	sshll.u32 s5, $0x1;
	s5 =	sadd.s32 s21, s3  }
0xa3: {  	[timem:s7], [sflag:s22] =	dma.local [hbm:s5], s20  }
0xa4: {  	_ =	swait.ge [sflag:s22], s20  }
0xa5: {  	s4 =	ssub.s32 $0x0, s20;
	[sflag:s22] =	ssyncset.done $0x0  }
0xa6: {  	[sflag:s22] =	ssyncadd.s32 s4;
	_ =	sdelay $0x1  }
0xa7: {  	s23 =	simm.s32 $0x1B8B  }
0xa8: {  	_ =	swait.ge [sflag:s23], $0x1  }
0xa9: {  	[sflag:s23] =	ssyncset.done $0x0  }
0xaa: {  	s25 =	simm.s32 $0x1B8E;
	s24 =	sld [smem:$0x3FFE];
	[sflag:s23] =	ssyncadd.s32 $0xFFFFFFFF  }
0xab: {  	s26 =	simm.s32 $execute0_lowered;
	[smem:$0x3FD2] =	sst s25  }
0xac: {  	s5 =	sshll.u32 s26, $0x1;
	_ =	strace $0x80000049;
	[dreg:$0x1] =	wrdreg $0xFFFFFFFF  }
0xad: {  	s28 =	simm.s32 $_size_execute0_lowered;
	s3 =	sadd.s32 s3, s5;
	[dreg:$0x0] =	wrdreg $0x0  }
0xae: {  	s5 =	sshll.u32 s28, $0x1;
	[dreg:$0x2] =	wrdreg s3  }
0xaf: {  	[dreg:$0x3] =	wrdreg s5  }
0xb0: {  	[dreg:$0x4] =	wrdreg $0xC0  }
0xb1: {  	_ =	task [dreg:s7], $0x5FFFF  }
0xb2: {  	[dreg:$0x1] =	wrdreg $0xFFFFFFFF  }
0xb3: {  	[dreg:$0x0] =	wrdreg $0x60  }
0xb4: {  	[dreg:$0x2] =	wrdreg s24  }
0xb5: {  	[dreg:$0x3] =	wrdreg s16  }
0xb6: {  	[dreg:$0x4] =	wrdreg $0x9  }
0xb7: {  	_ =	task.clear_ibuf [dreg:s7], $0x5FFFF;
	_ =	strace $0x90000049  }
0xb8: {  	s29 =	simm.s32 $0x9;
	_ =	strace $0x8000004B  }
0xb9: {  	_ =	swait.ge [sflag:s29], $0x1  }
0xba: {  	[sflag:s29] =	ssyncadd.s32 $0xFFFFFFFF  }
0xbb: {  	_ =	strace $0x9000004B  }
0xbc: {  	_ =	sfence  }
0xbd: {  	s30 =	sld [smem:$0x0];
	_ =	sdelay $0x2  }
0xbe: {  	s31 =	sshll.u32 s1, $0xD;
	s1 =	sshrl.u32 s1, $0x2  }
0xbf: {  	s3 =	sand.u32 $0x4000, s31;
	s1 =	sadd.s32 s1, s30  }
0xc0: {  	s0 =	sor.u32 s3, s0;
	s1 =	sshll.u32 s1, $0x11  }
0xc1: {  	s0 =	sor.u32 s1, s0  }
0xc2: {  	s0 =	sadd.s32 $0x8F2B, s0  }
0xc3: {  	[sflag:s0] =	ssyncadd.remote.s32 $0x1  }
0xc4: {  	_ =	sfence.sel $0xFFFF  }
0xc5: {  	[dreg:$0x0] =	wrdreg $0xFFFFFFFF;
	(pc) =	sbr.abs _section_cstart, $3  }
0xc6: {  	[dreg:$0x1] =	wrdreg $0xFFFFFFFF  }
0xc7: {  	_ =	task.clear_ibuf [dreg:s7], $0x2FFFF;
	_ =	strace $0x9FFFFFFF  }
0xc8: {  	(tm) =	ssettm $0x7FFFFFFF  }
0xc9: {  	_ =	shalt  }
tec
execute0_lowered:
.L_overlay_start_1:
0x0: {  	(tag) =	ssettag $0x1  }
0x1: {  	s3 =	srdreg.scid;
	s5 =	stileid.u32  }
0x2: {  	s4 =	sand.u32 $0x1, s3;
	s13 =	sshll.u32 s5, $0x1  }
0x3: {  	s0 =	rddreg [dreg:$0x0];
	s5 =	sor.u32 s4, s13  }
0x4: {  	s1 =	rddreg [dreg:$0x1];
	s6 =	sshll.u32 s5, $0x6;
	s14 =	sshll.u32 s5, $0xA  }
0x5: {  	s2 =	simm.s32 $0x0;
	s8 =	sadd.s32 s6, s0;
	s6 =	sadd.s32 s14, s0  }
0x6: {  	[smem:$0x7FF] =	sst s2;
	s6 =	sadd.s32 $0x1E2C00, s6  }
0x7: {  	_ =	strace $0x8000004A;
	s15 =	sadd.s32 $0x2400, s8;
	[dreg:$0x3] =	wrdreg s6  }
0x8: {  	s9 =	smul.u32 $0x6000, s5;
	s16 =	sadd.s32 $0x2408, s8;
	[dreg:$0x4] =	wrdreg s15  }
0x9: {  	s19 =	sadd.s32 $0x2410, s8;
	[dreg:$0x6] =	wrdreg s16  }
0xa: {  	s3 =	sadd.s32 $0x1EAC00, s0;
	s9 =	sadd.s32 s1, s9;
	[dreg:$0x8] =	wrdreg s19  }
0xb: {  	s4 =	ssub.s32 $0x2, s4;
	s21 =	sadd.s32 $0x2418, s8;
	[dreg:$0x5] =	wrdreg s9  }
0xc: {  	s7 =	sshrl.u32 s4, $0x1;
	s23 =	sadd.s32 $0x2420, s8;
	[dreg:$0xa] =	wrdreg s21  }
0xd: {  	s5 =	smul.u32 $0x30000, s5;
	s25 =	sadd.s32 $0x2428, s8;
	[dreg:$0xc] =	wrdreg s23  }
0xe: {  	s4 =	ssub.s32 s4, s7;
	s28 =	sadd.s32 $0x2430, s8;
	[dreg:$0xe] =	wrdreg s25  }
0xf: {  	s7 =	sadd.s32 $0x1EAE00, s0;
	s30 =	sadd.s32 $0x2438, s8;
	[dreg:$0x10] =	wrdreg s28  }
0x10: {  	s17 =	sshrl.u32 s5, $0x3;
	s31 =	smax.u32 s4, $0x1;
	[dreg:$0x12] =	wrdreg s30  }
0x11: {  	s6 =	sadd.s32 $0x1EAD00, s0;
	s18 =	sadd.s32 $0xC00, s9;
	[dreg:$0x14] =	wrdreg s31  }
0x12: {  	s0 =	sadd.s32 s1, s17;
	s20 =	sadd.s32 $0x1800, s9;
	[dreg:$0x7] =	wrdreg s18  }
0x13: {  	[dreg:$0x9] =	wrdreg s20;
	s22 =	sadd.s32 $0x2400, s0  }
0x14: {  	s24 =	sadd.s32 $0x3000, s0;
	[dreg:$0xb] =	wrdreg s22  }
0x15: {  	s8 =	simm.s32 $0xE400;
	s26 =	sadd.s32 $0x3C00, s0;
	[dreg:$0xd] =	wrdreg s24  }
0x16: {  	s19 =	simm.s32 $0xC400;
	s29 =	sadd.s32 $0x4800, s0;
	[dreg:$0xf] =	wrdreg s26  }
0x17: {  	v2 =	vlaneseq.u32;
	s21 =	simm.s32 $0xD400;
	s0 =	sadd.s32 $0x5400, s0;
	[dreg:$0x11] =	wrdreg s29  }
0x18: {  	vm0 =	vmmov $0xffff;
	v1 =	vshrl.u32 v2, $0x3;
	s23 =	simm.s32 $0x1;
	s20 =	simm.s32 $0xCC00;
	[dreg:$0x13] =	wrdreg s0  }
0x19: {  	v0 =	vand.u32 $0x7, v2;
	v2 =	vor.u32 $0x8, v2;
	v1 =	vmul.u32 $0x8, v1;
	s24 =	simm.s32 $0x2;
	s22 =	simm.s32 $0xDC00;
	s26 =	simm.s32 $0x0  }
.LBB2_1:
0x1a: {  	s0 =	rddreg [dreg:$0x3]  }
0x1b: {  	[tilespmem:s2], [sflag:$0x2] =	stream.linear.gather [hbm4b:s0+s2], $0x2000, $0x38;
	[tilespmem:$0x14400] =	vst v63  }
0x1c: {  	_ =	swait.ge [sflag:s24], $0x2000  }
0x1d: {  	[sflag:s24] =	ssyncset.done $0x0  }
0x1e: {  	s1 =	simm.s32 $0x2000;
	s25 =	rddreg [dreg:$0x4];
	[sflag:s24] =	ssyncadd.s32 $0xFFFFE000  }
0x1f: {  	[tilespmem:s1], [sflag:$0x2] =	stream.linear.gather [hbm4b:s25+s2], $0x40, $0x38;
	[tilespmem:$0x14400] =	vst v63  }
0x20: {  	_ =	swait.ge [sflag:s24], $0x40  }
0x21: {  	[sflag:s24] =	ssyncset.done $0x0  }
0x22: {  	[sflag:s24] =	ssyncadd.s32 $0xFFFFFFC0  }
0x23: {  	v3 =	vld [tilespmem:$0x2000];
	_ =	sdelay $0x4  }
0x24: {  	v4 =	vshrl.u32 v3, $0x3  }
0x25: {  	v4 =	vmul.u32 $0x30, v4  }
0x26: {  	v3 =	vand.u32 $0x7, v3  }
0x27: {  	v3 =	vor.u32 v3, v4  }
0x28: {  	v4 =	vperm.xlane v3, v0;
	_ =	sdelay $0x1  }
0x29: {  	v4 =	vadd.s32 v1, v4;
	_ =	sdelay $0x3  }
0x2a: {  	s29 =	simm.s32 $0x2400;
	v3 =	vperm.xlane v3, v2  }
0x2b: {  	[tilespmem:s29], [sflag:$0x1] =	stream.indirect_vreg.gather [hbm4b:s3+s2], $0x80, v4, vm0, $0xb8;
	[tilespmem:$0x14400] =	vst v63  }
0x2c: {  	s30 =	simm.s32 $0x2C00;
	v3 =	vadd.s32 v1, v3  }
0x2d: {  	[tilespmem:s30], [sflag:$0x1] =	stream.indirect_vreg.gather [hbm4b:s6+s2], $0x80, v4, vm0, $0xb8;
	[tilespmem:$0x14400] =	vst v63  }
0x2e: {  	s31 =	simm.s32 $0x3400  }
0x2f: {  	[tilespmem:s31], [sflag:$0x1] =	stream.indirect_vreg.gather [hbm4b:s7+s2], $0x80, v4, vm0, $0xb8;
	[tilespmem:$0x14400] =	vst v63  }
0x30: {  	s1 =	simm.s32 $0x3C00  }
0x31: {  	[tilespmem:s1], [sflag:$0x1] =	stream.indirect_vreg.gather [hbm4b:s3+s2], $0x80, v3, vm0, $0xb8;
	[tilespmem:$0x14400] =	vst v63  }
0x32: {  	s4 =	simm.s32 $0x4400  }
0x33: {  	[tilespmem:s4], [sflag:$0x1] =	stream.indirect_vreg.gather [hbm4b:s6+s2], $0x80, v3, vm0, $0xb8;
	[tilespmem:$0x14400] =	vst v63  }
0x34: {  	s5 =	simm.s32 $0x4C00  }
0x35: {  	[tilespmem:s5], [sflag:$0x1] =	stream.indirect_vreg.gather [hbm4b:s7+s2], $0x80, v3, vm0, $0xb8;
	[tilespmem:$0x14400] =	vst v63  }
0x36: {  	v3 =	vld [tilespmem:$0x2010];
	_ =	sdelay $0x4  }
0x37: {  	v61 =	vshrl.u32 v3, $0x3  }
0x38: {  	v4 =	vmul.u32 $0x30, v61  }
0x39: {  	v3 =	vand.u32 $0x7, v3  }
0x3a: {  	v3 =	vor.u32 v3, v4  }
0x3b: {  	v4 =	vperm.xlane v3, v0;
	_ =	sdelay $0x1  }
0x3c: {  	v4 =	vadd.s32 v1, v4;
	_ =	sdelay $0x3  }
0x3d: {  	s9 =	simm.s32 $0x5400;
	v3 =	vperm.xlane v3, v2  }
0x3e: {  	[tilespmem:s9], [sflag:$0x1] =	stream.indirect_vreg.gather [hbm4b:s3+s2], $0x80, v4, vm0, $0xb8;
	[tilespmem:$0x14400] =	vst v63  }
0x3f: {  	s10 =	simm.s32 $0x5C00;
	v3 =	vadd.s32 v1, v3  }
0x40: {  	[tilespmem:s10], [sflag:$0x1] =	stream.indirect_vreg.gather [hbm4b:s6+s2], $0x80, v4, vm0, $0xb8;
	[tilespmem:$0x14400] =	vst v63  }
0x41: {  	s11 =	simm.s32 $0x6400  }
0x42: {  	[tilespmem:s11], [sflag:$0x1] =	stream.indirect_vreg.gather [hbm4b:s7+s2], $0x80, v4, vm0, $0xb8;
	[tilespmem:$0x14400] =	vst v63  }
0x43: {  	s12 =	simm.s32 $0x6C00  }
0x44: {  	[tilespmem:s12], [sflag:$0x1] =	stream.indirect_vreg.gather [hbm4b:s3+s2], $0x80, v3, vm0, $0xb8;
	[tilespmem:$0x14400] =	vst v63  }
0x45: {  	s13 =	simm.s32 $0x7400  }
0x46: {  	[tilespmem:s13], [sflag:$0x1] =	stream.indirect_vreg.gather [hbm4b:s6+s2], $0x80, v3, vm0, $0xb8;
	[tilespmem:$0x14400] =	vst v63  }
0x47: {  	s14 =	simm.s32 $0x7C00  }
0x48: {  	[tilespmem:s14], [sflag:$0x1] =	stream.indirect_vreg.gather [hbm4b:s7+s2], $0x80, v3, vm0, $0xb8;
	[tilespmem:$0x14400] =	vst v63  }
0x49: {  	v3 =	vld [tilespmem:$0x2020];
	_ =	sdelay $0x4  }
0x4a: {  	v62 =	vshrl.u32 v3, $0x3  }
0x4b: {  	v4 =	vmul.u32 $0x30, v62  }
0x4c: {  	v3 =	vand.u32 $0x7, v3  }
0x4d: {  	v3 =	vor.u32 v3, v4  }
0x4e: {  	v4 =	vperm.xlane v3, v0;
	_ =	sdelay $0x1  }
0x4f: {  	v4 =	vadd.s32 v1, v4;
	_ =	sdelay $0x3  }
0x50: {  	s15 =	simm.s32 $0x8400;
	v3 =	vperm.xlane v3, v2  }
0x51: {  	[tilespmem:s15], [sflag:$0x1] =	stream.indirect_vreg.gather [hbm4b:s3+s2], $0x80, v4, vm0, $0xb8;
	[tilespmem:$0x14400] =	vst v63  }
0x52: {  	s16 =	simm.s32 $0x8C00;
	v3 =	vadd.s32 v1, v3  }
0x53: {  	[tilespmem:s16], [sflag:$0x1] =	stream.indirect_vreg.gather [hbm4b:s6+s2], $0x80, v4, vm0, $0xb8;
	[tilespmem:$0x14400] =	vst v63  }
0x54: {  	s17 =	simm.s32 $0x9400  }
0x55: {  	[tilespmem:s17], [sflag:$0x1] =	stream.indirect_vreg.gather [hbm4b:s7+s2], $0x80, v4, vm0, $0xb8;
	[tilespmem:$0x14400] =	vst v63  }
0x56: {  	s18 =	simm.s32 $0x9C00  }
0x57: {  	[tilespmem:s18], [sflag:$0x1] =	stream.indirect_vreg.gather [hbm4b:s3+s2], $0x80, v3, vm0, $0xb8;
	[tilespmem:$0x14400] =	vst v63  }
0x58: {  	s25 =	simm.s32 $0xA400  }
0x59: {  	[tilespmem:s25], [sflag:$0x1] =	stream.indirect_vreg.gather [hbm4b:s6+s2], $0x80, v3, vm0, $0xb8;
	[tilespmem:$0x14400] =	vst v63  }
0x5a: {  	s29 =	simm.s32 $0xAC00  }
0x5b: {  	[tilespmem:s29], [sflag:$0x1] =	stream.indirect_vreg.gather [hbm4b:s7+s2], $0x80, v3, vm0, $0xb8;
	[tilespmem:$0x14400] =	vst v63  }
0x5c: {  	v3 =	vld [tilespmem:$0x2030];
	_ =	sdelay $0x4  }
0x5d: {  	v63 =	vshrl.u32 v3, $0x3  }
0x5e: {  	v4 =	vmul.u32 $0x30, v63  }
0x5f: {  	v3 =	vand.u32 $0x7, v3  }
0x60: {  	v3 =	vor.u32 v3, v4  }
0x61: {  	v4 =	vperm.xlane v3, v0;
	_ =	sdelay $0x1  }
0x62: {  	v4 =	vadd.s32 v1, v4;
	_ =	sdelay $0x3  }
0x63: {  	s30 =	simm.s32 $0xB400;
	v3 =	vperm.xlane v3, v2  }
0x64: {  	[tilespmem:s30], [sflag:$0x1] =	stream.indirect_vreg.gather [hbm4b:s3+s2], $0x80, v4, vm0, $0xb8;
	[tilespmem:$0x14400] =	vst v63  }
0x65: {  	s31 =	simm.s32 $0xBC00;
	v3 =	vadd.s32 v1, v3  }
0x66: {  	[tilespmem:s31], [sflag:$0x1] =	stream.indirect_vreg.gather [hbm4b:s6+s2], $0x80, v4, vm0, $0xb8;
	[tilespmem:$0x14400] =	vst v63  }
0x67: {  	_ = 	snop  }
0x68: {  	[tilespmem:s19], [sflag:$0x1] =	stream.indirect_vreg.gather [hbm4b:s7+s2], $0x80, v4, vm0, $0xb8;
	[tilespmem:$0x14400] =	vst v63  }
0x69: {  	_ = 	snop  }
0x6a: {  	[tilespmem:s20], [sflag:$0x1] =	stream.indirect_vreg.gather [hbm4b:s3+s2], $0x80, v3, vm0, $0xb8;
	[tilespmem:$0x14400] =	vst v63  }
0x6b: {  	_ = 	snop  }
0x6c: {  	[tilespmem:s21], [sflag:$0x1] =	stream.indirect_vreg.gather [hbm4b:s6+s2], $0x80, v3, vm0, $0xb8;
	[tilespmem:$0x14400] =	vst v63  }
0x6d: {  	_ = 	snop  }
0x6e: {  	[tilespmem:s22], [sflag:$0x1] =	stream.indirect_vreg.gather [hbm4b:s7+s2], $0x80, v3, vm0, $0xb8;
	[tilespmem:$0x14400] =	vst v63  }
0x6f: {  	_ =	swait.ge [sflag:s23], $0xC000  }
0x70: {  	[sflag:s23] =	ssyncset.done $0x0  }
0x71: {  	s28 =	simm.s32 $0x0;
	[sflag:s23] =	ssyncadd.s32 $0xFFFF4000  }
.LBB2_2:
0x72: {  	s0 =	sshrl.u32 s28, $0x2  }
0x73: {  	s0 =	smul.u32 $0x6000, s0  }
0x74: {  	s1 =	sshll.u32 s28, $0x8  }
0x75: {  	s1 =	sand.u32 $0x300, s1;
	s0 =	sshra.s32 s0, $0x2  }
0x76: {  	s4 =	sshll.u32 s28, $0x7;
	s29 =	simm.s32 $0x0;
	s0 =	sor.u32 s1, s0  }
0x77: {  	s17 =	sshrl.u32 s4, $0x2;
	s18 =	sand.u32 $0x1C00, s29;
	s30 =	sadd.s32 $0x2400, s0  }
0x78: {  	s25 =	sand.u32 $0x40, s29;
	v3 =	vld [tilespmem:s17+$0x0];
	s5 =	sadd.s32 s18, s30  }
0x79: {  	v4 =	vld [tilespmem:s17+$0x10];
	s10 =	sadd.s32 s25, s5;
	s9 =	sadd.s32 $0x80, s5  }
0x7a: {  	v5 =	vld [tilespmem:s10+$0x0];
	s11 =	sadd.s32 s25, s9  }
0x7b: {  	v6 =	vld [tilespmem:s11+$0x0]  }
0x7c: {  	s12 =	sshrl.u32 s28, $0x3  }
0x7d: {  	s1 =	smul.u32 $0x6000, s12;
	_ =	sdelay $0x1  }
0x7e: {  	s4 =	sand.u32 $0x380, s4;
	s1 =	sshra.s32 s1, $0x2  }
0x7f: {  	s1 =	sor.u32 s4, s1;
	v5 =	vmul.f32 v5, v3;
	v6 =	vmul.f32 v6, v4  }
0x80: {  	s31 =	sadd.s32 $0xE400, s1  }
0x81: {  	s1 =	sadd.s32 s18, s31;
	v5 =	vadd.f32 v6, v5  }
0x82: {  	s13 =	sor.u32 $0x10, s25;
	s0 =	sadd.s32 s25, s1  }
0x83: {  	s10 =	sadd.s32 s13, s5;
	[tilespmem:s0+$0x0] =	vst v5  }
0x84: {  	s14 =	sadd.s32 s13, s9;
	v5 =	vld [tilespmem:s10+$0x0]  }
0x85: {  	v6 =	vld [tilespmem:s14+$0x0];
	_ =	sdelay $0x4  }
0x86: {  	v5 =	vmul.f32 v5, v3;
	v6 =	vmul.f32 v6, v4;
	_ =	sdelay $0x1  }
0x87: {  	v5 =	vadd.f32 v6, v5  }
0x88: {  	s15 =	sor.u32 $0x20, s25;
	s4 =	sadd.s32 s13, s1  }
0x89: {  	s16 =	sadd.s32 s15, s5;
	[tilespmem:s4+$0x0] =	vst v5  }
0x8a: {  	s17 =	sadd.s32 s15, s9;
	v5 =	vld [tilespmem:s16+$0x0]  }
0x8b: {  	v6 =	vld [tilespmem:s17+$0x0];
	_ =	sdelay $0x4  }
0x8c: {  	v5 =	vmul.f32 v5, v3;
	v6 =	vmul.f32 v6, v4;
	_ =	sdelay $0x1  }
0x8d: {  	v5 =	vadd.f32 v6, v5  }
0x8e: {  	s18 =	sor.u32 $0x30, s25;
	s0 =	sadd.s32 s15, s1  }
0x8f: {  	s5 =	sadd.s32 s18, s5;
	[tilespmem:s0+$0x0] =	vst v5  }
0x90: {  	s25 =	sadd.s32 s18, s9;
	v5 =	vld [tilespmem:s5+$0x0]  }
0x91: {  	v6 =	vld [tilespmem:s25+$0x0];
	_ =	sdelay $0x4  }
0x92: {  	s4 =	sadd.s32 s18, s1;
	s1 =	simm.s32 $0x0;
	s0 =	simm.s32 $0x0;
	v5 =	vmul.f32 v5, v3;
	v6 =	vmul.f32 v6, v4  }
.LBB2_3:
0x93: {  	s0 =	sadd.s32 $0x4, s0;
	s29 =	sadd.s32 $0x200, s29;
	s1 =	sadd.s32 $0x40, s1  }
0x94: {  	s5 =	sand.u32 $0x1C00, s29;
	p0 =	slt.u32 s0, $0x2C;
	v5 =	vadd.f32 v6, v5  }
0x95: {  	s9 =	sand.u32 $0x40, s1;
	s10 =	sadd.s32 s5, s30;
	s5 =	sadd.s32 s5, s31  }
0x96: {  	s25 =	sadd.s32 s9, s10;
	s11 =	sadd.s32 $0x80, s10;
	s12 =	sadd.s32 s9, s5;
	[tilespmem:s4+$0x0] =	vst v5  }
0x97: {  	s13 =	sor.u32 $0x20, s9;
	v5 =	vld [tilespmem:s25+$0x0];
	s4 =	sadd.s32 s9, s11;
	s25 =	sor.u32 $0x10, s9  }
0x98: {  	v6 =	vld [tilespmem:s4+$0x0];
	s14 =	sadd.s32 s25, s10;
	s15 =	sadd.s32 s25, s11;
	s25 =	sadd.s32 s25, s5  }
0x99: {  	s16 =	sadd.s32 s13, s10;
	s17 =	sadd.s32 s13, s11;
	s13 =	sadd.s32 s13, s5  }
0x9a: {  	s4 =	sor.u32 $0x30, s9  }
0x9b: {  	s9 =	sadd.s32 s4, s10;
	s10 =	sadd.s32 s4, s11;
	s4 =	sadd.s32 s4, s5  }
0x9c: {  	_ = 	snop  }
0x9d: {  	v5 =	vmul.f32 v5, v3;
	v6 =	vmul.f32 v6, v4;
	_ =	sdelay $0x1  }
0x9e: {  	v5 =	vadd.f32 v6, v5;
	_ =	sdelay $0x1  }
0x9f: {  	[tilespmem:s12+$0x0] =	vst v5  }
0xa0: {  	v5 =	vld [tilespmem:s14+$0x0]  }
0xa1: {  	v6 =	vld [tilespmem:s15+$0x0];
	_ =	sdelay $0x3  }
0xa2: {  	v5 =	vmul.f32 v5, v3  }
0xa3: {  	v6 =	vmul.f32 v6, v4;
	_ =	sdelay $0x1  }
0xa4: {  	v5 =	vadd.f32 v6, v5;
	_ =	sdelay $0x1  }
0xa5: {  	[tilespmem:s25+$0x0] =	vst v5  }
0xa6: {  	v5 =	vld [tilespmem:s16+$0x0]  }
0xa7: {  	v6 =	vld [tilespmem:s17+$0x0];
	_ =	sdelay $0x3  }
0xa8: {  	v5 =	vmul.f32 v5, v3  }
0xa9: {  	v6 =	vmul.f32 v6, v4;
	_ =	sdelay $0x1  }
0xaa: {  	v5 =	vadd.f32 v6, v5;
	_ =	sdelay $0x1  }
0xab: {  	[tilespmem:s13+$0x0] =	vst v5  }
0xac: {  	v5 =	vld [tilespmem:s9+$0x0]  }
0xad: {  	v6 =	vld [tilespmem:s10+$0x0]  }
.Ltmp0:
0xae: {  	(pc) =	sbr.rel @p0 .LBB2_3-.Ltmp0, $3  }
0xaf: {  	_ =	sdelay $0x1  }
0xb0: {  	v5 =	vmul.f32 v5, v3  }
0xb1: {  	v6 =	vmul.f32 v6, v4  }
0xb2: {  	s28 =	sadd.s32 $0x1, s28  }
0xb3: {  	p0 =	sne.s32 s28, $0x20  }
.Ltmp1:
0xb4: {  	_ = 	snop;
	(pc) =	sbr.rel @p0 .LBB2_2-.Ltmp1, $3  }
0xb5: {  	_ = 	snop  }
0xb6: {  	v3 =	vadd.f32 v6, v5;
	_ =	sdelay $0x1  }
0xb7: {  	[tilespmem:s4+$0x0] =	vst v3  }
0xb8: {  	s28 =	simm.s32 $0x0;
	s0 =	rddreg [dreg:$0x5]  }
0xb9: {  	[hbm4b:s0+s28] =	stream.linear.scatter [tilespmem:s8], [sflag:$0x2], $0x6000, $0x38;
	[tilespmem:$0x14400] =	vst v63  }
0xba: {  	_ =	swait.ge [sflag:s24], $0x6000  }
0xbb: {  	[sflag:s24] =	ssyncset.done $0x0  }
0xbc: {  	s1 =	simm.s32 $0x2080;
	s17 =	rddreg [dreg:$0x6];
	[sflag:s24] =	ssyncadd.s32 $0xFFFFA000  }
0xbd: {  	[tilespmem:s1], [sflag:$0x2] =	stream.linear.gather [hbm4b:s17+s28], $0x40, $0x38;
	[tilespmem:$0x14400] =	vst v63  }
0xbe: {  	_ =	swait.ge [sflag:s24], $0x40  }
0xbf: {  	[sflag:s24] =	ssyncset.done $0x0  }
0xc0: {  	[sflag:s24] =	ssyncadd.s32 $0xFFFFFFC0  }
0xc1: {  	v3 =	vld [tilespmem:$0x2080];
	_ =	sdelay $0x4  }
0xc2: {  	v4 =	vshrl.u32 v3, $0x3  }
0xc3: {  	v4 =	vmul.u32 $0x30, v4  }
0xc4: {  	v3 =	vand.u32 $0x7, v3  }
0xc5: {  	v3 =	vor.u32 v3, v4  }
0xc6: {  	v4 =	vperm.xlane v3, v0;
	_ =	sdelay $0x1  }
0xc7: {  	v4 =	vadd.s32 v1, v4;
	_ =	sdelay $0x3  }
0xc8: {  	s18 =	simm.s32 $0x2400;
	v3 =	vperm.xlane v3, v2  }
0xc9: {  	[tilespmem:s18], [sflag:$0x1] =	stream.indirect_vreg.gather [hbm4b:s3+s28], $0x80, v4, vm0, $0xb8;
	[tilespmem:$0x14400] =	vst v63  }
0xca: {  	s25 =	simm.s32 $0x2C00;
	v3 =	vadd.s32 v1, v3  }
0xcb: {  	[tilespmem:s25], [sflag:$0x1] =	stream.indirect_vreg.gather [hbm4b:s6+s28], $0x80, v4, vm0, $0xb8;
	[tilespmem:$0x14400] =	vst v63  }
0xcc: {  	s30 =	simm.s32 $0x3400  }
0xcd: {  	[tilespmem:s30], [sflag:$0x1] =	stream.indirect_vreg.gather [hbm4b:s7+s28], $0x80, v4, vm0, $0xb8;
	[tilespmem:$0x14400] =	vst v63  }
0xce: {  	s31 =	simm.s32 $0x3C00  }
0xcf: {  	[tilespmem:s31], [sflag:$0x1] =	stream.indirect_vreg.gather [hbm4b:s3+s28], $0x80, v3, vm0, $0xb8;
	[tilespmem:$0x14400] =	vst v63  }
0xd0: {  	s1 =	simm.s32 $0x4400  }
0xd1: {  	[tilespmem:s1], [sflag:$0x1] =	stream.indirect_vreg.gather [hbm4b:s6+s28], $0x80, v3, vm0, $0xb8;
	[tilespmem:$0x14400] =	vst v63  }
0xd2: {  	s4 =	simm.s32 $0x4C00  }
0xd3: {  	[tilespmem:s4], [sflag:$0x1] =	stream.indirect_vreg.gather [hbm4b:s7+s28], $0x80, v3, vm0, $0xb8;
	[tilespmem:$0x14400] =	vst v63  }
0xd4: {  	v3 =	vld [tilespmem:$0x2090];
	_ =	sdelay $0x4  }
0xd5: {  	v61 =	vshrl.u32 v3, $0x3  }
0xd6: {  	v4 =	vmul.u32 $0x30, v61  }
0xd7: {  	v3 =	vand.u32 $0x7, v3  }
0xd8: {  	v3 =	vor.u32 v3, v4  }
0xd9: {  	v4 =	vperm.xlane v3, v0;
	_ =	sdelay $0x1  }
0xda: {  	v4 =	vadd.s32 v1, v4;
	_ =	sdelay $0x3  }
0xdb: {  	s5 =	simm.s32 $0x5400;
	v3 =	vperm.xlane v3, v2  }
0xdc: {  	[tilespmem:s5], [sflag:$0x1] =	stream.indirect_vreg.gather [hbm4b:s3+s28], $0x80, v4, vm0, $0xb8;
	[tilespmem:$0x14400] =	vst v63  }
0xdd: {  	s9 =	simm.s32 $0x5C00;
	v3 =	vadd.s32 v1, v3  }
0xde: {  	[tilespmem:s9], [sflag:$0x1] =	stream.indirect_vreg.gather [hbm4b:s6+s28], $0x80, v4, vm0, $0xb8;
	[tilespmem:$0x14400] =	vst v63  }
0xdf: {  	s10 =	simm.s32 $0x6400  }
0xe0: {  	[tilespmem:s10], [sflag:$0x1] =	stream.indirect_vreg.gather [hbm4b:s7+s28], $0x80, v4, vm0, $0xb8;
	[tilespmem:$0x14400] =	vst v63  }
0xe1: {  	s11 =	simm.s32 $0x6C00  }
0xe2: {  	[tilespmem:s11], [sflag:$0x1] =	stream.indirect_vreg.gather [hbm4b:s3+s28], $0x80, v3, vm0, $0xb8;
	[tilespmem:$0x14400] =	vst v63  }
0xe3: {  	s12 =	simm.s32 $0x7400  }
0xe4: {  	[tilespmem:s12], [sflag:$0x1] =	stream.indirect_vreg.gather [hbm4b:s6+s28], $0x80, v3, vm0, $0xb8;
	[tilespmem:$0x14400] =	vst v63  }
0xe5: {  	s13 =	simm.s32 $0x7C00  }
0xe6: {  	[tilespmem:s13], [sflag:$0x1] =	stream.indirect_vreg.gather [hbm4b:s7+s28], $0x80, v3, vm0, $0xb8;
	[tilespmem:$0x14400] =	vst v63  }
0xe7: {  	v3 =	vld [tilespmem:$0x20A0];
	_ =	sdelay $0x4  }
0xe8: {  	v62 =	vshrl.u32 v3, $0x3  }
0xe9: {  	v4 =	vmul.u32 $0x30, v62  }
0xea: {  	v3 =	vand.u32 $0x7, v3  }
0xeb: {  	v3 =	vor.u32 v3, v4  }
0xec: {  	v4 =	vperm.xlane v3, v0;
	_ =	sdelay $0x1  }
0xed: {  	v4 =	vadd.s32 v1, v4;
	_ =	sdelay $0x3  }
0xee: {  	s14 =	simm.s32 $0x8400;
	v3 =	vperm.xlane v3, v2  }
0xef: {  	[tilespmem:s14], [sflag:$0x1] =	stream.indirect_vreg.gather [hbm4b:s3+s28], $0x80, v4, vm0, $0xb8;
	[tilespmem:$0x14400] =	vst v63  }
0xf0: {  	s15 =	simm.s32 $0x8C00;
	v3 =	vadd.s32 v1, v3  }
0xf1: {  	[tilespmem:s15], [sflag:$0x1] =	stream.indirect_vreg.gather [hbm4b:s6+s28], $0x80, v4, vm0, $0xb8;
	[tilespmem:$0x14400] =	vst v63  }
0xf2: {  	s16 =	simm.s32 $0x9400  }
0xf3: {  	[tilespmem:s16], [sflag:$0x1] =	stream.indirect_vreg.gather [hbm4b:s7+s28], $0x80, v4, vm0, $0xb8;
	[tilespmem:$0x14400] =	vst v63  }
0xf4: {  	s17 =	simm.s32 $0x9C00  }
0xf5: {  	[tilespmem:s17], [sflag:$0x1] =	stream.indirect_vreg.gather [hbm4b:s3+s28], $0x80, v3, vm0, $0xb8;
	[tilespmem:$0x14400] =	vst v63  }
0xf6: {  	s18 =	simm.s32 $0xA400  }
0xf7: {  	[tilespmem:s18], [sflag:$0x1] =	stream.indirect_vreg.gather [hbm4b:s6+s28], $0x80, v3, vm0, $0xb8;
	[tilespmem:$0x14400] =	vst v63  }
0xf8: {  	s25 =	simm.s32 $0xAC00  }
0xf9: {  	[tilespmem:s25], [sflag:$0x1] =	stream.indirect_vreg.gather [hbm4b:s7+s28], $0x80, v3, vm0, $0xb8;
	[tilespmem:$0x14400] =	vst v63  }
0xfa: {  	v3 =	vld [tilespmem:$0x20B0];
	_ =	sdelay $0x4  }
0xfb: {  	v63 =	vshrl.u32 v3, $0x3  }
0xfc: {  	v4 =	vmul.u32 $0x30, v63  }
0xfd: {  	v3 =	vand.u32 $0x7, v3  }
0xfe: {  	v3 =	vor.u32 v3, v4  }
0xff: {  	v4 =	vperm.xlane v3, v0;
	_ =	sdelay $0x1  }
0x100: {  	v4 =	vadd.s32 v1, v4;
	_ =	sdelay $0x3  }
0x101: {  	s30 =	simm.s32 $0xB400;
	v3 =	vperm.xlane v3, v2  }
0x102: {  	[tilespmem:s30], [sflag:$0x1] =	stream.indirect_vreg.gather [hbm4b:s3+s28], $0x80, v4, vm0, $0xb8;
	[tilespmem:$0x14400] =	vst v63  }
0x103: {  	s31 =	simm.s32 $0xBC00;
	v3 =	vadd.s32 v1, v3  }
0x104: {  	[tilespmem:s31], [sflag:$0x1] =	stream.indirect_vreg.gather [hbm4b:s6+s28], $0x80, v4, vm0, $0xb8;
	[tilespmem:$0x14400] =	vst v63  }
0x105: {  	_ = 	snop  }
0x106: {  	[tilespmem:s19], [sflag:$0x1] =	stream.indirect_vreg.gather [hbm4b:s7+s28], $0x80, v4, vm0, $0xb8;
	[tilespmem:$0x14400] =	vst v63  }
0x107: {  	_ = 	snop  }
0x108: {  	[tilespmem:s20], [sflag:$0x1] =	stream.indirect_vreg.gather [hbm4b:s3+s28], $0x80, v3, vm0, $0xb8;
	[tilespmem:$0x14400] =	vst v63  }
0x109: {  	_ = 	snop  }
0x10a: {  	[tilespmem:s21], [sflag:$0x1] =	stream.indirect_vreg.gather [hbm4b:s6+s28], $0x80, v3, vm0, $0xb8;
	[tilespmem:$0x14400] =	vst v63  }
0x10b: {  	_ = 	snop  }
0x10c: {  	[tilespmem:s22], [sflag:$0x1] =	stream.indirect_vreg.gather [hbm4b:s7+s28], $0x80, v3, vm0, $0xb8;
	[tilespmem:$0x14400] =	vst v63  }
0x10d: {  	_ =	swait.ge [sflag:s23], $0xC000  }
0x10e: {  	[sflag:s23] =	ssyncset.done $0x0  }
0x10f: {  	s29 =	simm.s32 $0x0;
	[sflag:s23] =	ssyncadd.s32 $0xFFFF4000  }
.LBB2_6:
0x110: {  	s0 =	sshrl.u32 s29, $0x2  }
0x111: {  	s0 =	smul.u32 $0x6000, s0  }
0x112: {  	s1 =	sshll.u32 s29, $0x8  }
0x113: {  	s1 =	sand.u32 $0x300, s1;
	s0 =	sshra.s32 s0, $0x2  }
0x114: {  	s0 =	sor.u32 s1, s0  }
0x115: {  	s4 =	sshll.u32 s29, $0x5;
	s18 =	sand.u32 $0x1C00, s28;
	s30 =	sadd.s32 $0x2400, s0  }
0x116: {  	s25 =	sand.u32 $0x40, s28;
	s17 =	sand.u32 $0x3E0, s4;
	v4 =	vld [tilespmem:s4+$0x410];
	s5 =	sadd.s32 s18, s30  }
0x117: {  	v3 =	vld [tilespmem:s17+$0x400];
	s11 =	sadd.s32 s25, s5;
	s9 =	sadd.s32 $0x80, s5  }
0x118: {  	v5 =	vld [tilespmem:s11+$0x0];
	s12 =	sadd.s32 s25, s9  }
0x119: {  	v6 =	vld [tilespmem:s12+$0x0]  }
0x11a: {  	s13 =	sshrl.u32 s29, $0x3  }
0x11b: {  	s4 =	smul.u32 $0x6000, s13  }
0x11c: {  	s10 =	sshll.u32 s29, $0x7  }
0x11d: {  	s10 =	sand.u32 $0x380, s10;
	s4 =	sshra.s32 s4, $0x2  }
0x11e: {  	s4 =	sor.u32 s10, s4;
	v5 =	vmul.f32 v5, v3;
	v6 =	vmul.f32 v6, v4  }
0x11f: {  	s31 =	sadd.s32 $0xE400, s4  }
0x120: {  	s4 =	sadd.s32 s18, s31;
	v5 =	vadd.f32 v6, v5  }
0x121: {  	s14 =	sor.u32 $0x10, s25;
	s0 =	sadd.s32 s25, s4  }
0x122: {  	s11 =	sadd.s32 s14, s5;
	[tilespmem:s0+$0x0] =	vst v5  }
0x123: {  	s15 =	sadd.s32 s14, s9;
	v5 =	vld [tilespmem:s11+$0x0]  }
0x124: {  	v6 =	vld [tilespmem:s15+$0x0];
	_ =	sdelay $0x4  }
0x125: {  	v5 =	vmul.f32 v5, v3;
	v6 =	vmul.f32 v6, v4;
	_ =	sdelay $0x1  }
0x126: {  	v5 =	vadd.f32 v6, v5  }
0x127: {  	s16 =	sor.u32 $0x20, s25;
	s10 =	sadd.s32 s14, s4  }
0x128: {  	s17 =	sadd.s32 s16, s5;
	[tilespmem:s10+$0x0] =	vst v5  }
0x129: {  	s18 =	sadd.s32 s16, s9;
	v5 =	vld [tilespmem:s17+$0x0]  }
0x12a: {  	v6 =	vld [tilespmem:s18+$0x0];
	_ =	sdelay $0x4  }
0x12b: {  	v5 =	vmul.f32 v5, v3;
	v6 =	vmul.f32 v6, v4;
	_ =	sdelay $0x1  }
0x12c: {  	v5 =	vadd.f32 v6, v5  }
0x12d: {  	s1 =	sor.u32 $0x30, s25;
	s0 =	sadd.s32 s16, s4  }
0x12e: {  	s5 =	sadd.s32 s1, s5;
	[tilespmem:s0+$0x0] =	vst v5  }
0x12f: {  	s25 =	sadd.s32 s1, s9;
	v5 =	vld [tilespmem:s5+$0x0]  }
0x130: {  	v6 =	vld [tilespmem:s25+$0x0];
	_ =	sdelay $0x3  }
0x131: {  	s4 =	sadd.s32 s1, s4  }
0x132: {  	s1 =	simm.s32 $0x0;
	s0 =	simm.s32 $0x0;
	s25 =	simm.s32 $0x0;
	v5 =	vmul.f32 v5, v3;
	v6 =	vmul.f32 v6, v4  }
.LBB2_7:
0x133: {  	s0 =	sadd.s32 $0x4, s0;
	s1 =	sadd.s32 $0x200, s1;
	s25 =	sadd.s32 $0x40, s25  }
0x134: {  	s5 =	sand.u32 $0x1C00, s1;
	p0 =	slt.u32 s0, $0x2C;
	v5 =	vadd.f32 v6, v5  }
0x135: {  	s9 =	sand.u32 $0x40, s25;
	s10 =	sadd.s32 s5, s30;
	s5 =	sadd.s32 s5, s31  }
0x136: {  	s11 =	sadd.s32 s9, s10;
	s12 =	sadd.s32 $0x80, s10;
	s13 =	sadd.s32 s9, s5;
	[tilespmem:s4+$0x0] =	vst v5  }
0x137: {  	s14 =	sor.u32 $0x20, s9;
	v5 =	vld [tilespmem:s11+$0x0];
	s4 =	sadd.s32 s9, s12;
	s11 =	sor.u32 $0x10, s9  }
0x138: {  	v6 =	vld [tilespmem:s4+$0x0];
	s15 =	sadd.s32 s11, s10;
	s16 =	sadd.s32 s11, s12;
	s11 =	sadd.s32 s11, s5  }
0x139: {  	s17 =	sadd.s32 s14, s10;
	s18 =	sadd.s32 s14, s12;
	s14 =	sadd.s32 s14, s5  }
0x13a: {  	s4 =	sor.u32 $0x30, s9  }
0x13b: {  	s9 =	sadd.s32 s4, s10;
	s10 =	sadd.s32 s4, s12;
	s4 =	sadd.s32 s4, s5  }
0x13c: {  	_ = 	snop  }
0x13d: {  	v5 =	vmul.f32 v5, v3;
	v6 =	vmul.f32 v6, v4;
	_ =	sdelay $0x1  }
0x13e: {  	v5 =	vadd.f32 v6, v5;
	_ =	sdelay $0x1  }
0x13f: {  	[tilespmem:s13+$0x0] =	vst v5  }
0x140: {  	v5 =	vld [tilespmem:s15+$0x0]  }
0x141: {  	v6 =	vld [tilespmem:s16+$0x0];
	_ =	sdelay $0x3  }
0x142: {  	v5 =	vmul.f32 v5, v3  }
0x143: {  	v6 =	vmul.f32 v6, v4;
	_ =	sdelay $0x1  }
0x144: {  	v5 =	vadd.f32 v6, v5;
	_ =	sdelay $0x1  }
0x145: {  	[tilespmem:s11+$0x0] =	vst v5  }
0x146: {  	v5 =	vld [tilespmem:s17+$0x0]  }
0x147: {  	v6 =	vld [tilespmem:s18+$0x0];
	_ =	sdelay $0x3  }
0x148: {  	v5 =	vmul.f32 v5, v3  }
0x149: {  	v6 =	vmul.f32 v6, v4;
	_ =	sdelay $0x1  }
0x14a: {  	v5 =	vadd.f32 v6, v5;
	_ =	sdelay $0x1  }
0x14b: {  	[tilespmem:s14+$0x0] =	vst v5  }
0x14c: {  	v5 =	vld [tilespmem:s9+$0x0]  }
0x14d: {  	v6 =	vld [tilespmem:s10+$0x0]  }
.Ltmp2:
0x14e: {  	(pc) =	sbr.rel @p0 .LBB2_7-.Ltmp2, $3  }
0x14f: {  	_ =	sdelay $0x1  }
0x150: {  	v5 =	vmul.f32 v5, v3  }
0x151: {  	v6 =	vmul.f32 v6, v4  }
0x152: {  	s29 =	sadd.s32 $0x1, s29  }
0x153: {  	p0 =	sne.s32 s29, $0x20  }
.Ltmp3:
0x154: {  	_ = 	snop;
	(pc) =	sbr.rel @p0 .LBB2_6-.Ltmp3, $3  }
0x155: {  	_ = 	snop  }
0x156: {  	v3 =	vadd.f32 v6, v5;
	_ =	sdelay $0x1  }
0x157: {  	[tilespmem:s4+$0x0] =	vst v3  }
0x158: {  	s28 =	simm.s32 $0x0;
	s0 =	rddreg [dreg:$0x7]  }
0x159: {  	[hbm4b:s0+s28] =	stream.linear.scatter [tilespmem:s8], [sflag:$0x2], $0x6000, $0x38;
	[tilespmem:$0x14400] =	vst v63  }
0x15a: {  	_ =	swait.ge [sflag:s24], $0x6000  }
0x15b: {  	[sflag:s24] =	ssyncset.done $0x0  }
0x15c: {  	s1 =	simm.s32 $0x2100;
	s17 =	rddreg [dreg:$0x8];
	[sflag:s24] =	ssyncadd.s32 $0xFFFFA000  }
0x15d: {  	[tilespmem:s1], [sflag:$0x2] =	stream.linear.gather [hbm4b:s17+s28], $0x40, $0x38;
	[tilespmem:$0x14400] =	vst v63  }
0x15e: {  	_ =	swait.ge [sflag:s24], $0x40  }
0x15f: {  	[sflag:s24] =	ssyncset.done $0x0  }
0x160: {  	[sflag:s24] =	ssyncadd.s32 $0xFFFFFFC0  }
0x161: {  	v3 =	vld [tilespmem:$0x2100];
	_ =	sdelay $0x4  }
0x162: {  	v4 =	vshrl.u32 v3, $0x3  }
0x163: {  	v4 =	vmul.u32 $0x30, v4  }
0x164: {  	v3 =	vand.u32 $0x7, v3  }
0x165: {  	v3 =	vor.u32 v3, v4  }
0x166: {  	v4 =	vperm.xlane v3, v0;
	_ =	sdelay $0x1  }
0x167: {  	v4 =	vadd.s32 v1, v4;
	_ =	sdelay $0x3  }
0x168: {  	s18 =	simm.s32 $0x2400;
	v3 =	vperm.xlane v3, v2  }
0x169: {  	[tilespmem:s18], [sflag:$0x1] =	stream.indirect_vreg.gather [hbm4b:s3+s28], $0x80, v4, vm0, $0xb8;
	[tilespmem:$0x14400] =	vst v63  }
0x16a: {  	s25 =	simm.s32 $0x2C00;
	v3 =	vadd.s32 v1, v3  }
0x16b: {  	[tilespmem:s25], [sflag:$0x1] =	stream.indirect_vreg.gather [hbm4b:s6+s28], $0x80, v4, vm0, $0xb8;
	[tilespmem:$0x14400] =	vst v63  }
0x16c: {  	s30 =	simm.s32 $0x3400  }
0x16d: {  	[tilespmem:s30], [sflag:$0x1] =	stream.indirect_vreg.gather [hbm4b:s7+s28], $0x80, v4, vm0, $0xb8;
	[tilespmem:$0x14400] =	vst v63  }
0x16e: {  	s31 =	simm.s32 $0x3C00  }
0x16f: {  	[tilespmem:s31], [sflag:$0x1] =	stream.indirect_vreg.gather [hbm4b:s3+s28], $0x80, v3, vm0, $0xb8;
	[tilespmem:$0x14400] =	vst v63  }
0x170: {  	s1 =	simm.s32 $0x4400  }
0x171: {  	[tilespmem:s1], [sflag:$0x1] =	stream.indirect_vreg.gather [hbm4b:s6+s28], $0x80, v3, vm0, $0xb8;
	[tilespmem:$0x14400] =	vst v63  }
0x172: {  	s4 =	simm.s32 $0x4C00  }
0x173: {  	[tilespmem:s4], [sflag:$0x1] =	stream.indirect_vreg.gather [hbm4b:s7+s28], $0x80, v3, vm0, $0xb8;
	[tilespmem:$0x14400] =	vst v63  }
0x174: {  	v3 =	vld [tilespmem:$0x2110];
	_ =	sdelay $0x4  }
0x175: {  	v61 =	vshrl.u32 v3, $0x3  }
0x176: {  	v4 =	vmul.u32 $0x30, v61  }
0x177: {  	v3 =	vand.u32 $0x7, v3  }
0x178: {  	v3 =	vor.u32 v3, v4  }
0x179: {  	v4 =	vperm.xlane v3, v0;
	_ =	sdelay $0x1  }
0x17a: {  	v4 =	vadd.s32 v1, v4;
	_ =	sdelay $0x3  }
0x17b: {  	s5 =	simm.s32 $0x5400;
	v3 =	vperm.xlane v3, v2  }
0x17c: {  	[tilespmem:s5], [sflag:$0x1] =	stream.indirect_vreg.gather [hbm4b:s3+s28], $0x80, v4, vm0, $0xb8;
	[tilespmem:$0x14400] =	vst v63  }
0x17d: {  	s9 =	simm.s32 $0x5C00;
	v3 =	vadd.s32 v1, v3  }
0x17e: {  	[tilespmem:s9], [sflag:$0x1] =	stream.indirect_vreg.gather [hbm4b:s6+s28], $0x80, v4, vm0, $0xb8;
	[tilespmem:$0x14400] =	vst v63  }
0x17f: {  	s10 =	simm.s32 $0x6400  }
0x180: {  	[tilespmem:s10], [sflag:$0x1] =	stream.indirect_vreg.gather [hbm4b:s7+s28], $0x80, v4, vm0, $0xb8;
	[tilespmem:$0x14400] =	vst v63  }
0x181: {  	s11 =	simm.s32 $0x6C00  }
0x182: {  	[tilespmem:s11], [sflag:$0x1] =	stream.indirect_vreg.gather [hbm4b:s3+s28], $0x80, v3, vm0, $0xb8;
	[tilespmem:$0x14400] =	vst v63  }
0x183: {  	s12 =	simm.s32 $0x7400  }
0x184: {  	[tilespmem:s12], [sflag:$0x1] =	stream.indirect_vreg.gather [hbm4b:s6+s28], $0x80, v3, vm0, $0xb8;
	[tilespmem:$0x14400] =	vst v63  }
0x185: {  	s13 =	simm.s32 $0x7C00  }
0x186: {  	[tilespmem:s13], [sflag:$0x1] =	stream.indirect_vreg.gather [hbm4b:s7+s28], $0x80, v3, vm0, $0xb8;
	[tilespmem:$0x14400] =	vst v63  }
0x187: {  	v3 =	vld [tilespmem:$0x2120];
	_ =	sdelay $0x4  }
0x188: {  	v62 =	vshrl.u32 v3, $0x3  }
0x189: {  	v4 =	vmul.u32 $0x30, v62  }
0x18a: {  	v3 =	vand.u32 $0x7, v3  }
0x18b: {  	v3 =	vor.u32 v3, v4  }
0x18c: {  	v4 =	vperm.xlane v3, v0;
	_ =	sdelay $0x1  }
0x18d: {  	v4 =	vadd.s32 v1, v4;
	_ =	sdelay $0x3  }
0x18e: {  	s14 =	simm.s32 $0x8400;
	v3 =	vperm.xlane v3, v2  }
0x18f: {  	[tilespmem:s14], [sflag:$0x1] =	stream.indirect_vreg.gather [hbm4b:s3+s28], $0x80, v4, vm0, $0xb8;
	[tilespmem:$0x14400] =	vst v63  }
0x190: {  	s15 =	simm.s32 $0x8C00;
	v3 =	vadd.s32 v1, v3  }
0x191: {  	[tilespmem:s15], [sflag:$0x1] =	stream.indirect_vreg.gather [hbm4b:s6+s28], $0x80, v4, vm0, $0xb8;
	[tilespmem:$0x14400] =	vst v63  }
0x192: {  	s16 =	simm.s32 $0x9400  }
0x193: {  	[tilespmem:s16], [sflag:$0x1] =	stream.indirect_vreg.gather [hbm4b:s7+s28], $0x80, v4, vm0, $0xb8;
	[tilespmem:$0x14400] =	vst v63  }
0x194: {  	s17 =	simm.s32 $0x9C00  }
0x195: {  	[tilespmem:s17], [sflag:$0x1] =	stream.indirect_vreg.gather [hbm4b:s3+s28], $0x80, v3, vm0, $0xb8;
	[tilespmem:$0x14400] =	vst v63  }
0x196: {  	s18 =	simm.s32 $0xA400  }
0x197: {  	[tilespmem:s18], [sflag:$0x1] =	stream.indirect_vreg.gather [hbm4b:s6+s28], $0x80, v3, vm0, $0xb8;
	[tilespmem:$0x14400] =	vst v63  }
0x198: {  	s25 =	simm.s32 $0xAC00  }
0x199: {  	[tilespmem:s25], [sflag:$0x1] =	stream.indirect_vreg.gather [hbm4b:s7+s28], $0x80, v3, vm0, $0xb8;
	[tilespmem:$0x14400] =	vst v63  }
0x19a: {  	v3 =	vld [tilespmem:$0x2130];
	_ =	sdelay $0x4  }
0x19b: {  	v63 =	vshrl.u32 v3, $0x3  }
0x19c: {  	v4 =	vmul.u32 $0x30, v63  }
0x19d: {  	v3 =	vand.u32 $0x7, v3  }
0x19e: {  	v3 =	vor.u32 v3, v4  }
0x19f: {  	v4 =	vperm.xlane v3, v0;
	_ =	sdelay $0x1  }
0x1a0: {  	v4 =	vadd.s32 v1, v4;
	_ =	sdelay $0x3  }
0x1a1: {  	s30 =	simm.s32 $0xB400;
	v3 =	vperm.xlane v3, v2  }
0x1a2: {  	[tilespmem:s30], [sflag:$0x1] =	stream.indirect_vreg.gather [hbm4b:s3+s28], $0x80, v4, vm0, $0xb8;
	[tilespmem:$0x14400] =	vst v63  }
0x1a3: {  	s31 =	simm.s32 $0xBC00;
	v3 =	vadd.s32 v1, v3  }
0x1a4: {  	[tilespmem:s31], [sflag:$0x1] =	stream.indirect_vreg.gather [hbm4b:s6+s28], $0x80, v4, vm0, $0xb8;
	[tilespmem:$0x14400] =	vst v63  }
0x1a5: {  	_ = 	snop  }
0x1a6: {  	[tilespmem:s19], [sflag:$0x1] =	stream.indirect_vreg.gather [hbm4b:s7+s28], $0x80, v4, vm0, $0xb8;
	[tilespmem:$0x14400] =	vst v63  }
0x1a7: {  	_ = 	snop  }
0x1a8: {  	[tilespmem:s20], [sflag:$0x1] =	stream.indirect_vreg.gather [hbm4b:s3+s28], $0x80, v3, vm0, $0xb8;
	[tilespmem:$0x14400] =	vst v63  }
0x1a9: {  	_ = 	snop  }
0x1aa: {  	[tilespmem:s21], [sflag:$0x1] =	stream.indirect_vreg.gather [hbm4b:s6+s28], $0x80, v3, vm0, $0xb8;
	[tilespmem:$0x14400] =	vst v63  }
0x1ab: {  	_ = 	snop  }
0x1ac: {  	[tilespmem:s22], [sflag:$0x1] =	stream.indirect_vreg.gather [hbm4b:s7+s28], $0x80, v3, vm0, $0xb8;
	[tilespmem:$0x14400] =	vst v63  }
0x1ad: {  	_ =	swait.ge [sflag:s23], $0xC000  }
0x1ae: {  	[sflag:s23] =	ssyncset.done $0x0  }
0x1af: {  	s29 =	simm.s32 $0x0;
	[sflag:s23] =	ssyncadd.s32 $0xFFFF4000  }
.LBB2_10:
0x1b0: {  	s0 =	sshrl.u32 s29, $0x2  }
0x1b1: {  	s0 =	smul.u32 $0x6000, s0  }
0x1b2: {  	s1 =	sshll.u32 s29, $0x8  }
0x1b3: {  	s1 =	sand.u32 $0x300, s1;
	s0 =	sshra.s32 s0, $0x2  }
0x1b4: {  	s0 =	sor.u32 s1, s0  }
0x1b5: {  	s4 =	sshll.u32 s29, $0x5;
	s18 =	sand.u32 $0x1C00, s28;
	s30 =	sadd.s32 $0x2400, s0  }
0x1b6: {  	s25 =	sand.u32 $0x40, s28;
	s17 =	sand.u32 $0x3E0, s4;
	v4 =	vld [tilespmem:s4+$0x810];
	s5 =	sadd.s32 s18, s30  }
0x1b7: {  	v3 =	vld [tilespmem:s17+$0x800];
	s11 =	sadd.s32 s25, s5;
	s9 =	sadd.s32 $0x80, s5  }
0x1b8: {  	v5 =	vld [tilespmem:s11+$0x0];
	s12 =	sadd.s32 s25, s9  }
0x1b9: {  	v6 =	vld [tilespmem:s12+$0x0]  }
0x1ba: {  	s13 =	sshrl.u32 s29, $0x3  }
0x1bb: {  	s4 =	smul.u32 $0x6000, s13  }
0x1bc: {  	s10 =	sshll.u32 s29, $0x7  }
0x1bd: {  	s10 =	sand.u32 $0x380, s10;
	s4 =	sshra.s32 s4, $0x2  }
0x1be: {  	s4 =	sor.u32 s10, s4;
	v5 =	vmul.f32 v5, v3;
	v6 =	vmul.f32 v6, v4  }
0x1bf: {  	s31 =	sadd.s32 $0xE400, s4  }
0x1c0: {  	s4 =	sadd.s32 s18, s31;
	v5 =	vadd.f32 v6, v5  }
0x1c1: {  	s14 =	sor.u32 $0x10, s25;
	s0 =	sadd.s32 s25, s4  }
0x1c2: {  	s11 =	sadd.s32 s14, s5;
	[tilespmem:s0+$0x0] =	vst v5  }
0x1c3: {  	s15 =	sadd.s32 s14, s9;
	v5 =	vld [tilespmem:s11+$0x0]  }
0x1c4: {  	v6 =	vld [tilespmem:s15+$0x0];
	_ =	sdelay $0x4  }
0x1c5: {  	v5 =	vmul.f32 v5, v3;
	v6 =	vmul.f32 v6, v4;
	_ =	sdelay $0x1  }
0x1c6: {  	v5 =	vadd.f32 v6, v5  }
0x1c7: {  	s16 =	sor.u32 $0x20, s25;
	s10 =	sadd.s32 s14, s4  }
0x1c8: {  	s17 =	sadd.s32 s16, s5;
	[tilespmem:s10+$0x0] =	vst v5  }
0x1c9: {  	s18 =	sadd.s32 s16, s9;
	v5 =	vld [tilespmem:s17+$0x0]  }
0x1ca: {  	v6 =	vld [tilespmem:s18+$0x0];
	_ =	sdelay $0x4  }
0x1cb: {  	v5 =	vmul.f32 v5, v3;
	v6 =	vmul.f32 v6, v4;
	_ =	sdelay $0x1  }
0x1cc: {  	v5 =	vadd.f32 v6, v5  }
0x1cd: {  	s1 =	sor.u32 $0x30, s25;
	s0 =	sadd.s32 s16, s4  }
0x1ce: {  	s5 =	sadd.s32 s1, s5;
	[tilespmem:s0+$0x0] =	vst v5  }
0x1cf: {  	s25 =	sadd.s32 s1, s9;
	v5 =	vld [tilespmem:s5+$0x0]  }
0x1d0: {  	v6 =	vld [tilespmem:s25+$0x0];
	_ =	sdelay $0x3  }
0x1d1: {  	s4 =	sadd.s32 s1, s4  }
0x1d2: {  	s1 =	simm.s32 $0x0;
	s0 =	simm.s32 $0x0;
	s25 =	simm.s32 $0x0;
	v5 =	vmul.f32 v5, v3;
	v6 =	vmul.f32 v6, v4  }
.LBB2_11:
0x1d3: {  	s0 =	sadd.s32 $0x4, s0;
	s1 =	sadd.s32 $0x200, s1;
	s25 =	sadd.s32 $0x40, s25  }
0x1d4: {  	s5 =	sand.u32 $0x1C00, s1;
	p0 =	slt.u32 s0, $0x2C;
	v5 =	vadd.f32 v6, v5  }
0x1d5: {  	s9 =	sand.u32 $0x40, s25;
	s10 =	sadd.s32 s5, s30;
	s5 =	sadd.s32 s5, s31  }
0x1d6: {  	s11 =	sadd.s32 s9, s10;
	s12 =	sadd.s32 $0x80, s10;
	s13 =	sadd.s32 s9, s5;
	[tilespmem:s4+$0x0] =	vst v5  }
0x1d7: {  	s14 =	sor.u32 $0x20, s9;
	v5 =	vld [tilespmem:s11+$0x0];
	s4 =	sadd.s32 s9, s12;
	s11 =	sor.u32 $0x10, s9  }
0x1d8: {  	v6 =	vld [tilespmem:s4+$0x0];
	s15 =	sadd.s32 s11, s10;
	s16 =	sadd.s32 s11, s12;
	s11 =	sadd.s32 s11, s5  }
0x1d9: {  	s17 =	sadd.s32 s14, s10;
	s18 =	sadd.s32 s14, s12;
	s14 =	sadd.s32 s14, s5  }
0x1da: {  	s4 =	sor.u32 $0x30, s9  }
0x1db: {  	s9 =	sadd.s32 s4, s10;
	s10 =	sadd.s32 s4, s12;
	s4 =	sadd.s32 s4, s5  }
0x1dc: {  	_ = 	snop  }
0x1dd: {  	v5 =	vmul.f32 v5, v3;
	v6 =	vmul.f32 v6, v4;
	_ =	sdelay $0x1  }
0x1de: {  	v5 =	vadd.f32 v6, v5;
	_ =	sdelay $0x1  }
0x1df: {  	[tilespmem:s13+$0x0] =	vst v5  }
0x1e0: {  	v5 =	vld [tilespmem:s15+$0x0]  }
0x1e1: {  	v6 =	vld [tilespmem:s16+$0x0];
	_ =	sdelay $0x3  }
0x1e2: {  	v5 =	vmul.f32 v5, v3  }
0x1e3: {  	v6 =	vmul.f32 v6, v4;
	_ =	sdelay $0x1  }
0x1e4: {  	v5 =	vadd.f32 v6, v5;
	_ =	sdelay $0x1  }
0x1e5: {  	[tilespmem:s11+$0x0] =	vst v5  }
0x1e6: {  	v5 =	vld [tilespmem:s17+$0x0]  }
0x1e7: {  	v6 =	vld [tilespmem:s18+$0x0];
	_ =	sdelay $0x3  }
0x1e8: {  	v5 =	vmul.f32 v5, v3  }
0x1e9: {  	v6 =	vmul.f32 v6, v4;
	_ =	sdelay $0x1  }
0x1ea: {  	v5 =	vadd.f32 v6, v5;
	_ =	sdelay $0x1  }
0x1eb: {  	[tilespmem:s14+$0x0] =	vst v5  }
0x1ec: {  	v5 =	vld [tilespmem:s9+$0x0]  }
0x1ed: {  	v6 =	vld [tilespmem:s10+$0x0]  }
.Ltmp4:
0x1ee: {  	(pc) =	sbr.rel @p0 .LBB2_11-.Ltmp4, $3  }
0x1ef: {  	_ =	sdelay $0x1  }
0x1f0: {  	v5 =	vmul.f32 v5, v3  }
0x1f1: {  	v6 =	vmul.f32 v6, v4  }
0x1f2: {  	s29 =	sadd.s32 $0x1, s29  }
0x1f3: {  	p0 =	sne.s32 s29, $0x20  }
.Ltmp5:
0x1f4: {  	_ = 	snop;
	(pc) =	sbr.rel @p0 .LBB2_10-.Ltmp5, $3  }
0x1f5: {  	_ = 	snop  }
0x1f6: {  	v3 =	vadd.f32 v6, v5;
	_ =	sdelay $0x1  }
0x1f7: {  	[tilespmem:s4+$0x0] =	vst v3  }
0x1f8: {  	s28 =	simm.s32 $0x0;
	s0 =	rddreg [dreg:$0x9]  }
0x1f9: {  	[hbm4b:s0+s28] =	stream.linear.scatter [tilespmem:s8], [sflag:$0x2], $0x6000, $0x38;
	[tilespmem:$0x14400] =	vst v63  }
0x1fa: {  	_ =	swait.ge [sflag:s24], $0x6000  }
0x1fb: {  	[sflag:s24] =	ssyncset.done $0x0  }
0x1fc: {  	s1 =	simm.s32 $0x2180;
	s17 =	rddreg [dreg:$0xa];
	[sflag:s24] =	ssyncadd.s32 $0xFFFFA000  }
0x1fd: {  	[tilespmem:s1], [sflag:$0x2] =	stream.linear.gather [hbm4b:s17+s28], $0x40, $0x38;
	[tilespmem:$0x14400] =	vst v63  }
0x1fe: {  	_ =	swait.ge [sflag:s24], $0x40  }
0x1ff: {  	[sflag:s24] =	ssyncset.done $0x0  }
0x200: {  	[sflag:s24] =	ssyncadd.s32 $0xFFFFFFC0  }
0x201: {  	v3 =	vld [tilespmem:$0x2180];
	_ =	sdelay $0x4  }
0x202: {  	v4 =	vshrl.u32 v3, $0x3  }
0x203: {  	v4 =	vmul.u32 $0x30, v4  }
0x204: {  	v3 =	vand.u32 $0x7, v3  }
0x205: {  	v3 =	vor.u32 v3, v4  }
0x206: {  	v4 =	vperm.xlane v3, v0;
	_ =	sdelay $0x1  }
0x207: {  	v4 =	vadd.s32 v1, v4;
	_ =	sdelay $0x3  }
0x208: {  	s18 =	simm.s32 $0x2400;
	v3 =	vperm.xlane v3, v2  }
0x209: {  	[tilespmem:s18], [sflag:$0x1] =	stream.indirect_vreg.gather [hbm4b:s3+s28], $0x80, v4, vm0, $0xb8;
	[tilespmem:$0x14400] =	vst v63  }
0x20a: {  	s25 =	simm.s32 $0x2C00;
	v3 =	vadd.s32 v1, v3  }
0x20b: {  	[tilespmem:s25], [sflag:$0x1] =	stream.indirect_vreg.gather [hbm4b:s6+s28], $0x80, v4, vm0, $0xb8;
	[tilespmem:$0x14400] =	vst v63  }
0x20c: {  	s30 =	simm.s32 $0x3400  }
0x20d: {  	[tilespmem:s30], [sflag:$0x1] =	stream.indirect_vreg.gather [hbm4b:s7+s28], $0x80, v4, vm0, $0xb8;
	[tilespmem:$0x14400] =	vst v63  }
0x20e: {  	s31 =	simm.s32 $0x3C00  }
0x20f: {  	[tilespmem:s31], [sflag:$0x1] =	stream.indirect_vreg.gather [hbm4b:s3+s28], $0x80, v3, vm0, $0xb8;
	[tilespmem:$0x14400] =	vst v63  }
0x210: {  	s1 =	simm.s32 $0x4400  }
0x211: {  	[tilespmem:s1], [sflag:$0x1] =	stream.indirect_vreg.gather [hbm4b:s6+s28], $0x80, v3, vm0, $0xb8;
	[tilespmem:$0x14400] =	vst v63  }
0x212: {  	s4 =	simm.s32 $0x4C00  }
0x213: {  	[tilespmem:s4], [sflag:$0x1] =	stream.indirect_vreg.gather [hbm4b:s7+s28], $0x80, v3, vm0, $0xb8;
	[tilespmem:$0x14400] =	vst v63  }
0x214: {  	v3 =	vld [tilespmem:$0x2190];
	_ =	sdelay $0x4  }
0x215: {  	v61 =	vshrl.u32 v3, $0x3  }
0x216: {  	v4 =	vmul.u32 $0x30, v61  }
0x217: {  	v3 =	vand.u32 $0x7, v3  }
0x218: {  	v3 =	vor.u32 v3, v4  }
0x219: {  	v4 =	vperm.xlane v3, v0;
	_ =	sdelay $0x1  }
0x21a: {  	v4 =	vadd.s32 v1, v4;
	_ =	sdelay $0x3  }
0x21b: {  	s5 =	simm.s32 $0x5400;
	v3 =	vperm.xlane v3, v2  }
0x21c: {  	[tilespmem:s5], [sflag:$0x1] =	stream.indirect_vreg.gather [hbm4b:s3+s28], $0x80, v4, vm0, $0xb8;
	[tilespmem:$0x14400] =	vst v63  }
0x21d: {  	s9 =	simm.s32 $0x5C00;
	v3 =	vadd.s32 v1, v3  }
0x21e: {  	[tilespmem:s9], [sflag:$0x1] =	stream.indirect_vreg.gather [hbm4b:s6+s28], $0x80, v4, vm0, $0xb8;
	[tilespmem:$0x14400] =	vst v63  }
0x21f: {  	s10 =	simm.s32 $0x6400  }
0x220: {  	[tilespmem:s10], [sflag:$0x1] =	stream.indirect_vreg.gather [hbm4b:s7+s28], $0x80, v4, vm0, $0xb8;
	[tilespmem:$0x14400] =	vst v63  }
0x221: {  	s11 =	simm.s32 $0x6C00  }
0x222: {  	[tilespmem:s11], [sflag:$0x1] =	stream.indirect_vreg.gather [hbm4b:s3+s28], $0x80, v3, vm0, $0xb8;
	[tilespmem:$0x14400] =	vst v63  }
0x223: {  	s12 =	simm.s32 $0x7400  }
0x224: {  	[tilespmem:s12], [sflag:$0x1] =	stream.indirect_vreg.gather [hbm4b:s6+s28], $0x80, v3, vm0, $0xb8;
	[tilespmem:$0x14400] =	vst v63  }
0x225: {  	s13 =	simm.s32 $0x7C00  }
0x226: {  	[tilespmem:s13], [sflag:$0x1] =	stream.indirect_vreg.gather [hbm4b:s7+s28], $0x80, v3, vm0, $0xb8;
	[tilespmem:$0x14400] =	vst v63  }
0x227: {  	v3 =	vld [tilespmem:$0x21A0];
	_ =	sdelay $0x4  }
0x228: {  	v62 =	vshrl.u32 v3, $0x3  }
0x229: {  	v4 =	vmul.u32 $0x30, v62  }
0x22a: {  	v3 =	vand.u32 $0x7, v3  }
0x22b: {  	v3 =	vor.u32 v3, v4  }
0x22c: {  	v4 =	vperm.xlane v3, v0;
	_ =	sdelay $0x1  }
0x22d: {  	v4 =	vadd.s32 v1, v4;
	_ =	sdelay $0x3  }
0x22e: {  	s14 =	simm.s32 $0x8400;
	v3 =	vperm.xlane v3, v2  }
0x22f: {  	[tilespmem:s14], [sflag:$0x1] =	stream.indirect_vreg.gather [hbm4b:s3+s28], $0x80, v4, vm0, $0xb8;
	[tilespmem:$0x14400] =	vst v63  }
0x230: {  	s15 =	simm.s32 $0x8C00;
	v3 =	vadd.s32 v1, v3  }
0x231: {  	[tilespmem:s15], [sflag:$0x1] =	stream.indirect_vreg.gather [hbm4b:s6+s28], $0x80, v4, vm0, $0xb8;
	[tilespmem:$0x14400] =	vst v63  }
0x232: {  	s16 =	simm.s32 $0x9400  }
0x233: {  	[tilespmem:s16], [sflag:$0x1] =	stream.indirect_vreg.gather [hbm4b:s7+s28], $0x80, v4, vm0, $0xb8;
	[tilespmem:$0x14400] =	vst v63  }
0x234: {  	s17 =	simm.s32 $0x9C00  }
0x235: {  	[tilespmem:s17], [sflag:$0x1] =	stream.indirect_vreg.gather [hbm4b:s3+s28], $0x80, v3, vm0, $0xb8;
	[tilespmem:$0x14400] =	vst v63  }
0x236: {  	s18 =	simm.s32 $0xA400  }
0x237: {  	[tilespmem:s18], [sflag:$0x1] =	stream.indirect_vreg.gather [hbm4b:s6+s28], $0x80, v3, vm0, $0xb8;
	[tilespmem:$0x14400] =	vst v63  }
0x238: {  	s25 =	simm.s32 $0xAC00  }
0x239: {  	[tilespmem:s25], [sflag:$0x1] =	stream.indirect_vreg.gather [hbm4b:s7+s28], $0x80, v3, vm0, $0xb8;
	[tilespmem:$0x14400] =	vst v63  }
0x23a: {  	v3 =	vld [tilespmem:$0x21B0];
	_ =	sdelay $0x4  }
0x23b: {  	v63 =	vshrl.u32 v3, $0x3  }
0x23c: {  	v4 =	vmul.u32 $0x30, v63  }
0x23d: {  	v3 =	vand.u32 $0x7, v3  }
0x23e: {  	v3 =	vor.u32 v3, v4  }
0x23f: {  	v4 =	vperm.xlane v3, v0;
	_ =	sdelay $0x1  }
0x240: {  	v4 =	vadd.s32 v1, v4;
	_ =	sdelay $0x3  }
0x241: {  	s30 =	simm.s32 $0xB400;
	v3 =	vperm.xlane v3, v2  }
0x242: {  	[tilespmem:s30], [sflag:$0x1] =	stream.indirect_vreg.gather [hbm4b:s3+s28], $0x80, v4, vm0, $0xb8;
	[tilespmem:$0x14400] =	vst v63  }
0x243: {  	s31 =	simm.s32 $0xBC00;
	v3 =	vadd.s32 v1, v3  }
0x244: {  	[tilespmem:s31], [sflag:$0x1] =	stream.indirect_vreg.gather [hbm4b:s6+s28], $0x80, v4, vm0, $0xb8;
	[tilespmem:$0x14400] =	vst v63  }
0x245: {  	_ = 	snop  }
0x246: {  	[tilespmem:s19], [sflag:$0x1] =	stream.indirect_vreg.gather [hbm4b:s7+s28], $0x80, v4, vm0, $0xb8;
	[tilespmem:$0x14400] =	vst v63  }
0x247: {  	_ = 	snop  }
0x248: {  	[tilespmem:s20], [sflag:$0x1] =	stream.indirect_vreg.gather [hbm4b:s3+s28], $0x80, v3, vm0, $0xb8;
	[tilespmem:$0x14400] =	vst v63  }
0x249: {  	_ = 	snop  }
0x24a: {  	[tilespmem:s21], [sflag:$0x1] =	stream.indirect_vreg.gather [hbm4b:s6+s28], $0x80, v3, vm0, $0xb8;
	[tilespmem:$0x14400] =	vst v63  }
0x24b: {  	_ = 	snop  }
0x24c: {  	[tilespmem:s22], [sflag:$0x1] =	stream.indirect_vreg.gather [hbm4b:s7+s28], $0x80, v3, vm0, $0xb8;
	[tilespmem:$0x14400] =	vst v63  }
0x24d: {  	_ =	swait.ge [sflag:s23], $0xC000  }
0x24e: {  	[sflag:s23] =	ssyncset.done $0x0  }
0x24f: {  	s29 =	simm.s32 $0x0;
	[sflag:s23] =	ssyncadd.s32 $0xFFFF4000  }
.LBB2_14:
0x250: {  	s0 =	sshrl.u32 s29, $0x2  }
0x251: {  	s0 =	smul.u32 $0x6000, s0  }
0x252: {  	s1 =	sshll.u32 s29, $0x8  }
0x253: {  	s1 =	sand.u32 $0x300, s1;
	s0 =	sshra.s32 s0, $0x2  }
0x254: {  	s0 =	sor.u32 s1, s0  }
0x255: {  	s4 =	sshll.u32 s29, $0x5;
	s18 =	sand.u32 $0x1C00, s28;
	s30 =	sadd.s32 $0x2400, s0  }
0x256: {  	s25 =	sand.u32 $0x40, s28;
	s17 =	sand.u32 $0x3E0, s4;
	v4 =	vld [tilespmem:s4+$0xC10];
	s5 =	sadd.s32 s18, s30  }
0x257: {  	v3 =	vld [tilespmem:s17+$0xC00];
	s11 =	sadd.s32 s25, s5;
	s9 =	sadd.s32 $0x80, s5  }
0x258: {  	v5 =	vld [tilespmem:s11+$0x0];
	s12 =	sadd.s32 s25, s9  }
0x259: {  	v6 =	vld [tilespmem:s12+$0x0]  }
0x25a: {  	s13 =	sshrl.u32 s29, $0x3  }
0x25b: {  	s4 =	smul.u32 $0x6000, s13  }
0x25c: {  	s10 =	sshll.u32 s29, $0x7  }
0x25d: {  	s10 =	sand.u32 $0x380, s10;
	s4 =	sshra.s32 s4, $0x2  }
0x25e: {  	s4 =	sor.u32 s10, s4;
	v5 =	vmul.f32 v5, v3;
	v6 =	vmul.f32 v6, v4  }
0x25f: {  	s31 =	sadd.s32 $0xE400, s4  }
0x260: {  	s4 =	sadd.s32 s18, s31;
	v5 =	vadd.f32 v6, v5  }
0x261: {  	s14 =	sor.u32 $0x10, s25;
	s0 =	sadd.s32 s25, s4  }
0x262: {  	s11 =	sadd.s32 s14, s5;
	[tilespmem:s0+$0x0] =	vst v5  }
0x263: {  	s15 =	sadd.s32 s14, s9;
	v5 =	vld [tilespmem:s11+$0x0]  }
0x264: {  	v6 =	vld [tilespmem:s15+$0x0];
	_ =	sdelay $0x4  }
0x265: {  	v5 =	vmul.f32 v5, v3;
	v6 =	vmul.f32 v6, v4;
	_ =	sdelay $0x1  }
0x266: {  	v5 =	vadd.f32 v6, v5  }
0x267: {  	s16 =	sor.u32 $0x20, s25;
	s10 =	sadd.s32 s14, s4  }
0x268: {  	s17 =	sadd.s32 s16, s5;
	[tilespmem:s10+$0x0] =	vst v5  }
0x269: {  	s18 =	sadd.s32 s16, s9;
	v5 =	vld [tilespmem:s17+$0x0]  }
0x26a: {  	v6 =	vld [tilespmem:s18+$0x0];
	_ =	sdelay $0x4  }
0x26b: {  	v5 =	vmul.f32 v5, v3;
	v6 =	vmul.f32 v6, v4;
	_ =	sdelay $0x1  }
0x26c: {  	v5 =	vadd.f32 v6, v5  }
0x26d: {  	s1 =	sor.u32 $0x30, s25;
	s0 =	sadd.s32 s16, s4  }
0x26e: {  	s5 =	sadd.s32 s1, s5;
	[tilespmem:s0+$0x0] =	vst v5  }
0x26f: {  	s25 =	sadd.s32 s1, s9;
	v5 =	vld [tilespmem:s5+$0x0]  }
0x270: {  	v6 =	vld [tilespmem:s25+$0x0];
	_ =	sdelay $0x3  }
0x271: {  	s4 =	sadd.s32 s1, s4  }
0x272: {  	s1 =	simm.s32 $0x0;
	s0 =	simm.s32 $0x0;
	s25 =	simm.s32 $0x0;
	v5 =	vmul.f32 v5, v3;
	v6 =	vmul.f32 v6, v4  }
.LBB2_15:
0x273: {  	s0 =	sadd.s32 $0x4, s0;
	s1 =	sadd.s32 $0x200, s1;
	s25 =	sadd.s32 $0x40, s25  }
0x274: {  	s5 =	sand.u32 $0x1C00, s1;
	p0 =	slt.u32 s0, $0x2C;
	v5 =	vadd.f32 v6, v5  }
0x275: {  	s9 =	sand.u32 $0x40, s25;
	s10 =	sadd.s32 s5, s30;
	s5 =	sadd.s32 s5, s31  }
0x276: {  	s11 =	sadd.s32 s9, s10;
	s12 =	sadd.s32 $0x80, s10;
	s13 =	sadd.s32 s9, s5;
	[tilespmem:s4+$0x0] =	vst v5  }
0x277: {  	s14 =	sor.u32 $0x20, s9;
	v5 =	vld [tilespmem:s11+$0x0];
	s4 =	sadd.s32 s9, s12;
	s11 =	sor.u32 $0x10, s9  }
0x278: {  	v6 =	vld [tilespmem:s4+$0x0];
	s15 =	sadd.s32 s11, s10;
	s16 =	sadd.s32 s11, s12;
	s11 =	sadd.s32 s11, s5  }
0x279: {  	s17 =	sadd.s32 s14, s10;
	s18 =	sadd.s32 s14, s12;
	s14 =	sadd.s32 s14, s5  }
0x27a: {  	s4 =	sor.u32 $0x30, s9  }
0x27b: {  	s9 =	sadd.s32 s4, s10;
	s10 =	sadd.s32 s4, s12;
	s4 =	sadd.s32 s4, s5  }
0x27c: {  	_ = 	snop  }
0x27d: {  	v5 =	vmul.f32 v5, v3;
	v6 =	vmul.f32 v6, v4;
	_ =	sdelay $0x1  }
0x27e: {  	v5 =	vadd.f32 v6, v5;
	_ =	sdelay $0x1  }
0x27f: {  	[tilespmem:s13+$0x0] =	vst v5  }
0x280: {  	v5 =	vld [tilespmem:s15+$0x0]  }
0x281: {  	v6 =	vld [tilespmem:s16+$0x0];
	_ =	sdelay $0x3  }
0x282: {  	v5 =	vmul.f32 v5, v3  }
0x283: {  	v6 =	vmul.f32 v6, v4;
	_ =	sdelay $0x1  }
0x284: {  	v5 =	vadd.f32 v6, v5;
	_ =	sdelay $0x1  }
0x285: {  	[tilespmem:s11+$0x0] =	vst v5  }
0x286: {  	v5 =	vld [tilespmem:s17+$0x0]  }
0x287: {  	v6 =	vld [tilespmem:s18+$0x0];
	_ =	sdelay $0x3  }
0x288: {  	v5 =	vmul.f32 v5, v3  }
0x289: {  	v6 =	vmul.f32 v6, v4;
	_ =	sdelay $0x1  }
0x28a: {  	v5 =	vadd.f32 v6, v5;
	_ =	sdelay $0x1  }
0x28b: {  	[tilespmem:s14+$0x0] =	vst v5  }
0x28c: {  	v5 =	vld [tilespmem:s9+$0x0]  }
0x28d: {  	v6 =	vld [tilespmem:s10+$0x0]  }
.Ltmp6:
0x28e: {  	(pc) =	sbr.rel @p0 .LBB2_15-.Ltmp6, $3  }
0x28f: {  	_ =	sdelay $0x1  }
0x290: {  	v5 =	vmul.f32 v5, v3  }
0x291: {  	v6 =	vmul.f32 v6, v4  }
0x292: {  	s29 =	sadd.s32 $0x1, s29  }
0x293: {  	p0 =	sne.s32 s29, $0x20  }
.Ltmp7:
0x294: {  	_ = 	snop;
	(pc) =	sbr.rel @p0 .LBB2_14-.Ltmp7, $3  }
0x295: {  	_ = 	snop  }
0x296: {  	v3 =	vadd.f32 v6, v5;
	_ =	sdelay $0x1  }
0x297: {  	[tilespmem:s4+$0x0] =	vst v3  }
0x298: {  	s28 =	simm.s32 $0x0;
	s0 =	rddreg [dreg:$0xb]  }
0x299: {  	[hbm4b:s0+s28] =	stream.linear.scatter [tilespmem:s8], [sflag:$0x2], $0x6000, $0x38;
	[tilespmem:$0x14400] =	vst v63  }
0x29a: {  	_ =	swait.ge [sflag:s24], $0x6000  }
0x29b: {  	[sflag:s24] =	ssyncset.done $0x0  }
0x29c: {  	s1 =	simm.s32 $0x2200;
	s17 =	rddreg [dreg:$0xc];
	[sflag:s24] =	ssyncadd.s32 $0xFFFFA000  }
0x29d: {  	[tilespmem:s1], [sflag:$0x2] =	stream.linear.gather [hbm4b:s17+s28], $0x40, $0x38;
	[tilespmem:$0x14400] =	vst v63  }
0x29e: {  	_ =	swait.ge [sflag:s24], $0x40  }
0x29f: {  	[sflag:s24] =	ssyncset.done $0x0  }
0x2a0: {  	[sflag:s24] =	ssyncadd.s32 $0xFFFFFFC0  }
0x2a1: {  	v3 =	vld [tilespmem:$0x2200];
	_ =	sdelay $0x4  }
0x2a2: {  	v4 =	vshrl.u32 v3, $0x3  }
0x2a3: {  	v4 =	vmul.u32 $0x30, v4  }
0x2a4: {  	v3 =	vand.u32 $0x7, v3  }
0x2a5: {  	v3 =	vor.u32 v3, v4  }
0x2a6: {  	v4 =	vperm.xlane v3, v0;
	_ =	sdelay $0x1  }
0x2a7: {  	v4 =	vadd.s32 v1, v4;
	_ =	sdelay $0x3  }
0x2a8: {  	s18 =	simm.s32 $0x2400;
	v3 =	vperm.xlane v3, v2  }
0x2a9: {  	[tilespmem:s18], [sflag:$0x1] =	stream.indirect_vreg.gather [hbm4b:s3+s28], $0x80, v4, vm0, $0xb8;
	[tilespmem:$0x14400] =	vst v63  }
0x2aa: {  	s25 =	simm.s32 $0x2C00;
	v3 =	vadd.s32 v1, v3  }
0x2ab: {  	[tilespmem:s25], [sflag:$0x1] =	stream.indirect_vreg.gather [hbm4b:s6+s28], $0x80, v4, vm0, $0xb8;
	[tilespmem:$0x14400] =	vst v63  }
0x2ac: {  	s30 =	simm.s32 $0x3400  }
0x2ad: {  	[tilespmem:s30], [sflag:$0x1] =	stream.indirect_vreg.gather [hbm4b:s7+s28], $0x80, v4, vm0, $0xb8;
	[tilespmem:$0x14400] =	vst v63  }
0x2ae: {  	s31 =	simm.s32 $0x3C00  }
0x2af: {  	[tilespmem:s31], [sflag:$0x1] =	stream.indirect_vreg.gather [hbm4b:s3+s28], $0x80, v3, vm0, $0xb8;
	[tilespmem:$0x14400] =	vst v63  }
0x2b0: {  	s1 =	simm.s32 $0x4400  }
0x2b1: {  	[tilespmem:s1], [sflag:$0x1] =	stream.indirect_vreg.gather [hbm4b:s6+s28], $0x80, v3, vm0, $0xb8;
	[tilespmem:$0x14400] =	vst v63  }
0x2b2: {  	s4 =	simm.s32 $0x4C00  }
0x2b3: {  	[tilespmem:s4], [sflag:$0x1] =	stream.indirect_vreg.gather [hbm4b:s7+s28], $0x80, v3, vm0, $0xb8;
	[tilespmem:$0x14400] =	vst v63  }
0x2b4: {  	v3 =	vld [tilespmem:$0x2210];
	_ =	sdelay $0x4  }
0x2b5: {  	v61 =	vshrl.u32 v3, $0x3  }
0x2b6: {  	v4 =	vmul.u32 $0x30, v61  }
0x2b7: {  	v3 =	vand.u32 $0x7, v3  }
0x2b8: {  	v3 =	vor.u32 v3, v4  }
0x2b9: {  	v4 =	vperm.xlane v3, v0;
	_ =	sdelay $0x1  }
0x2ba: {  	v4 =	vadd.s32 v1, v4;
	_ =	sdelay $0x3  }
0x2bb: {  	s5 =	simm.s32 $0x5400;
	v3 =	vperm.xlane v3, v2  }
0x2bc: {  	[tilespmem:s5], [sflag:$0x1] =	stream.indirect_vreg.gather [hbm4b:s3+s28], $0x80, v4, vm0, $0xb8;
	[tilespmem:$0x14400] =	vst v63  }
0x2bd: {  	s9 =	simm.s32 $0x5C00;
	v3 =	vadd.s32 v1, v3  }
0x2be: {  	[tilespmem:s9], [sflag:$0x1] =	stream.indirect_vreg.gather [hbm4b:s6+s28], $0x80, v4, vm0, $0xb8;
	[tilespmem:$0x14400] =	vst v63  }
0x2bf: {  	s10 =	simm.s32 $0x6400  }
0x2c0: {  	[tilespmem:s10], [sflag:$0x1] =	stream.indirect_vreg.gather [hbm4b:s7+s28], $0x80, v4, vm0, $0xb8;
	[tilespmem:$0x14400] =	vst v63  }
0x2c1: {  	s11 =	simm.s32 $0x6C00  }
0x2c2: {  	[tilespmem:s11], [sflag:$0x1] =	stream.indirect_vreg.gather [hbm4b:s3+s28], $0x80, v3, vm0, $0xb8;
	[tilespmem:$0x14400] =	vst v63  }
0x2c3: {  	s12 =	simm.s32 $0x7400  }
0x2c4: {  	[tilespmem:s12], [sflag:$0x1] =	stream.indirect_vreg.gather [hbm4b:s6+s28], $0x80, v3, vm0, $0xb8;
	[tilespmem:$0x14400] =	vst v63  }
0x2c5: {  	s13 =	simm.s32 $0x7C00  }
0x2c6: {  	[tilespmem:s13], [sflag:$0x1] =	stream.indirect_vreg.gather [hbm4b:s7+s28], $0x80, v3, vm0, $0xb8;
	[tilespmem:$0x14400] =	vst v63  }
0x2c7: {  	v3 =	vld [tilespmem:$0x2220];
	_ =	sdelay $0x4  }
0x2c8: {  	v62 =	vshrl.u32 v3, $0x3  }
0x2c9: {  	v4 =	vmul.u32 $0x30, v62  }
0x2ca: {  	v3 =	vand.u32 $0x7, v3  }
0x2cb: {  	v3 =	vor.u32 v3, v4  }
0x2cc: {  	v4 =	vperm.xlane v3, v0;
	_ =	sdelay $0x1  }
0x2cd: {  	v4 =	vadd.s32 v1, v4;
	_ =	sdelay $0x3  }
0x2ce: {  	s14 =	simm.s32 $0x8400;
	v3 =	vperm.xlane v3, v2  }
0x2cf: {  	[tilespmem:s14], [sflag:$0x1] =	stream.indirect_vreg.gather [hbm4b:s3+s28], $0x80, v4, vm0, $0xb8;
	[tilespmem:$0x14400] =	vst v63  }
0x2d0: {  	s15 =	simm.s32 $0x8C00;
	v3 =	vadd.s32 v1, v3  }
0x2d1: {  	[tilespmem:s15], [sflag:$0x1] =	stream.indirect_vreg.gather [hbm4b:s6+s28], $0x80, v4, vm0, $0xb8;
	[tilespmem:$0x14400] =	vst v63  }
0x2d2: {  	s16 =	simm.s32 $0x9400  }
0x2d3: {  	[tilespmem:s16], [sflag:$0x1] =	stream.indirect_vreg.gather [hbm4b:s7+s28], $0x80, v4, vm0, $0xb8;
	[tilespmem:$0x14400] =	vst v63  }
0x2d4: {  	s17 =	simm.s32 $0x9C00  }
0x2d5: {  	[tilespmem:s17], [sflag:$0x1] =	stream.indirect_vreg.gather [hbm4b:s3+s28], $0x80, v3, vm0, $0xb8;
	[tilespmem:$0x14400] =	vst v63  }
0x2d6: {  	s18 =	simm.s32 $0xA400  }
0x2d7: {  	[tilespmem:s18], [sflag:$0x1] =	stream.indirect_vreg.gather [hbm4b:s6+s28], $0x80, v3, vm0, $0xb8;
	[tilespmem:$0x14400] =	vst v63  }
0x2d8: {  	s25 =	simm.s32 $0xAC00  }
0x2d9: {  	[tilespmem:s25], [sflag:$0x1] =	stream.indirect_vreg.gather [hbm4b:s7+s28], $0x80, v3, vm0, $0xb8;
	[tilespmem:$0x14400] =	vst v63  }
0x2da: {  	v3 =	vld [tilespmem:$0x2230];
	_ =	sdelay $0x4  }
0x2db: {  	v63 =	vshrl.u32 v3, $0x3  }
0x2dc: {  	v4 =	vmul.u32 $0x30, v63  }
0x2dd: {  	v3 =	vand.u32 $0x7, v3  }
0x2de: {  	v3 =	vor.u32 v3, v4  }
0x2df: {  	v4 =	vperm.xlane v3, v0;
	_ =	sdelay $0x1  }
0x2e0: {  	v4 =	vadd.s32 v1, v4;
	_ =	sdelay $0x3  }
0x2e1: {  	s30 =	simm.s32 $0xB400;
	v3 =	vperm.xlane v3, v2  }
0x2e2: {  	[tilespmem:s30], [sflag:$0x1] =	stream.indirect_vreg.gather [hbm4b:s3+s28], $0x80, v4, vm0, $0xb8;
	[tilespmem:$0x14400] =	vst v63  }
0x2e3: {  	s31 =	simm.s32 $0xBC00;
	v3 =	vadd.s32 v1, v3  }
0x2e4: {  	[tilespmem:s31], [sflag:$0x1] =	stream.indirect_vreg.gather [hbm4b:s6+s28], $0x80, v4, vm0, $0xb8;
	[tilespmem:$0x14400] =	vst v63  }
0x2e5: {  	_ = 	snop  }
0x2e6: {  	[tilespmem:s19], [sflag:$0x1] =	stream.indirect_vreg.gather [hbm4b:s7+s28], $0x80, v4, vm0, $0xb8;
	[tilespmem:$0x14400] =	vst v63  }
0x2e7: {  	_ = 	snop  }
0x2e8: {  	[tilespmem:s20], [sflag:$0x1] =	stream.indirect_vreg.gather [hbm4b:s3+s28], $0x80, v3, vm0, $0xb8;
	[tilespmem:$0x14400] =	vst v63  }
0x2e9: {  	_ = 	snop  }
0x2ea: {  	[tilespmem:s21], [sflag:$0x1] =	stream.indirect_vreg.gather [hbm4b:s6+s28], $0x80, v3, vm0, $0xb8;
	[tilespmem:$0x14400] =	vst v63  }
0x2eb: {  	_ = 	snop  }
0x2ec: {  	[tilespmem:s22], [sflag:$0x1] =	stream.indirect_vreg.gather [hbm4b:s7+s28], $0x80, v3, vm0, $0xb8;
	[tilespmem:$0x14400] =	vst v63  }
0x2ed: {  	_ =	swait.ge [sflag:s23], $0xC000  }
0x2ee: {  	[sflag:s23] =	ssyncset.done $0x0  }
0x2ef: {  	s29 =	simm.s32 $0x0;
	[sflag:s23] =	ssyncadd.s32 $0xFFFF4000  }
.LBB2_18:
0x2f0: {  	s0 =	sshrl.u32 s29, $0x2  }
0x2f1: {  	s0 =	smul.u32 $0x6000, s0  }
0x2f2: {  	s1 =	sshll.u32 s29, $0x8  }
0x2f3: {  	s1 =	sand.u32 $0x300, s1;
	s0 =	sshra.s32 s0, $0x2  }
0x2f4: {  	s0 =	sor.u32 s1, s0  }
0x2f5: {  	s4 =	sshll.u32 s29, $0x5;
	s18 =	sand.u32 $0x1C00, s28;
	s30 =	sadd.s32 $0x2400, s0  }
0x2f6: {  	s25 =	sand.u32 $0x40, s28;
	s17 =	sand.u32 $0x3E0, s4;
	v4 =	vld [tilespmem:s4+$0x1010];
	s5 =	sadd.s32 s18, s30  }
0x2f7: {  	v3 =	vld [tilespmem:s17+$0x1000];
	s11 =	sadd.s32 s25, s5;
	s9 =	sadd.s32 $0x80, s5  }
0x2f8: {  	v5 =	vld [tilespmem:s11+$0x0];
	s12 =	sadd.s32 s25, s9  }
0x2f9: {  	v6 =	vld [tilespmem:s12+$0x0]  }
0x2fa: {  	s13 =	sshrl.u32 s29, $0x3  }
0x2fb: {  	s4 =	smul.u32 $0x6000, s13  }
0x2fc: {  	s10 =	sshll.u32 s29, $0x7  }
0x2fd: {  	s10 =	sand.u32 $0x380, s10;
	s4 =	sshra.s32 s4, $0x2  }
0x2fe: {  	s4 =	sor.u32 s10, s4;
	v5 =	vmul.f32 v5, v3;
	v6 =	vmul.f32 v6, v4  }
0x2ff: {  	s31 =	sadd.s32 $0xE400, s4  }
0x300: {  	s4 =	sadd.s32 s18, s31;
	v5 =	vadd.f32 v6, v5  }
0x301: {  	s14 =	sor.u32 $0x10, s25;
	s0 =	sadd.s32 s25, s4  }
0x302: {  	s11 =	sadd.s32 s14, s5;
	[tilespmem:s0+$0x0] =	vst v5  }
0x303: {  	s15 =	sadd.s32 s14, s9;
	v5 =	vld [tilespmem:s11+$0x0]  }
0x304: {  	v6 =	vld [tilespmem:s15+$0x0];
	_ =	sdelay $0x4  }
0x305: {  	v5 =	vmul.f32 v5, v3;
	v6 =	vmul.f32 v6, v4;
	_ =	sdelay $0x1  }
0x306: {  	v5 =	vadd.f32 v6, v5  }
0x307: {  	s16 =	sor.u32 $0x20, s25;
	s10 =	sadd.s32 s14, s4  }
0x308: {  	s17 =	sadd.s32 s16, s5;
	[tilespmem:s10+$0x0] =	vst v5  }
0x309: {  	s18 =	sadd.s32 s16, s9;
	v5 =	vld [tilespmem:s17+$0x0]  }
0x30a: {  	v6 =	vld [tilespmem:s18+$0x0];
	_ =	sdelay $0x4  }
0x30b: {  	v5 =	vmul.f32 v5, v3;
	v6 =	vmul.f32 v6, v4;
	_ =	sdelay $0x1  }
0x30c: {  	v5 =	vadd.f32 v6, v5  }
0x30d: {  	s1 =	sor.u32 $0x30, s25;
	s0 =	sadd.s32 s16, s4  }
0x30e: {  	s5 =	sadd.s32 s1, s5;
	[tilespmem:s0+$0x0] =	vst v5  }
0x30f: {  	s25 =	sadd.s32 s1, s9;
	v5 =	vld [tilespmem:s5+$0x0]  }
0x310: {  	v6 =	vld [tilespmem:s25+$0x0];
	_ =	sdelay $0x3  }
0x311: {  	s4 =	sadd.s32 s1, s4  }
0x312: {  	s1 =	simm.s32 $0x0;
	s0 =	simm.s32 $0x0;
	s25 =	simm.s32 $0x0;
	v5 =	vmul.f32 v5, v3;
	v6 =	vmul.f32 v6, v4  }
.LBB2_19:
0x313: {  	s0 =	sadd.s32 $0x4, s0;
	s1 =	sadd.s32 $0x200, s1;
	s25 =	sadd.s32 $0x40, s25  }
0x314: {  	s5 =	sand.u32 $0x1C00, s1;
	p0 =	slt.u32 s0, $0x2C;
	v5 =	vadd.f32 v6, v5  }
0x315: {  	s9 =	sand.u32 $0x40, s25;
	s10 =	sadd.s32 s5, s30;
	s5 =	sadd.s32 s5, s31  }
0x316: {  	s11 =	sadd.s32 s9, s10;
	s12 =	sadd.s32 $0x80, s10;
	s13 =	sadd.s32 s9, s5;
	[tilespmem:s4+$0x0] =	vst v5  }
0x317: {  	s14 =	sor.u32 $0x20, s9;
	v5 =	vld [tilespmem:s11+$0x0];
	s4 =	sadd.s32 s9, s12;
	s11 =	sor.u32 $0x10, s9  }
0x318: {  	v6 =	vld [tilespmem:s4+$0x0];
	s15 =	sadd.s32 s11, s10;
	s16 =	sadd.s32 s11, s12;
	s11 =	sadd.s32 s11, s5  }
0x319: {  	s17 =	sadd.s32 s14, s10;
	s18 =	sadd.s32 s14, s12;
	s14 =	sadd.s32 s14, s5  }
0x31a: {  	s4 =	sor.u32 $0x30, s9  }
0x31b: {  	s9 =	sadd.s32 s4, s10;
	s10 =	sadd.s32 s4, s12;
	s4 =	sadd.s32 s4, s5  }
0x31c: {  	_ = 	snop  }
0x31d: {  	v5 =	vmul.f32 v5, v3;
	v6 =	vmul.f32 v6, v4;
	_ =	sdelay $0x1  }
0x31e: {  	v5 =	vadd.f32 v6, v5;
	_ =	sdelay $0x1  }
0x31f: {  	[tilespmem:s13+$0x0] =	vst v5  }
0x320: {  	v5 =	vld [tilespmem:s15+$0x0]  }
0x321: {  	v6 =	vld [tilespmem:s16+$0x0];
	_ =	sdelay $0x3  }
0x322: {  	v5 =	vmul.f32 v5, v3  }
0x323: {  	v6 =	vmul.f32 v6, v4;
	_ =	sdelay $0x1  }
0x324: {  	v5 =	vadd.f32 v6, v5;
	_ =	sdelay $0x1  }
0x325: {  	[tilespmem:s11+$0x0] =	vst v5  }
0x326: {  	v5 =	vld [tilespmem:s17+$0x0]  }
0x327: {  	v6 =	vld [tilespmem:s18+$0x0];
	_ =	sdelay $0x3  }
0x328: {  	v5 =	vmul.f32 v5, v3  }
0x329: {  	v6 =	vmul.f32 v6, v4;
	_ =	sdelay $0x1  }
0x32a: {  	v5 =	vadd.f32 v6, v5;
	_ =	sdelay $0x1  }
0x32b: {  	[tilespmem:s14+$0x0] =	vst v5  }
0x32c: {  	v5 =	vld [tilespmem:s9+$0x0]  }
0x32d: {  	v6 =	vld [tilespmem:s10+$0x0]  }
.Ltmp8:
0x32e: {  	(pc) =	sbr.rel @p0 .LBB2_19-.Ltmp8, $3  }
0x32f: {  	_ =	sdelay $0x1  }
0x330: {  	v5 =	vmul.f32 v5, v3  }
0x331: {  	v6 =	vmul.f32 v6, v4  }
0x332: {  	s29 =	sadd.s32 $0x1, s29  }
0x333: {  	p0 =	sne.s32 s29, $0x20  }
.Ltmp9:
0x334: {  	_ = 	snop;
	(pc) =	sbr.rel @p0 .LBB2_18-.Ltmp9, $3  }
0x335: {  	_ = 	snop  }
0x336: {  	v3 =	vadd.f32 v6, v5;
	_ =	sdelay $0x1  }
0x337: {  	[tilespmem:s4+$0x0] =	vst v3  }
0x338: {  	s28 =	simm.s32 $0x0;
	s0 =	rddreg [dreg:$0xd]  }
0x339: {  	[hbm4b:s0+s28] =	stream.linear.scatter [tilespmem:s8], [sflag:$0x2], $0x6000, $0x38;
	[tilespmem:$0x14400] =	vst v63  }
0x33a: {  	_ =	swait.ge [sflag:s24], $0x6000  }
0x33b: {  	[sflag:s24] =	ssyncset.done $0x0  }
0x33c: {  	s1 =	simm.s32 $0x2280;
	s17 =	rddreg [dreg:$0xe];
	[sflag:s24] =	ssyncadd.s32 $0xFFFFA000  }
0x33d: {  	[tilespmem:s1], [sflag:$0x2] =	stream.linear.gather [hbm4b:s17+s28], $0x40, $0x38;
	[tilespmem:$0x14400] =	vst v63  }
0x33e: {  	_ =	swait.ge [sflag:s24], $0x40  }
0x33f: {  	[sflag:s24] =	ssyncset.done $0x0  }
0x340: {  	[sflag:s24] =	ssyncadd.s32 $0xFFFFFFC0  }
0x341: {  	v3 =	vld [tilespmem:$0x2280];
	_ =	sdelay $0x4  }
0x342: {  	v4 =	vshrl.u32 v3, $0x3  }
0x343: {  	v4 =	vmul.u32 $0x30, v4  }
0x344: {  	v3 =	vand.u32 $0x7, v3  }
0x345: {  	v3 =	vor.u32 v3, v4  }
0x346: {  	v4 =	vperm.xlane v3, v0;
	_ =	sdelay $0x1  }
0x347: {  	v4 =	vadd.s32 v1, v4;
	_ =	sdelay $0x3  }
0x348: {  	s18 =	simm.s32 $0x2400;
	v3 =	vperm.xlane v3, v2  }
0x349: {  	[tilespmem:s18], [sflag:$0x1] =	stream.indirect_vreg.gather [hbm4b:s3+s28], $0x80, v4, vm0, $0xb8;
	[tilespmem:$0x14400] =	vst v63  }
0x34a: {  	s25 =	simm.s32 $0x2C00;
	v3 =	vadd.s32 v1, v3  }
0x34b: {  	[tilespmem:s25], [sflag:$0x1] =	stream.indirect_vreg.gather [hbm4b:s6+s28], $0x80, v4, vm0, $0xb8;
	[tilespmem:$0x14400] =	vst v63  }
0x34c: {  	s30 =	simm.s32 $0x3400  }
0x34d: {  	[tilespmem:s30], [sflag:$0x1] =	stream.indirect_vreg.gather [hbm4b:s7+s28], $0x80, v4, vm0, $0xb8;
	[tilespmem:$0x14400] =	vst v63  }
0x34e: {  	s31 =	simm.s32 $0x3C00  }
0x34f: {  	[tilespmem:s31], [sflag:$0x1] =	stream.indirect_vreg.gather [hbm4b:s3+s28], $0x80, v3, vm0, $0xb8;
	[tilespmem:$0x14400] =	vst v63  }
0x350: {  	s1 =	simm.s32 $0x4400  }
0x351: {  	[tilespmem:s1], [sflag:$0x1] =	stream.indirect_vreg.gather [hbm4b:s6+s28], $0x80, v3, vm0, $0xb8;
	[tilespmem:$0x14400] =	vst v63  }
0x352: {  	s4 =	simm.s32 $0x4C00  }
0x353: {  	[tilespmem:s4], [sflag:$0x1] =	stream.indirect_vreg.gather [hbm4b:s7+s28], $0x80, v3, vm0, $0xb8;
	[tilespmem:$0x14400] =	vst v63  }
0x354: {  	v3 =	vld [tilespmem:$0x2290];
	_ =	sdelay $0x4  }
0x355: {  	v61 =	vshrl.u32 v3, $0x3  }
0x356: {  	v4 =	vmul.u32 $0x30, v61  }
0x357: {  	v3 =	vand.u32 $0x7, v3  }
0x358: {  	v3 =	vor.u32 v3, v4  }
0x359: {  	v4 =	vperm.xlane v3, v0;
	_ =	sdelay $0x1  }
0x35a: {  	v4 =	vadd.s32 v1, v4;
	_ =	sdelay $0x3  }
0x35b: {  	s5 =	simm.s32 $0x5400;
	v3 =	vperm.xlane v3, v2  }
0x35c: {  	[tilespmem:s5], [sflag:$0x1] =	stream.indirect_vreg.gather [hbm4b:s3+s28], $0x80, v4, vm0, $0xb8;
	[tilespmem:$0x14400] =	vst v63  }
0x35d: {  	s9 =	simm.s32 $0x5C00;
	v3 =	vadd.s32 v1, v3  }
0x35e: {  	[tilespmem:s9], [sflag:$0x1] =	stream.indirect_vreg.gather [hbm4b:s6+s28], $0x80, v4, vm0, $0xb8;
	[tilespmem:$0x14400] =	vst v63  }
0x35f: {  	s10 =	simm.s32 $0x6400  }
0x360: {  	[tilespmem:s10], [sflag:$0x1] =	stream.indirect_vreg.gather [hbm4b:s7+s28], $0x80, v4, vm0, $0xb8;
	[tilespmem:$0x14400] =	vst v63  }
0x361: {  	s11 =	simm.s32 $0x6C00  }
0x362: {  	[tilespmem:s11], [sflag:$0x1] =	stream.indirect_vreg.gather [hbm4b:s3+s28], $0x80, v3, vm0, $0xb8;
	[tilespmem:$0x14400] =	vst v63  }
0x363: {  	s12 =	simm.s32 $0x7400  }
0x364: {  	[tilespmem:s12], [sflag:$0x1] =	stream.indirect_vreg.gather [hbm4b:s6+s28], $0x80, v3, vm0, $0xb8;
	[tilespmem:$0x14400] =	vst v63  }
0x365: {  	s13 =	simm.s32 $0x7C00  }
0x366: {  	[tilespmem:s13], [sflag:$0x1] =	stream.indirect_vreg.gather [hbm4b:s7+s28], $0x80, v3, vm0, $0xb8;
	[tilespmem:$0x14400] =	vst v63  }
0x367: {  	v3 =	vld [tilespmem:$0x22A0];
	_ =	sdelay $0x4  }
0x368: {  	v62 =	vshrl.u32 v3, $0x3  }
0x369: {  	v4 =	vmul.u32 $0x30, v62  }
0x36a: {  	v3 =	vand.u32 $0x7, v3  }
0x36b: {  	v3 =	vor.u32 v3, v4  }
0x36c: {  	v4 =	vperm.xlane v3, v0;
	_ =	sdelay $0x1  }
0x36d: {  	v4 =	vadd.s32 v1, v4;
	_ =	sdelay $0x3  }
0x36e: {  	s14 =	simm.s32 $0x8400;
	v3 =	vperm.xlane v3, v2  }
0x36f: {  	[tilespmem:s14], [sflag:$0x1] =	stream.indirect_vreg.gather [hbm4b:s3+s28], $0x80, v4, vm0, $0xb8;
	[tilespmem:$0x14400] =	vst v63  }
0x370: {  	s15 =	simm.s32 $0x8C00;
	v3 =	vadd.s32 v1, v3  }
0x371: {  	[tilespmem:s15], [sflag:$0x1] =	stream.indirect_vreg.gather [hbm4b:s6+s28], $0x80, v4, vm0, $0xb8;
	[tilespmem:$0x14400] =	vst v63  }
0x372: {  	s16 =	simm.s32 $0x9400  }
0x373: {  	[tilespmem:s16], [sflag:$0x1] =	stream.indirect_vreg.gather [hbm4b:s7+s28], $0x80, v4, vm0, $0xb8;
	[tilespmem:$0x14400] =	vst v63  }
0x374: {  	s17 =	simm.s32 $0x9C00  }
0x375: {  	[tilespmem:s17], [sflag:$0x1] =	stream.indirect_vreg.gather [hbm4b:s3+s28], $0x80, v3, vm0, $0xb8;
	[tilespmem:$0x14400] =	vst v63  }
0x376: {  	s18 =	simm.s32 $0xA400  }
0x377: {  	[tilespmem:s18], [sflag:$0x1] =	stream.indirect_vreg.gather [hbm4b:s6+s28], $0x80, v3, vm0, $0xb8;
	[tilespmem:$0x14400] =	vst v63  }
0x378: {  	s25 =	simm.s32 $0xAC00  }
0x379: {  	[tilespmem:s25], [sflag:$0x1] =	stream.indirect_vreg.gather [hbm4b:s7+s28], $0x80, v3, vm0, $0xb8;
	[tilespmem:$0x14400] =	vst v63  }
0x37a: {  	v3 =	vld [tilespmem:$0x22B0];
	_ =	sdelay $0x4  }
0x37b: {  	v63 =	vshrl.u32 v3, $0x3  }
0x37c: {  	v4 =	vmul.u32 $0x30, v63  }
0x37d: {  	v3 =	vand.u32 $0x7, v3  }
0x37e: {  	v3 =	vor.u32 v3, v4  }
0x37f: {  	v4 =	vperm.xlane v3, v0;
	_ =	sdelay $0x1  }
0x380: {  	v4 =	vadd.s32 v1, v4;
	_ =	sdelay $0x3  }
0x381: {  	s30 =	simm.s32 $0xB400;
	v3 =	vperm.xlane v3, v2  }
0x382: {  	[tilespmem:s30], [sflag:$0x1] =	stream.indirect_vreg.gather [hbm4b:s3+s28], $0x80, v4, vm0, $0xb8;
	[tilespmem:$0x14400] =	vst v63  }
0x383: {  	s31 =	simm.s32 $0xBC00;
	v3 =	vadd.s32 v1, v3  }
0x384: {  	[tilespmem:s31], [sflag:$0x1] =	stream.indirect_vreg.gather [hbm4b:s6+s28], $0x80, v4, vm0, $0xb8;
	[tilespmem:$0x14400] =	vst v63  }
0x385: {  	_ = 	snop  }
0x386: {  	[tilespmem:s19], [sflag:$0x1] =	stream.indirect_vreg.gather [hbm4b:s7+s28], $0x80, v4, vm0, $0xb8;
	[tilespmem:$0x14400] =	vst v63  }
0x387: {  	_ = 	snop  }
0x388: {  	[tilespmem:s20], [sflag:$0x1] =	stream.indirect_vreg.gather [hbm4b:s3+s28], $0x80, v3, vm0, $0xb8;
	[tilespmem:$0x14400] =	vst v63  }
0x389: {  	_ = 	snop  }
0x38a: {  	[tilespmem:s21], [sflag:$0x1] =	stream.indirect_vreg.gather [hbm4b:s6+s28], $0x80, v3, vm0, $0xb8;
	[tilespmem:$0x14400] =	vst v63  }
0x38b: {  	_ = 	snop  }
0x38c: {  	[tilespmem:s22], [sflag:$0x1] =	stream.indirect_vreg.gather [hbm4b:s7+s28], $0x80, v3, vm0, $0xb8;
	[tilespmem:$0x14400] =	vst v63  }
0x38d: {  	_ =	swait.ge [sflag:s23], $0xC000  }
0x38e: {  	[sflag:s23] =	ssyncset.done $0x0  }
0x38f: {  	s29 =	simm.s32 $0x0;
	[sflag:s23] =	ssyncadd.s32 $0xFFFF4000  }
.LBB2_22:
0x390: {  	s0 =	sshrl.u32 s29, $0x2  }
0x391: {  	s0 =	smul.u32 $0x6000, s0  }
0x392: {  	s1 =	sshll.u32 s29, $0x8  }
0x393: {  	s1 =	sand.u32 $0x300, s1;
	s0 =	sshra.s32 s0, $0x2  }
0x394: {  	s0 =	sor.u32 s1, s0  }
0x395: {  	s4 =	sshll.u32 s29, $0x5;
	s18 =	sand.u32 $0x1C00, s28;
	s30 =	sadd.s32 $0x2400, s0  }
0x396: {  	s25 =	sand.u32 $0x40, s28;
	s17 =	sand.u32 $0x3E0, s4;
	v4 =	vld [tilespmem:s4+$0x1410];
	s5 =	sadd.s32 s18, s30  }
0x397: {  	v3 =	vld [tilespmem:s17+$0x1400];
	s11 =	sadd.s32 s25, s5;
	s9 =	sadd.s32 $0x80, s5  }
0x398: {  	v5 =	vld [tilespmem:s11+$0x0];
	s12 =	sadd.s32 s25, s9  }
0x399: {  	v6 =	vld [tilespmem:s12+$0x0]  }
0x39a: {  	s13 =	sshrl.u32 s29, $0x3  }
0x39b: {  	s4 =	smul.u32 $0x6000, s13  }
0x39c: {  	s10 =	sshll.u32 s29, $0x7  }
0x39d: {  	s10 =	sand.u32 $0x380, s10;
	s4 =	sshra.s32 s4, $0x2  }
0x39e: {  	s4 =	sor.u32 s10, s4;
	v5 =	vmul.f32 v5, v3;
	v6 =	vmul.f32 v6, v4  }
0x39f: {  	s31 =	sadd.s32 $0xE400, s4  }
0x3a0: {  	s4 =	sadd.s32 s18, s31;
	v5 =	vadd.f32 v6, v5  }
0x3a1: {  	s14 =	sor.u32 $0x10, s25;
	s0 =	sadd.s32 s25, s4  }
0x3a2: {  	s11 =	sadd.s32 s14, s5;
	[tilespmem:s0+$0x0] =	vst v5  }
0x3a3: {  	s15 =	sadd.s32 s14, s9;
	v5 =	vld [tilespmem:s11+$0x0]  }
0x3a4: {  	v6 =	vld [tilespmem:s15+$0x0];
	_ =	sdelay $0x4  }
0x3a5: {  	v5 =	vmul.f32 v5, v3;
	v6 =	vmul.f32 v6, v4;
	_ =	sdelay $0x1  }
0x3a6: {  	v5 =	vadd.f32 v6, v5  }
0x3a7: {  	s16 =	sor.u32 $0x20, s25;
	s10 =	sadd.s32 s14, s4  }
0x3a8: {  	s17 =	sadd.s32 s16, s5;
	[tilespmem:s10+$0x0] =	vst v5  }
0x3a9: {  	s18 =	sadd.s32 s16, s9;
	v5 =	vld [tilespmem:s17+$0x0]  }
0x3aa: {  	v6 =	vld [tilespmem:s18+$0x0];
	_ =	sdelay $0x4  }
0x3ab: {  	v5 =	vmul.f32 v5, v3;
	v6 =	vmul.f32 v6, v4;
	_ =	sdelay $0x1  }
0x3ac: {  	v5 =	vadd.f32 v6, v5  }
0x3ad: {  	s1 =	sor.u32 $0x30, s25;
	s0 =	sadd.s32 s16, s4  }
0x3ae: {  	s5 =	sadd.s32 s1, s5;
	[tilespmem:s0+$0x0] =	vst v5  }
0x3af: {  	s25 =	sadd.s32 s1, s9;
	v5 =	vld [tilespmem:s5+$0x0]  }
0x3b0: {  	v6 =	vld [tilespmem:s25+$0x0];
	_ =	sdelay $0x3  }
0x3b1: {  	s4 =	sadd.s32 s1, s4  }
0x3b2: {  	s1 =	simm.s32 $0x0;
	s0 =	simm.s32 $0x0;
	s25 =	simm.s32 $0x0;
	v5 =	vmul.f32 v5, v3;
	v6 =	vmul.f32 v6, v4  }
.LBB2_23:
0x3b3: {  	s0 =	sadd.s32 $0x4, s0;
	s1 =	sadd.s32 $0x200, s1;
	s25 =	sadd.s32 $0x40, s25  }
0x3b4: {  	s5 =	sand.u32 $0x1C00, s1;
	p0 =	slt.u32 s0, $0x2C;
	v5 =	vadd.f32 v6, v5  }
0x3b5: {  	s9 =	sand.u32 $0x40, s25;
	s10 =	sadd.s32 s5, s30;
	s5 =	sadd.s32 s5, s31  }
0x3b6: {  	s11 =	sadd.s32 s9, s10;
	s12 =	sadd.s32 $0x80, s10;
	s13 =	sadd.s32 s9, s5;
	[tilespmem:s4+$0x0] =	vst v5  }
0x3b7: {  	s14 =	sor.u32 $0x20, s9;
	v5 =	vld [tilespmem:s11+$0x0];
	s4 =	sadd.s32 s9, s12;
	s11 =	sor.u32 $0x10, s9  }
0x3b8: {  	v6 =	vld [tilespmem:s4+$0x0];
	s15 =	sadd.s32 s11, s10;
	s16 =	sadd.s32 s11, s12;
	s11 =	sadd.s32 s11, s5  }
0x3b9: {  	s17 =	sadd.s32 s14, s10;
	s18 =	sadd.s32 s14, s12;
	s14 =	sadd.s32 s14, s5  }
0x3ba: {  	s4 =	sor.u32 $0x30, s9  }
0x3bb: {  	s9 =	sadd.s32 s4, s10;
	s10 =	sadd.s32 s4, s12;
	s4 =	sadd.s32 s4, s5  }
0x3bc: {  	_ = 	snop  }
0x3bd: {  	v5 =	vmul.f32 v5, v3;
	v6 =	vmul.f32 v6, v4;
	_ =	sdelay $0x1  }
0x3be: {  	v5 =	vadd.f32 v6, v5;
	_ =	sdelay $0x1  }
0x3bf: {  	[tilespmem:s13+$0x0] =	vst v5  }
0x3c0: {  	v5 =	vld [tilespmem:s15+$0x0]  }
0x3c1: {  	v6 =	vld [tilespmem:s16+$0x0];
	_ =	sdelay $0x3  }
0x3c2: {  	v5 =	vmul.f32 v5, v3  }
0x3c3: {  	v6 =	vmul.f32 v6, v4;
	_ =	sdelay $0x1  }
0x3c4: {  	v5 =	vadd.f32 v6, v5;
	_ =	sdelay $0x1  }
0x3c5: {  	[tilespmem:s11+$0x0] =	vst v5  }
0x3c6: {  	v5 =	vld [tilespmem:s17+$0x0]  }
0x3c7: {  	v6 =	vld [tilespmem:s18+$0x0];
	_ =	sdelay $0x3  }
0x3c8: {  	v5 =	vmul.f32 v5, v3  }
0x3c9: {  	v6 =	vmul.f32 v6, v4;
	_ =	sdelay $0x1  }
0x3ca: {  	v5 =	vadd.f32 v6, v5;
	_ =	sdelay $0x1  }
0x3cb: {  	[tilespmem:s14+$0x0] =	vst v5  }
0x3cc: {  	v5 =	vld [tilespmem:s9+$0x0]  }
0x3cd: {  	v6 =	vld [tilespmem:s10+$0x0]  }
.Ltmp10:
0x3ce: {  	(pc) =	sbr.rel @p0 .LBB2_23-.Ltmp10, $3  }
0x3cf: {  	_ =	sdelay $0x1  }
0x3d0: {  	v5 =	vmul.f32 v5, v3  }
0x3d1: {  	v6 =	vmul.f32 v6, v4  }
0x3d2: {  	s29 =	sadd.s32 $0x1, s29  }
0x3d3: {  	p0 =	sne.s32 s29, $0x20  }
.Ltmp11:
0x3d4: {  	_ = 	snop;
	(pc) =	sbr.rel @p0 .LBB2_22-.Ltmp11, $3  }
0x3d5: {  	_ = 	snop  }
0x3d6: {  	v3 =	vadd.f32 v6, v5;
	_ =	sdelay $0x1  }
0x3d7: {  	[tilespmem:s4+$0x0] =	vst v3  }
0x3d8: {  	s28 =	simm.s32 $0x0;
	s0 =	rddreg [dreg:$0xf]  }
0x3d9: {  	[hbm4b:s0+s28] =	stream.linear.scatter [tilespmem:s8], [sflag:$0x2], $0x6000, $0x38;
	[tilespmem:$0x14400] =	vst v63  }
0x3da: {  	_ =	swait.ge [sflag:s24], $0x6000  }
0x3db: {  	[sflag:s24] =	ssyncset.done $0x0  }
0x3dc: {  	s1 =	simm.s32 $0x2300;
	s17 =	rddreg [dreg:$0x10];
	[sflag:s24] =	ssyncadd.s32 $0xFFFFA000  }
0x3dd: {  	[tilespmem:s1], [sflag:$0x2] =	stream.linear.gather [hbm4b:s17+s28], $0x40, $0x38;
	[tilespmem:$0x14400] =	vst v63  }
0x3de: {  	_ =	swait.ge [sflag:s24], $0x40  }
0x3df: {  	[sflag:s24] =	ssyncset.done $0x0  }
0x3e0: {  	[sflag:s24] =	ssyncadd.s32 $0xFFFFFFC0  }
0x3e1: {  	v3 =	vld [tilespmem:$0x2300];
	_ =	sdelay $0x4  }
0x3e2: {  	v4 =	vshrl.u32 v3, $0x3  }
0x3e3: {  	v4 =	vmul.u32 $0x30, v4  }
0x3e4: {  	v3 =	vand.u32 $0x7, v3  }
0x3e5: {  	v3 =	vor.u32 v3, v4  }
0x3e6: {  	v4 =	vperm.xlane v3, v0;
	_ =	sdelay $0x1  }
0x3e7: {  	v4 =	vadd.s32 v1, v4;
	_ =	sdelay $0x3  }
0x3e8: {  	s18 =	simm.s32 $0x2400;
	v3 =	vperm.xlane v3, v2  }
0x3e9: {  	[tilespmem:s18], [sflag:$0x1] =	stream.indirect_vreg.gather [hbm4b:s3+s28], $0x80, v4, vm0, $0xb8;
	[tilespmem:$0x14400] =	vst v63  }
0x3ea: {  	s25 =	simm.s32 $0x2C00;
	v3 =	vadd.s32 v1, v3  }
0x3eb: {  	[tilespmem:s25], [sflag:$0x1] =	stream.indirect_vreg.gather [hbm4b:s6+s28], $0x80, v4, vm0, $0xb8;
	[tilespmem:$0x14400] =	vst v63  }
0x3ec: {  	s30 =	simm.s32 $0x3400  }
0x3ed: {  	[tilespmem:s30], [sflag:$0x1] =	stream.indirect_vreg.gather [hbm4b:s7+s28], $0x80, v4, vm0, $0xb8;
	[tilespmem:$0x14400] =	vst v63  }
0x3ee: {  	s31 =	simm.s32 $0x3C00  }
0x3ef: {  	[tilespmem:s31], [sflag:$0x1] =	stream.indirect_vreg.gather [hbm4b:s3+s28], $0x80, v3, vm0, $0xb8;
	[tilespmem:$0x14400] =	vst v63  }
0x3f0: {  	s1 =	simm.s32 $0x4400  }
0x3f1: {  	[tilespmem:s1], [sflag:$0x1] =	stream.indirect_vreg.gather [hbm4b:s6+s28], $0x80, v3, vm0, $0xb8;
	[tilespmem:$0x14400] =	vst v63  }
0x3f2: {  	s4 =	simm.s32 $0x4C00  }
0x3f3: {  	[tilespmem:s4], [sflag:$0x1] =	stream.indirect_vreg.gather [hbm4b:s7+s28], $0x80, v3, vm0, $0xb8;
	[tilespmem:$0x14400] =	vst v63  }
0x3f4: {  	v3 =	vld [tilespmem:$0x2310];
	_ =	sdelay $0x4  }
0x3f5: {  	v61 =	vshrl.u32 v3, $0x3  }
0x3f6: {  	v4 =	vmul.u32 $0x30, v61  }
0x3f7: {  	v3 =	vand.u32 $0x7, v3  }
0x3f8: {  	v3 =	vor.u32 v3, v4  }
0x3f9: {  	v4 =	vperm.xlane v3, v0;
	_ =	sdelay $0x1  }
0x3fa: {  	v4 =	vadd.s32 v1, v4;
	_ =	sdelay $0x3  }
0x3fb: {  	s5 =	simm.s32 $0x5400;
	v3 =	vperm.xlane v3, v2  }
0x3fc: {  	[tilespmem:s5], [sflag:$0x1] =	stream.indirect_vreg.gather [hbm4b:s3+s28], $0x80, v4, vm0, $0xb8;
	[tilespmem:$0x14400] =	vst v63  }
0x3fd: {  	s9 =	simm.s32 $0x5C00;
	v3 =	vadd.s32 v1, v3  }
0x3fe: {  	[tilespmem:s9], [sflag:$0x1] =	stream.indirect_vreg.gather [hbm4b:s6+s28], $0x80, v4, vm0, $0xb8;
	[tilespmem:$0x14400] =	vst v63  }
0x3ff: {  	s10 =	simm.s32 $0x6400  }
0x400: {  	[tilespmem:s10], [sflag:$0x1] =	stream.indirect_vreg.gather [hbm4b:s7+s28], $0x80, v4, vm0, $0xb8;
	[tilespmem:$0x14400] =	vst v63  }
0x401: {  	s11 =	simm.s32 $0x6C00  }
0x402: {  	[tilespmem:s11], [sflag:$0x1] =	stream.indirect_vreg.gather [hbm4b:s3+s28], $0x80, v3, vm0, $0xb8;
	[tilespmem:$0x14400] =	vst v63  }
0x403: {  	s12 =	simm.s32 $0x7400  }
0x404: {  	[tilespmem:s12], [sflag:$0x1] =	stream.indirect_vreg.gather [hbm4b:s6+s28], $0x80, v3, vm0, $0xb8;
	[tilespmem:$0x14400] =	vst v63  }
0x405: {  	s13 =	simm.s32 $0x7C00  }
0x406: {  	[tilespmem:s13], [sflag:$0x1] =	stream.indirect_vreg.gather [hbm4b:s7+s28], $0x80, v3, vm0, $0xb8;
	[tilespmem:$0x14400] =	vst v63  }
0x407: {  	v3 =	vld [tilespmem:$0x2320];
	_ =	sdelay $0x4  }
0x408: {  	v62 =	vshrl.u32 v3, $0x3  }
0x409: {  	v4 =	vmul.u32 $0x30, v62  }
0x40a: {  	v3 =	vand.u32 $0x7, v3  }
0x40b: {  	v3 =	vor.u32 v3, v4  }
0x40c: {  	v4 =	vperm.xlane v3, v0;
	_ =	sdelay $0x1  }
0x40d: {  	v4 =	vadd.s32 v1, v4;
	_ =	sdelay $0x3  }
0x40e: {  	s14 =	simm.s32 $0x8400;
	v3 =	vperm.xlane v3, v2  }
0x40f: {  	[tilespmem:s14], [sflag:$0x1] =	stream.indirect_vreg.gather [hbm4b:s3+s28], $0x80, v4, vm0, $0xb8;
	[tilespmem:$0x14400] =	vst v63  }
0x410: {  	s15 =	simm.s32 $0x8C00;
	v3 =	vadd.s32 v1, v3  }
0x411: {  	[tilespmem:s15], [sflag:$0x1] =	stream.indirect_vreg.gather [hbm4b:s6+s28], $0x80, v4, vm0, $0xb8;
	[tilespmem:$0x14400] =	vst v63  }
0x412: {  	s16 =	simm.s32 $0x9400  }
0x413: {  	[tilespmem:s16], [sflag:$0x1] =	stream.indirect_vreg.gather [hbm4b:s7+s28], $0x80, v4, vm0, $0xb8;
	[tilespmem:$0x14400] =	vst v63  }
0x414: {  	s17 =	simm.s32 $0x9C00  }
0x415: {  	[tilespmem:s17], [sflag:$0x1] =	stream.indirect_vreg.gather [hbm4b:s3+s28], $0x80, v3, vm0, $0xb8;
	[tilespmem:$0x14400] =	vst v63  }
0x416: {  	s18 =	simm.s32 $0xA400  }
0x417: {  	[tilespmem:s18], [sflag:$0x1] =	stream.indirect_vreg.gather [hbm4b:s6+s28], $0x80, v3, vm0, $0xb8;
	[tilespmem:$0x14400] =	vst v63  }
0x418: {  	s25 =	simm.s32 $0xAC00  }
0x419: {  	[tilespmem:s25], [sflag:$0x1] =	stream.indirect_vreg.gather [hbm4b:s7+s28], $0x80, v3, vm0, $0xb8;
	[tilespmem:$0x14400] =	vst v63  }
0x41a: {  	v3 =	vld [tilespmem:$0x2330];
	_ =	sdelay $0x4  }
0x41b: {  	v63 =	vshrl.u32 v3, $0x3  }
0x41c: {  	v4 =	vmul.u32 $0x30, v63  }
0x41d: {  	v3 =	vand.u32 $0x7, v3  }
0x41e: {  	v3 =	vor.u32 v3, v4  }
0x41f: {  	v4 =	vperm.xlane v3, v0;
	_ =	sdelay $0x1  }
0x420: {  	v4 =	vadd.s32 v1, v4;
	_ =	sdelay $0x3  }
0x421: {  	s30 =	simm.s32 $0xB400;
	v3 =	vperm.xlane v3, v2  }
0x422: {  	[tilespmem:s30], [sflag:$0x1] =	stream.indirect_vreg.gather [hbm4b:s3+s28], $0x80, v4, vm0, $0xb8;
	[tilespmem:$0x14400] =	vst v63  }
0x423: {  	s31 =	simm.s32 $0xBC00;
	v3 =	vadd.s32 v1, v3  }
0x424: {  	[tilespmem:s31], [sflag:$0x1] =	stream.indirect_vreg.gather [hbm4b:s6+s28], $0x80, v4, vm0, $0xb8;
	[tilespmem:$0x14400] =	vst v63  }
0x425: {  	_ = 	snop  }
0x426: {  	[tilespmem:s19], [sflag:$0x1] =	stream.indirect_vreg.gather [hbm4b:s7+s28], $0x80, v4, vm0, $0xb8;
	[tilespmem:$0x14400] =	vst v63  }
0x427: {  	_ = 	snop  }
0x428: {  	[tilespmem:s20], [sflag:$0x1] =	stream.indirect_vreg.gather [hbm4b:s3+s28], $0x80, v3, vm0, $0xb8;
	[tilespmem:$0x14400] =	vst v63  }
0x429: {  	_ = 	snop  }
0x42a: {  	[tilespmem:s21], [sflag:$0x1] =	stream.indirect_vreg.gather [hbm4b:s6+s28], $0x80, v3, vm0, $0xb8;
	[tilespmem:$0x14400] =	vst v63  }
0x42b: {  	_ = 	snop  }
0x42c: {  	[tilespmem:s22], [sflag:$0x1] =	stream.indirect_vreg.gather [hbm4b:s7+s28], $0x80, v3, vm0, $0xb8;
	[tilespmem:$0x14400] =	vst v63  }
0x42d: {  	_ =	swait.ge [sflag:s23], $0xC000  }
0x42e: {  	[sflag:s23] =	ssyncset.done $0x0  }
0x42f: {  	s29 =	simm.s32 $0x0;
	[sflag:s23] =	ssyncadd.s32 $0xFFFF4000  }
.LBB2_26:
0x430: {  	s0 =	sshrl.u32 s29, $0x2  }
0x431: {  	s0 =	smul.u32 $0x6000, s0  }
0x432: {  	s1 =	sshll.u32 s29, $0x8  }
0x433: {  	s1 =	sand.u32 $0x300, s1;
	s0 =	sshra.s32 s0, $0x2  }
0x434: {  	s0 =	sor.u32 s1, s0  }
0x435: {  	s4 =	sshll.u32 s29, $0x5;
	s18 =	sand.u32 $0x1C00, s28;
	s30 =	sadd.s32 $0x2400, s0  }
0x436: {  	s25 =	sand.u32 $0x40, s28;
	s17 =	sand.u32 $0x3E0, s4;
	v4 =	vld [tilespmem:s4+$0x1810];
	s5 =	sadd.s32 s18, s30  }
0x437: {  	v3 =	vld [tilespmem:s17+$0x1800];
	s11 =	sadd.s32 s25, s5;
	s9 =	sadd.s32 $0x80, s5  }
0x438: {  	v5 =	vld [tilespmem:s11+$0x0];
	s12 =	sadd.s32 s25, s9  }
0x439: {  	v6 =	vld [tilespmem:s12+$0x0]  }
0x43a: {  	s13 =	sshrl.u32 s29, $0x3  }
0x43b: {  	s4 =	smul.u32 $0x6000, s13  }
0x43c: {  	s10 =	sshll.u32 s29, $0x7  }
0x43d: {  	s10 =	sand.u32 $0x380, s10;
	s4 =	sshra.s32 s4, $0x2  }
0x43e: {  	s4 =	sor.u32 s10, s4;
	v5 =	vmul.f32 v5, v3;
	v6 =	vmul.f32 v6, v4  }
0x43f: {  	s31 =	sadd.s32 $0xE400, s4  }
0x440: {  	s4 =	sadd.s32 s18, s31;
	v5 =	vadd.f32 v6, v5  }
0x441: {  	s14 =	sor.u32 $0x10, s25;
	s0 =	sadd.s32 s25, s4  }
0x442: {  	s11 =	sadd.s32 s14, s5;
	[tilespmem:s0+$0x0] =	vst v5  }
0x443: {  	s15 =	sadd.s32 s14, s9;
	v5 =	vld [tilespmem:s11+$0x0]  }
0x444: {  	v6 =	vld [tilespmem:s15+$0x0];
	_ =	sdelay $0x4  }
0x445: {  	v5 =	vmul.f32 v5, v3;
	v6 =	vmul.f32 v6, v4;
	_ =	sdelay $0x1  }
0x446: {  	v5 =	vadd.f32 v6, v5  }
0x447: {  	s16 =	sor.u32 $0x20, s25;
	s10 =	sadd.s32 s14, s4  }
0x448: {  	s17 =	sadd.s32 s16, s5;
	[tilespmem:s10+$0x0] =	vst v5  }
0x449: {  	s18 =	sadd.s32 s16, s9;
	v5 =	vld [tilespmem:s17+$0x0]  }
0x44a: {  	v6 =	vld [tilespmem:s18+$0x0];
	_ =	sdelay $0x4  }
0x44b: {  	v5 =	vmul.f32 v5, v3;
	v6 =	vmul.f32 v6, v4;
	_ =	sdelay $0x1  }
0x44c: {  	v5 =	vadd.f32 v6, v5  }
0x44d: {  	s1 =	sor.u32 $0x30, s25;
	s0 =	sadd.s32 s16, s4  }
0x44e: {  	s5 =	sadd.s32 s1, s5;
	[tilespmem:s0+$0x0] =	vst v5  }
0x44f: {  	s25 =	sadd.s32 s1, s9;
	v5 =	vld [tilespmem:s5+$0x0]  }
0x450: {  	v6 =	vld [tilespmem:s25+$0x0];
	_ =	sdelay $0x3  }
0x451: {  	s4 =	sadd.s32 s1, s4  }
0x452: {  	s1 =	simm.s32 $0x0;
	s0 =	simm.s32 $0x0;
	s25 =	simm.s32 $0x0;
	v5 =	vmul.f32 v5, v3;
	v6 =	vmul.f32 v6, v4  }
.LBB2_27:
0x453: {  	s0 =	sadd.s32 $0x4, s0;
	s1 =	sadd.s32 $0x200, s1;
	s25 =	sadd.s32 $0x40, s25  }
0x454: {  	s5 =	sand.u32 $0x1C00, s1;
	p0 =	slt.u32 s0, $0x2C;
	v5 =	vadd.f32 v6, v5  }
0x455: {  	s9 =	sand.u32 $0x40, s25;
	s10 =	sadd.s32 s5, s30;
	s5 =	sadd.s32 s5, s31  }
0x456: {  	s11 =	sadd.s32 s9, s10;
	s12 =	sadd.s32 $0x80, s10;
	s13 =	sadd.s32 s9, s5;
	[tilespmem:s4+$0x0] =	vst v5  }
0x457: {  	s14 =	sor.u32 $0x20, s9;
	v5 =	vld [tilespmem:s11+$0x0];
	s4 =	sadd.s32 s9, s12;
	s11 =	sor.u32 $0x10, s9  }
0x458: {  	v6 =	vld [tilespmem:s4+$0x0];
	s15 =	sadd.s32 s11, s10;
	s16 =	sadd.s32 s11, s12;
	s11 =	sadd.s32 s11, s5  }
0x459: {  	s17 =	sadd.s32 s14, s10;
	s18 =	sadd.s32 s14, s12;
	s14 =	sadd.s32 s14, s5  }
0x45a: {  	s4 =	sor.u32 $0x30, s9  }
0x45b: {  	s9 =	sadd.s32 s4, s10;
	s10 =	sadd.s32 s4, s12;
	s4 =	sadd.s32 s4, s5  }
0x45c: {  	_ = 	snop  }
0x45d: {  	v5 =	vmul.f32 v5, v3;
	v6 =	vmul.f32 v6, v4;
	_ =	sdelay $0x1  }
0x45e: {  	v5 =	vadd.f32 v6, v5;
	_ =	sdelay $0x1  }
0x45f: {  	[tilespmem:s13+$0x0] =	vst v5  }
0x460: {  	v5 =	vld [tilespmem:s15+$0x0]  }
0x461: {  	v6 =	vld [tilespmem:s16+$0x0];
	_ =	sdelay $0x3  }
0x462: {  	v5 =	vmul.f32 v5, v3  }
0x463: {  	v6 =	vmul.f32 v6, v4;
	_ =	sdelay $0x1  }
0x464: {  	v5 =	vadd.f32 v6, v5;
	_ =	sdelay $0x1  }
0x465: {  	[tilespmem:s11+$0x0] =	vst v5  }
0x466: {  	v5 =	vld [tilespmem:s17+$0x0]  }
0x467: {  	v6 =	vld [tilespmem:s18+$0x0];
	_ =	sdelay $0x3  }
0x468: {  	v5 =	vmul.f32 v5, v3  }
0x469: {  	v6 =	vmul.f32 v6, v4;
	_ =	sdelay $0x1  }
0x46a: {  	v5 =	vadd.f32 v6, v5;
	_ =	sdelay $0x1  }
0x46b: {  	[tilespmem:s14+$0x0] =	vst v5  }
0x46c: {  	v5 =	vld [tilespmem:s9+$0x0]  }
0x46d: {  	v6 =	vld [tilespmem:s10+$0x0]  }
.Ltmp12:
0x46e: {  	(pc) =	sbr.rel @p0 .LBB2_27-.Ltmp12, $3  }
0x46f: {  	_ =	sdelay $0x1  }
0x470: {  	v5 =	vmul.f32 v5, v3  }
0x471: {  	v6 =	vmul.f32 v6, v4  }
0x472: {  	s29 =	sadd.s32 $0x1, s29  }
0x473: {  	p0 =	sne.s32 s29, $0x20  }
.Ltmp13:
0x474: {  	_ = 	snop;
	(pc) =	sbr.rel @p0 .LBB2_26-.Ltmp13, $3  }
0x475: {  	_ = 	snop  }
0x476: {  	v3 =	vadd.f32 v6, v5;
	_ =	sdelay $0x1  }
0x477: {  	[tilespmem:s4+$0x0] =	vst v3  }
0x478: {  	s28 =	simm.s32 $0x0;
	s0 =	rddreg [dreg:$0x11]  }
0x479: {  	[hbm4b:s0+s28] =	stream.linear.scatter [tilespmem:s8], [sflag:$0x2], $0x6000, $0x38;
	[tilespmem:$0x14400] =	vst v63  }
0x47a: {  	_ =	swait.ge [sflag:s24], $0x6000  }
0x47b: {  	[sflag:s24] =	ssyncset.done $0x0  }
0x47c: {  	s1 =	simm.s32 $0x2380;
	s17 =	rddreg [dreg:$0x12];
	[sflag:s24] =	ssyncadd.s32 $0xFFFFA000  }
0x47d: {  	[tilespmem:s1], [sflag:$0x2] =	stream.linear.gather [hbm4b:s17+s28], $0x40, $0x38;
	[tilespmem:$0x14400] =	vst v63  }
0x47e: {  	_ =	swait.ge [sflag:s24], $0x40  }
0x47f: {  	[sflag:s24] =	ssyncset.done $0x0  }
0x480: {  	[sflag:s24] =	ssyncadd.s32 $0xFFFFFFC0  }
0x481: {  	v3 =	vld [tilespmem:$0x2380];
	_ =	sdelay $0x4  }
0x482: {  	v4 =	vshrl.u32 v3, $0x3  }
0x483: {  	v4 =	vmul.u32 $0x30, v4  }
0x484: {  	v3 =	vand.u32 $0x7, v3  }
0x485: {  	v3 =	vor.u32 v3, v4  }
0x486: {  	v4 =	vperm.xlane v3, v0;
	_ =	sdelay $0x1  }
0x487: {  	v4 =	vadd.s32 v1, v4;
	_ =	sdelay $0x3  }
0x488: {  	s18 =	simm.s32 $0x2400;
	v3 =	vperm.xlane v3, v2  }
0x489: {  	[tilespmem:s18], [sflag:$0x1] =	stream.indirect_vreg.gather [hbm4b:s3+s28], $0x80, v4, vm0, $0xb8;
	[tilespmem:$0x14400] =	vst v63  }
0x48a: {  	s25 =	simm.s32 $0x2C00;
	v3 =	vadd.s32 v1, v3  }
0x48b: {  	[tilespmem:s25], [sflag:$0x1] =	stream.indirect_vreg.gather [hbm4b:s6+s28], $0x80, v4, vm0, $0xb8;
	[tilespmem:$0x14400] =	vst v63  }
0x48c: {  	s30 =	simm.s32 $0x3400  }
0x48d: {  	[tilespmem:s30], [sflag:$0x1] =	stream.indirect_vreg.gather [hbm4b:s7+s28], $0x80, v4, vm0, $0xb8;
	[tilespmem:$0x14400] =	vst v63  }
0x48e: {  	s31 =	simm.s32 $0x3C00  }
0x48f: {  	[tilespmem:s31], [sflag:$0x1] =	stream.indirect_vreg.gather [hbm4b:s3+s28], $0x80, v3, vm0, $0xb8;
	[tilespmem:$0x14400] =	vst v63  }
0x490: {  	s1 =	simm.s32 $0x4400  }
0x491: {  	[tilespmem:s1], [sflag:$0x1] =	stream.indirect_vreg.gather [hbm4b:s6+s28], $0x80, v3, vm0, $0xb8;
	[tilespmem:$0x14400] =	vst v63  }
0x492: {  	s4 =	simm.s32 $0x4C00  }
0x493: {  	[tilespmem:s4], [sflag:$0x1] =	stream.indirect_vreg.gather [hbm4b:s7+s28], $0x80, v3, vm0, $0xb8;
	[tilespmem:$0x14400] =	vst v63  }
0x494: {  	v3 =	vld [tilespmem:$0x2390];
	_ =	sdelay $0x4  }
0x495: {  	v61 =	vshrl.u32 v3, $0x3  }
0x496: {  	v4 =	vmul.u32 $0x30, v61  }
0x497: {  	v3 =	vand.u32 $0x7, v3  }
0x498: {  	v3 =	vor.u32 v3, v4  }
0x499: {  	v4 =	vperm.xlane v3, v0;
	_ =	sdelay $0x1  }
0x49a: {  	v4 =	vadd.s32 v1, v4;
	_ =	sdelay $0x3  }
0x49b: {  	s5 =	simm.s32 $0x5400;
	v3 =	vperm.xlane v3, v2  }
0x49c: {  	[tilespmem:s5], [sflag:$0x1] =	stream.indirect_vreg.gather [hbm4b:s3+s28], $0x80, v4, vm0, $0xb8;
	[tilespmem:$0x14400] =	vst v63  }
0x49d: {  	s9 =	simm.s32 $0x5C00;
	v3 =	vadd.s32 v1, v3  }
0x49e: {  	[tilespmem:s9], [sflag:$0x1] =	stream.indirect_vreg.gather [hbm4b:s6+s28], $0x80, v4, vm0, $0xb8;
	[tilespmem:$0x14400] =	vst v63  }
0x49f: {  	s10 =	simm.s32 $0x6400  }
0x4a0: {  	[tilespmem:s10], [sflag:$0x1] =	stream.indirect_vreg.gather [hbm4b:s7+s28], $0x80, v4, vm0, $0xb8;
	[tilespmem:$0x14400] =	vst v63  }
0x4a1: {  	s11 =	simm.s32 $0x6C00  }
0x4a2: {  	[tilespmem:s11], [sflag:$0x1] =	stream.indirect_vreg.gather [hbm4b:s3+s28], $0x80, v3, vm0, $0xb8;
	[tilespmem:$0x14400] =	vst v63  }
0x4a3: {  	s12 =	simm.s32 $0x7400  }
0x4a4: {  	[tilespmem:s12], [sflag:$0x1] =	stream.indirect_vreg.gather [hbm4b:s6+s28], $0x80, v3, vm0, $0xb8;
	[tilespmem:$0x14400] =	vst v63  }
0x4a5: {  	s13 =	simm.s32 $0x7C00  }
0x4a6: {  	[tilespmem:s13], [sflag:$0x1] =	stream.indirect_vreg.gather [hbm4b:s7+s28], $0x80, v3, vm0, $0xb8;
	[tilespmem:$0x14400] =	vst v63  }
0x4a7: {  	v3 =	vld [tilespmem:$0x23A0];
	_ =	sdelay $0x4  }
0x4a8: {  	v62 =	vshrl.u32 v3, $0x3  }
0x4a9: {  	v4 =	vmul.u32 $0x30, v62  }
0x4aa: {  	v3 =	vand.u32 $0x7, v3  }
0x4ab: {  	v3 =	vor.u32 v3, v4  }
0x4ac: {  	v4 =	vperm.xlane v3, v0;
	_ =	sdelay $0x1  }
0x4ad: {  	v4 =	vadd.s32 v1, v4;
	_ =	sdelay $0x3  }
0x4ae: {  	s14 =	simm.s32 $0x8400;
	v3 =	vperm.xlane v3, v2  }
0x4af: {  	[tilespmem:s14], [sflag:$0x1] =	stream.indirect_vreg.gather [hbm4b:s3+s28], $0x80, v4, vm0, $0xb8;
	[tilespmem:$0x14400] =	vst v63  }
0x4b0: {  	s15 =	simm.s32 $0x8C00;
	v3 =	vadd.s32 v1, v3  }
0x4b1: {  	[tilespmem:s15], [sflag:$0x1] =	stream.indirect_vreg.gather [hbm4b:s6+s28], $0x80, v4, vm0, $0xb8;
	[tilespmem:$0x14400] =	vst v63  }
0x4b2: {  	s16 =	simm.s32 $0x9400  }
0x4b3: {  	[tilespmem:s16], [sflag:$0x1] =	stream.indirect_vreg.gather [hbm4b:s7+s28], $0x80, v4, vm0, $0xb8;
	[tilespmem:$0x14400] =	vst v63  }
0x4b4: {  	s17 =	simm.s32 $0x9C00  }
0x4b5: {  	[tilespmem:s17], [sflag:$0x1] =	stream.indirect_vreg.gather [hbm4b:s3+s28], $0x80, v3, vm0, $0xb8;
	[tilespmem:$0x14400] =	vst v63  }
0x4b6: {  	s18 =	simm.s32 $0xA400  }
0x4b7: {  	[tilespmem:s18], [sflag:$0x1] =	stream.indirect_vreg.gather [hbm4b:s6+s28], $0x80, v3, vm0, $0xb8;
	[tilespmem:$0x14400] =	vst v63  }
0x4b8: {  	s25 =	simm.s32 $0xAC00  }
0x4b9: {  	[tilespmem:s25], [sflag:$0x1] =	stream.indirect_vreg.gather [hbm4b:s7+s28], $0x80, v3, vm0, $0xb8;
	[tilespmem:$0x14400] =	vst v63  }
0x4ba: {  	v3 =	vld [tilespmem:$0x23B0];
	_ =	sdelay $0x4  }
0x4bb: {  	v63 =	vshrl.u32 v3, $0x3  }
0x4bc: {  	v4 =	vmul.u32 $0x30, v63  }
0x4bd: {  	v3 =	vand.u32 $0x7, v3  }
0x4be: {  	v3 =	vor.u32 v3, v4  }
0x4bf: {  	v4 =	vperm.xlane v3, v0;
	_ =	sdelay $0x1  }
0x4c0: {  	v4 =	vadd.s32 v1, v4;
	_ =	sdelay $0x3  }
0x4c1: {  	s30 =	simm.s32 $0xB400;
	v3 =	vperm.xlane v3, v2  }
0x4c2: {  	[tilespmem:s30], [sflag:$0x1] =	stream.indirect_vreg.gather [hbm4b:s3+s28], $0x80, v4, vm0, $0xb8;
	[tilespmem:$0x14400] =	vst v63  }
0x4c3: {  	s31 =	simm.s32 $0xBC00;
	v3 =	vadd.s32 v1, v3  }
0x4c4: {  	[tilespmem:s31], [sflag:$0x1] =	stream.indirect_vreg.gather [hbm4b:s6+s28], $0x80, v4, vm0, $0xb8;
	[tilespmem:$0x14400] =	vst v63  }
0x4c5: {  	_ = 	snop  }
0x4c6: {  	[tilespmem:s19], [sflag:$0x1] =	stream.indirect_vreg.gather [hbm4b:s7+s28], $0x80, v4, vm0, $0xb8;
	[tilespmem:$0x14400] =	vst v63  }
0x4c7: {  	_ = 	snop  }
0x4c8: {  	[tilespmem:s20], [sflag:$0x1] =	stream.indirect_vreg.gather [hbm4b:s3+s28], $0x80, v3, vm0, $0xb8;
	[tilespmem:$0x14400] =	vst v63  }
0x4c9: {  	_ = 	snop  }
0x4ca: {  	[tilespmem:s21], [sflag:$0x1] =	stream.indirect_vreg.gather [hbm4b:s6+s28], $0x80, v3, vm0, $0xb8;
	[tilespmem:$0x14400] =	vst v63  }
0x4cb: {  	_ = 	snop  }
0x4cc: {  	[tilespmem:s22], [sflag:$0x1] =	stream.indirect_vreg.gather [hbm4b:s7+s28], $0x80, v3, vm0, $0xb8;
	[tilespmem:$0x14400] =	vst v63  }
0x4cd: {  	_ =	swait.ge [sflag:s23], $0xC000  }
0x4ce: {  	[sflag:s23] =	ssyncset.done $0x0  }
0x4cf: {  	s29 =	simm.s32 $0x0;
	[sflag:s23] =	ssyncadd.s32 $0xFFFF4000  }
.LBB2_30:
0x4d0: {  	s0 =	sshrl.u32 s29, $0x2  }
0x4d1: {  	s0 =	smul.u32 $0x6000, s0  }
0x4d2: {  	s1 =	sshll.u32 s29, $0x8  }
0x4d3: {  	s1 =	sand.u32 $0x300, s1;
	s0 =	sshra.s32 s0, $0x2  }
0x4d4: {  	s0 =	sor.u32 s1, s0  }
0x4d5: {  	s4 =	sshll.u32 s29, $0x5;
	s18 =	sand.u32 $0x1C00, s28;
	s30 =	sadd.s32 $0x2400, s0  }
0x4d6: {  	s25 =	sand.u32 $0x40, s28;
	s17 =	sand.u32 $0x3E0, s4;
	v4 =	vld [tilespmem:s4+$0x1C10];
	s5 =	sadd.s32 s18, s30  }
0x4d7: {  	v3 =	vld [tilespmem:s17+$0x1C00];
	s11 =	sadd.s32 s25, s5;
	s9 =	sadd.s32 $0x80, s5  }
0x4d8: {  	v5 =	vld [tilespmem:s11+$0x0];
	s12 =	sadd.s32 s25, s9  }
0x4d9: {  	v6 =	vld [tilespmem:s12+$0x0]  }
0x4da: {  	s13 =	sshrl.u32 s29, $0x3  }
0x4db: {  	s4 =	smul.u32 $0x6000, s13  }
0x4dc: {  	s10 =	sshll.u32 s29, $0x7  }
0x4dd: {  	s10 =	sand.u32 $0x380, s10;
	s4 =	sshra.s32 s4, $0x2  }
0x4de: {  	s4 =	sor.u32 s10, s4;
	v5 =	vmul.f32 v5, v3;
	v6 =	vmul.f32 v6, v4  }
0x4df: {  	s31 =	sadd.s32 $0xE400, s4  }
0x4e0: {  	s4 =	sadd.s32 s18, s31;
	v5 =	vadd.f32 v6, v5  }
0x4e1: {  	s14 =	sor.u32 $0x10, s25;
	s0 =	sadd.s32 s25, s4  }
0x4e2: {  	s11 =	sadd.s32 s14, s5;
	[tilespmem:s0+$0x0] =	vst v5  }
0x4e3: {  	s15 =	sadd.s32 s14, s9;
	v5 =	vld [tilespmem:s11+$0x0]  }
0x4e4: {  	v6 =	vld [tilespmem:s15+$0x0];
	_ =	sdelay $0x4  }
0x4e5: {  	v5 =	vmul.f32 v5, v3;
	v6 =	vmul.f32 v6, v4;
	_ =	sdelay $0x1  }
0x4e6: {  	v5 =	vadd.f32 v6, v5  }
0x4e7: {  	s16 =	sor.u32 $0x20, s25;
	s10 =	sadd.s32 s14, s4  }
0x4e8: {  	s17 =	sadd.s32 s16, s5;
	[tilespmem:s10+$0x0] =	vst v5  }
0x4e9: {  	s18 =	sadd.s32 s16, s9;
	v5 =	vld [tilespmem:s17+$0x0]  }
0x4ea: {  	v6 =	vld [tilespmem:s18+$0x0];
	_ =	sdelay $0x4  }
0x4eb: {  	v5 =	vmul.f32 v5, v3;
	v6 =	vmul.f32 v6, v4;
	_ =	sdelay $0x1  }
0x4ec: {  	v5 =	vadd.f32 v6, v5  }
0x4ed: {  	s1 =	sor.u32 $0x30, s25;
	s0 =	sadd.s32 s16, s4  }
0x4ee: {  	s5 =	sadd.s32 s1, s5;
	[tilespmem:s0+$0x0] =	vst v5  }
0x4ef: {  	s25 =	sadd.s32 s1, s9;
	v5 =	vld [tilespmem:s5+$0x0]  }
0x4f0: {  	v6 =	vld [tilespmem:s25+$0x0];
	_ =	sdelay $0x3  }
0x4f1: {  	s4 =	sadd.s32 s1, s4  }
0x4f2: {  	s1 =	simm.s32 $0x0;
	s0 =	simm.s32 $0x0;
	s25 =	simm.s32 $0x0;
	v5 =	vmul.f32 v5, v3;
	v6 =	vmul.f32 v6, v4  }
.LBB2_31:
0x4f3: {  	s0 =	sadd.s32 $0x4, s0;
	s1 =	sadd.s32 $0x200, s1;
	s25 =	sadd.s32 $0x40, s25  }
0x4f4: {  	s5 =	sand.u32 $0x1C00, s1;
	p0 =	slt.u32 s0, $0x2C;
	v5 =	vadd.f32 v6, v5  }
0x4f5: {  	s9 =	sand.u32 $0x40, s25;
	s10 =	sadd.s32 s5, s30;
	s5 =	sadd.s32 s5, s31  }
0x4f6: {  	s11 =	sadd.s32 s9, s10;
	s12 =	sadd.s32 $0x80, s10;
	s13 =	sadd.s32 s9, s5;
	[tilespmem:s4+$0x0] =	vst v5  }
0x4f7: {  	s14 =	sor.u32 $0x20, s9;
	v5 =	vld [tilespmem:s11+$0x0];
	s4 =	sadd.s32 s9, s12;
	s11 =	sor.u32 $0x10, s9  }
0x4f8: {  	v6 =	vld [tilespmem:s4+$0x0];
	s15 =	sadd.s32 s11, s10;
	s16 =	sadd.s32 s11, s12;
	s11 =	sadd.s32 s11, s5  }
0x4f9: {  	s17 =	sadd.s32 s14, s10;
	s18 =	sadd.s32 s14, s12;
	s14 =	sadd.s32 s14, s5  }
0x4fa: {  	s4 =	sor.u32 $0x30, s9  }
0x4fb: {  	s9 =	sadd.s32 s4, s10;
	s10 =	sadd.s32 s4, s12;
	s4 =	sadd.s32 s4, s5  }
0x4fc: {  	_ = 	snop  }
0x4fd: {  	v5 =	vmul.f32 v5, v3;
	v6 =	vmul.f32 v6, v4;
	_ =	sdelay $0x1  }
0x4fe: {  	v5 =	vadd.f32 v6, v5;
	_ =	sdelay $0x1  }
0x4ff: {  	[tilespmem:s13+$0x0] =	vst v5  }
0x500: {  	v5 =	vld [tilespmem:s15+$0x0]  }
0x501: {  	v6 =	vld [tilespmem:s16+$0x0];
	_ =	sdelay $0x3  }
0x502: {  	v5 =	vmul.f32 v5, v3  }
0x503: {  	v6 =	vmul.f32 v6, v4;
	_ =	sdelay $0x1  }
0x504: {  	v5 =	vadd.f32 v6, v5;
	_ =	sdelay $0x1  }
0x505: {  	[tilespmem:s11+$0x0] =	vst v5  }
0x506: {  	v5 =	vld [tilespmem:s17+$0x0]  }
0x507: {  	v6 =	vld [tilespmem:s18+$0x0];
	_ =	sdelay $0x3  }
0x508: {  	v5 =	vmul.f32 v5, v3  }
0x509: {  	v6 =	vmul.f32 v6, v4;
	_ =	sdelay $0x1  }
0x50a: {  	v5 =	vadd.f32 v6, v5;
	_ =	sdelay $0x1  }
0x50b: {  	[tilespmem:s14+$0x0] =	vst v5  }
0x50c: {  	v5 =	vld [tilespmem:s9+$0x0]  }
0x50d: {  	v6 =	vld [tilespmem:s10+$0x0]  }
.Ltmp14:
0x50e: {  	(pc) =	sbr.rel @p0 .LBB2_31-.Ltmp14, $3  }
0x50f: {  	_ =	sdelay $0x1  }
0x510: {  	v5 =	vmul.f32 v5, v3  }
0x511: {  	v6 =	vmul.f32 v6, v4  }
0x512: {  	s29 =	sadd.s32 $0x1, s29  }
0x513: {  	p0 =	sne.s32 s29, $0x20  }
.Ltmp15:
0x514: {  	_ = 	snop;
	(pc) =	sbr.rel @p0 .LBB2_30-.Ltmp15, $3  }
0x515: {  	_ = 	snop  }
0x516: {  	v3 =	vadd.f32 v6, v5;
	_ =	sdelay $0x1  }
0x517: {  	[tilespmem:s4+$0x0] =	vst v3  }
0x518: {  	s0 =	rddreg [dreg:$0x13]  }
0x519: {  	[hbm4b:s0+s2] =	stream.linear.scatter [tilespmem:s8], [sflag:$0x2], $0x6000, $0x38;
	[tilespmem:$0x14400] =	vst v63  }
0x51a: {  	_ =	swait.ge [sflag:s24], $0x6000  }
0x51b: {  	s26 =	sadd.s32 $0x1, s26;
	s31 =	rddreg [dreg:$0x14]  }
0x51c: {  	p0 =	sne.s32 s26, s31  }
.Ltmp16:
0x51d: {  	_ = 	snop;
	(pc) =	sbr.rel @p0 .LBB2_1-.Ltmp16, $3  }
0x51e: {  	_ =	sdelay $0x1  }
0x51f: {  	[sflag:s24] =	ssyncset.done $0x0  }
0x520: {  	[sflag:s24] =	ssyncadd.s32 $0xFFFFA000  }
0x521: {  	_ =	sfence.sel $0x180000  }
0x522: {  	[bflag:$0x0] =	sbarrier.arrive $0xFFFF  }
0x523: {  	_ =	strace $0x9000004A  }
0x524: {  	s0 =	stileid.u32;
	[bflag:$0x2] =	sbarrier.arrive $0xFFFF  }
0x525: {  	p0 =	sne.s32 s0, $0x0;
	s0 =	rddreg [dreg:$0x2]  }
0x526: {  	s0 =	sadd.s32 @!p0 $0x100000, s0  }
0x527: {  	[sflag:s0] =	ssyncadd.tile.s32 @!p0 $0x1;
	_ =	shalt  }
.Lfunc_end2:
_tile_overlayer_lowered:
.L_overlay_start_2:
0x528: {  	(tag) =	ssettag $0x2  }
0x529: {  	s0 =	rddreg [dreg:$0x0];
	s2 =	stileid.u32  }
0x52a: {  	s1 =	rddreg [dreg:$0x1];
	p0 =	sne.s32 s2, $0x0  }
0x52b: {  	s3 =	rddreg [dreg:$0x2];
	[bflag:$0x3] =	sbarrier.arrive $0xFFFF;
	s2 =	simm.s32 @!p0 $0x1C02  }
0x52c: {  	[timem:s3], [sflag:s2] =	dma.local @!p0 [hbm:s0], s1  }
0x52d: {  	s0 =	simm.s32 @!p0 $0x2  }
0x52e: {  	_ =	swait.ge @!p0 [sflag:s0], s1  }
0x52f: {  	s1 =	ssub.s32 @!p0 $0x0, s1;
	[sflag:s0] =	ssyncset.done @!p0 $0x0  }
0x530: {  	[sflag:s0] =	ssyncadd.s32 @!p0 s1  }
0x531: {  	[bflag:$0x3] =	sbarrier.arrive $0xFFFF  }
0x532: {  	_ =	shalt  }

// kernel: kernel.7.cloned.1.call-start
scs
__scs_entry_jumppad:
0x0: {  	(pc) =	sbr.rel $0x88, $3  }
0x1: {  	(tag) =	ssettag $0x0;
	lr =	simm.s32 $0x1  }
0x2: {  	[smem:$0x3F9C] =	sst lr;
	_ =	strace $0xD0000000  }
0x3: {  	_ = 	snop  }
0x4: {  	_ = 	snop  }
0x5: {  	_ = 	snop  }
0x6: {  	_ = 	snop  }
0x7: {  	_ = 	snop  }
__scs_overlays_trampoline_lowered:
0x8: {  	[smem:$0x3FAB] =	sst s0  }
0x9: {  	[smem:$0x3FAC] =	sst s1  }
0xa: {  	[smem:$0x3FAD] =	sst s2  }
0xb: {  	[smem:$0x3FAE] =	sst s3  }
0xc: {  	[smem:$0x3FAF] =	sst s4  }
0xd: {  	[smem:$0x3FB0] =	sst s5  }
0xe: {  	[smem:$0x3FB1] =	sst s6  }
0xf: {  	[smem:$0x3FB2] =	sst s7  }
0x10: {  	[smem:$0x3FB3] =	sst s8  }
0x11: {  	[smem:$0x3FB4] =	sst s9;
	s0 =	simm.s32 @!p0 $0x0  }
0x12: {  	s1 =	sld [smem:$0x3F9A];
	s0 =	simm.s32 @p0 $0x1  }
0x13: {  	[smem:$0x3FB5] =	sst s0;
	s0 =	simm.s32 @!p1 $0x0  }
0x14: {  	s2 =	sld [smem:$0x3F99];
	s0 =	simm.s32 @p1 $0x1  }
0x15: {  	[smem:$0x3FB6] =	sst s0;
	s0 =	simm.s32 @!p2 $0x0  }
0x16: {  	s3 =	sld [smem:$0x3FDB];
	s0 =	simm.s32 @p2 $0x1  }
0x17: {  	s4 =	simm.s32 $0x1BF5;
	[smem:$0x3FB8] =	sst s0  }
0x18: {  	s0 =	sld [smem:$0x3F9B];
	_ =	swait.ge [sflag:s4], $0x0  }
0x19: {  	s7 =	sld [smem:$0x3F9C]  }
0x1a: {  	s8 =	sadd.s32 $0xFFFFE003, lr  }
0x1b: {  	s9 =	sadd.s32 $0xFFFFFEF7, lr;
	s5 =	simm.s32 $0xFFFFFFFF;
	p2 =	slt.u32 s8, $0xFFFFF086  }
0x1c: {  	p1 =	slt.u32 s9, $0xF7A;
	s5 =	simm.s32 @!p2 $0x0  }
0x1d: {  	s5 =	simm.s32 @p1 $0x1;
	p0 =	seq.s32 s7, s2  }
0x1e: {  	s7 =	smul.u32 @!p0 $0xF7A, s2;
	p2 =	seq.s32 @!p0 s5, $0x0  }
0x1f: {  	s9 =	smul.u32 $0xF7A, s1;
	s8 =	simm.s32 @!p0 $0x1BF5;
	p2 =	por !p2, p0  }
0x20: {  	[sflag:s8] =	ssyncset.s32 @!p0 $0xFFFFF086;
	s6 =	sadd.s32 @!p0 s3, s7;
	s7 =	simm.s32 @!p0 $0x108  }
0x21: {  	s3 =	sadd.s32 s3, s9;
	s6 =	sadd.s32 @!p0 $0x88, s6;
	s7 =	simm.s32 @p2 $0x1082  }
0x22: {  	[simem:s7], [sflag:s8] =	dma.local @!p0 [hbm:s6], $0xF7A  }
0x23: {  	s9 =	sor.u32 $0xD0000000, s2;
	s6 =	simm.s32 $0x108;
	_ =	swait.ge @!p0 [sflag:s8], $0x0  }
0x24: {  	s3 =	sadd.s32 $0x88, s3;
	s6 =	simm.s32 @!p1 $0x1082;
	[sflag:s4] =	ssyncset.s32 $0xFFFFF086  }
0x25: {  	[simem:s6], [sflag:s4] =	dma.local [hbm:s3], $0xF7A  }
0x26: {  	[smem:$0x3F9C] =	sst s1;
	(tag) =	ssettag s2;
	_ =	strace s9  }
0x27: {  	s1 =	sld [smem:$0x3FAC]  }
0x28: {  	s2 =	sld [smem:$0x3FAD]  }
0x29: {  	s4 =	sld [smem:$0x3FAF]  }
0x2a: {  	p0 =	seq.s32 s5, $0x0;
	s5 =	sld [smem:$0x3FB0]  }
0x2b: {  	s6 =	sld [smem:$0x3FB1]  }
0x2c: {  	s7 =	sld [smem:$0x3FB2]  }
0x2d: {  	s3 =	simm.s32 $0x108;
	s8 =	sld [smem:$0x3FB3]  }
0x2e: {  	s3 =	simm.s32 @!p0 $0x1082;
	s9 =	sld [smem:$0x3FB4]  }
0x2f: {  	lr =	sadd.s32 s0, s3;
	s0 =	sld [smem:$0x3FAB]  }
0x30: {  	s3 =	sld [smem:$0x3FAE]  }
0x31: {  	[smem:$0x3FB7] =	sst s10  }
0x32: {  	s10 =	sld [smem:$0x3FB5];
	_ =	sdelay $0x3  }
0x33: {  	p0 =	seq.s32 s10, $0x1;
	s10 =	sld [smem:$0x3FB7];
	_ =	sdelay $0x3  }
0x34: {  	[smem:$0x3FB7] =	sst s10  }
0x35: {  	s10 =	sld [smem:$0x3FB6];
	_ =	sdelay $0x3  }
0x36: {  	p1 =	seq.s32 s10, $0x1;
	s10 =	sld [smem:$0x3FB7];
	_ =	sdelay $0x3  }
0x37: {  	[smem:$0x3FB7] =	sst s10  }
0x38: {  	s10 =	sld [smem:$0x3FB8]  }
0x39: {  	_ = 	snop;
	(pc) =	sbr.ind lr, $3  }
0x3a: {  	_ = 	snop  }
0x3b: {  	_ = 	snop  }
0x3c: {  	p2 =	seq.s32 s10, $0x1;
	s10 =	sld [smem:$0x3FB7]  }
0x3d: {  	_ =	shalt  }
0x3e: {  	_ =	shalt  }
0x3f: {  	_ =	shalt  }
0x40: {  	_ =	shalt  }
0x41: {  	_ =	shalt  }
0x42: {  	_ =	shalt  }
0x43: {  	_ =	shalt  }
0x44: {  	_ =	shalt  }
0x45: {  	_ =	shalt  }
0x46: {  	_ =	shalt  }
0x47: {  	_ =	shalt  }
0x48: {  	_ =	shalt  }
0x49: {  	_ =	shalt  }
0x4a: {  	_ =	shalt  }
0x4b: {  	_ =	shalt  }
0x4c: {  	_ =	shalt  }
0x4d: {  	_ =	shalt  }
0x4e: {  	_ =	shalt  }
0x4f: {  	_ =	shalt  }
0x50: {  	_ =	shalt  }
0x51: {  	_ =	shalt  }
0x52: {  	_ =	shalt  }
0x53: {  	_ =	shalt  }
0x54: {  	_ =	shalt  }
0x55: {  	_ =	shalt  }
0x56: {  	_ =	shalt  }
0x57: {  	_ =	shalt  }
0x58: {  	_ =	shalt  }
0x59: {  	_ =	shalt  }
0x5a: {  	_ =	shalt  }
0x5b: {  	_ =	shalt  }
0x5c: {  	_ =	shalt  }
0x5d: {  	_ =	shalt  }
0x5e: {  	_ =	shalt  }
0x5f: {  	_ =	shalt  }
0x60: {  	_ =	shalt  }
0x61: {  	_ =	shalt  }
0x62: {  	_ =	shalt  }
0x63: {  	_ =	shalt  }
0x64: {  	_ =	shalt  }
0x65: {  	_ =	shalt  }
0x66: {  	_ =	shalt  }
0x67: {  	_ =	shalt  }
0x68: {  	_ =	shalt  }
0x69: {  	_ =	shalt  }
0x6a: {  	_ =	shalt  }
0x6b: {  	_ =	shalt  }
0x6c: {  	_ =	shalt  }
0x6d: {  	_ =	shalt  }
0x6e: {  	_ =	shalt  }
0x6f: {  	_ =	shalt  }
0x70: {  	_ =	shalt  }
0x71: {  	_ =	shalt  }
0x72: {  	_ =	shalt  }
0x73: {  	_ =	shalt  }
0x74: {  	_ =	shalt  }
0x75: {  	_ =	shalt  }
0x76: {  	_ =	shalt  }
0x77: {  	_ =	shalt  }
0x78: {  	_ =	shalt  }
0x79: {  	_ =	shalt  }
0x7a: {  	_ =	shalt  }
0x7b: {  	_ =	shalt  }
0x7c: {  	_ =	shalt  }
0x7d: {  	_ =	shalt  }
0x7e: {  	_ =	shalt  }
0x7f: {  	_ =	shalt  }
0x80: {  	_ =	shalt  }
0x81: {  	_ =	shalt  }
0x82: {  	_ =	shalt  }
0x83: {  	_ =	shalt  }
0x84: {  	_ =	shalt  }
0x85: {  	_ =	shalt  }
0x86: {  	_ =	shalt  }
0x87: {  	_ =	shalt  }
.Lfunc_end0:
.L_simem_size_0:
called_computation_lowered:
.L_overlay_start_0:
0x88: {  	s2 =	sld [smem:$0x3FD9]  }
0x89: {  	s3 =	sld [smem:$0x3FFE];
	_ =	sdelay $0x1  }
0x8a: {  	s1 =	srdreg.scid  }
0x8b: {  	s0 =	sand.u32 $0x1, s1  }
0x8c: {  	s17 =	sshll.u32 s0, $0xA;
	s2 =	sadd.s32 s3, s2  }
0x8d: {  	s2 =	sadd.s32 s2, s17  }
0x8e: {  	[smem:$0x3FC3] =	sst s2  }
0x8f: {  	_ = 	snop  }
0x90: {  	s2 =	sld [smem:$0x3FC9];
	(tm) =	ssettm $0x1  }
0x91: {  	s18 =	sld [smem:$0x3FFB];
	_ =	sdelay $0x3  }
0x92: {  	_ =	strace s18  }
0x93: {  	s3 =	sld [smem:$0x3FFC];
	_ =	sdelay $0x3  }
0x94: {  	_ =	strace s3  }
0x95: {  	s3 =	sld [smem:$0x3FFD];
	_ =	sdelay $0x3  }
0x96: {  	_ =	strace s3  }
0x97: {  	_ =	strace $0x8FFFFFFF  }
0x98: {  	s19 =	sld [smem:$0x3FDB];
	_ =	sdelay $0x1  }
0x99: {  	s4 =	simm.s32 $_scs_section_size  }
0x9a: {  	s5 =	simm.s32 $_size__tile_overlayer_lowered;
	s6 =	simm.s32 $_tile_overlayer_lowered  }
0x9b: {  	s22 =	simm.s32 $0x1BFF;
	s21 =	sshll.u32 s6, $0x1;
	s3 =	sadd.s32 s4, s19  }
0x9c: {  	s7 =	simm.s32 $0x0;
	s20 =	sshll.u32 s5, $0x1;
	s5 =	sadd.s32 s21, s3  }
0x9d: {  	[timem:s7], [sflag:s22] =	dma.local [hbm:s5], s20  }
0x9e: {  	_ =	swait.ge [sflag:s22], s20  }
0x9f: {  	s4 =	ssub.s32 $0x0, s20;
	[sflag:s22] =	ssyncset.done $0x0  }
0xa0: {  	[sflag:s22] =	ssyncadd.s32 s4;
	_ =	sdelay $0x1  }
0xa1: {  	s23 =	simm.s32 $0x1B8B  }
0xa2: {  	_ =	swait.ge [sflag:s23], $0x1  }
0xa3: {  	[sflag:s23] =	ssyncset.done $0x0  }
0xa4: {  	s25 =	simm.s32 $0x1B8E;
	s24 =	sld [smem:$0x3FFE];
	[sflag:s23] =	ssyncadd.s32 $0xFFFFFFFF  }
0xa5: {  	s26 =	simm.s32 $execute0_lowered;
	[smem:$0x3FD2] =	sst s25  }
0xa6: {  	s5 =	sshll.u32 s26, $0x1;
	_ =	strace $0x80000046;
	[dreg:$0x1] =	wrdreg $0xFFFFFFFF  }
0xa7: {  	s28 =	simm.s32 $_size_execute0_lowered;
	s3 =	sadd.s32 s3, s5;
	[dreg:$0x0] =	wrdreg $0x0  }
0xa8: {  	s5 =	sshll.u32 s28, $0x1;
	[dreg:$0x2] =	wrdreg s3  }
0xa9: {  	[dreg:$0x3] =	wrdreg s5  }
0xaa: {  	[dreg:$0x4] =	wrdreg $0xC0  }
0xab: {  	_ =	task [dreg:s7], $0x5FFFF  }
0xac: {  	[dreg:$0x1] =	wrdreg $0xFFFFFFFF  }
0xad: {  	[dreg:$0x0] =	wrdreg $0x60  }
0xae: {  	[dreg:$0x2] =	wrdreg s24  }
0xaf: {  	[dreg:$0x3] =	wrdreg s2  }
0xb0: {  	[dreg:$0x4] =	wrdreg $0x9  }
0xb1: {  	_ =	task.clear_ibuf [dreg:s7], $0x5FFFF;
	_ =	strace $0x90000046  }
0xb2: {  	s29 =	simm.s32 $0x9;
	_ =	strace $0x80000048  }
0xb3: {  	_ =	swait.ge [sflag:s29], $0x1  }
0xb4: {  	[sflag:s29] =	ssyncadd.s32 $0xFFFFFFFF  }
0xb5: {  	_ =	strace $0x90000048  }
0xb6: {  	_ =	sfence  }
0xb7: {  	s30 =	sld [smem:$0x0];
	_ =	sdelay $0x2  }
0xb8: {  	s31 =	sshll.u32 s1, $0xD;
	s1 =	sshrl.u32 s1, $0x2  }
0xb9: {  	s3 =	sand.u32 $0x4000, s31;
	s1 =	sadd.s32 s1, s30  }
0xba: {  	s0 =	sor.u32 s3, s0;
	s1 =	sshll.u32 s1, $0x11  }
0xbb: {  	s0 =	sor.u32 s1, s0  }
0xbc: {  	s0 =	sadd.s32 $0x8F2B, s0  }
0xbd: {  	[sflag:s0] =	ssyncadd.remote.s32 $0x1  }
0xbe: {  	_ =	sfence.sel $0xFFFF  }
0xbf: {  	[dreg:$0x0] =	wrdreg $0xFFFFFFFF;
	(pc) =	sbr.abs _section_cstart, $3  }
0xc0: {  	[dreg:$0x1] =	wrdreg $0xFFFFFFFF  }
0xc1: {  	_ =	task.clear_ibuf [dreg:s7], $0x2FFFF;
	_ =	strace $0x9FFFFFFF  }
0xc2: {  	(tm) =	ssettm $0x7FFFFFFF  }
0xc3: {  	_ =	shalt  }
tec
execute0_lowered:
.L_overlay_start_1:
0x0: {  	(tag) =	ssettag $0x1  }
0x1: {  	s0 =	srdreg.scid  }
0x2: {  	s1 =	stileid.u32;
	s0 =	sand.u32 $0x1, s0  }
0x3: {  	s1 =	sshll.u32 s1, $0xA;
	s4 =	sshll.u32 s0, $0x9  }
0x4: {  	v33 =	vlaneseq.u32;
	s5 =	ssub.s32 $0x2, s0;
	s0 =	sor.u32 s4, s1  }
0x5: {  	vm0 =	vmmov $0xffff;
	v59 =	vshrl.u32 v33, $0x3;
	v0 =	vor.u32 s0, v33;
	s7 =	sor.u32 $0x10, s0  }
0x6: {  	v4 =	vmov s0;
	s10 =	sor.u32 $0x20, s0;
	s11 =	sor.u32 $0x30, s0;
	s14 =	sor.u32 $0x40, s0;
	v0 =	vshrl.u32 v0, $0x1;
	v1 =	vor.u32 s7, v33  }
0x7: {  	s15 =	sor.u32 $0x50, s0;
	s18 =	sor.u32 $0x80, s0;
	v2 =	vor.u32 s10, v33;
	v3 =	vor.u32 s11, v33;
	v5 =	vor.u32 s14, v33  }
0x8: {  	s24 =	sor.u32 $0xA0, s0;
	s25 =	sor.u32 $0xB0, s0;
	s26 =	sor.u32 $0xC0, s0;
	v6 =	vor.u32 s15, v33;
	v7 =	vshrl.u32 v4, $0x4;
	v14 =	vmov s18  }
0x9: {  	s21 =	sor.u32 $0x100, s0;
	s28 =	sor.u32 $0xE0, s0;
	v10 =	vor.u32 s24, v33;
	v11 =	vor.u32 s25, v33;
	v12 =	vor.u32 s26, v33  }
0xa: {  	s22 =	sor.u32 $0x160, s0;
	s23 =	sor.u32 $0x170, s0;
	v15 =	vor.u32 s28, v33;
	v18 =	vor.u32 s21, v33;
	v20 =	vmov s21  }
0xb: {  	v23 =	vor.u32 s22, v33;
	v24 =	vor.u32 s23, v33;
	v1 =	vshrl.u32 v1, $0x1  }
0xc: {  	s16 =	sor.u32 $0x60, s0;
	v2 =	vshrl.u32 v2, $0x1;
	v3 =	vshrl.u32 v3, $0x1;
	v4 =	vshrl.u32 v5, $0x1  }
0xd: {  	s8 =	rddreg [dreg:$0x0];
	s17 =	sor.u32 $0x70, s0;
	v5 =	vshrl.u32 v6, $0x1;
	v8 =	vmul.u32 $0x30, v7;
	v6 =	vor.u32 s16, v33  }
0xe: {  	s2 =	rddreg [dreg:$0x1];
	s3 =	simm.s32 $0x0;
	s14 =	sor.u32 $0xD0, s0;
	v7 =	vor.u32 s17, v33;
	v9 =	vand.u32 $0x7, v0;
	v10 =	vshrl.u32 v10, $0x1  }
0xf: {  	[smem:$0x7FF] =	sst s3;
	s9 =	sadd.s32 $0x2400, s8;
	s29 =	sor.u32 $0xF0, s0;
	v11 =	vshrl.u32 v11, $0x1;
	v12 =	vshrl.u32 v12, $0x1;
	v13 =	vor.u32 s14, v33  }
0x10: {  	_ =	strace $0x80000047;
	s6 =	sshrl.u32 s0, $0x3;
	s15 =	sor.u32 $0x180, s0;
	v16 =	vshrl.u32 v14, $0x4;
	v14 =	vshrl.u32 v15, $0x1;
	v15 =	vor.u32 s29, v33  }
0x11: {  	s24 =	sor.u32 $0x190, s0;
	s25 =	sor.u32 $0x1A0, s0;
	s26 =	sor.u32 $0x1D0, s0;
	v25 =	vshrl.u32 v20, $0x4;
	v31 =	vmov s15;
	v26 =	vor.u32 s15, v33  }
0x12: {  	s12 =	sshrl.u32 s5, $0x1;
	s13 =	sadd.s32 s9, s6;
	s28 =	sor.u32 $0x1E0, s0;
	v27 =	vor.u32 s24, v33;
	v28 =	vor.u32 s25, v33;
	v32 =	vor.u32 s26, v33  }
0x13: {  	s1 =	ssub.s32 s5, s12;
	s12 =	sshrl.u32 s18, $0x3;
	[dreg:$0x3] =	wrdreg s13;
	v34 =	vor.u32 s28, v33;
	v6 =	vshrl.u32 v6, $0x1;
	v7 =	vshrl.u32 v7, $0x1  }
0x14: {  	s13 =	sshrl.u32 s21, $0x3;
	s16 =	sor.u32 $0x140, s0;
	s21 =	sor.u32 $0x1C0, s0;
	v13 =	vshrl.u32 v13, $0x1;
	v16 =	vmul.u32 $0x30, v16;
	v15 =	vshrl.u32 v15, $0x1  }
0x15: {  	s19 =	sadd.s32 s9, s12;
	v21 =	vor.u32 s16, v33;
	v30 =	vor.u32 s21, v33;
	v25 =	vmul.u32 $0x30, v25  }
0x16: {  	s20 =	sor.u32 $0x90, s0;
	[dreg:$0x4] =	wrdreg s19;
	s19 =	sor.u32 $0x150, s0;
	v31 =	vshrl.u32 v31, $0x4;
	v35 =	vor.u32 v8, v9;
	v8 =	vor.u32 s18, v33  }
0x17: {  	v9 =	vor.u32 s20, v33;
	v22 =	vor.u32 s19, v33;
	v20 =	vshrl.u32 v21, $0x1  }
0x18: {  	s18 =	sor.u32 $0x130, s0;
	s20 =	sor.u32 $0x1B0, s0;
	v40 =	vmul.u32 $0x30, v31;
	v31 =	vand.u32 $0x7, v33;
	v8 =	vshrl.u32 v8, $0x1  }
0x19: {  	s30 =	sor.u32 $0x110, s0;
	s31 =	sor.u32 $0x120, s0;
	s0 =	sor.u32 $0x1F0, s0;
	v9 =	vshrl.u32 v9, $0x1;
	v19 =	vor.u32 s18, v33;
	v29 =	vor.u32 s20, v33  }
0x1a: {  	v21 =	vshrl.u32 v22, $0x1;
	v38 =	vor.u32 s0, v33;
	v22 =	vshrl.u32 v23, $0x1  }
0x1b: {  	v23 =	vshrl.u32 v24, $0x1;
	v24 =	vshrl.u32 v26, $0x1;
	v26 =	vshrl.u32 v28, $0x1  }
0x1c: {  	v28 =	vshrl.u32 v30, $0x1;
	v30 =	vshrl.u32 v34, $0x1;
	v41 =	vperm.xlane v35, v31  }
0x1d: {  	v17 =	vand.u32 $0x7, v8;
	v19 =	vshrl.u32 v19, $0x1;
	v39 =	vand.u32 $0x7, v24  }
0x1e: {  	v34 =	vshrl.u32 v38, $0x1;
	v36 =	vor.u32 v16, v17;
	v16 =	vshrl.u32 v18, $0x1  }
0x1f: {  	v17 =	vor.u32 s30, v33;
	v18 =	vor.u32 s31, v33;
	v33 =	vor.u32 $0x8, v33  }
0x20: {  	v60 =	vor.u32 v40, v39;
	v17 =	vshrl.u32 v17, $0x1;
	v61 =	vperm.xlane v35, v33  }
0x21: {  	v37 =	vand.u32 $0x7, v16;
	v62 =	vperm.xlane v36, v31;
	v63 =	vperm.xlane v36, v33  }
0x22: {  	s4 =	sadd.s32 $0x2C00, s8;
	s5 =	sadd.s32 $0x100, s2;
	s29 =	simm.s32 $0x80;
	v44 =	vperm.xlane v60, v31;
	v37 =	vor.u32 v25, v37;
	v25 =	vshrl.u32 v27, $0x1  }
0x23: {  	s17 =	sshrl.u32 s15, $0x3;
	s13 =	sadd.s32 s9, s13;
	[dreg:$0x7] =	wrdreg s29;
	v27 =	vshrl.u32 v29, $0x1;
	v29 =	vshrl.u32 v32, $0x1;
	v32 =	vmul.u32 $0x8, v59  }
0x24: {  	s6 =	sadd.s32 $0x200, s2;
	s9 =	sadd.s32 s9, s17;
	[dreg:$0x5] =	wrdreg s13;
	v18 =	vshrl.u32 v18, $0x1;
	v45 =	vperm.xlane v60, v33;
	v42 =	vperm.xlane v37, v31  }
0x25: {  	s7 =	sadd.s32 $0x2D00, s8;
	[dreg:$0x6] =	wrdreg s9;
	s30 =	simm.s32 $0x100;
	v43 =	vperm.xlane v37, v33;
	v35 =	vadd.s32 v32, v41;
	v36 =	vadd.s32 v32, v61  }
0x26: {  	s8 =	sadd.s32 $0x2E00, s8;
	s31 =	simm.s32 $0x180;
	[dreg:$0x8] =	wrdreg s30;
	v37 =	vadd.s32 v32, v62;
	v38 =	vadd.s32 v32, v63;
	v41 =	vadd.s32 v32, v44  }
0x27: {  	s10 =	smax.u32 s1, $0x1;
	s15 =	simm.s32 $0x1;
	[dreg:$0x9] =	wrdreg s31;
	v39 =	vadd.s32 v32, v42;
	v40 =	vadd.s32 v32, v43;
	v42 =	vadd.s32 v32, v45  }
.LBB2_1:
0x28: {  	[dreg:$0xa] =	wrdreg s10  }
0x29: {  	s16 =	rddreg [dreg:$0x3];
	s0 =	simm.s32 $0x2  }
0x2a: {  	[tilespmem:s3], [sflag:$0x2] =	stream.linear.gather [hbm4b:s16+s3], $0x80, $0x38;
	[tilespmem:$0x18400] =	vst v63  }
0x2b: {  	_ =	swait.ge [sflag:s0], $0x80  }
0x2c: {  	[sflag:s0] =	ssyncset.done $0x0  }
0x2d: {  	[sflag:s0] =	ssyncadd.s32 $0xFFFFFF80  }
0x2e: {  	[tilespmem:$0x200] =	vst v0  }
0x2f: {  	[tilespmem:$0x210] =	vst v1  }
0x30: {  	[tilespmem:$0x220] =	vst v2  }
0x31: {  	[tilespmem:$0x230] =	vst v3  }
0x32: {  	[tilespmem:$0x240] =	vst v4  }
0x33: {  	[tilespmem:$0x250] =	vst v5  }
0x34: {  	[tilespmem:$0x260] =	vst v6  }
0x35: {  	s20 =	simm.s32 $0x400;
	[tilespmem:$0x270] =	vst v7  }
0x36: {  	[tilespmem:s20], [sflag:$0x1] =	stream.indirect_vreg.gather [hbm4b:s2+s3], $0x80, v35, vm0, $0xb8;
	[tilespmem:$0x18400] =	vst v63  }
0x37: {  	s21 =	simm.s32 $0xC00  }
0x38: {  	[tilespmem:s21], [sflag:$0x1] =	stream.indirect_vreg.gather [hbm4b:s5+s3], $0x80, v35, vm0, $0xb8;
	[tilespmem:$0x18400] =	vst v63  }
0x39: {  	s22 =	simm.s32 $0x1400  }
0x3a: {  	[tilespmem:s22], [sflag:$0x1] =	stream.indirect_vreg.gather [hbm4b:s6+s3], $0x80, v35, vm0, $0xb8;
	[tilespmem:$0x18400] =	vst v63  }
0x3b: {  	s23 =	simm.s32 $0x1C00  }
0x3c: {  	[tilespmem:s23], [sflag:$0x1] =	stream.indirect_vreg.gather [hbm4b:s2+s3], $0x80, v36, vm0, $0xb8;
	[tilespmem:$0x18400] =	vst v63  }
0x3d: {  	s24 =	simm.s32 $0x2400  }
0x3e: {  	[tilespmem:s24], [sflag:$0x1] =	stream.indirect_vreg.gather [hbm4b:s5+s3], $0x80, v36, vm0, $0xb8;
	[tilespmem:$0x18400] =	vst v63  }
0x3f: {  	s25 =	simm.s32 $0x2C00  }
0x40: {  	[tilespmem:s25], [sflag:$0x1] =	stream.indirect_vreg.gather [hbm4b:s6+s3], $0x80, v36, vm0, $0xb8;
	[tilespmem:$0x18400] =	vst v63  }
0x41: {  	v43 =	vld [tilespmem:$0x210];
	_ =	sdelay $0x4  }
0x42: {  	v44 =	vshrl.u32 v43, $0x3  }
0x43: {  	v44 =	vmul.u32 $0x30, v44  }
0x44: {  	v43 =	vand.u32 $0x7, v43  }
0x45: {  	v43 =	vor.u32 v43, v44  }
0x46: {  	v44 =	vperm.xlane v43, v31;
	_ =	sdelay $0x1  }
0x47: {  	v44 =	vadd.s32 v32, v44;
	_ =	sdelay $0x3  }
0x48: {  	s26 =	simm.s32 $0x3400;
	v43 =	vperm.xlane v43, v33  }
0x49: {  	[tilespmem:s26], [sflag:$0x1] =	stream.indirect_vreg.gather [hbm4b:s2+s3], $0x80, v44, vm0, $0xb8;
	[tilespmem:$0x18400] =	vst v63  }
0x4a: {  	s28 =	simm.s32 $0x3C00;
	v43 =	vadd.s32 v32, v43  }
0x4b: {  	[tilespmem:s28], [sflag:$0x1] =	stream.indirect_vreg.gather [hbm4b:s5+s3], $0x80, v44, vm0, $0xb8;
	[tilespmem:$0x18400] =	vst v63  }
0x4c: {  	s9 =	simm.s32 $0x4400  }
0x4d: {  	[tilespmem:s9], [sflag:$0x1] =	stream.indirect_vreg.gather [hbm4b:s6+s3], $0x80, v44, vm0, $0xb8;
	[tilespmem:$0x18400] =	vst v63  }
0x4e: {  	s11 =	simm.s32 $0x4C00  }
0x4f: {  	[tilespmem:s11], [sflag:$0x1] =	stream.indirect_vreg.gather [hbm4b:s2+s3], $0x80, v43, vm0, $0xb8;
	[tilespmem:$0x18400] =	vst v63  }
0x50: {  	s13 =	simm.s32 $0x5400  }
0x51: {  	[tilespmem:s13], [sflag:$0x1] =	stream.indirect_vreg.gather [hbm4b:s5+s3], $0x80, v43, vm0, $0xb8;
	[tilespmem:$0x18400] =	vst v63  }
0x52: {  	s14 =	simm.s32 $0x5C00  }
0x53: {  	[tilespmem:s14], [sflag:$0x1] =	stream.indirect_vreg.gather [hbm4b:s6+s3], $0x80, v43, vm0, $0xb8;
	[tilespmem:$0x18400] =	vst v63  }
0x54: {  	v43 =	vld [tilespmem:$0x220];
	_ =	sdelay $0x4  }
0x55: {  	v62 =	vshrl.u32 v43, $0x3  }
0x56: {  	v44 =	vmul.u32 $0x30, v62  }
0x57: {  	v43 =	vand.u32 $0x7, v43  }
0x58: {  	v43 =	vor.u32 v43, v44  }
0x59: {  	v44 =	vperm.xlane v43, v31;
	_ =	sdelay $0x1  }
0x5a: {  	v44 =	vadd.s32 v32, v44;
	_ =	sdelay $0x3  }
0x5b: {  	s16 =	simm.s32 $0x6400;
	v43 =	vperm.xlane v43, v33  }
0x5c: {  	[tilespmem:s16], [sflag:$0x1] =	stream.indirect_vreg.gather [hbm4b:s2+s3], $0x80, v44, vm0, $0xb8;
	[tilespmem:$0x18400] =	vst v63  }
0x5d: {  	s17 =	simm.s32 $0x6C00;
	v43 =	vadd.s32 v32, v43  }
0x5e: {  	[tilespmem:s17], [sflag:$0x1] =	stream.indirect_vreg.gather [hbm4b:s5+s3], $0x80, v44, vm0, $0xb8;
	[tilespmem:$0x18400] =	vst v63  }
0x5f: {  	s20 =	simm.s32 $0x7400  }
0x60: {  	[tilespmem:s20], [sflag:$0x1] =	stream.indirect_vreg.gather [hbm4b:s6+s3], $0x80, v44, vm0, $0xb8;
	[tilespmem:$0x18400] =	vst v63  }
0x61: {  	s21 =	simm.s32 $0x7C00  }
0x62: {  	[tilespmem:s21], [sflag:$0x1] =	stream.indirect_vreg.gather [hbm4b:s2+s3], $0x80, v43, vm0, $0xb8;
	[tilespmem:$0x18400] =	vst v63  }
0x63: {  	s22 =	simm.s32 $0x8400  }
0x64: {  	[tilespmem:s22], [sflag:$0x1] =	stream.indirect_vreg.gather [hbm4b:s5+s3], $0x80, v43, vm0, $0xb8;
	[tilespmem:$0x18400] =	vst v63  }
0x65: {  	s23 =	simm.s32 $0x8C00  }
0x66: {  	[tilespmem:s23], [sflag:$0x1] =	stream.indirect_vreg.gather [hbm4b:s6+s3], $0x80, v43, vm0, $0xb8;
	[tilespmem:$0x18400] =	vst v63  }
0x67: {  	v43 =	vld [tilespmem:$0x230];
	_ =	sdelay $0x4  }
0x68: {  	v63 =	vshrl.u32 v43, $0x3  }
0x69: {  	v44 =	vmul.u32 $0x30, v63  }
0x6a: {  	v43 =	vand.u32 $0x7, v43  }
0x6b: {  	v43 =	vor.u32 v43, v44  }
0x6c: {  	v44 =	vperm.xlane v43, v31;
	_ =	sdelay $0x1  }
0x6d: {  	v44 =	vadd.s32 v32, v44;
	_ =	sdelay $0x3  }
0x6e: {  	s24 =	simm.s32 $0x9400;
	v43 =	vperm.xlane v43, v33  }
0x6f: {  	[tilespmem:s24], [sflag:$0x1] =	stream.indirect_vreg.gather [hbm4b:s2+s3], $0x80, v44, vm0, $0xb8;
	[tilespmem:$0x18400] =	vst v63  }
0x70: {  	s25 =	simm.s32 $0x9C00;
	v43 =	vadd.s32 v32, v43  }
0x71: {  	[tilespmem:s25], [sflag:$0x1] =	stream.indirect_vreg.gather [hbm4b:s5+s3], $0x80, v44, vm0, $0xb8;
	[tilespmem:$0x18400] =	vst v63  }
0x72: {  	s26 =	simm.s32 $0xA400  }
0x73: {  	[tilespmem:s26], [sflag:$0x1] =	stream.indirect_vreg.gather [hbm4b:s6+s3], $0x80, v44, vm0, $0xb8;
	[tilespmem:$0x18400] =	vst v63  }
0x74: {  	s28 =	simm.s32 $0xAC00  }
0x75: {  	[tilespmem:s28], [sflag:$0x1] =	stream.indirect_vreg.gather [hbm4b:s2+s3], $0x80, v43, vm0, $0xb8;
	[tilespmem:$0x18400] =	vst v63  }
0x76: {  	s0 =	simm.s32 $0xB400  }
0x77: {  	[tilespmem:s0], [sflag:$0x1] =	stream.indirect_vreg.gather [hbm4b:s5+s3], $0x80, v43, vm0, $0xb8;
	[tilespmem:$0x18400] =	vst v63  }
0x78: {  	s11 =	simm.s32 $0xBC00  }
0x79: {  	[tilespmem:s11], [sflag:$0x1] =	stream.indirect_vreg.gather [hbm4b:s6+s3], $0x80, v43, vm0, $0xb8;
	[tilespmem:$0x18400] =	vst v63  }
0x7a: {  	v43 =	vld [tilespmem:$0x240];
	_ =	sdelay $0x4  }
0x7b: {  	v48 =	vshrl.u32 v43, $0x3  }
0x7c: {  	v44 =	vmul.u32 $0x30, v48  }
0x7d: {  	v43 =	vand.u32 $0x7, v43  }
0x7e: {  	v43 =	vor.u32 v43, v44  }
0x7f: {  	v44 =	vperm.xlane v43, v31;
	_ =	sdelay $0x1  }
0x80: {  	v44 =	vadd.s32 v32, v44;
	_ =	sdelay $0x3  }
0x81: {  	s13 =	simm.s32 $0xC400;
	v43 =	vperm.xlane v43, v33  }
0x82: {  	[tilespmem:s13], [sflag:$0x1] =	stream.indirect_vreg.gather [hbm4b:s2+s3], $0x80, v44, vm0, $0xb8;
	[tilespmem:$0x18400] =	vst v63  }
0x83: {  	s14 =	simm.s32 $0xCC00;
	v43 =	vadd.s32 v32, v43  }
0x84: {  	[tilespmem:s14], [sflag:$0x1] =	stream.indirect_vreg.gather [hbm4b:s5+s3], $0x80, v44, vm0, $0xb8;
	[tilespmem:$0x18400] =	vst v63  }
0x85: {  	s17 =	simm.s32 $0xD400  }
0x86: {  	[tilespmem:s17], [sflag:$0x1] =	stream.indirect_vreg.gather [hbm4b:s6+s3], $0x80, v44, vm0, $0xb8;
	[tilespmem:$0x18400] =	vst v63  }
0x87: {  	s20 =	simm.s32 $0xDC00  }
0x88: {  	[tilespmem:s20], [sflag:$0x1] =	stream.indirect_vreg.gather [hbm4b:s2+s3], $0x80, v43, vm0, $0xb8;
	[tilespmem:$0x18400] =	vst v63  }
0x89: {  	s21 =	simm.s32 $0xE400  }
0x8a: {  	[tilespmem:s21], [sflag:$0x1] =	stream.indirect_vreg.gather [hbm4b:s5+s3], $0x80, v43, vm0, $0xb8;
	[tilespmem:$0x18400] =	vst v63  }
0x8b: {  	s22 =	simm.s32 $0xEC00  }
0x8c: {  	[tilespmem:s22], [sflag:$0x1] =	stream.indirect_vreg.gather [hbm4b:s6+s3], $0x80, v43, vm0, $0xb8;
	[tilespmem:$0x18400] =	vst v63  }
0x8d: {  	v43 =	vld [tilespmem:$0x250];
	_ =	sdelay $0x4  }
0x8e: {  	v49 =	vshrl.u32 v43, $0x3  }
0x8f: {  	v44 =	vmul.u32 $0x30, v49  }
0x90: {  	v43 =	vand.u32 $0x7, v43  }
0x91: {  	v43 =	vor.u32 v43, v44  }
0x92: {  	v44 =	vperm.xlane v43, v31;
	_ =	sdelay $0x1  }
0x93: {  	v44 =	vadd.s32 v32, v44;
	_ =	sdelay $0x3  }
0x94: {  	s23 =	simm.s32 $0xF400;
	v43 =	vperm.xlane v43, v33  }
0x95: {  	[tilespmem:s23], [sflag:$0x1] =	stream.indirect_vreg.gather [hbm4b:s2+s3], $0x80, v44, vm0, $0xb8;
	[tilespmem:$0x18400] =	vst v63  }
0x96: {  	s28 =	simm.s32 $0xFC00;
	v43 =	vadd.s32 v32, v43  }
0x97: {  	[tilespmem:s28], [sflag:$0x1] =	stream.indirect_vreg.gather [hbm4b:s5+s3], $0x80, v44, vm0, $0xb8;
	[tilespmem:$0x18400] =	vst v63  }
0x98: {  	s0 =	simm.s32 $0x10400  }
0x99: {  	[tilespmem:s0], [sflag:$0x1] =	stream.indirect_vreg.gather [hbm4b:s6+s3], $0x80, v44, vm0, $0xb8;
	[tilespmem:$0x18400] =	vst v63  }
0x9a: {  	s11 =	simm.s32 $0x10C00  }
0x9b: {  	[tilespmem:s11], [sflag:$0x1] =	stream.indirect_vreg.gather [hbm4b:s2+s3], $0x80, v43, vm0, $0xb8;
	[tilespmem:$0x18400] =	vst v63  }
0x9c: {  	s20 =	simm.s32 $0x11400  }
0x9d: {  	[tilespmem:s20], [sflag:$0x1] =	stream.indirect_vreg.gather [hbm4b:s5+s3], $0x80, v43, vm0, $0xb8;
	[tilespmem:$0x18400] =	vst v63  }
0x9e: {  	s21 =	simm.s32 $0x11C00  }
0x9f: {  	[tilespmem:s21], [sflag:$0x1] =	stream.indirect_vreg.gather [hbm4b:s6+s3], $0x80, v43, vm0, $0xb8;
	[tilespmem:$0x18400] =	vst v63  }
0xa0: {  	v43 =	vld [tilespmem:$0x260];
	_ =	sdelay $0x4  }
0xa1: {  	v50 =	vshrl.u32 v43, $0x3  }
0xa2: {  	v44 =	vmul.u32 $0x30, v50  }
0xa3: {  	v43 =	vand.u32 $0x7, v43  }
0xa4: {  	v43 =	vor.u32 v43, v44  }
0xa5: {  	v44 =	vperm.xlane v43, v31;
	_ =	sdelay $0x1  }
0xa6: {  	v44 =	vadd.s32 v32, v44;
	_ =	sdelay $0x3  }
0xa7: {  	s22 =	simm.s32 $0x12400;
	v43 =	vperm.xlane v43, v33  }
0xa8: {  	[tilespmem:s22], [sflag:$0x1] =	stream.indirect_vreg.gather [hbm4b:s2+s3], $0x80, v44, vm0, $0xb8;
	[tilespmem:$0x18400] =	vst v63  }
0xa9: {  	s28 =	simm.s32 $0x12C00;
	v43 =	vadd.s32 v32, v43  }
0xaa: {  	[tilespmem:s28], [sflag:$0x1] =	stream.indirect_vreg.gather [hbm4b:s5+s3], $0x80, v44, vm0, $0xb8;
	[tilespmem:$0x18400] =	vst v63  }
0xab: {  	s0 =	simm.s32 $0x13400  }
0xac: {  	[tilespmem:s0], [sflag:$0x1] =	stream.indirect_vreg.gather [hbm4b:s6+s3], $0x80, v44, vm0, $0xb8;
	[tilespmem:$0x18400] =	vst v63  }
0xad: {  	s11 =	simm.s32 $0x13C00  }
0xae: {  	[tilespmem:s11], [sflag:$0x1] =	stream.indirect_vreg.gather [hbm4b:s2+s3], $0x80, v43, vm0, $0xb8;
	[tilespmem:$0x18400] =	vst v63  }
0xaf: {  	s21 =	simm.s32 $0x14400  }
0xb0: {  	[tilespmem:s21], [sflag:$0x1] =	stream.indirect_vreg.gather [hbm4b:s5+s3], $0x80, v43, vm0, $0xb8;
	[tilespmem:$0x18400] =	vst v63  }
0xb1: {  	s22 =	simm.s32 $0x14C00  }
0xb2: {  	[tilespmem:s22], [sflag:$0x1] =	stream.indirect_vreg.gather [hbm4b:s6+s3], $0x80, v43, vm0, $0xb8;
	[tilespmem:$0x18400] =	vst v63  }
0xb3: {  	v43 =	vld [tilespmem:$0x270];
	_ =	sdelay $0x4  }
0xb4: {  	v51 =	vshrl.u32 v43, $0x3  }
0xb5: {  	v44 =	vmul.u32 $0x30, v51  }
0xb6: {  	v43 =	vand.u32 $0x7, v43  }
0xb7: {  	v43 =	vor.u32 v43, v44  }
0xb8: {  	v44 =	vperm.xlane v43, v31;
	_ =	sdelay $0x1  }
0xb9: {  	v44 =	vadd.s32 v32, v44;
	_ =	sdelay $0x3  }
0xba: {  	s0 =	simm.s32 $0x15400;
	v43 =	vperm.xlane v43, v33  }
0xbb: {  	[tilespmem:s0], [sflag:$0x1] =	stream.indirect_vreg.gather [hbm4b:s2+s3], $0x80, v44, vm0, $0xb8;
	[tilespmem:$0x18400] =	vst v63  }
0xbc: {  	s11 =	simm.s32 $0x15C00;
	v43 =	vadd.s32 v32, v43  }
0xbd: {  	[tilespmem:s11], [sflag:$0x1] =	stream.indirect_vreg.gather [hbm4b:s5+s3], $0x80, v44, vm0, $0xb8;
	[tilespmem:$0x18400] =	vst v63  }
0xbe: {  	s0 =	simm.s32 $0x16400  }
0xbf: {  	[tilespmem:s0], [sflag:$0x1] =	stream.indirect_vreg.gather [hbm4b:s6+s3], $0x80, v44, vm0, $0xb8;
	[tilespmem:$0x18400] =	vst v63  }
0xc0: {  	s11 =	simm.s32 $0x16C00  }
0xc1: {  	[tilespmem:s11], [sflag:$0x1] =	stream.indirect_vreg.gather [hbm4b:s2+s3], $0x80, v43, vm0, $0xb8;
	[tilespmem:$0x18400] =	vst v63  }
0xc2: {  	s0 =	simm.s32 $0x17400  }
0xc3: {  	[tilespmem:s0], [sflag:$0x1] =	stream.indirect_vreg.gather [hbm4b:s5+s3], $0x80, v43, vm0, $0xb8;
	[tilespmem:$0x18400] =	vst v63  }
0xc4: {  	s11 =	simm.s32 $0x17C00  }
0xc5: {  	[tilespmem:s11], [sflag:$0x1] =	stream.indirect_vreg.gather [hbm4b:s6+s3], $0x80, v43, vm0, $0xb8;
	[tilespmem:$0x18400] =	vst v63  }
0xc6: {  	_ =	swait.ge [sflag:s15], $0x18000  }
0xc7: {  	[sflag:s15] =	ssyncset.done $0x0  }
0xc8: {  	[sflag:s15] =	ssyncadd.s32 $0xFFFE8000  }
0xc9: {  	v52 =	vld [tilespmem:$0x0];
	_ =	sdelay $0x4  }
0xca: {  	v53 =	vshrl.u32 v52, $0x3  }
0xcb: {  	v44 =	vmul.u32 $0x30, v53  }
0xcc: {  	v43 =	vand.u32 $0x7, v52  }
0xcd: {  	v43 =	vor.u32 v43, v44  }
0xce: {  	v44 =	vperm.xlane v43, v31;
	_ =	sdelay $0x1  }
0xcf: {  	v44 =	vadd.s32 v32, v44;
	_ =	sdelay $0x3  }
0xd0: {  	s1 =	simm.s32 $0x400;
	v43 =	vperm.xlane v43, v33  }
0xd1: {  	[hbm4b:s4+s3] =	stream.indirect_vreg.scatter [tilespmem:s1], [sflag:$0x1], $0x80, v44, vm0, $0xb8;
	[tilespmem:$0x18400] =	vst v63  }
0xd2: {  	s10 =	simm.s32 $0xC00;
	v43 =	vadd.s32 v32, v43  }
0xd3: {  	[hbm4b:s7+s3] =	stream.indirect_vreg.scatter [tilespmem:s10], [sflag:$0x1], $0x80, v44, vm0, $0xb8;
	[tilespmem:$0x18400] =	vst v63  }
0xd4: {  	s29 =	simm.s32 $0x1400  }
0xd5: {  	[hbm4b:s8+s3] =	stream.indirect_vreg.scatter [tilespmem:s29], [sflag:$0x1], $0x80, v44, vm0, $0xb8;
	[tilespmem:$0x18400] =	vst v63  }
0xd6: {  	s30 =	simm.s32 $0x1C00  }
0xd7: {  	[hbm4b:s4+s3] =	stream.indirect_vreg.scatter [tilespmem:s30], [sflag:$0x1], $0x80, v43, vm0, $0xb8;
	[tilespmem:$0x18400] =	vst v63  }
0xd8: {  	s31 =	simm.s32 $0x2400  }
0xd9: {  	[hbm4b:s7+s3] =	stream.indirect_vreg.scatter [tilespmem:s31], [sflag:$0x1], $0x80, v43, vm0, $0xb8;
	[tilespmem:$0x18400] =	vst v63  }
0xda: {  	s18 =	simm.s32 $0x2C00  }
0xdb: {  	[hbm4b:s8+s3] =	stream.indirect_vreg.scatter [tilespmem:s18], [sflag:$0x1], $0x80, v43, vm0, $0xb8;
	[tilespmem:$0x18400] =	vst v63  }
0xdc: {  	v43 =	vld [tilespmem:$0x10];
	_ =	sdelay $0x4  }
0xdd: {  	v54 =	vshrl.u32 v43, $0x3  }
0xde: {  	v44 =	vmul.u32 $0x30, v54  }
0xdf: {  	v43 =	vand.u32 $0x7, v43  }
0xe0: {  	v43 =	vor.u32 v43, v44  }
0xe1: {  	v44 =	vperm.xlane v43, v31;
	_ =	sdelay $0x1  }
0xe2: {  	v44 =	vadd.s32 v32, v44;
	_ =	sdelay $0x3  }
0xe3: {  	s19 =	simm.s32 $0x3400;
	v43 =	vperm.xlane v43, v33  }
0xe4: {  	[hbm4b:s4+s3] =	stream.indirect_vreg.scatter [tilespmem:s19], [sflag:$0x1], $0x80, v44, vm0, $0xb8;
	[tilespmem:$0x18400] =	vst v63  }
0xe5: {  	s18 =	simm.s32 $0x3C00;
	v43 =	vadd.s32 v32, v43  }
0xe6: {  	[hbm4b:s7+s3] =	stream.indirect_vreg.scatter [tilespmem:s18], [sflag:$0x1], $0x80, v44, vm0, $0xb8;
	[tilespmem:$0x18400] =	vst v63  }
0xe7: {  	s19 =	simm.s32 $0x4400  }
0xe8: {  	[hbm4b:s8+s3] =	stream.indirect_vreg.scatter [tilespmem:s19], [sflag:$0x1], $0x80, v44, vm0, $0xb8;
	[tilespmem:$0x18400] =	vst v63  }
0xe9: {  	s0 =	simm.s32 $0x4C00  }
0xea: {  	[hbm4b:s4+s3] =	stream.indirect_vreg.scatter [tilespmem:s0], [sflag:$0x1], $0x80, v43, vm0, $0xb8;
	[tilespmem:$0x18400] =	vst v63  }
0xeb: {  	s1 =	simm.s32 $0x5400  }
0xec: {  	[hbm4b:s7+s3] =	stream.indirect_vreg.scatter [tilespmem:s1], [sflag:$0x1], $0x80, v43, vm0, $0xb8;
	[tilespmem:$0x18400] =	vst v63  }
0xed: {  	s9 =	simm.s32 $0x5C00  }
0xee: {  	[hbm4b:s8+s3] =	stream.indirect_vreg.scatter [tilespmem:s9], [sflag:$0x1], $0x80, v43, vm0, $0xb8;
	[tilespmem:$0x18400] =	vst v63  }
0xef: {  	v43 =	vld [tilespmem:$0x20];
	_ =	sdelay $0x4  }
0xf0: {  	v55 =	vshrl.u32 v43, $0x3  }
0xf1: {  	v44 =	vmul.u32 $0x30, v55  }
0xf2: {  	v43 =	vand.u32 $0x7, v43  }
0xf3: {  	v43 =	vor.u32 v43, v44  }
0xf4: {  	v44 =	vperm.xlane v43, v31;
	_ =	sdelay $0x1  }
0xf5: {  	v44 =	vadd.s32 v32, v44;
	_ =	sdelay $0x3  }
0xf6: {  	s11 =	simm.s32 $0x6400;
	v43 =	vperm.xlane v43, v33  }
0xf7: {  	[hbm4b:s4+s3] =	stream.indirect_vreg.scatter [tilespmem:s11], [sflag:$0x1], $0x80, v44, vm0, $0xb8;
	[tilespmem:$0x18400] =	vst v63  }
0xf8: {  	s10 =	simm.s32 $0x6C00;
	v43 =	vadd.s32 v32, v43  }
0xf9: {  	[hbm4b:s7+s3] =	stream.indirect_vreg.scatter [tilespmem:s10], [sflag:$0x1], $0x80, v44, vm0, $0xb8;
	[tilespmem:$0x18400] =	vst v63  }
0xfa: {  	s31 =	simm.s32 $0x7400  }
0xfb: {  	[hbm4b:s8+s3] =	stream.indirect_vreg.scatter [tilespmem:s31], [sflag:$0x1], $0x80, v44, vm0, $0xb8;
	[tilespmem:$0x18400] =	vst v63  }
0xfc: {  	s30 =	simm.s32 $0x7C00  }
0xfd: {  	[hbm4b:s4+s3] =	stream.indirect_vreg.scatter [tilespmem:s30], [sflag:$0x1], $0x80, v43, vm0, $0xb8;
	[tilespmem:$0x18400] =	vst v63  }
0xfe: {  	s29 =	simm.s32 $0x8400  }
0xff: {  	[hbm4b:s7+s3] =	stream.indirect_vreg.scatter [tilespmem:s29], [sflag:$0x1], $0x80, v43, vm0, $0xb8;
	[tilespmem:$0x18400] =	vst v63  }
0x100: {  	s9 =	simm.s32 $0x8C00  }
0x101: {  	[hbm4b:s8+s3] =	stream.indirect_vreg.scatter [tilespmem:s9], [sflag:$0x1], $0x80, v43, vm0, $0xb8;
	[tilespmem:$0x18400] =	vst v63  }
0x102: {  	v43 =	vld [tilespmem:$0x30];
	_ =	sdelay $0x4  }
0x103: {  	v56 =	vshrl.u32 v43, $0x3  }
0x104: {  	v44 =	vmul.u32 $0x30, v56  }
0x105: {  	v43 =	vand.u32 $0x7, v43  }
0x106: {  	v43 =	vor.u32 v43, v44  }
0x107: {  	v44 =	vperm.xlane v43, v31;
	_ =	sdelay $0x1  }
0x108: {  	v44 =	vadd.s32 v32, v44;
	_ =	sdelay $0x3  }
0x109: {  	s24 =	simm.s32 $0x9400;
	v43 =	vperm.xlane v43, v33  }
0x10a: {  	[hbm4b:s4+s3] =	stream.indirect_vreg.scatter [tilespmem:s24], [sflag:$0x1], $0x80, v44, vm0, $0xb8;
	[tilespmem:$0x18400] =	vst v63  }
0x10b: {  	v43 =	vadd.s32 v32, v43;
	s24 =	simm.s32 $0x9C00  }
0x10c: {  	[hbm4b:s7+s3] =	stream.indirect_vreg.scatter [tilespmem:s24], [sflag:$0x1], $0x80, v44, vm0, $0xb8;
	[tilespmem:$0x18400] =	vst v63  }
0x10d: {  	s24 =	simm.s32 $0xA400  }
0x10e: {  	[hbm4b:s8+s3] =	stream.indirect_vreg.scatter [tilespmem:s24], [sflag:$0x1], $0x80, v44, vm0, $0xb8;
	[tilespmem:$0x18400] =	vst v63  }
0x10f: {  	s24 =	simm.s32 $0xAC00  }
0x110: {  	[hbm4b:s4+s3] =	stream.indirect_vreg.scatter [tilespmem:s24], [sflag:$0x1], $0x80, v43, vm0, $0xb8;
	[tilespmem:$0x18400] =	vst v63  }
0x111: {  	s24 =	simm.s32 $0xB400  }
0x112: {  	[hbm4b:s7+s3] =	stream.indirect_vreg.scatter [tilespmem:s24], [sflag:$0x1], $0x80, v43, vm0, $0xb8;
	[tilespmem:$0x18400] =	vst v63  }
0x113: {  	s25 =	simm.s32 $0xBC00  }
0x114: {  	[hbm4b:s8+s3] =	stream.indirect_vreg.scatter [tilespmem:s25], [sflag:$0x1], $0x80, v43, vm0, $0xb8;
	[tilespmem:$0x18400] =	vst v63  }
0x115: {  	v43 =	vld [tilespmem:$0x40];
	_ =	sdelay $0x4  }
0x116: {  	v57 =	vshrl.u32 v43, $0x3  }
0x117: {  	v44 =	vmul.u32 $0x30, v57  }
0x118: {  	v43 =	vand.u32 $0x7, v43  }
0x119: {  	v43 =	vor.u32 v43, v44  }
0x11a: {  	v44 =	vperm.xlane v43, v31;
	_ =	sdelay $0x1  }
0x11b: {  	v44 =	vadd.s32 v32, v44;
	_ =	sdelay $0x3  }
0x11c: {  	s13 =	simm.s32 $0xC400;
	v43 =	vperm.xlane v43, v33  }
0x11d: {  	[hbm4b:s4+s3] =	stream.indirect_vreg.scatter [tilespmem:s13], [sflag:$0x1], $0x80, v44, vm0, $0xb8;
	[tilespmem:$0x18400] =	vst v63  }
0x11e: {  	s25 =	simm.s32 $0xCC00;
	v43 =	vadd.s32 v32, v43  }
0x11f: {  	[hbm4b:s7+s3] =	stream.indirect_vreg.scatter [tilespmem:s25], [sflag:$0x1], $0x80, v44, vm0, $0xb8;
	[tilespmem:$0x18400] =	vst v63  }
0x120: {  	s24 =	simm.s32 $0xD400  }
0x121: {  	[hbm4b:s8+s3] =	stream.indirect_vreg.scatter [tilespmem:s24], [sflag:$0x1], $0x80, v44, vm0, $0xb8;
	[tilespmem:$0x18400] =	vst v63  }
0x122: {  	s25 =	simm.s32 $0xDC00  }
0x123: {  	[hbm4b:s4+s3] =	stream.indirect_vreg.scatter [tilespmem:s25], [sflag:$0x1], $0x80, v43, vm0, $0xb8;
	[tilespmem:$0x18400] =	vst v63  }
0x124: {  	s26 =	simm.s32 $0xE400  }
0x125: {  	[hbm4b:s7+s3] =	stream.indirect_vreg.scatter [tilespmem:s26], [sflag:$0x1], $0x80, v43, vm0, $0xb8;
	[tilespmem:$0x18400] =	vst v63  }
0x126: {  	s14 =	simm.s32 $0xEC00  }
0x127: {  	[hbm4b:s8+s3] =	stream.indirect_vreg.scatter [tilespmem:s14], [sflag:$0x1], $0x80, v43, vm0, $0xb8;
	[tilespmem:$0x18400] =	vst v63  }
0x128: {  	v43 =	vld [tilespmem:$0x50];
	_ =	sdelay $0x4  }
0x129: {  	v58 =	vshrl.u32 v43, $0x3  }
0x12a: {  	v44 =	vmul.u32 $0x30, v58  }
0x12b: {  	v43 =	vand.u32 $0x7, v43  }
0x12c: {  	v43 =	vor.u32 v43, v44  }
0x12d: {  	v44 =	vperm.xlane v43, v31;
	_ =	sdelay $0x1  }
0x12e: {  	v44 =	vadd.s32 v32, v44;
	_ =	sdelay $0x3  }
0x12f: {  	s17 =	simm.s32 $0xF400;
	v43 =	vperm.xlane v43, v33  }
0x130: {  	[hbm4b:s4+s3] =	stream.indirect_vreg.scatter [tilespmem:s17], [sflag:$0x1], $0x80, v44, vm0, $0xb8;
	[tilespmem:$0x18400] =	vst v63  }
0x131: {  	s24 =	simm.s32 $0xFC00;
	v43 =	vadd.s32 v32, v43  }
0x132: {  	[hbm4b:s7+s3] =	stream.indirect_vreg.scatter [tilespmem:s24], [sflag:$0x1], $0x80, v44, vm0, $0xb8;
	[tilespmem:$0x18400] =	vst v63  }
0x133: {  	s25 =	simm.s32 $0x10400  }
0x134: {  	[hbm4b:s8+s3] =	stream.indirect_vreg.scatter [tilespmem:s25], [sflag:$0x1], $0x80, v44, vm0, $0xb8;
	[tilespmem:$0x18400] =	vst v63  }
0x135: {  	s26 =	simm.s32 $0x10C00  }
0x136: {  	[hbm4b:s4+s3] =	stream.indirect_vreg.scatter [tilespmem:s26], [sflag:$0x1], $0x80, v43, vm0, $0xb8;
	[tilespmem:$0x18400] =	vst v63  }
0x137: {  	s17 =	simm.s32 $0x11400  }
0x138: {  	[hbm4b:s7+s3] =	stream.indirect_vreg.scatter [tilespmem:s17], [sflag:$0x1], $0x80, v43, vm0, $0xb8;
	[tilespmem:$0x18400] =	vst v63  }
0x139: {  	s23 =	simm.s32 $0x11C00  }
0x13a: {  	[hbm4b:s8+s3] =	stream.indirect_vreg.scatter [tilespmem:s23], [sflag:$0x1], $0x80, v43, vm0, $0xb8;
	[tilespmem:$0x18400] =	vst v63  }
0x13b: {  	v43 =	vld [tilespmem:$0x60];
	_ =	sdelay $0x4  }
0x13c: {  	v59 =	vshrl.u32 v43, $0x3  }
0x13d: {  	v44 =	vmul.u32 $0x30, v59  }
0x13e: {  	v43 =	vand.u32 $0x7, v43  }
0x13f: {  	v43 =	vor.u32 v43, v44  }
0x140: {  	v44 =	vperm.xlane v43, v31;
	_ =	sdelay $0x1  }
0x141: {  	v44 =	vadd.s32 v32, v44;
	_ =	sdelay $0x3  }
0x142: {  	s20 =	simm.s32 $0x12400;
	v43 =	vperm.xlane v43, v33  }
0x143: {  	[hbm4b:s4+s3] =	stream.indirect_vreg.scatter [tilespmem:s20], [sflag:$0x1], $0x80, v44, vm0, $0xb8;
	[tilespmem:$0x18400] =	vst v63  }
0x144: {  	s28 =	simm.s32 $0x12C00;
	v43 =	vadd.s32 v32, v43  }
0x145: {  	[hbm4b:s7+s3] =	stream.indirect_vreg.scatter [tilespmem:s28], [sflag:$0x1], $0x80, v44, vm0, $0xb8;
	[tilespmem:$0x18400] =	vst v63  }
0x146: {  	s24 =	simm.s32 $0x13400  }
0x147: {  	[hbm4b:s8+s3] =	stream.indirect_vreg.scatter [tilespmem:s24], [sflag:$0x1], $0x80, v44, vm0, $0xb8;
	[tilespmem:$0x18400] =	vst v63  }
0x148: {  	s25 =	simm.s32 $0x13C00  }
0x149: {  	[hbm4b:s4+s3] =	stream.indirect_vreg.scatter [tilespmem:s25], [sflag:$0x1], $0x80, v43, vm0, $0xb8;
	[tilespmem:$0x18400] =	vst v63  }
0x14a: {  	s26 =	simm.s32 $0x14400  }
0x14b: {  	[hbm4b:s7+s3] =	stream.indirect_vreg.scatter [tilespmem:s26], [sflag:$0x1], $0x80, v43, vm0, $0xb8;
	[tilespmem:$0x18400] =	vst v63  }
0x14c: {  	s21 =	simm.s32 $0x14C00  }
0x14d: {  	[hbm4b:s8+s3] =	stream.indirect_vreg.scatter [tilespmem:s21], [sflag:$0x1], $0x80, v43, vm0, $0xb8;
	[tilespmem:$0x18400] =	vst v63  }
0x14e: {  	v43 =	vld [tilespmem:$0x70];
	_ =	sdelay $0x4  }
0x14f: {  	v60 =	vshrl.u32 v43, $0x3  }
0x150: {  	v44 =	vmul.u32 $0x30, v60  }
0x151: {  	v43 =	vand.u32 $0x7, v43  }
0x152: {  	v43 =	vor.u32 v43, v44  }
0x153: {  	v44 =	vperm.xlane v43, v31;
	_ =	sdelay $0x1  }
0x154: {  	v44 =	vadd.s32 v32, v44;
	_ =	sdelay $0x3  }
0x155: {  	s22 =	simm.s32 $0x15400;
	v43 =	vperm.xlane v43, v33  }
0x156: {  	[hbm4b:s4+s3] =	stream.indirect_vreg.scatter [tilespmem:s22], [sflag:$0x1], $0x80, v44, vm0, $0xb8;
	[tilespmem:$0x18400] =	vst v63  }
0x157: {  	s28 =	simm.s32 $0x15C00;
	v43 =	vadd.s32 v32, v43  }
0x158: {  	[hbm4b:s7+s3] =	stream.indirect_vreg.scatter [tilespmem:s28], [sflag:$0x1], $0x80, v44, vm0, $0xb8;
	[tilespmem:$0x18400] =	vst v63  }
0x159: {  	s17 =	simm.s32 $0x16400  }
0x15a: {  	[hbm4b:s8+s3] =	stream.indirect_vreg.scatter [tilespmem:s17], [sflag:$0x1], $0x80, v44, vm0, $0xb8;
	[tilespmem:$0x18400] =	vst v63  }
0x15b: {  	s20 =	simm.s32 $0x16C00  }
0x15c: {  	[hbm4b:s4+s3] =	stream.indirect_vreg.scatter [tilespmem:s20], [sflag:$0x1], $0x80, v43, vm0, $0xb8;
	[tilespmem:$0x18400] =	vst v63  }
0x15d: {  	s21 =	simm.s32 $0x17400  }
0x15e: {  	[hbm4b:s7+s3] =	stream.indirect_vreg.scatter [tilespmem:s21], [sflag:$0x1], $0x80, v43, vm0, $0xb8;
	[tilespmem:$0x18400] =	vst v63  }
0x15f: {  	s16 =	simm.s32 $0x17C00  }
0x160: {  	[hbm4b:s8+s3] =	stream.indirect_vreg.scatter [tilespmem:s16], [sflag:$0x1], $0x80, v43, vm0, $0xb8;
	[tilespmem:$0x18400] =	vst v63  }
0x161: {  	_ =	swait.ge [sflag:s15], $0x18000  }
0x162: {  	s22 =	rddreg [dreg:$0x4];
	[sflag:s15] =	ssyncset.done $0x0  }
0x163: {  	s12 =	simm.s32 $0x2;
	s23 =	rddreg [dreg:$0x7];
	[sflag:s15] =	ssyncadd.s32 $0xFFFE8000  }
0x164: {  	[tilespmem:s23], [sflag:$0x2] =	stream.linear.gather [hbm4b:s22+s3], $0x80, $0x38;
	[tilespmem:$0x18400] =	vst v63  }
0x165: {  	_ =	swait.ge [sflag:s12], $0x80  }
0x166: {  	[sflag:s12] =	ssyncset.done $0x0  }
0x167: {  	[sflag:s12] =	ssyncadd.s32 $0xFFFFFF80  }
0x168: {  	[tilespmem:$0x280] =	vst v8  }
0x169: {  	[tilespmem:$0x290] =	vst v9  }
0x16a: {  	[tilespmem:$0x2A0] =	vst v10  }
0x16b: {  	[tilespmem:$0x2B0] =	vst v11  }
0x16c: {  	[tilespmem:$0x2C0] =	vst v12  }
0x16d: {  	[tilespmem:$0x2D0] =	vst v13  }
0x16e: {  	[tilespmem:$0x2E0] =	vst v14  }
0x16f: {  	s24 =	simm.s32 $0x400;
	[tilespmem:$0x2F0] =	vst v15  }
0x170: {  	[tilespmem:s24], [sflag:$0x1] =	stream.indirect_vreg.gather [hbm4b:s2+s3], $0x80, v37, vm0, $0xb8;
	[tilespmem:$0x18400] =	vst v63  }
0x171: {  	s25 =	simm.s32 $0xC00  }
0x172: {  	[tilespmem:s25], [sflag:$0x1] =	stream.indirect_vreg.gather [hbm4b:s5+s3], $0x80, v37, vm0, $0xb8;
	[tilespmem:$0x18400] =	vst v63  }
0x173: {  	s12 =	simm.s32 $0x1400  }
0x174: {  	[tilespmem:s12], [sflag:$0x1] =	stream.indirect_vreg.gather [hbm4b:s6+s3], $0x80, v37, vm0, $0xb8;
	[tilespmem:$0x18400] =	vst v63  }
0x175: {  	s26 =	simm.s32 $0x1C00  }
0x176: {  	[tilespmem:s26], [sflag:$0x1] =	stream.indirect_vreg.gather [hbm4b:s2+s3], $0x80, v38, vm0, $0xb8;
	[tilespmem:$0x18400] =	vst v63  }
0x177: {  	s13 =	simm.s32 $0x2400  }
0x178: {  	[tilespmem:s13], [sflag:$0x1] =	stream.indirect_vreg.gather [hbm4b:s5+s3], $0x80, v38, vm0, $0xb8;
	[tilespmem:$0x18400] =	vst v63  }
0x179: {  	s28 =	simm.s32 $0x2C00  }
0x17a: {  	[tilespmem:s28], [sflag:$0x1] =	stream.indirect_vreg.gather [hbm4b:s6+s3], $0x80, v38, vm0, $0xb8;
	[tilespmem:$0x18400] =	vst v63  }
0x17b: {  	v61 =	vld [tilespmem:$0x290];
	_ =	sdelay $0x4  }
0x17c: {  	v62 =	vshrl.u32 v61, $0x3  }
0x17d: {  	v44 =	vmul.u32 $0x30, v62  }
0x17e: {  	v43 =	vand.u32 $0x7, v61  }
0x17f: {  	v43 =	vor.u32 v43, v44  }
0x180: {  	v44 =	vperm.xlane v43, v31;
	_ =	sdelay $0x1  }
0x181: {  	v44 =	vadd.s32 v32, v44;
	_ =	sdelay $0x3  }
0x182: {  	s17 =	simm.s32 $0x3400;
	v43 =	vperm.xlane v43, v33  }
0x183: {  	[tilespmem:s17], [sflag:$0x1] =	stream.indirect_vreg.gather [hbm4b:s2+s3], $0x80, v44, vm0, $0xb8;
	[tilespmem:$0x18400] =	vst v63  }
0x184: {  	v43 =	vadd.s32 v32, v43  }
0x185: {  	[tilespmem:s18], [sflag:$0x1] =	stream.indirect_vreg.gather [hbm4b:s5+s3], $0x80, v44, vm0, $0xb8;
	[tilespmem:$0x18400] =	vst v63  }
0x186: {  	_ = 	snop  }
0x187: {  	[tilespmem:s19], [sflag:$0x1] =	stream.indirect_vreg.gather [hbm4b:s6+s3], $0x80, v44, vm0, $0xb8;
	[tilespmem:$0x18400] =	vst v63  }
0x188: {  	_ = 	snop  }
0x189: {  	[tilespmem:s0], [sflag:$0x1] =	stream.indirect_vreg.gather [hbm4b:s2+s3], $0x80, v43, vm0, $0xb8;
	[tilespmem:$0x18400] =	vst v63  }
0x18a: {  	_ = 	snop  }
0x18b: {  	[tilespmem:s1], [sflag:$0x1] =	stream.indirect_vreg.gather [hbm4b:s5+s3], $0x80, v43, vm0, $0xb8;
	[tilespmem:$0x18400] =	vst v63  }
0x18c: {  	s18 =	simm.s32 $0x5C00  }
0x18d: {  	[tilespmem:s18], [sflag:$0x1] =	stream.indirect_vreg.gather [hbm4b:s6+s3], $0x80, v43, vm0, $0xb8;
	[tilespmem:$0x18400] =	vst v63  }
0x18e: {  	v43 =	vld [tilespmem:$0x2A0];
	_ =	sdelay $0x4  }
0x18f: {  	v63 =	vshrl.u32 v43, $0x3  }
0x190: {  	v44 =	vmul.u32 $0x30, v63  }
0x191: {  	v43 =	vand.u32 $0x7, v43  }
0x192: {  	v43 =	vor.u32 v43, v44  }
0x193: {  	v44 =	vperm.xlane v43, v31;
	_ =	sdelay $0x1  }
0x194: {  	v44 =	vadd.s32 v32, v44;
	_ =	sdelay $0x3  }
0x195: {  	v43 =	vperm.xlane v43, v33  }
0x196: {  	[tilespmem:s11], [sflag:$0x1] =	stream.indirect_vreg.gather [hbm4b:s2+s3], $0x80, v44, vm0, $0xb8;
	[tilespmem:$0x18400] =	vst v63  }
0x197: {  	v43 =	vadd.s32 v32, v43  }
0x198: {  	[tilespmem:s10], [sflag:$0x1] =	stream.indirect_vreg.gather [hbm4b:s5+s3], $0x80, v44, vm0, $0xb8;
	[tilespmem:$0x18400] =	vst v63  }
0x199: {  	_ = 	snop  }
0x19a: {  	[tilespmem:s31], [sflag:$0x1] =	stream.indirect_vreg.gather [hbm4b:s6+s3], $0x80, v44, vm0, $0xb8;
	[tilespmem:$0x18400] =	vst v63  }
0x19b: {  	_ = 	snop  }
0x19c: {  	[tilespmem:s30], [sflag:$0x1] =	stream.indirect_vreg.gather [hbm4b:s2+s3], $0x80, v43, vm0, $0xb8;
	[tilespmem:$0x18400] =	vst v63  }
0x19d: {  	_ = 	snop  }
0x19e: {  	[tilespmem:s29], [sflag:$0x1] =	stream.indirect_vreg.gather [hbm4b:s5+s3], $0x80, v43, vm0, $0xb8;
	[tilespmem:$0x18400] =	vst v63  }
0x19f: {  	_ = 	snop  }
0x1a0: {  	[tilespmem:s9], [sflag:$0x1] =	stream.indirect_vreg.gather [hbm4b:s6+s3], $0x80, v43, vm0, $0xb8;
	[tilespmem:$0x18400] =	vst v63  }
0x1a1: {  	v43 =	vld [tilespmem:$0x2B0];
	_ =	sdelay $0x4  }
0x1a2: {  	v48 =	vshrl.u32 v43, $0x3  }
0x1a3: {  	v44 =	vmul.u32 $0x30, v48  }
0x1a4: {  	v43 =	vand.u32 $0x7, v43  }
0x1a5: {  	v43 =	vor.u32 v43, v44  }
0x1a6: {  	v44 =	vperm.xlane v43, v31;
	_ =	sdelay $0x1  }
0x1a7: {  	v44 =	vadd.s32 v32, v44;
	_ =	sdelay $0x3  }
0x1a8: {  	s19 =	simm.s32 $0x9400;
	v43 =	vperm.xlane v43, v33  }
0x1a9: {  	[tilespmem:s19], [sflag:$0x1] =	stream.indirect_vreg.gather [hbm4b:s2+s3], $0x80, v44, vm0, $0xb8;
	[tilespmem:$0x18400] =	vst v63  }
0x1aa: {  	s1 =	simm.s32 $0x9C00;
	v43 =	vadd.s32 v32, v43  }
0x1ab: {  	[tilespmem:s1], [sflag:$0x1] =	stream.indirect_vreg.gather [hbm4b:s5+s3], $0x80, v44, vm0, $0xb8;
	[tilespmem:$0x18400] =	vst v63  }
0x1ac: {  	s9 =	simm.s32 $0xA400  }
0x1ad: {  	[tilespmem:s9], [sflag:$0x1] =	stream.indirect_vreg.gather [hbm4b:s6+s3], $0x80, v44, vm0, $0xb8;
	[tilespmem:$0x18400] =	vst v63  }
0x1ae: {  	s10 =	simm.s32 $0xAC00  }
0x1af: {  	[tilespmem:s10], [sflag:$0x1] =	stream.indirect_vreg.gather [hbm4b:s2+s3], $0x80, v43, vm0, $0xb8;
	[tilespmem:$0x18400] =	vst v63  }
0x1b0: {  	s11 =	simm.s32 $0xB400  }
0x1b1: {  	[tilespmem:s11], [sflag:$0x1] =	stream.indirect_vreg.gather [hbm4b:s5+s3], $0x80, v43, vm0, $0xb8;
	[tilespmem:$0x18400] =	vst v63  }
0x1b2: {  	s16 =	simm.s32 $0xBC00  }
0x1b3: {  	[tilespmem:s16], [sflag:$0x1] =	stream.indirect_vreg.gather [hbm4b:s6+s3], $0x80, v43, vm0, $0xb8;
	[tilespmem:$0x18400] =	vst v63  }
0x1b4: {  	v43 =	vld [tilespmem:$0x2C0];
	_ =	sdelay $0x4  }
0x1b5: {  	v49 =	vshrl.u32 v43, $0x3  }
0x1b6: {  	v44 =	vmul.u32 $0x30, v49  }
0x1b7: {  	v43 =	vand.u32 $0x7, v43  }
0x1b8: {  	v43 =	vor.u32 v43, v44  }
0x1b9: {  	v44 =	vperm.xlane v43, v31;
	_ =	sdelay $0x1  }
0x1ba: {  	v44 =	vadd.s32 v32, v44;
	_ =	sdelay $0x3  }
0x1bb: {  	s17 =	simm.s32 $0xC400;
	v43 =	vperm.xlane v43, v33  }
0x1bc: {  	[tilespmem:s17], [sflag:$0x1] =	stream.indirect_vreg.gather [hbm4b:s2+s3], $0x80, v44, vm0, $0xb8;
	[tilespmem:$0x18400] =	vst v63  }
0x1bd: {  	s18 =	simm.s32 $0xCC00;
	v43 =	vadd.s32 v32, v43  }
0x1be: {  	[tilespmem:s18], [sflag:$0x1] =	stream.indirect_vreg.gather [hbm4b:s5+s3], $0x80, v44, vm0, $0xb8;
	[tilespmem:$0x18400] =	vst v63  }
0x1bf: {  	s19 =	simm.s32 $0xD400  }
0x1c0: {  	[tilespmem:s19], [sflag:$0x1] =	stream.indirect_vreg.gather [hbm4b:s6+s3], $0x80, v44, vm0, $0xb8;
	[tilespmem:$0x18400] =	vst v63  }
0x1c1: {  	s1 =	simm.s32 $0xDC00  }
0x1c2: {  	[tilespmem:s1], [sflag:$0x1] =	stream.indirect_vreg.gather [hbm4b:s2+s3], $0x80, v43, vm0, $0xb8;
	[tilespmem:$0x18400] =	vst v63  }
0x1c3: {  	s9 =	simm.s32 $0xE400  }
0x1c4: {  	[tilespmem:s9], [sflag:$0x1] =	stream.indirect_vreg.gather [hbm4b:s5+s3], $0x80, v43, vm0, $0xb8;
	[tilespmem:$0x18400] =	vst v63  }
0x1c5: {  	s14 =	simm.s32 $0xEC00  }
0x1c6: {  	[tilespmem:s14], [sflag:$0x1] =	stream.indirect_vreg.gather [hbm4b:s6+s3], $0x80, v43, vm0, $0xb8;
	[tilespmem:$0x18400] =	vst v63  }
0x1c7: {  	v43 =	vld [tilespmem:$0x2D0];
	_ =	sdelay $0x4  }
0x1c8: {  	v50 =	vshrl.u32 v43, $0x3  }
0x1c9: {  	v44 =	vmul.u32 $0x30, v50  }
0x1ca: {  	v43 =	vand.u32 $0x7, v43  }
0x1cb: {  	v43 =	vor.u32 v43, v44  }
0x1cc: {  	v44 =	vperm.xlane v43, v31;
	_ =	sdelay $0x1  }
0x1cd: {  	v44 =	vadd.s32 v32, v44;
	_ =	sdelay $0x3  }
0x1ce: {  	s10 =	simm.s32 $0xF400;
	v43 =	vperm.xlane v43, v33  }
0x1cf: {  	[tilespmem:s10], [sflag:$0x1] =	stream.indirect_vreg.gather [hbm4b:s2+s3], $0x80, v44, vm0, $0xb8;
	[tilespmem:$0x18400] =	vst v63  }
0x1d0: {  	s16 =	simm.s32 $0xFC00;
	v43 =	vadd.s32 v32, v43  }
0x1d1: {  	[tilespmem:s16], [sflag:$0x1] =	stream.indirect_vreg.gather [hbm4b:s5+s3], $0x80, v44, vm0, $0xb8;
	[tilespmem:$0x18400] =	vst v63  }
0x1d2: {  	s17 =	simm.s32 $0x10400  }
0x1d3: {  	[tilespmem:s17], [sflag:$0x1] =	stream.indirect_vreg.gather [hbm4b:s6+s3], $0x80, v44, vm0, $0xb8;
	[tilespmem:$0x18400] =	vst v63  }
0x1d4: {  	s9 =	simm.s32 $0x10C00  }
0x1d5: {  	[tilespmem:s9], [sflag:$0x1] =	stream.indirect_vreg.gather [hbm4b:s2+s3], $0x80, v43, vm0, $0xb8;
	[tilespmem:$0x18400] =	vst v63  }
0x1d6: {  	s1 =	simm.s32 $0x11400  }
0x1d7: {  	[tilespmem:s1], [sflag:$0x1] =	stream.indirect_vreg.gather [hbm4b:s5+s3], $0x80, v43, vm0, $0xb8;
	[tilespmem:$0x18400] =	vst v63  }
0x1d8: {  	s11 =	simm.s32 $0x11C00  }
0x1d9: {  	[tilespmem:s11], [sflag:$0x1] =	stream.indirect_vreg.gather [hbm4b:s6+s3], $0x80, v43, vm0, $0xb8;
	[tilespmem:$0x18400] =	vst v63  }
0x1da: {  	v43 =	vld [tilespmem:$0x2E0];
	_ =	sdelay $0x4  }
0x1db: {  	v51 =	vshrl.u32 v43, $0x3  }
0x1dc: {  	v44 =	vmul.u32 $0x30, v51  }
0x1dd: {  	v43 =	vand.u32 $0x7, v43  }
0x1de: {  	v43 =	vor.u32 v43, v44  }
0x1df: {  	v44 =	vperm.xlane v43, v31;
	_ =	sdelay $0x1  }
0x1e0: {  	v44 =	vadd.s32 v32, v44;
	_ =	sdelay $0x3  }
0x1e1: {  	s14 =	simm.s32 $0x12400;
	v43 =	vperm.xlane v43, v33  }
0x1e2: {  	[tilespmem:s14], [sflag:$0x1] =	stream.indirect_vreg.gather [hbm4b:s2+s3], $0x80, v44, vm0, $0xb8;
	[tilespmem:$0x18400] =	vst v63  }
0x1e3: {  	s18 =	simm.s32 $0x12C00;
	v43 =	vadd.s32 v32, v43  }
0x1e4: {  	[tilespmem:s18], [sflag:$0x1] =	stream.indirect_vreg.gather [hbm4b:s5+s3], $0x80, v44, vm0, $0xb8;
	[tilespmem:$0x18400] =	vst v63  }
0x1e5: {  	s0 =	simm.s32 $0x13400  }
0x1e6: {  	[tilespmem:s0], [sflag:$0x1] =	stream.indirect_vreg.gather [hbm4b:s6+s3], $0x80, v44, vm0, $0xb8;
	[tilespmem:$0x18400] =	vst v63  }
0x1e7: {  	s10 =	simm.s32 $0x13C00  }
0x1e8: {  	[tilespmem:s10], [sflag:$0x1] =	stream.indirect_vreg.gather [hbm4b:s2+s3], $0x80, v43, vm0, $0xb8;
	[tilespmem:$0x18400] =	vst v63  }
0x1e9: {  	s11 =	simm.s32 $0x14400  }
0x1ea: {  	[tilespmem:s11], [sflag:$0x1] =	stream.indirect_vreg.gather [hbm4b:s5+s3], $0x80, v43, vm0, $0xb8;
	[tilespmem:$0x18400] =	vst v63  }
0x1eb: {  	s19 =	simm.s32 $0x14C00  }
0x1ec: {  	[tilespmem:s19], [sflag:$0x1] =	stream.indirect_vreg.gather [hbm4b:s6+s3], $0x80, v43, vm0, $0xb8;
	[tilespmem:$0x18400] =	vst v63  }
0x1ed: {  	v43 =	vld [tilespmem:$0x2F0];
	_ =	sdelay $0x4  }
0x1ee: {  	v52 =	vshrl.u32 v43, $0x3  }
0x1ef: {  	v44 =	vmul.u32 $0x30, v52  }
0x1f0: {  	v43 =	vand.u32 $0x7, v43  }
0x1f1: {  	v43 =	vor.u32 v43, v44  }
0x1f2: {  	v44 =	vperm.xlane v43, v31;
	_ =	sdelay $0x1  }
0x1f3: {  	v44 =	vadd.s32 v32, v44;
	_ =	sdelay $0x3  }
0x1f4: {  	s18 =	simm.s32 $0x15400;
	v43 =	vperm.xlane v43, v33  }
0x1f5: {  	[tilespmem:s18], [sflag:$0x1] =	stream.indirect_vreg.gather [hbm4b:s2+s3], $0x80, v44, vm0, $0xb8;
	[tilespmem:$0x18400] =	vst v63  }
0x1f6: {  	s14 =	simm.s32 $0x15C00;
	v43 =	vadd.s32 v32, v43  }
0x1f7: {  	[tilespmem:s14], [sflag:$0x1] =	stream.indirect_vreg.gather [hbm4b:s5+s3], $0x80, v44, vm0, $0xb8;
	[tilespmem:$0x18400] =	vst v63  }
0x1f8: {  	s19 =	simm.s32 $0x16400  }
0x1f9: {  	[tilespmem:s19], [sflag:$0x1] =	stream.indirect_vreg.gather [hbm4b:s6+s3], $0x80, v44, vm0, $0xb8;
	[tilespmem:$0x18400] =	vst v63  }
0x1fa: {  	s18 =	simm.s32 $0x16C00  }
0x1fb: {  	[tilespmem:s18], [sflag:$0x1] =	stream.indirect_vreg.gather [hbm4b:s2+s3], $0x80, v43, vm0, $0xb8;
	[tilespmem:$0x18400] =	vst v63  }
0x1fc: {  	s19 =	simm.s32 $0x17400  }
0x1fd: {  	[tilespmem:s19], [sflag:$0x1] =	stream.indirect_vreg.gather [hbm4b:s5+s3], $0x80, v43, vm0, $0xb8;
	[tilespmem:$0x18400] =	vst v63  }
0x1fe: {  	s19 =	simm.s32 $0x17C00  }
0x1ff: {  	[tilespmem:s19], [sflag:$0x1] =	stream.indirect_vreg.gather [hbm4b:s6+s3], $0x80, v43, vm0, $0xb8;
	[tilespmem:$0x18400] =	vst v63  }
0x200: {  	_ =	swait.ge [sflag:s15], $0x18000  }
0x201: {  	[sflag:s15] =	ssyncset.done $0x0  }
0x202: {  	[sflag:s15] =	ssyncadd.s32 $0xFFFE8000  }
0x203: {  	v53 =	vld [tilespmem:$0x80];
	_ =	sdelay $0x4  }
0x204: {  	v54 =	vshrl.u32 v53, $0x3  }
0x205: {  	v44 =	vmul.u32 $0x30, v54  }
0x206: {  	v43 =	vand.u32 $0x7, v53  }
0x207: {  	v43 =	vor.u32 v43, v44  }
0x208: {  	v44 =	vperm.xlane v43, v31;
	_ =	sdelay $0x1  }
0x209: {  	v44 =	vadd.s32 v32, v44;
	_ =	sdelay $0x3  }
0x20a: {  	s20 =	simm.s32 $0x400;
	v43 =	vperm.xlane v43, v33  }
0x20b: {  	[hbm4b:s4+s3] =	stream.indirect_vreg.scatter [tilespmem:s20], [sflag:$0x1], $0x80, v44, vm0, $0xb8;
	[tilespmem:$0x18400] =	vst v63  }
0x20c: {  	s24 =	simm.s32 $0xC00;
	v43 =	vadd.s32 v32, v43  }
0x20d: {  	[hbm4b:s7+s3] =	stream.indirect_vreg.scatter [tilespmem:s24], [sflag:$0x1], $0x80, v44, vm0, $0xb8;
	[tilespmem:$0x18400] =	vst v63  }
0x20e: {  	_ = 	snop  }
0x20f: {  	[hbm4b:s8+s3] =	stream.indirect_vreg.scatter [tilespmem:s12], [sflag:$0x1], $0x80, v44, vm0, $0xb8;
	[tilespmem:$0x18400] =	vst v63  }
0x210: {  	s25 =	simm.s32 $0x1C00  }
0x211: {  	[hbm4b:s4+s3] =	stream.indirect_vreg.scatter [tilespmem:s25], [sflag:$0x1], $0x80, v43, vm0, $0xb8;
	[tilespmem:$0x18400] =	vst v63  }
0x212: {  	_ = 	snop  }
0x213: {  	[hbm4b:s7+s3] =	stream.indirect_vreg.scatter [tilespmem:s13], [sflag:$0x1], $0x80, v43, vm0, $0xb8;
	[tilespmem:$0x18400] =	vst v63  }
0x214: {  	s26 =	simm.s32 $0x2C00  }
0x215: {  	[hbm4b:s8+s3] =	stream.indirect_vreg.scatter [tilespmem:s26], [sflag:$0x1], $0x80, v43, vm0, $0xb8;
	[tilespmem:$0x18400] =	vst v63  }
0x216: {  	v43 =	vld [tilespmem:$0x90];
	_ =	sdelay $0x4  }
0x217: {  	v55 =	vshrl.u32 v43, $0x3  }
0x218: {  	v44 =	vmul.u32 $0x30, v55  }
0x219: {  	v43 =	vand.u32 $0x7, v43  }
0x21a: {  	v43 =	vor.u32 v43, v44  }
0x21b: {  	v44 =	vperm.xlane v43, v31;
	_ =	sdelay $0x1  }
0x21c: {  	v44 =	vadd.s32 v32, v44;
	_ =	sdelay $0x3  }
0x21d: {  	s28 =	simm.s32 $0x3400;
	v43 =	vperm.xlane v43, v33  }
0x21e: {  	[hbm4b:s4+s3] =	stream.indirect_vreg.scatter [tilespmem:s28], [sflag:$0x1], $0x80, v44, vm0, $0xb8;
	[tilespmem:$0x18400] =	vst v63  }
0x21f: {  	s22 =	simm.s32 $0x3C00;
	v43 =	vadd.s32 v32, v43  }
0x220: {  	[hbm4b:s7+s3] =	stream.indirect_vreg.scatter [tilespmem:s22], [sflag:$0x1], $0x80, v44, vm0, $0xb8;
	[tilespmem:$0x18400] =	vst v63  }
0x221: {  	s13 =	simm.s32 $0x4400  }
0x222: {  	[hbm4b:s8+s3] =	stream.indirect_vreg.scatter [tilespmem:s13], [sflag:$0x1], $0x80, v44, vm0, $0xb8;
	[tilespmem:$0x18400] =	vst v63  }
0x223: {  	s23 =	simm.s32 $0x4C00  }
0x224: {  	[hbm4b:s4+s3] =	stream.indirect_vreg.scatter [tilespmem:s23], [sflag:$0x1], $0x80, v43, vm0, $0xb8;
	[tilespmem:$0x18400] =	vst v63  }
0x225: {  	s21 =	simm.s32 $0x5400  }
0x226: {  	[hbm4b:s7+s3] =	stream.indirect_vreg.scatter [tilespmem:s21], [sflag:$0x1], $0x80, v43, vm0, $0xb8;
	[tilespmem:$0x18400] =	vst v63  }
0x227: {  	s19 =	simm.s32 $0x5C00  }
0x228: {  	[hbm4b:s8+s3] =	stream.indirect_vreg.scatter [tilespmem:s19], [sflag:$0x1], $0x80, v43, vm0, $0xb8;
	[tilespmem:$0x18400] =	vst v63  }
0x229: {  	v43 =	vld [tilespmem:$0xA0];
	_ =	sdelay $0x4  }
0x22a: {  	v56 =	vshrl.u32 v43, $0x3  }
0x22b: {  	v44 =	vmul.u32 $0x30, v56  }
0x22c: {  	v43 =	vand.u32 $0x7, v43  }
0x22d: {  	v43 =	vor.u32 v43, v44  }
0x22e: {  	v44 =	vperm.xlane v43, v31;
	_ =	sdelay $0x1  }
0x22f: {  	v44 =	vadd.s32 v32, v44;
	_ =	sdelay $0x3  }
0x230: {  	s20 =	simm.s32 $0x6400;
	v43 =	vperm.xlane v43, v33  }
0x231: {  	[hbm4b:s4+s3] =	stream.indirect_vreg.scatter [tilespmem:s20], [sflag:$0x1], $0x80, v44, vm0, $0xb8;
	[tilespmem:$0x18400] =	vst v63  }
0x232: {  	s21 =	simm.s32 $0x6C00;
	v43 =	vadd.s32 v32, v43  }
0x233: {  	[hbm4b:s7+s3] =	stream.indirect_vreg.scatter [tilespmem:s21], [sflag:$0x1], $0x80, v44, vm0, $0xb8;
	[tilespmem:$0x18400] =	vst v63  }
0x234: {  	s31 =	simm.s32 $0x7400  }
0x235: {  	[hbm4b:s8+s3] =	stream.indirect_vreg.scatter [tilespmem:s31], [sflag:$0x1], $0x80, v44, vm0, $0xb8;
	[tilespmem:$0x18400] =	vst v63  }
0x236: {  	s30 =	simm.s32 $0x7C00  }
0x237: {  	[hbm4b:s4+s3] =	stream.indirect_vreg.scatter [tilespmem:s30], [sflag:$0x1], $0x80, v43, vm0, $0xb8;
	[tilespmem:$0x18400] =	vst v63  }
0x238: {  	s23 =	simm.s32 $0x8400  }
0x239: {  	[hbm4b:s7+s3] =	stream.indirect_vreg.scatter [tilespmem:s23], [sflag:$0x1], $0x80, v43, vm0, $0xb8;
	[tilespmem:$0x18400] =	vst v63  }
0x23a: {  	s29 =	simm.s32 $0x8C00  }
0x23b: {  	[hbm4b:s8+s3] =	stream.indirect_vreg.scatter [tilespmem:s29], [sflag:$0x1], $0x80, v43, vm0, $0xb8;
	[tilespmem:$0x18400] =	vst v63  }
0x23c: {  	v43 =	vld [tilespmem:$0xB0];
	_ =	sdelay $0x4  }
0x23d: {  	v57 =	vshrl.u32 v43, $0x3  }
0x23e: {  	v44 =	vmul.u32 $0x30, v57  }
0x23f: {  	v43 =	vand.u32 $0x7, v43  }
0x240: {  	v43 =	vor.u32 v43, v44  }
0x241: {  	v44 =	vperm.xlane v43, v31;
	_ =	sdelay $0x1  }
0x242: {  	v44 =	vadd.s32 v32, v44;
	_ =	sdelay $0x3  }
0x243: {  	s24 =	simm.s32 $0x9400;
	v43 =	vperm.xlane v43, v33  }
0x244: {  	[hbm4b:s4+s3] =	stream.indirect_vreg.scatter [tilespmem:s24], [sflag:$0x1], $0x80, v44, vm0, $0xb8;
	[tilespmem:$0x18400] =	vst v63  }
0x245: {  	s28 =	simm.s32 $0x9C00;
	v43 =	vadd.s32 v32, v43  }
0x246: {  	[hbm4b:s7+s3] =	stream.indirect_vreg.scatter [tilespmem:s28], [sflag:$0x1], $0x80, v44, vm0, $0xb8;
	[tilespmem:$0x18400] =	vst v63  }
0x247: {  	s29 =	simm.s32 $0xA400  }
0x248: {  	[hbm4b:s8+s3] =	stream.indirect_vreg.scatter [tilespmem:s29], [sflag:$0x1], $0x80, v44, vm0, $0xb8;
	[tilespmem:$0x18400] =	vst v63  }
0x249: {  	s30 =	simm.s32 $0xAC00  }
0x24a: {  	[hbm4b:s4+s3] =	stream.indirect_vreg.scatter [tilespmem:s30], [sflag:$0x1], $0x80, v43, vm0, $0xb8;
	[tilespmem:$0x18400] =	vst v63  }
0x24b: {  	s31 =	simm.s32 $0xB400  }
0x24c: {  	[hbm4b:s7+s3] =	stream.indirect_vreg.scatter [tilespmem:s31], [sflag:$0x1], $0x80, v43, vm0, $0xb8;
	[tilespmem:$0x18400] =	vst v63  }
0x24d: {  	s20 =	simm.s32 $0xBC00  }
0x24e: {  	[hbm4b:s8+s3] =	stream.indirect_vreg.scatter [tilespmem:s20], [sflag:$0x1], $0x80, v43, vm0, $0xb8;
	[tilespmem:$0x18400] =	vst v63  }
0x24f: {  	v43 =	vld [tilespmem:$0xC0];
	_ =	sdelay $0x4  }
0x250: {  	v58 =	vshrl.u32 v43, $0x3  }
0x251: {  	v44 =	vmul.u32 $0x30, v58  }
0x252: {  	v43 =	vand.u32 $0x7, v43  }
0x253: {  	v43 =	vor.u32 v43, v44  }
0x254: {  	v44 =	vperm.xlane v43, v31;
	_ =	sdelay $0x1  }
0x255: {  	v44 =	vadd.s32 v32, v44;
	_ =	sdelay $0x3  }
0x256: {  	s21 =	simm.s32 $0xC400;
	v43 =	vperm.xlane v43, v33  }
0x257: {  	[hbm4b:s4+s3] =	stream.indirect_vreg.scatter [tilespmem:s21], [sflag:$0x1], $0x80, v44, vm0, $0xb8;
	[tilespmem:$0x18400] =	vst v63  }
0x258: {  	s23 =	simm.s32 $0xCC00;
	v43 =	vadd.s32 v32, v43  }
0x259: {  	[hbm4b:s7+s3] =	stream.indirect_vreg.scatter [tilespmem:s23], [sflag:$0x1], $0x80, v44, vm0, $0xb8;
	[tilespmem:$0x18400] =	vst v63  }
0x25a: {  	s24 =	simm.s32 $0xD400  }
0x25b: {  	[hbm4b:s8+s3] =	stream.indirect_vreg.scatter [tilespmem:s24], [sflag:$0x1], $0x80, v44, vm0, $0xb8;
	[tilespmem:$0x18400] =	vst v63  }
0x25c: {  	s28 =	simm.s32 $0xDC00  }
0x25d: {  	[hbm4b:s4+s3] =	stream.indirect_vreg.scatter [tilespmem:s28], [sflag:$0x1], $0x80, v43, vm0, $0xb8;
	[tilespmem:$0x18400] =	vst v63  }
0x25e: {  	s29 =	simm.s32 $0xE400  }
0x25f: {  	[hbm4b:s7+s3] =	stream.indirect_vreg.scatter [tilespmem:s29], [sflag:$0x1], $0x80, v43, vm0, $0xb8;
	[tilespmem:$0x18400] =	vst v63  }
0x260: {  	s30 =	simm.s32 $0xEC00  }
0x261: {  	[hbm4b:s8+s3] =	stream.indirect_vreg.scatter [tilespmem:s30], [sflag:$0x1], $0x80, v43, vm0, $0xb8;
	[tilespmem:$0x18400] =	vst v63  }
0x262: {  	v43 =	vld [tilespmem:$0xD0];
	_ =	sdelay $0x4  }
0x263: {  	v59 =	vshrl.u32 v43, $0x3  }
0x264: {  	v44 =	vmul.u32 $0x30, v59  }
0x265: {  	v43 =	vand.u32 $0x7, v43  }
0x266: {  	v43 =	vor.u32 v43, v44  }
0x267: {  	v44 =	vperm.xlane v43, v31;
	_ =	sdelay $0x1  }
0x268: {  	v44 =	vadd.s32 v32, v44;
	_ =	sdelay $0x3  }
0x269: {  	s31 =	simm.s32 $0xF400;
	v43 =	vperm.xlane v43, v33  }
0x26a: {  	[hbm4b:s4+s3] =	stream.indirect_vreg.scatter [tilespmem:s31], [sflag:$0x1], $0x80, v44, vm0, $0xb8;
	[tilespmem:$0x18400] =	vst v63  }
0x26b: {  	v43 =	vadd.s32 v32, v43  }
0x26c: {  	[hbm4b:s7+s3] =	stream.indirect_vreg.scatter [tilespmem:s16], [sflag:$0x1], $0x80, v44, vm0, $0xb8;
	[tilespmem:$0x18400] =	vst v63  }
0x26d: {  	_ = 	snop  }
0x26e: {  	[hbm4b:s8+s3] =	stream.indirect_vreg.scatter [tilespmem:s17], [sflag:$0x1], $0x80, v44, vm0, $0xb8;
	[tilespmem:$0x18400] =	vst v63  }
0x26f: {  	_ = 	snop  }
0x270: {  	[hbm4b:s4+s3] =	stream.indirect_vreg.scatter [tilespmem:s9], [sflag:$0x1], $0x80, v43, vm0, $0xb8;
	[tilespmem:$0x18400] =	vst v63  }
0x271: {  	_ = 	snop  }
0x272: {  	[hbm4b:s7+s3] =	stream.indirect_vreg.scatter [tilespmem:s1], [sflag:$0x1], $0x80, v43, vm0, $0xb8;
	[tilespmem:$0x18400] =	vst v63  }
0x273: {  	s20 =	simm.s32 $0x11C00  }
0x274: {  	[hbm4b:s8+s3] =	stream.indirect_vreg.scatter [tilespmem:s20], [sflag:$0x1], $0x80, v43, vm0, $0xb8;
	[tilespmem:$0x18400] =	vst v63  }
0x275: {  	v43 =	vld [tilespmem:$0xE0];
	_ =	sdelay $0x4  }
0x276: {  	v60 =	vshrl.u32 v43, $0x3  }
0x277: {  	v44 =	vmul.u32 $0x30, v60  }
0x278: {  	v43 =	vand.u32 $0x7, v43  }
0x279: {  	v43 =	vor.u32 v43, v44  }
0x27a: {  	v44 =	vperm.xlane v43, v31;
	_ =	sdelay $0x1  }
0x27b: {  	v44 =	vadd.s32 v32, v44;
	_ =	sdelay $0x3  }
0x27c: {  	s28 =	simm.s32 $0x12400;
	v43 =	vperm.xlane v43, v33  }
0x27d: {  	[hbm4b:s4+s3] =	stream.indirect_vreg.scatter [tilespmem:s28], [sflag:$0x1], $0x80, v44, vm0, $0xb8;
	[tilespmem:$0x18400] =	vst v63  }
0x27e: {  	s29 =	simm.s32 $0x12C00;
	v43 =	vadd.s32 v32, v43  }
0x27f: {  	[hbm4b:s7+s3] =	stream.indirect_vreg.scatter [tilespmem:s29], [sflag:$0x1], $0x80, v44, vm0, $0xb8;
	[tilespmem:$0x18400] =	vst v63  }
0x280: {  	_ = 	snop  }
0x281: {  	[hbm4b:s8+s3] =	stream.indirect_vreg.scatter [tilespmem:s0], [sflag:$0x1], $0x80, v44, vm0, $0xb8;
	[tilespmem:$0x18400] =	vst v63  }
0x282: {  	_ = 	snop  }
0x283: {  	[hbm4b:s4+s3] =	stream.indirect_vreg.scatter [tilespmem:s10], [sflag:$0x1], $0x80, v43, vm0, $0xb8;
	[tilespmem:$0x18400] =	vst v63  }
0x284: {  	_ = 	snop  }
0x285: {  	[hbm4b:s7+s3] =	stream.indirect_vreg.scatter [tilespmem:s11], [sflag:$0x1], $0x80, v43, vm0, $0xb8;
	[tilespmem:$0x18400] =	vst v63  }
0x286: {  	s30 =	simm.s32 $0x14C00  }
0x287: {  	[hbm4b:s8+s3] =	stream.indirect_vreg.scatter [tilespmem:s30], [sflag:$0x1], $0x80, v43, vm0, $0xb8;
	[tilespmem:$0x18400] =	vst v63  }
0x288: {  	v43 =	vld [tilespmem:$0xF0];
	_ =	sdelay $0x4  }
0x289: {  	v61 =	vshrl.u32 v43, $0x3  }
0x28a: {  	v44 =	vmul.u32 $0x30, v61  }
0x28b: {  	v43 =	vand.u32 $0x7, v43  }
0x28c: {  	v43 =	vor.u32 v43, v44  }
0x28d: {  	v44 =	vperm.xlane v43, v31;
	_ =	sdelay $0x1  }
0x28e: {  	v44 =	vadd.s32 v32, v44;
	_ =	sdelay $0x3  }
0x28f: {  	s31 =	simm.s32 $0x15400;
	v43 =	vperm.xlane v43, v33  }
0x290: {  	[hbm4b:s4+s3] =	stream.indirect_vreg.scatter [tilespmem:s31], [sflag:$0x1], $0x80, v44, vm0, $0xb8;
	[tilespmem:$0x18400] =	vst v63  }
0x291: {  	v43 =	vadd.s32 v32, v43  }
0x292: {  	[hbm4b:s7+s3] =	stream.indirect_vreg.scatter [tilespmem:s14], [sflag:$0x1], $0x80, v44, vm0, $0xb8;
	[tilespmem:$0x18400] =	vst v63  }
0x293: {  	s1 =	simm.s32 $0x16400  }
0x294: {  	[hbm4b:s8+s3] =	stream.indirect_vreg.scatter [tilespmem:s1], [sflag:$0x1], $0x80, v44, vm0, $0xb8;
	[tilespmem:$0x18400] =	vst v63  }
0x295: {  	_ = 	snop  }
0x296: {  	[hbm4b:s4+s3] =	stream.indirect_vreg.scatter [tilespmem:s18], [sflag:$0x1], $0x80, v43, vm0, $0xb8;
	[tilespmem:$0x18400] =	vst v63  }
0x297: {  	s9 =	simm.s32 $0x17400  }
0x298: {  	[hbm4b:s7+s3] =	stream.indirect_vreg.scatter [tilespmem:s9], [sflag:$0x1], $0x80, v43, vm0, $0xb8;
	[tilespmem:$0x18400] =	vst v63  }
0x299: {  	s10 =	simm.s32 $0x17C00  }
0x29a: {  	[hbm4b:s8+s3] =	stream.indirect_vreg.scatter [tilespmem:s10], [sflag:$0x1], $0x80, v43, vm0, $0xb8;
	[tilespmem:$0x18400] =	vst v63  }
0x29b: {  	_ =	swait.ge [sflag:s15], $0x18000  }
0x29c: {  	s11 =	rddreg [dreg:$0x5];
	[sflag:s15] =	ssyncset.done $0x0  }
0x29d: {  	s18 =	simm.s32 $0x2;
	s14 =	rddreg [dreg:$0x8];
	[sflag:s15] =	ssyncadd.s32 $0xFFFE8000  }
0x29e: {  	[tilespmem:s14], [sflag:$0x2] =	stream.linear.gather [hbm4b:s11+s3], $0x80, $0x38;
	[tilespmem:$0x18400] =	vst v63  }
0x29f: {  	_ =	swait.ge [sflag:s18], $0x80  }
0x2a0: {  	[sflag:s18] =	ssyncset.done $0x0  }
0x2a1: {  	[sflag:s18] =	ssyncadd.s32 $0xFFFFFF80  }
0x2a2: {  	[tilespmem:$0x300] =	vst v16  }
0x2a3: {  	[tilespmem:$0x310] =	vst v17  }
0x2a4: {  	[tilespmem:$0x320] =	vst v18  }
0x2a5: {  	[tilespmem:$0x330] =	vst v19  }
0x2a6: {  	[tilespmem:$0x340] =	vst v20  }
0x2a7: {  	[tilespmem:$0x350] =	vst v21  }
0x2a8: {  	[tilespmem:$0x360] =	vst v22  }
0x2a9: {  	s0 =	simm.s32 $0x400;
	[tilespmem:$0x370] =	vst v23  }
0x2aa: {  	[tilespmem:s0], [sflag:$0x1] =	stream.indirect_vreg.gather [hbm4b:s2+s3], $0x80, v39, vm0, $0xb8;
	[tilespmem:$0x18400] =	vst v63  }
0x2ab: {  	s28 =	simm.s32 $0xC00  }
0x2ac: {  	[tilespmem:s28], [sflag:$0x1] =	stream.indirect_vreg.gather [hbm4b:s5+s3], $0x80, v39, vm0, $0xb8;
	[tilespmem:$0x18400] =	vst v63  }
0x2ad: {  	s29 =	simm.s32 $0x1400  }
0x2ae: {  	[tilespmem:s29], [sflag:$0x1] =	stream.indirect_vreg.gather [hbm4b:s6+s3], $0x80, v39, vm0, $0xb8;
	[tilespmem:$0x18400] =	vst v63  }
0x2af: {  	s30 =	simm.s32 $0x1C00  }
0x2b0: {  	[tilespmem:s30], [sflag:$0x1] =	stream.indirect_vreg.gather [hbm4b:s2+s3], $0x80, v40, vm0, $0xb8;
	[tilespmem:$0x18400] =	vst v63  }
0x2b1: {  	s31 =	simm.s32 $0x2400  }
0x2b2: {  	[tilespmem:s31], [sflag:$0x1] =	stream.indirect_vreg.gather [hbm4b:s5+s3], $0x80, v40, vm0, $0xb8;
	[tilespmem:$0x18400] =	vst v63  }
0x2b3: {  	s9 =	simm.s32 $0x2C00  }
0x2b4: {  	[tilespmem:s9], [sflag:$0x1] =	stream.indirect_vreg.gather [hbm4b:s6+s3], $0x80, v40, vm0, $0xb8;
	[tilespmem:$0x18400] =	vst v63  }
0x2b5: {  	v62 =	vld [tilespmem:$0x310];
	_ =	sdelay $0x4  }
0x2b6: {  	v63 =	vshrl.u32 v62, $0x3  }
0x2b7: {  	v44 =	vmul.u32 $0x30, v63  }
0x2b8: {  	v43 =	vand.u32 $0x7, v62  }
0x2b9: {  	v43 =	vor.u32 v43, v44  }
0x2ba: {  	v44 =	vperm.xlane v43, v31;
	_ =	sdelay $0x1  }
0x2bb: {  	v44 =	vadd.s32 v32, v44;
	_ =	sdelay $0x3  }
0x2bc: {  	s10 =	simm.s32 $0x3400;
	v43 =	vperm.xlane v43, v33  }
0x2bd: {  	[tilespmem:s10], [sflag:$0x1] =	stream.indirect_vreg.gather [hbm4b:s2+s3], $0x80, v44, vm0, $0xb8;
	[tilespmem:$0x18400] =	vst v63  }
0x2be: {  	s11 =	simm.s32 $0x3C00;
	v43 =	vadd.s32 v32, v43  }
0x2bf: {  	[tilespmem:s11], [sflag:$0x1] =	stream.indirect_vreg.gather [hbm4b:s5+s3], $0x80, v44, vm0, $0xb8;
	[tilespmem:$0x18400] =	vst v63  }
0x2c0: {  	s22 =	simm.s32 $0x4400  }
0x2c1: {  	[tilespmem:s22], [sflag:$0x1] =	stream.indirect_vreg.gather [hbm4b:s6+s3], $0x80, v44, vm0, $0xb8;
	[tilespmem:$0x18400] =	vst v63  }
0x2c2: {  	s14 =	simm.s32 $0x4C00  }
0x2c3: {  	[tilespmem:s14], [sflag:$0x1] =	stream.indirect_vreg.gather [hbm4b:s2+s3], $0x80, v43, vm0, $0xb8;
	[tilespmem:$0x18400] =	vst v63  }
0x2c4: {  	s10 =	simm.s32 $0x5400  }
0x2c5: {  	[tilespmem:s10], [sflag:$0x1] =	stream.indirect_vreg.gather [hbm4b:s5+s3], $0x80, v43, vm0, $0xb8;
	[tilespmem:$0x18400] =	vst v63  }
0x2c6: {  	s16 =	simm.s32 $0x5C00  }
0x2c7: {  	[tilespmem:s16], [sflag:$0x1] =	stream.indirect_vreg.gather [hbm4b:s6+s3], $0x80, v43, vm0, $0xb8;
	[tilespmem:$0x18400] =	vst v63  }
0x2c8: {  	v43 =	vld [tilespmem:$0x320];
	_ =	sdelay $0x4  }
0x2c9: {  	v48 =	vshrl.u32 v43, $0x3  }
0x2ca: {  	v44 =	vmul.u32 $0x30, v48  }
0x2cb: {  	v43 =	vand.u32 $0x7, v43  }
0x2cc: {  	v43 =	vor.u32 v43, v44  }
0x2cd: {  	v44 =	vperm.xlane v43, v31;
	_ =	sdelay $0x1  }
0x2ce: {  	v44 =	vadd.s32 v32, v44;
	_ =	sdelay $0x3  }
0x2cf: {  	s17 =	simm.s32 $0x6400;
	v43 =	vperm.xlane v43, v33  }
0x2d0: {  	[tilespmem:s17], [sflag:$0x1] =	stream.indirect_vreg.gather [hbm4b:s2+s3], $0x80, v44, vm0, $0xb8;
	[tilespmem:$0x18400] =	vst v63  }
0x2d1: {  	s25 =	simm.s32 $0x6C00;
	v43 =	vadd.s32 v32, v43  }
0x2d2: {  	[tilespmem:s25], [sflag:$0x1] =	stream.indirect_vreg.gather [hbm4b:s5+s3], $0x80, v44, vm0, $0xb8;
	[tilespmem:$0x18400] =	vst v63  }
0x2d3: {  	s26 =	simm.s32 $0x7400  }
0x2d4: {  	[tilespmem:s26], [sflag:$0x1] =	stream.indirect_vreg.gather [hbm4b:s6+s3], $0x80, v44, vm0, $0xb8;
	[tilespmem:$0x18400] =	vst v63  }
0x2d5: {  	s12 =	simm.s32 $0x7C00  }
0x2d6: {  	[tilespmem:s12], [sflag:$0x1] =	stream.indirect_vreg.gather [hbm4b:s2+s3], $0x80, v43, vm0, $0xb8;
	[tilespmem:$0x18400] =	vst v63  }
0x2d7: {  	s13 =	simm.s32 $0x8400  }
0x2d8: {  	[tilespmem:s13], [sflag:$0x1] =	stream.indirect_vreg.gather [hbm4b:s5+s3], $0x80, v43, vm0, $0xb8;
	[tilespmem:$0x18400] =	vst v63  }
0x2d9: {  	s18 =	simm.s32 $0x8C00  }
0x2da: {  	[tilespmem:s18], [sflag:$0x1] =	stream.indirect_vreg.gather [hbm4b:s6+s3], $0x80, v43, vm0, $0xb8;
	[tilespmem:$0x18400] =	vst v63  }
0x2db: {  	v43 =	vld [tilespmem:$0x330];
	_ =	sdelay $0x4  }
0x2dc: {  	v49 =	vshrl.u32 v43, $0x3  }
0x2dd: {  	v44 =	vmul.u32 $0x30, v49  }
0x2de: {  	v43 =	vand.u32 $0x7, v43  }
0x2df: {  	v43 =	vor.u32 v43, v44  }
0x2e0: {  	v44 =	vperm.xlane v43, v31;
	_ =	sdelay $0x1  }
0x2e1: {  	v44 =	vadd.s32 v32, v44;
	_ =	sdelay $0x3  }
0x2e2: {  	s22 =	simm.s32 $0x9400;
	v43 =	vperm.xlane v43, v33  }
0x2e3: {  	[tilespmem:s22], [sflag:$0x1] =	stream.indirect_vreg.gather [hbm4b:s2+s3], $0x80, v44, vm0, $0xb8;
	[tilespmem:$0x18400] =	vst v63  }
0x2e4: {  	s25 =	simm.s32 $0x9C00;
	v43 =	vadd.s32 v32, v43  }
0x2e5: {  	[tilespmem:s25], [sflag:$0x1] =	stream.indirect_vreg.gather [hbm4b:s5+s3], $0x80, v44, vm0, $0xb8;
	[tilespmem:$0x18400] =	vst v63  }
0x2e6: {  	s26 =	simm.s32 $0xA400  }
0x2e7: {  	[tilespmem:s26], [sflag:$0x1] =	stream.indirect_vreg.gather [hbm4b:s6+s3], $0x80, v44, vm0, $0xb8;
	[tilespmem:$0x18400] =	vst v63  }
0x2e8: {  	s11 =	simm.s32 $0xAC00  }
0x2e9: {  	[tilespmem:s11], [sflag:$0x1] =	stream.indirect_vreg.gather [hbm4b:s2+s3], $0x80, v43, vm0, $0xb8;
	[tilespmem:$0x18400] =	vst v63  }
0x2ea: {  	s12 =	simm.s32 $0xB400  }
0x2eb: {  	[tilespmem:s12], [sflag:$0x1] =	stream.indirect_vreg.gather [hbm4b:s5+s3], $0x80, v43, vm0, $0xb8;
	[tilespmem:$0x18400] =	vst v63  }
0x2ec: {  	s18 =	simm.s32 $0xBC00  }
0x2ed: {  	[tilespmem:s18], [sflag:$0x1] =	stream.indirect_vreg.gather [hbm4b:s6+s3], $0x80, v43, vm0, $0xb8;
	[tilespmem:$0x18400] =	vst v63  }
0x2ee: {  	v43 =	vld [tilespmem:$0x340];
	_ =	sdelay $0x4  }
0x2ef: {  	v50 =	vshrl.u32 v43, $0x3  }
0x2f0: {  	v44 =	vmul.u32 $0x30, v50  }
0x2f1: {  	v43 =	vand.u32 $0x7, v43  }
0x2f2: {  	v43 =	vor.u32 v43, v44  }
0x2f3: {  	v44 =	vperm.xlane v43, v31;
	_ =	sdelay $0x1  }
0x2f4: {  	v44 =	vadd.s32 v32, v44;
	_ =	sdelay $0x3  }
0x2f5: {  	s29 =	simm.s32 $0xC400;
	v43 =	vperm.xlane v43, v33  }
0x2f6: {  	[tilespmem:s29], [sflag:$0x1] =	stream.indirect_vreg.gather [hbm4b:s2+s3], $0x80, v44, vm0, $0xb8;
	[tilespmem:$0x18400] =	vst v63  }
0x2f7: {  	s13 =	simm.s32 $0xCC00;
	v43 =	vadd.s32 v32, v43  }
0x2f8: {  	[tilespmem:s13], [sflag:$0x1] =	stream.indirect_vreg.gather [hbm4b:s5+s3], $0x80, v44, vm0, $0xb8;
	[tilespmem:$0x18400] =	vst v63  }
0x2f9: {  	s14 =	simm.s32 $0xD400  }
0x2fa: {  	[tilespmem:s14], [sflag:$0x1] =	stream.indirect_vreg.gather [hbm4b:s6+s3], $0x80, v44, vm0, $0xb8;
	[tilespmem:$0x18400] =	vst v63  }
0x2fb: {  	s16 =	simm.s32 $0xDC00  }
0x2fc: {  	[tilespmem:s16], [sflag:$0x1] =	stream.indirect_vreg.gather [hbm4b:s2+s3], $0x80, v43, vm0, $0xb8;
	[tilespmem:$0x18400] =	vst v63  }
0x2fd: {  	s17 =	simm.s32 $0xE400  }
0x2fe: {  	[tilespmem:s17], [sflag:$0x1] =	stream.indirect_vreg.gather [hbm4b:s5+s3], $0x80, v43, vm0, $0xb8;
	[tilespmem:$0x18400] =	vst v63  }
0x2ff: {  	s31 =	simm.s32 $0xEC00  }
0x300: {  	[tilespmem:s31], [sflag:$0x1] =	stream.indirect_vreg.gather [hbm4b:s6+s3], $0x80, v43, vm0, $0xb8;
	[tilespmem:$0x18400] =	vst v63  }
0x301: {  	v43 =	vld [tilespmem:$0x350];
	_ =	sdelay $0x4  }
0x302: {  	v51 =	vshrl.u32 v43, $0x3  }
0x303: {  	v44 =	vmul.u32 $0x30, v51  }
0x304: {  	v43 =	vand.u32 $0x7, v43  }
0x305: {  	v43 =	vor.u32 v43, v44  }
0x306: {  	v44 =	vperm.xlane v43, v31;
	_ =	sdelay $0x1  }
0x307: {  	v44 =	vadd.s32 v32, v44;
	_ =	sdelay $0x3  }
0x308: {  	s9 =	simm.s32 $0xF400;
	v43 =	vperm.xlane v43, v33  }
0x309: {  	[tilespmem:s9], [sflag:$0x1] =	stream.indirect_vreg.gather [hbm4b:s2+s3], $0x80, v44, vm0, $0xb8;
	[tilespmem:$0x18400] =	vst v63  }
0x30a: {  	s19 =	simm.s32 $0xFC00;
	v43 =	vadd.s32 v32, v43  }
0x30b: {  	[tilespmem:s19], [sflag:$0x1] =	stream.indirect_vreg.gather [hbm4b:s5+s3], $0x80, v44, vm0, $0xb8;
	[tilespmem:$0x18400] =	vst v63  }
0x30c: {  	s21 =	simm.s32 $0x10400  }
0x30d: {  	[tilespmem:s21], [sflag:$0x1] =	stream.indirect_vreg.gather [hbm4b:s6+s3], $0x80, v44, vm0, $0xb8;
	[tilespmem:$0x18400] =	vst v63  }
0x30e: {  	s23 =	simm.s32 $0x10C00  }
0x30f: {  	[tilespmem:s23], [sflag:$0x1] =	stream.indirect_vreg.gather [hbm4b:s2+s3], $0x80, v43, vm0, $0xb8;
	[tilespmem:$0x18400] =	vst v63  }
0x310: {  	s24 =	simm.s32 $0x11400  }
0x311: {  	[tilespmem:s24], [sflag:$0x1] =	stream.indirect_vreg.gather [hbm4b:s5+s3], $0x80, v43, vm0, $0xb8;
	[tilespmem:$0x18400] =	vst v63  }
0x312: {  	s20 =	simm.s32 $0x11C00  }
0x313: {  	[tilespmem:s20], [sflag:$0x1] =	stream.indirect_vreg.gather [hbm4b:s6+s3], $0x80, v43, vm0, $0xb8;
	[tilespmem:$0x18400] =	vst v63  }
0x314: {  	v43 =	vld [tilespmem:$0x360];
	_ =	sdelay $0x4  }
0x315: {  	v52 =	vshrl.u32 v43, $0x3  }
0x316: {  	v44 =	vmul.u32 $0x30, v52  }
0x317: {  	v43 =	vand.u32 $0x7, v43  }
0x318: {  	v43 =	vor.u32 v43, v44  }
0x319: {  	v44 =	vperm.xlane v43, v31;
	_ =	sdelay $0x1  }
0x31a: {  	v44 =	vadd.s32 v32, v44;
	_ =	sdelay $0x3  }
0x31b: {  	s19 =	simm.s32 $0x12400;
	v43 =	vperm.xlane v43, v33  }
0x31c: {  	[tilespmem:s19], [sflag:$0x1] =	stream.indirect_vreg.gather [hbm4b:s2+s3], $0x80, v44, vm0, $0xb8;
	[tilespmem:$0x18400] =	vst v63  }
0x31d: {  	s20 =	simm.s32 $0x12C00;
	v43 =	vadd.s32 v32, v43  }
0x31e: {  	[tilespmem:s20], [sflag:$0x1] =	stream.indirect_vreg.gather [hbm4b:s5+s3], $0x80, v44, vm0, $0xb8;
	[tilespmem:$0x18400] =	vst v63  }
0x31f: {  	s21 =	simm.s32 $0x13400  }
0x320: {  	[tilespmem:s21], [sflag:$0x1] =	stream.indirect_vreg.gather [hbm4b:s6+s3], $0x80, v44, vm0, $0xb8;
	[tilespmem:$0x18400] =	vst v63  }
0x321: {  	s22 =	simm.s32 $0x13C00  }
0x322: {  	[tilespmem:s22], [sflag:$0x1] =	stream.indirect_vreg.gather [hbm4b:s2+s3], $0x80, v43, vm0, $0xb8;
	[tilespmem:$0x18400] =	vst v63  }
0x323: {  	s23 =	simm.s32 $0x14400  }
0x324: {  	[tilespmem:s23], [sflag:$0x1] =	stream.indirect_vreg.gather [hbm4b:s5+s3], $0x80, v43, vm0, $0xb8;
	[tilespmem:$0x18400] =	vst v63  }
0x325: {  	s30 =	simm.s32 $0x14C00  }
0x326: {  	[tilespmem:s30], [sflag:$0x1] =	stream.indirect_vreg.gather [hbm4b:s6+s3], $0x80, v43, vm0, $0xb8;
	[tilespmem:$0x18400] =	vst v63  }
0x327: {  	v43 =	vld [tilespmem:$0x370];
	_ =	sdelay $0x4  }
0x328: {  	v53 =	vshrl.u32 v43, $0x3  }
0x329: {  	v44 =	vmul.u32 $0x30, v53  }
0x32a: {  	v43 =	vand.u32 $0x7, v43  }
0x32b: {  	v43 =	vor.u32 v43, v44  }
0x32c: {  	v44 =	vperm.xlane v43, v31;
	_ =	sdelay $0x1  }
0x32d: {  	v44 =	vadd.s32 v32, v44;
	_ =	sdelay $0x3  }
0x32e: {  	s28 =	simm.s32 $0x15400;
	v43 =	vperm.xlane v43, v33  }
0x32f: {  	[tilespmem:s28], [sflag:$0x1] =	stream.indirect_vreg.gather [hbm4b:s2+s3], $0x80, v44, vm0, $0xb8;
	[tilespmem:$0x18400] =	vst v63  }
0x330: {  	s24 =	simm.s32 $0x15C00;
	v43 =	vadd.s32 v32, v43  }
0x331: {  	[tilespmem:s24], [sflag:$0x1] =	stream.indirect_vreg.gather [hbm4b:s5+s3], $0x80, v44, vm0, $0xb8;
	[tilespmem:$0x18400] =	vst v63  }
0x332: {  	s25 =	simm.s32 $0x16400  }
0x333: {  	[tilespmem:s25], [sflag:$0x1] =	stream.indirect_vreg.gather [hbm4b:s6+s3], $0x80, v44, vm0, $0xb8;
	[tilespmem:$0x18400] =	vst v63  }
0x334: {  	s26 =	simm.s32 $0x16C00  }
0x335: {  	[tilespmem:s26], [sflag:$0x1] =	stream.indirect_vreg.gather [hbm4b:s2+s3], $0x80, v43, vm0, $0xb8;
	[tilespmem:$0x18400] =	vst v63  }
0x336: {  	s28 =	simm.s32 $0x17400  }
0x337: {  	[tilespmem:s28], [sflag:$0x1] =	stream.indirect_vreg.gather [hbm4b:s5+s3], $0x80, v43, vm0, $0xb8;
	[tilespmem:$0x18400] =	vst v63  }
0x338: {  	s1 =	simm.s32 $0x17C00  }
0x339: {  	[tilespmem:s1], [sflag:$0x1] =	stream.indirect_vreg.gather [hbm4b:s6+s3], $0x80, v43, vm0, $0xb8;
	[tilespmem:$0x18400] =	vst v63  }
0x33a: {  	_ =	swait.ge [sflag:s15], $0x18000  }
0x33b: {  	[sflag:s15] =	ssyncset.done $0x0  }
0x33c: {  	[sflag:s15] =	ssyncadd.s32 $0xFFFE8000  }
0x33d: {  	v54 =	vld [tilespmem:$0x100];
	_ =	sdelay $0x4  }
0x33e: {  	v55 =	vshrl.u32 v54, $0x3  }
0x33f: {  	v44 =	vmul.u32 $0x30, v55  }
0x340: {  	v43 =	vand.u32 $0x7, v54  }
0x341: {  	v43 =	vor.u32 v43, v44  }
0x342: {  	v44 =	vperm.xlane v43, v31;
	_ =	sdelay $0x1  }
0x343: {  	v44 =	vadd.s32 v32, v44;
	_ =	sdelay $0x3  }
0x344: {  	v43 =	vperm.xlane v43, v33  }
0x345: {  	[hbm4b:s4+s3] =	stream.indirect_vreg.scatter [tilespmem:s0], [sflag:$0x1], $0x80, v44, vm0, $0xb8;
	[tilespmem:$0x18400] =	vst v63  }
0x346: {  	s1 =	simm.s32 $0xC00;
	v43 =	vadd.s32 v32, v43  }
0x347: {  	[hbm4b:s7+s3] =	stream.indirect_vreg.scatter [tilespmem:s1], [sflag:$0x1], $0x80, v44, vm0, $0xb8;
	[tilespmem:$0x18400] =	vst v63  }
0x348: {  	s1 =	simm.s32 $0x1400  }
0x349: {  	[hbm4b:s8+s3] =	stream.indirect_vreg.scatter [tilespmem:s1], [sflag:$0x1], $0x80, v44, vm0, $0xb8;
	[tilespmem:$0x18400] =	vst v63  }
0x34a: {  	s1 =	simm.s32 $0x1C00  }
0x34b: {  	[hbm4b:s4+s3] =	stream.indirect_vreg.scatter [tilespmem:s1], [sflag:$0x1], $0x80, v43, vm0, $0xb8;
	[tilespmem:$0x18400] =	vst v63  }
0x34c: {  	s1 =	simm.s32 $0x2400  }
0x34d: {  	[hbm4b:s7+s3] =	stream.indirect_vreg.scatter [tilespmem:s1], [sflag:$0x1], $0x80, v43, vm0, $0xb8;
	[tilespmem:$0x18400] =	vst v63  }
0x34e: {  	s1 =	simm.s32 $0x2C00  }
0x34f: {  	[hbm4b:s8+s3] =	stream.indirect_vreg.scatter [tilespmem:s1], [sflag:$0x1], $0x80, v43, vm0, $0xb8;
	[tilespmem:$0x18400] =	vst v63  }
0x350: {  	v43 =	vld [tilespmem:$0x110];
	_ =	sdelay $0x4  }
0x351: {  	v56 =	vshrl.u32 v43, $0x3  }
0x352: {  	v44 =	vmul.u32 $0x30, v56  }
0x353: {  	v43 =	vand.u32 $0x7, v43  }
0x354: {  	v43 =	vor.u32 v43, v44  }
0x355: {  	v44 =	vperm.xlane v43, v31;
	_ =	sdelay $0x1  }
0x356: {  	v44 =	vadd.s32 v32, v44;
	_ =	sdelay $0x3  }
0x357: {  	s1 =	simm.s32 $0x3400;
	v43 =	vperm.xlane v43, v33  }
0x358: {  	[hbm4b:s4+s3] =	stream.indirect_vreg.scatter [tilespmem:s1], [sflag:$0x1], $0x80, v44, vm0, $0xb8;
	[tilespmem:$0x18400] =	vst v63  }
0x359: {  	v43 =	vadd.s32 v32, v43;
	s1 =	simm.s32 $0x3C00  }
0x35a: {  	[hbm4b:s7+s3] =	stream.indirect_vreg.scatter [tilespmem:s1], [sflag:$0x1], $0x80, v44, vm0, $0xb8;
	[tilespmem:$0x18400] =	vst v63  }
0x35b: {  	s1 =	simm.s32 $0x4400  }
0x35c: {  	[hbm4b:s8+s3] =	stream.indirect_vreg.scatter [tilespmem:s1], [sflag:$0x1], $0x80, v44, vm0, $0xb8;
	[tilespmem:$0x18400] =	vst v63  }
0x35d: {  	s1 =	simm.s32 $0x4C00  }
0x35e: {  	[hbm4b:s4+s3] =	stream.indirect_vreg.scatter [tilespmem:s1], [sflag:$0x1], $0x80, v43, vm0, $0xb8;
	[tilespmem:$0x18400] =	vst v63  }
0x35f: {  	_ = 	snop  }
0x360: {  	[hbm4b:s7+s3] =	stream.indirect_vreg.scatter [tilespmem:s10], [sflag:$0x1], $0x80, v43, vm0, $0xb8;
	[tilespmem:$0x18400] =	vst v63  }
0x361: {  	s1 =	simm.s32 $0x5C00  }
0x362: {  	[hbm4b:s8+s3] =	stream.indirect_vreg.scatter [tilespmem:s1], [sflag:$0x1], $0x80, v43, vm0, $0xb8;
	[tilespmem:$0x18400] =	vst v63  }
0x363: {  	v43 =	vld [tilespmem:$0x120];
	_ =	sdelay $0x4  }
0x364: {  	v57 =	vshrl.u32 v43, $0x3  }
0x365: {  	v44 =	vmul.u32 $0x30, v57  }
0x366: {  	v43 =	vand.u32 $0x7, v43  }
0x367: {  	v43 =	vor.u32 v43, v44  }
0x368: {  	v44 =	vperm.xlane v43, v31;
	_ =	sdelay $0x1  }
0x369: {  	v44 =	vadd.s32 v32, v44;
	_ =	sdelay $0x3  }
0x36a: {  	s10 =	simm.s32 $0x6400;
	v43 =	vperm.xlane v43, v33  }
0x36b: {  	[hbm4b:s4+s3] =	stream.indirect_vreg.scatter [tilespmem:s10], [sflag:$0x1], $0x80, v44, vm0, $0xb8;
	[tilespmem:$0x18400] =	vst v63  }
0x36c: {  	s1 =	simm.s32 $0x6C00;
	v43 =	vadd.s32 v32, v43  }
0x36d: {  	[hbm4b:s7+s3] =	stream.indirect_vreg.scatter [tilespmem:s1], [sflag:$0x1], $0x80, v44, vm0, $0xb8;
	[tilespmem:$0x18400] =	vst v63  }
0x36e: {  	s10 =	simm.s32 $0x7400  }
0x36f: {  	[hbm4b:s8+s3] =	stream.indirect_vreg.scatter [tilespmem:s10], [sflag:$0x1], $0x80, v44, vm0, $0xb8;
	[tilespmem:$0x18400] =	vst v63  }
0x370: {  	s1 =	simm.s32 $0x7C00  }
0x371: {  	[hbm4b:s4+s3] =	stream.indirect_vreg.scatter [tilespmem:s1], [sflag:$0x1], $0x80, v43, vm0, $0xb8;
	[tilespmem:$0x18400] =	vst v63  }
0x372: {  	s10 =	simm.s32 $0x8400  }
0x373: {  	[hbm4b:s7+s3] =	stream.indirect_vreg.scatter [tilespmem:s10], [sflag:$0x1], $0x80, v43, vm0, $0xb8;
	[tilespmem:$0x18400] =	vst v63  }
0x374: {  	s1 =	simm.s32 $0x8C00  }
0x375: {  	[hbm4b:s8+s3] =	stream.indirect_vreg.scatter [tilespmem:s1], [sflag:$0x1], $0x80, v43, vm0, $0xb8;
	[tilespmem:$0x18400] =	vst v63  }
0x376: {  	v43 =	vld [tilespmem:$0x130];
	_ =	sdelay $0x4  }
0x377: {  	v58 =	vshrl.u32 v43, $0x3  }
0x378: {  	v44 =	vmul.u32 $0x30, v58  }
0x379: {  	v43 =	vand.u32 $0x7, v43  }
0x37a: {  	v43 =	vor.u32 v43, v44  }
0x37b: {  	v44 =	vperm.xlane v43, v31;
	_ =	sdelay $0x1  }
0x37c: {  	v44 =	vadd.s32 v32, v44;
	_ =	sdelay $0x3  }
0x37d: {  	s10 =	simm.s32 $0x9400;
	v43 =	vperm.xlane v43, v33  }
0x37e: {  	[hbm4b:s4+s3] =	stream.indirect_vreg.scatter [tilespmem:s10], [sflag:$0x1], $0x80, v44, vm0, $0xb8;
	[tilespmem:$0x18400] =	vst v63  }
0x37f: {  	v43 =	vadd.s32 v32, v43;
	s10 =	simm.s32 $0x9C00  }
0x380: {  	[hbm4b:s7+s3] =	stream.indirect_vreg.scatter [tilespmem:s10], [sflag:$0x1], $0x80, v44, vm0, $0xb8;
	[tilespmem:$0x18400] =	vst v63  }
0x381: {  	s10 =	simm.s32 $0xA400  }
0x382: {  	[hbm4b:s8+s3] =	stream.indirect_vreg.scatter [tilespmem:s10], [sflag:$0x1], $0x80, v44, vm0, $0xb8;
	[tilespmem:$0x18400] =	vst v63  }
0x383: {  	_ = 	snop  }
0x384: {  	[hbm4b:s4+s3] =	stream.indirect_vreg.scatter [tilespmem:s11], [sflag:$0x1], $0x80, v43, vm0, $0xb8;
	[tilespmem:$0x18400] =	vst v63  }
0x385: {  	_ = 	snop  }
0x386: {  	[hbm4b:s7+s3] =	stream.indirect_vreg.scatter [tilespmem:s12], [sflag:$0x1], $0x80, v43, vm0, $0xb8;
	[tilespmem:$0x18400] =	vst v63  }
0x387: {  	_ = 	snop  }
0x388: {  	[hbm4b:s8+s3] =	stream.indirect_vreg.scatter [tilespmem:s18], [sflag:$0x1], $0x80, v43, vm0, $0xb8;
	[tilespmem:$0x18400] =	vst v63  }
0x389: {  	v43 =	vld [tilespmem:$0x140];
	_ =	sdelay $0x4  }
0x38a: {  	v59 =	vshrl.u32 v43, $0x3  }
0x38b: {  	v44 =	vmul.u32 $0x30, v59  }
0x38c: {  	v43 =	vand.u32 $0x7, v43  }
0x38d: {  	v43 =	vor.u32 v43, v44  }
0x38e: {  	v44 =	vperm.xlane v43, v31;
	_ =	sdelay $0x1  }
0x38f: {  	v44 =	vadd.s32 v32, v44;
	_ =	sdelay $0x3  }
0x390: {  	v43 =	vperm.xlane v43, v33  }
0x391: {  	[hbm4b:s4+s3] =	stream.indirect_vreg.scatter [tilespmem:s29], [sflag:$0x1], $0x80, v44, vm0, $0xb8;
	[tilespmem:$0x18400] =	vst v63  }
0x392: {  	v43 =	vadd.s32 v32, v43  }
0x393: {  	[hbm4b:s7+s3] =	stream.indirect_vreg.scatter [tilespmem:s13], [sflag:$0x1], $0x80, v44, vm0, $0xb8;
	[tilespmem:$0x18400] =	vst v63  }
0x394: {  	_ = 	snop  }
0x395: {  	[hbm4b:s8+s3] =	stream.indirect_vreg.scatter [tilespmem:s14], [sflag:$0x1], $0x80, v44, vm0, $0xb8;
	[tilespmem:$0x18400] =	vst v63  }
0x396: {  	_ = 	snop  }
0x397: {  	[hbm4b:s4+s3] =	stream.indirect_vreg.scatter [tilespmem:s16], [sflag:$0x1], $0x80, v43, vm0, $0xb8;
	[tilespmem:$0x18400] =	vst v63  }
0x398: {  	_ = 	snop  }
0x399: {  	[hbm4b:s7+s3] =	stream.indirect_vreg.scatter [tilespmem:s17], [sflag:$0x1], $0x80, v43, vm0, $0xb8;
	[tilespmem:$0x18400] =	vst v63  }
0x39a: {  	_ = 	snop  }
0x39b: {  	[hbm4b:s8+s3] =	stream.indirect_vreg.scatter [tilespmem:s31], [sflag:$0x1], $0x80, v43, vm0, $0xb8;
	[tilespmem:$0x18400] =	vst v63  }
0x39c: {  	v43 =	vld [tilespmem:$0x150];
	_ =	sdelay $0x4  }
0x39d: {  	v60 =	vshrl.u32 v43, $0x3  }
0x39e: {  	v44 =	vmul.u32 $0x30, v60  }
0x39f: {  	v43 =	vand.u32 $0x7, v43  }
0x3a0: {  	v43 =	vor.u32 v43, v44  }
0x3a1: {  	v44 =	vperm.xlane v43, v31;
	_ =	sdelay $0x1  }
0x3a2: {  	v44 =	vadd.s32 v32, v44;
	_ =	sdelay $0x3  }
0x3a3: {  	v43 =	vperm.xlane v43, v33  }
0x3a4: {  	[hbm4b:s4+s3] =	stream.indirect_vreg.scatter [tilespmem:s9], [sflag:$0x1], $0x80, v44, vm0, $0xb8;
	[tilespmem:$0x18400] =	vst v63  }
0x3a5: {  	s10 =	simm.s32 $0xFC00;
	v43 =	vadd.s32 v32, v43  }
0x3a6: {  	[hbm4b:s7+s3] =	stream.indirect_vreg.scatter [tilespmem:s10], [sflag:$0x1], $0x80, v44, vm0, $0xb8;
	[tilespmem:$0x18400] =	vst v63  }
0x3a7: {  	s13 =	simm.s32 $0x10400  }
0x3a8: {  	[hbm4b:s8+s3] =	stream.indirect_vreg.scatter [tilespmem:s13], [sflag:$0x1], $0x80, v44, vm0, $0xb8;
	[tilespmem:$0x18400] =	vst v63  }
0x3a9: {  	s14 =	simm.s32 $0x10C00  }
0x3aa: {  	[hbm4b:s4+s3] =	stream.indirect_vreg.scatter [tilespmem:s14], [sflag:$0x1], $0x80, v43, vm0, $0xb8;
	[tilespmem:$0x18400] =	vst v63  }
0x3ab: {  	s16 =	simm.s32 $0x11400  }
0x3ac: {  	[hbm4b:s7+s3] =	stream.indirect_vreg.scatter [tilespmem:s16], [sflag:$0x1], $0x80, v43, vm0, $0xb8;
	[tilespmem:$0x18400] =	vst v63  }
0x3ad: {  	s17 =	simm.s32 $0x11C00  }
0x3ae: {  	[hbm4b:s8+s3] =	stream.indirect_vreg.scatter [tilespmem:s17], [sflag:$0x1], $0x80, v43, vm0, $0xb8;
	[tilespmem:$0x18400] =	vst v63  }
0x3af: {  	v43 =	vld [tilespmem:$0x160];
	_ =	sdelay $0x4  }
0x3b0: {  	v61 =	vshrl.u32 v43, $0x3  }
0x3b1: {  	v44 =	vmul.u32 $0x30, v61  }
0x3b2: {  	v43 =	vand.u32 $0x7, v43  }
0x3b3: {  	v43 =	vor.u32 v43, v44  }
0x3b4: {  	v44 =	vperm.xlane v43, v31;
	_ =	sdelay $0x1  }
0x3b5: {  	v44 =	vadd.s32 v32, v44;
	_ =	sdelay $0x3  }
0x3b6: {  	v43 =	vperm.xlane v43, v33  }
0x3b7: {  	[hbm4b:s4+s3] =	stream.indirect_vreg.scatter [tilespmem:s19], [sflag:$0x1], $0x80, v44, vm0, $0xb8;
	[tilespmem:$0x18400] =	vst v63  }
0x3b8: {  	v43 =	vadd.s32 v32, v43  }
0x3b9: {  	[hbm4b:s7+s3] =	stream.indirect_vreg.scatter [tilespmem:s20], [sflag:$0x1], $0x80, v44, vm0, $0xb8;
	[tilespmem:$0x18400] =	vst v63  }
0x3ba: {  	_ = 	snop  }
0x3bb: {  	[hbm4b:s8+s3] =	stream.indirect_vreg.scatter [tilespmem:s21], [sflag:$0x1], $0x80, v44, vm0, $0xb8;
	[tilespmem:$0x18400] =	vst v63  }
0x3bc: {  	_ = 	snop  }
0x3bd: {  	[hbm4b:s4+s3] =	stream.indirect_vreg.scatter [tilespmem:s22], [sflag:$0x1], $0x80, v43, vm0, $0xb8;
	[tilespmem:$0x18400] =	vst v63  }
0x3be: {  	_ = 	snop  }
0x3bf: {  	[hbm4b:s7+s3] =	stream.indirect_vreg.scatter [tilespmem:s23], [sflag:$0x1], $0x80, v43, vm0, $0xb8;
	[tilespmem:$0x18400] =	vst v63  }
0x3c0: {  	_ = 	snop  }
0x3c1: {  	[hbm4b:s8+s3] =	stream.indirect_vreg.scatter [tilespmem:s30], [sflag:$0x1], $0x80, v43, vm0, $0xb8;
	[tilespmem:$0x18400] =	vst v63  }
0x3c2: {  	v43 =	vld [tilespmem:$0x170];
	_ =	sdelay $0x4  }
0x3c3: {  	v62 =	vshrl.u32 v43, $0x3  }
0x3c4: {  	v44 =	vmul.u32 $0x30, v62  }
0x3c5: {  	v43 =	vand.u32 $0x7, v43  }
0x3c6: {  	v43 =	vor.u32 v43, v44  }
0x3c7: {  	v44 =	vperm.xlane v43, v31;
	_ =	sdelay $0x1  }
0x3c8: {  	v44 =	vadd.s32 v32, v44;
	_ =	sdelay $0x3  }
0x3c9: {  	s30 =	simm.s32 $0x15400;
	v43 =	vperm.xlane v43, v33  }
0x3ca: {  	[hbm4b:s4+s3] =	stream.indirect_vreg.scatter [tilespmem:s30], [sflag:$0x1], $0x80, v44, vm0, $0xb8;
	[tilespmem:$0x18400] =	vst v63  }
0x3cb: {  	v43 =	vadd.s32 v32, v43  }
0x3cc: {  	[hbm4b:s7+s3] =	stream.indirect_vreg.scatter [tilespmem:s24], [sflag:$0x1], $0x80, v44, vm0, $0xb8;
	[tilespmem:$0x18400] =	vst v63  }
0x3cd: {  	_ = 	snop  }
0x3ce: {  	[hbm4b:s8+s3] =	stream.indirect_vreg.scatter [tilespmem:s25], [sflag:$0x1], $0x80, v44, vm0, $0xb8;
	[tilespmem:$0x18400] =	vst v63  }
0x3cf: {  	_ = 	snop  }
0x3d0: {  	[hbm4b:s4+s3] =	stream.indirect_vreg.scatter [tilespmem:s26], [sflag:$0x1], $0x80, v43, vm0, $0xb8;
	[tilespmem:$0x18400] =	vst v63  }
0x3d1: {  	_ = 	snop  }
0x3d2: {  	[hbm4b:s7+s3] =	stream.indirect_vreg.scatter [tilespmem:s28], [sflag:$0x1], $0x80, v43, vm0, $0xb8;
	[tilespmem:$0x18400] =	vst v63  }
0x3d3: {  	s9 =	simm.s32 $0x17C00  }
0x3d4: {  	[hbm4b:s8+s3] =	stream.indirect_vreg.scatter [tilespmem:s9], [sflag:$0x1], $0x80, v43, vm0, $0xb8;
	[tilespmem:$0x18400] =	vst v63  }
0x3d5: {  	_ =	swait.ge [sflag:s15], $0x18000  }
0x3d6: {  	s10 =	rddreg [dreg:$0x6];
	[sflag:s15] =	ssyncset.done $0x0  }
0x3d7: {  	s20 =	simm.s32 $0x2;
	s14 =	rddreg [dreg:$0x9];
	[sflag:s15] =	ssyncadd.s32 $0xFFFE8000  }
0x3d8: {  	[tilespmem:s14], [sflag:$0x2] =	stream.linear.gather [hbm4b:s10+s3], $0x80, $0x38;
	[tilespmem:$0x18400] =	vst v63  }
0x3d9: {  	_ =	swait.ge [sflag:s20], $0x80  }
0x3da: {  	[sflag:s20] =	ssyncset.done $0x0  }
0x3db: {  	[sflag:s20] =	ssyncadd.s32 $0xFFFFFF80  }
0x3dc: {  	[tilespmem:$0x380] =	vst v24  }
0x3dd: {  	[tilespmem:$0x390] =	vst v25  }
0x3de: {  	[tilespmem:$0x3A0] =	vst v26  }
0x3df: {  	[tilespmem:$0x3B0] =	vst v27  }
0x3e0: {  	[tilespmem:$0x3C0] =	vst v28  }
0x3e1: {  	[tilespmem:$0x3D0] =	vst v29  }
0x3e2: {  	[tilespmem:$0x3E0] =	vst v30  }
0x3e3: {  	s21 =	simm.s32 $0x400;
	[tilespmem:$0x3F0] =	vst v34  }
0x3e4: {  	[tilespmem:s21], [sflag:$0x1] =	stream.indirect_vreg.gather [hbm4b:s2+s3], $0x80, v41, vm0, $0xb8;
	[tilespmem:$0x18400] =	vst v63  }
0x3e5: {  	s22 =	simm.s32 $0xC00  }
0x3e6: {  	[tilespmem:s22], [sflag:$0x1] =	stream.indirect_vreg.gather [hbm4b:s5+s3], $0x80, v41, vm0, $0xb8;
	[tilespmem:$0x18400] =	vst v63  }
0x3e7: {  	s23 =	simm.s32 $0x1400  }
0x3e8: {  	[tilespmem:s23], [sflag:$0x1] =	stream.indirect_vreg.gather [hbm4b:s6+s3], $0x80, v41, vm0, $0xb8;
	[tilespmem:$0x18400] =	vst v63  }
0x3e9: {  	s24 =	simm.s32 $0x1C00  }
0x3ea: {  	[tilespmem:s24], [sflag:$0x1] =	stream.indirect_vreg.gather [hbm4b:s2+s3], $0x80, v42, vm0, $0xb8;
	[tilespmem:$0x18400] =	vst v63  }
0x3eb: {  	s25 =	simm.s32 $0x2400  }
0x3ec: {  	[tilespmem:s25], [sflag:$0x1] =	stream.indirect_vreg.gather [hbm4b:s5+s3], $0x80, v42, vm0, $0xb8;
	[tilespmem:$0x18400] =	vst v63  }
0x3ed: {  	s26 =	simm.s32 $0x2C00  }
0x3ee: {  	[tilespmem:s26], [sflag:$0x1] =	stream.indirect_vreg.gather [hbm4b:s6+s3], $0x80, v42, vm0, $0xb8;
	[tilespmem:$0x18400] =	vst v63  }
0x3ef: {  	v63 =	vld [tilespmem:$0x390];
	_ =	sdelay $0x4  }
0x3f0: {  	v48 =	vshrl.u32 v63, $0x3  }
0x3f1: {  	v44 =	vmul.u32 $0x30, v48  }
0x3f2: {  	v43 =	vand.u32 $0x7, v63  }
0x3f3: {  	v43 =	vor.u32 v43, v44  }
0x3f4: {  	v44 =	vperm.xlane v43, v31;
	_ =	sdelay $0x1  }
0x3f5: {  	v44 =	vadd.s32 v32, v44;
	_ =	sdelay $0x3  }
0x3f6: {  	s28 =	simm.s32 $0x3400;
	v43 =	vperm.xlane v43, v33  }
0x3f7: {  	[tilespmem:s28], [sflag:$0x1] =	stream.indirect_vreg.gather [hbm4b:s2+s3], $0x80, v44, vm0, $0xb8;
	[tilespmem:$0x18400] =	vst v63  }
0x3f8: {  	s9 =	simm.s32 $0x3C00;
	v43 =	vadd.s32 v32, v43  }
0x3f9: {  	[tilespmem:s9], [sflag:$0x1] =	stream.indirect_vreg.gather [hbm4b:s5+s3], $0x80, v44, vm0, $0xb8;
	[tilespmem:$0x18400] =	vst v63  }
0x3fa: {  	s14 =	simm.s32 $0x4400  }
0x3fb: {  	[tilespmem:s14], [sflag:$0x1] =	stream.indirect_vreg.gather [hbm4b:s6+s3], $0x80, v44, vm0, $0xb8;
	[tilespmem:$0x18400] =	vst v63  }
0x3fc: {  	s16 =	simm.s32 $0x4C00  }
0x3fd: {  	[tilespmem:s16], [sflag:$0x1] =	stream.indirect_vreg.gather [hbm4b:s2+s3], $0x80, v43, vm0, $0xb8;
	[tilespmem:$0x18400] =	vst v63  }
0x3fe: {  	s17 =	simm.s32 $0x5400  }
0x3ff: {  	[tilespmem:s17], [sflag:$0x1] =	stream.indirect_vreg.gather [hbm4b:s5+s3], $0x80, v43, vm0, $0xb8;
	[tilespmem:$0x18400] =	vst v63  }
0x400: {  	s20 =	simm.s32 $0x5C00  }
0x401: {  	[tilespmem:s20], [sflag:$0x1] =	stream.indirect_vreg.gather [hbm4b:s6+s3], $0x80, v43, vm0, $0xb8;
	[tilespmem:$0x18400] =	vst v63  }
0x402: {  	v43 =	vld [tilespmem:$0x3A0];
	_ =	sdelay $0x4  }
0x403: {  	v49 =	vshrl.u32 v43, $0x3  }
0x404: {  	v44 =	vmul.u32 $0x30, v49  }
0x405: {  	v43 =	vand.u32 $0x7, v43  }
0x406: {  	v43 =	vor.u32 v43, v44  }
0x407: {  	v44 =	vperm.xlane v43, v31;
	_ =	sdelay $0x1  }
0x408: {  	v44 =	vadd.s32 v32, v44;
	_ =	sdelay $0x3  }
0x409: {  	s21 =	simm.s32 $0x6400;
	v43 =	vperm.xlane v43, v33  }
0x40a: {  	[tilespmem:s21], [sflag:$0x1] =	stream.indirect_vreg.gather [hbm4b:s2+s3], $0x80, v44, vm0, $0xb8;
	[tilespmem:$0x18400] =	vst v63  }
0x40b: {  	s23 =	simm.s32 $0x6C00;
	v43 =	vadd.s32 v32, v43  }
0x40c: {  	[tilespmem:s23], [sflag:$0x1] =	stream.indirect_vreg.gather [hbm4b:s5+s3], $0x80, v44, vm0, $0xb8;
	[tilespmem:$0x18400] =	vst v63  }
0x40d: {  	s24 =	simm.s32 $0x7400  }
0x40e: {  	[tilespmem:s24], [sflag:$0x1] =	stream.indirect_vreg.gather [hbm4b:s6+s3], $0x80, v44, vm0, $0xb8;
	[tilespmem:$0x18400] =	vst v63  }
0x40f: {  	s25 =	simm.s32 $0x7C00  }
0x410: {  	[tilespmem:s25], [sflag:$0x1] =	stream.indirect_vreg.gather [hbm4b:s2+s3], $0x80, v43, vm0, $0xb8;
	[tilespmem:$0x18400] =	vst v63  }
0x411: {  	s26 =	simm.s32 $0x8400  }
0x412: {  	[tilespmem:s26], [sflag:$0x1] =	stream.indirect_vreg.gather [hbm4b:s5+s3], $0x80, v43, vm0, $0xb8;
	[tilespmem:$0x18400] =	vst v63  }
0x413: {  	s0 =	simm.s32 $0x8C00  }
0x414: {  	[tilespmem:s0], [sflag:$0x1] =	stream.indirect_vreg.gather [hbm4b:s6+s3], $0x80, v43, vm0, $0xb8;
	[tilespmem:$0x18400] =	vst v63  }
0x415: {  	v43 =	vld [tilespmem:$0x3B0];
	_ =	sdelay $0x4  }
0x416: {  	v50 =	vshrl.u32 v43, $0x3  }
0x417: {  	v44 =	vmul.u32 $0x30, v50  }
0x418: {  	v43 =	vand.u32 $0x7, v43  }
0x419: {  	v43 =	vor.u32 v43, v44  }
0x41a: {  	v44 =	vperm.xlane v43, v31;
	_ =	sdelay $0x1  }
0x41b: {  	v44 =	vadd.s32 v32, v44;
	_ =	sdelay $0x3  }
0x41c: {  	s28 =	simm.s32 $0x9400;
	v43 =	vperm.xlane v43, v33  }
0x41d: {  	[tilespmem:s28], [sflag:$0x1] =	stream.indirect_vreg.gather [hbm4b:s2+s3], $0x80, v44, vm0, $0xb8;
	[tilespmem:$0x18400] =	vst v63  }
0x41e: {  	s0 =	simm.s32 $0x9C00;
	v43 =	vadd.s32 v32, v43  }
0x41f: {  	[tilespmem:s0], [sflag:$0x1] =	stream.indirect_vreg.gather [hbm4b:s5+s3], $0x80, v44, vm0, $0xb8;
	[tilespmem:$0x18400] =	vst v63  }
0x420: {  	s1 =	simm.s32 $0xA400  }
0x421: {  	[tilespmem:s1], [sflag:$0x1] =	stream.indirect_vreg.gather [hbm4b:s6+s3], $0x80, v44, vm0, $0xb8;
	[tilespmem:$0x18400] =	vst v63  }
0x422: {  	s0 =	simm.s32 $0xAC00  }
0x423: {  	[tilespmem:s0], [sflag:$0x1] =	stream.indirect_vreg.gather [hbm4b:s2+s3], $0x80, v43, vm0, $0xb8;
	[tilespmem:$0x18400] =	vst v63  }
0x424: {  	s14 =	simm.s32 $0xB400  }
0x425: {  	[tilespmem:s14], [sflag:$0x1] =	stream.indirect_vreg.gather [hbm4b:s5+s3], $0x80, v43, vm0, $0xb8;
	[tilespmem:$0x18400] =	vst v63  }
0x426: {  	s12 =	simm.s32 $0xBC00  }
0x427: {  	[tilespmem:s12], [sflag:$0x1] =	stream.indirect_vreg.gather [hbm4b:s6+s3], $0x80, v43, vm0, $0xb8;
	[tilespmem:$0x18400] =	vst v63  }
0x428: {  	v43 =	vld [tilespmem:$0x3C0];
	_ =	sdelay $0x4  }
0x429: {  	v51 =	vshrl.u32 v43, $0x3  }
0x42a: {  	v44 =	vmul.u32 $0x30, v51  }
0x42b: {  	v43 =	vand.u32 $0x7, v43  }
0x42c: {  	v43 =	vor.u32 v43, v44  }
0x42d: {  	v44 =	vperm.xlane v43, v31;
	_ =	sdelay $0x1  }
0x42e: {  	v44 =	vadd.s32 v32, v44;
	_ =	sdelay $0x3  }
0x42f: {  	s9 =	simm.s32 $0xC400;
	v43 =	vperm.xlane v43, v33  }
0x430: {  	[tilespmem:s9], [sflag:$0x1] =	stream.indirect_vreg.gather [hbm4b:s2+s3], $0x80, v44, vm0, $0xb8;
	[tilespmem:$0x18400] =	vst v63  }
0x431: {  	s18 =	simm.s32 $0xCC00;
	v43 =	vadd.s32 v32, v43  }
0x432: {  	[tilespmem:s18], [sflag:$0x1] =	stream.indirect_vreg.gather [hbm4b:s5+s3], $0x80, v44, vm0, $0xb8;
	[tilespmem:$0x18400] =	vst v63  }
0x433: {  	s29 =	simm.s32 $0xD400  }
0x434: {  	[tilespmem:s29], [sflag:$0x1] =	stream.indirect_vreg.gather [hbm4b:s6+s3], $0x80, v44, vm0, $0xb8;
	[tilespmem:$0x18400] =	vst v63  }
0x435: {  	s1 =	simm.s32 $0xDC00  }
0x436: {  	[tilespmem:s1], [sflag:$0x1] =	stream.indirect_vreg.gather [hbm4b:s2+s3], $0x80, v43, vm0, $0xb8;
	[tilespmem:$0x18400] =	vst v63  }
0x437: {  	s11 =	simm.s32 $0xE400  }
0x438: {  	[tilespmem:s11], [sflag:$0x1] =	stream.indirect_vreg.gather [hbm4b:s5+s3], $0x80, v43, vm0, $0xb8;
	[tilespmem:$0x18400] =	vst v63  }
0x439: {  	s12 =	simm.s32 $0xEC00  }
0x43a: {  	[tilespmem:s12], [sflag:$0x1] =	stream.indirect_vreg.gather [hbm4b:s6+s3], $0x80, v43, vm0, $0xb8;
	[tilespmem:$0x18400] =	vst v63  }
0x43b: {  	v43 =	vld [tilespmem:$0x3D0];
	_ =	sdelay $0x4  }
0x43c: {  	v52 =	vshrl.u32 v43, $0x3  }
0x43d: {  	v44 =	vmul.u32 $0x30, v52  }
0x43e: {  	v43 =	vand.u32 $0x7, v43  }
0x43f: {  	v43 =	vor.u32 v43, v44  }
0x440: {  	v44 =	vperm.xlane v43, v31;
	_ =	sdelay $0x1  }
0x441: {  	v44 =	vadd.s32 v32, v44;
	_ =	sdelay $0x3  }
0x442: {  	s31 =	simm.s32 $0xF400;
	v43 =	vperm.xlane v43, v33  }
0x443: {  	[tilespmem:s31], [sflag:$0x1] =	stream.indirect_vreg.gather [hbm4b:s2+s3], $0x80, v44, vm0, $0xb8;
	[tilespmem:$0x18400] =	vst v63  }
0x444: {  	s16 =	simm.s32 $0xFC00;
	v43 =	vadd.s32 v32, v43  }
0x445: {  	[tilespmem:s16], [sflag:$0x1] =	stream.indirect_vreg.gather [hbm4b:s5+s3], $0x80, v44, vm0, $0xb8;
	[tilespmem:$0x18400] =	vst v63  }
0x446: {  	s17 =	simm.s32 $0x10400  }
0x447: {  	[tilespmem:s17], [sflag:$0x1] =	stream.indirect_vreg.gather [hbm4b:s6+s3], $0x80, v44, vm0, $0xb8;
	[tilespmem:$0x18400] =	vst v63  }
0x448: {  	s16 =	simm.s32 $0x10C00  }
0x449: {  	[tilespmem:s16], [sflag:$0x1] =	stream.indirect_vreg.gather [hbm4b:s2+s3], $0x80, v43, vm0, $0xb8;
	[tilespmem:$0x18400] =	vst v63  }
0x44a: {  	s17 =	simm.s32 $0x11400  }
0x44b: {  	[tilespmem:s17], [sflag:$0x1] =	stream.indirect_vreg.gather [hbm4b:s5+s3], $0x80, v43, vm0, $0xb8;
	[tilespmem:$0x18400] =	vst v63  }
0x44c: {  	s18 =	simm.s32 $0x11C00  }
0x44d: {  	[tilespmem:s18], [sflag:$0x1] =	stream.indirect_vreg.gather [hbm4b:s6+s3], $0x80, v43, vm0, $0xb8;
	[tilespmem:$0x18400] =	vst v63  }
0x44e: {  	v43 =	vld [tilespmem:$0x3E0];
	_ =	sdelay $0x4  }
0x44f: {  	v53 =	vshrl.u32 v43, $0x3  }
0x450: {  	v44 =	vmul.u32 $0x30, v53  }
0x451: {  	v43 =	vand.u32 $0x7, v43  }
0x452: {  	v43 =	vor.u32 v43, v44  }
0x453: {  	v44 =	vperm.xlane v43, v31;
	_ =	sdelay $0x1  }
0x454: {  	v44 =	vadd.s32 v32, v44;
	_ =	sdelay $0x3  }
0x455: {  	s13 =	simm.s32 $0x12400;
	v43 =	vperm.xlane v43, v33  }
0x456: {  	[tilespmem:s13], [sflag:$0x1] =	stream.indirect_vreg.gather [hbm4b:s2+s3], $0x80, v44, vm0, $0xb8;
	[tilespmem:$0x18400] =	vst v63  }
0x457: {  	s20 =	simm.s32 $0x12C00;
	v43 =	vadd.s32 v32, v43  }
0x458: {  	[tilespmem:s20], [sflag:$0x1] =	stream.indirect_vreg.gather [hbm4b:s5+s3], $0x80, v44, vm0, $0xb8;
	[tilespmem:$0x18400] =	vst v63  }
0x459: {  	s9 =	simm.s32 $0x13400  }
0x45a: {  	[tilespmem:s9], [sflag:$0x1] =	stream.indirect_vreg.gather [hbm4b:s6+s3], $0x80, v44, vm0, $0xb8;
	[tilespmem:$0x18400] =	vst v63  }
0x45b: {  	s12 =	simm.s32 $0x13C00  }
0x45c: {  	[tilespmem:s12], [sflag:$0x1] =	stream.indirect_vreg.gather [hbm4b:s2+s3], $0x80, v43, vm0, $0xb8;
	[tilespmem:$0x18400] =	vst v63  }
0x45d: {  	s13 =	simm.s32 $0x14400  }
0x45e: {  	[tilespmem:s13], [sflag:$0x1] =	stream.indirect_vreg.gather [hbm4b:s5+s3], $0x80, v43, vm0, $0xb8;
	[tilespmem:$0x18400] =	vst v63  }
0x45f: {  	s19 =	simm.s32 $0x14C00  }
0x460: {  	[tilespmem:s19], [sflag:$0x1] =	stream.indirect_vreg.gather [hbm4b:s6+s3], $0x80, v43, vm0, $0xb8;
	[tilespmem:$0x18400] =	vst v63  }
0x461: {  	v43 =	vld [tilespmem:$0x3F0];
	_ =	sdelay $0x4  }
0x462: {  	v54 =	vshrl.u32 v43, $0x3  }
0x463: {  	v44 =	vmul.u32 $0x30, v54  }
0x464: {  	v43 =	vand.u32 $0x7, v43  }
0x465: {  	v43 =	vor.u32 v43, v44  }
0x466: {  	v44 =	vperm.xlane v43, v31;
	_ =	sdelay $0x1  }
0x467: {  	v44 =	vadd.s32 v32, v44;
	_ =	sdelay $0x3  }
0x468: {  	s20 =	simm.s32 $0x15400;
	v43 =	vperm.xlane v43, v33  }
0x469: {  	[tilespmem:s20], [sflag:$0x1] =	stream.indirect_vreg.gather [hbm4b:s2+s3], $0x80, v44, vm0, $0xb8;
	[tilespmem:$0x18400] =	vst v63  }
0x46a: {  	s30 =	simm.s32 $0x15C00;
	v43 =	vadd.s32 v32, v43  }
0x46b: {  	[tilespmem:s30], [sflag:$0x1] =	stream.indirect_vreg.gather [hbm4b:s5+s3], $0x80, v44, vm0, $0xb8;
	[tilespmem:$0x18400] =	vst v63  }
0x46c: {  	s11 =	simm.s32 $0x16400  }
0x46d: {  	[tilespmem:s11], [sflag:$0x1] =	stream.indirect_vreg.gather [hbm4b:s6+s3], $0x80, v44, vm0, $0xb8;
	[tilespmem:$0x18400] =	vst v63  }
0x46e: {  	s18 =	simm.s32 $0x16C00  }
0x46f: {  	[tilespmem:s18], [sflag:$0x1] =	stream.indirect_vreg.gather [hbm4b:s2+s3], $0x80, v43, vm0, $0xb8;
	[tilespmem:$0x18400] =	vst v63  }
0x470: {  	s19 =	simm.s32 $0x17400  }
0x471: {  	[tilespmem:s19], [sflag:$0x1] =	stream.indirect_vreg.gather [hbm4b:s5+s3], $0x80, v43, vm0, $0xb8;
	[tilespmem:$0x18400] =	vst v63  }
0x472: {  	s21 =	simm.s32 $0x17C00  }
0x473: {  	[tilespmem:s21], [sflag:$0x1] =	stream.indirect_vreg.gather [hbm4b:s6+s3], $0x80, v43, vm0, $0xb8;
	[tilespmem:$0x18400] =	vst v63  }
0x474: {  	_ =	swait.ge [sflag:s15], $0x18000  }
0x475: {  	[sflag:s15] =	ssyncset.done $0x0  }
0x476: {  	[sflag:s15] =	ssyncadd.s32 $0xFFFE8000  }
0x477: {  	v55 =	vld [tilespmem:$0x180];
	_ =	sdelay $0x4  }
0x478: {  	v56 =	vshrl.u32 v55, $0x3  }
0x479: {  	v44 =	vmul.u32 $0x30, v56  }
0x47a: {  	v43 =	vand.u32 $0x7, v55  }
0x47b: {  	v43 =	vor.u32 v43, v44  }
0x47c: {  	v44 =	vperm.xlane v43, v31;
	_ =	sdelay $0x1  }
0x47d: {  	v44 =	vadd.s32 v32, v44;
	_ =	sdelay $0x3  }
0x47e: {  	s10 =	simm.s32 $0x400;
	v43 =	vperm.xlane v43, v33  }
0x47f: {  	[hbm4b:s4+s3] =	stream.indirect_vreg.scatter [tilespmem:s10], [sflag:$0x1], $0x80, v44, vm0, $0xb8;
	[tilespmem:$0x18400] =	vst v63  }
0x480: {  	v43 =	vadd.s32 v32, v43;
	s10 =	simm.s32 $0xC00  }
0x481: {  	[hbm4b:s7+s3] =	stream.indirect_vreg.scatter [tilespmem:s10], [sflag:$0x1], $0x80, v44, vm0, $0xb8;
	[tilespmem:$0x18400] =	vst v63  }
0x482: {  	s10 =	simm.s32 $0x1400  }
0x483: {  	[hbm4b:s8+s3] =	stream.indirect_vreg.scatter [tilespmem:s10], [sflag:$0x1], $0x80, v44, vm0, $0xb8;
	[tilespmem:$0x18400] =	vst v63  }
0x484: {  	s10 =	simm.s32 $0x1C00  }
0x485: {  	[hbm4b:s4+s3] =	stream.indirect_vreg.scatter [tilespmem:s10], [sflag:$0x1], $0x80, v43, vm0, $0xb8;
	[tilespmem:$0x18400] =	vst v63  }
0x486: {  	s10 =	simm.s32 $0x2400  }
0x487: {  	[hbm4b:s7+s3] =	stream.indirect_vreg.scatter [tilespmem:s10], [sflag:$0x1], $0x80, v43, vm0, $0xb8;
	[tilespmem:$0x18400] =	vst v63  }
0x488: {  	s10 =	simm.s32 $0x2C00  }
0x489: {  	[hbm4b:s8+s3] =	stream.indirect_vreg.scatter [tilespmem:s10], [sflag:$0x1], $0x80, v43, vm0, $0xb8;
	[tilespmem:$0x18400] =	vst v63  }
0x48a: {  	v43 =	vld [tilespmem:$0x190];
	_ =	sdelay $0x4  }
0x48b: {  	v57 =	vshrl.u32 v43, $0x3  }
0x48c: {  	v44 =	vmul.u32 $0x30, v57  }
0x48d: {  	v43 =	vand.u32 $0x7, v43  }
0x48e: {  	v43 =	vor.u32 v43, v44  }
0x48f: {  	v44 =	vperm.xlane v43, v31;
	_ =	sdelay $0x1  }
0x490: {  	v44 =	vadd.s32 v32, v44;
	_ =	sdelay $0x3  }
0x491: {  	s10 =	simm.s32 $0x3400;
	v43 =	vperm.xlane v43, v33  }
0x492: {  	[hbm4b:s4+s3] =	stream.indirect_vreg.scatter [tilespmem:s10], [sflag:$0x1], $0x80, v44, vm0, $0xb8;
	[tilespmem:$0x18400] =	vst v63  }
0x493: {  	v43 =	vadd.s32 v32, v43;
	s10 =	simm.s32 $0x3C00  }
0x494: {  	[hbm4b:s7+s3] =	stream.indirect_vreg.scatter [tilespmem:s10], [sflag:$0x1], $0x80, v44, vm0, $0xb8;
	[tilespmem:$0x18400] =	vst v63  }
0x495: {  	s10 =	simm.s32 $0x4400  }
0x496: {  	[hbm4b:s8+s3] =	stream.indirect_vreg.scatter [tilespmem:s10], [sflag:$0x1], $0x80, v44, vm0, $0xb8;
	[tilespmem:$0x18400] =	vst v63  }
0x497: {  	s10 =	simm.s32 $0x4C00  }
0x498: {  	[hbm4b:s4+s3] =	stream.indirect_vreg.scatter [tilespmem:s10], [sflag:$0x1], $0x80, v43, vm0, $0xb8;
	[tilespmem:$0x18400] =	vst v63  }
0x499: {  	s22 =	simm.s32 $0x5400  }
0x49a: {  	[hbm4b:s7+s3] =	stream.indirect_vreg.scatter [tilespmem:s22], [sflag:$0x1], $0x80, v43, vm0, $0xb8;
	[tilespmem:$0x18400] =	vst v63  }
0x49b: {  	s22 =	simm.s32 $0x5C00  }
0x49c: {  	[hbm4b:s8+s3] =	stream.indirect_vreg.scatter [tilespmem:s22], [sflag:$0x1], $0x80, v43, vm0, $0xb8;
	[tilespmem:$0x18400] =	vst v63  }
0x49d: {  	v43 =	vld [tilespmem:$0x1A0];
	_ =	sdelay $0x4  }
0x49e: {  	v58 =	vshrl.u32 v43, $0x3  }
0x49f: {  	v44 =	vmul.u32 $0x30, v58  }
0x4a0: {  	v43 =	vand.u32 $0x7, v43  }
0x4a1: {  	v43 =	vor.u32 v43, v44  }
0x4a2: {  	v44 =	vperm.xlane v43, v31;
	_ =	sdelay $0x1  }
0x4a3: {  	v44 =	vadd.s32 v32, v44;
	_ =	sdelay $0x3  }
0x4a4: {  	s22 =	simm.s32 $0x6400;
	v43 =	vperm.xlane v43, v33  }
0x4a5: {  	[hbm4b:s4+s3] =	stream.indirect_vreg.scatter [tilespmem:s22], [sflag:$0x1], $0x80, v44, vm0, $0xb8;
	[tilespmem:$0x18400] =	vst v63  }
0x4a6: {  	v43 =	vadd.s32 v32, v43;
	s22 =	simm.s32 $0x6C00  }
0x4a7: {  	[hbm4b:s7+s3] =	stream.indirect_vreg.scatter [tilespmem:s22], [sflag:$0x1], $0x80, v44, vm0, $0xb8;
	[tilespmem:$0x18400] =	vst v63  }
0x4a8: {  	s22 =	simm.s32 $0x7400  }
0x4a9: {  	[hbm4b:s8+s3] =	stream.indirect_vreg.scatter [tilespmem:s22], [sflag:$0x1], $0x80, v44, vm0, $0xb8;
	[tilespmem:$0x18400] =	vst v63  }
0x4aa: {  	s22 =	simm.s32 $0x7C00  }
0x4ab: {  	[hbm4b:s4+s3] =	stream.indirect_vreg.scatter [tilespmem:s22], [sflag:$0x1], $0x80, v43, vm0, $0xb8;
	[tilespmem:$0x18400] =	vst v63  }
0x4ac: {  	s22 =	simm.s32 $0x8400  }
0x4ad: {  	[hbm4b:s7+s3] =	stream.indirect_vreg.scatter [tilespmem:s22], [sflag:$0x1], $0x80, v43, vm0, $0xb8;
	[tilespmem:$0x18400] =	vst v63  }
0x4ae: {  	s22 =	simm.s32 $0x8C00  }
0x4af: {  	[hbm4b:s8+s3] =	stream.indirect_vreg.scatter [tilespmem:s22], [sflag:$0x1], $0x80, v43, vm0, $0xb8;
	[tilespmem:$0x18400] =	vst v63  }
0x4b0: {  	v43 =	vld [tilespmem:$0x1B0];
	_ =	sdelay $0x4  }
0x4b1: {  	v59 =	vshrl.u32 v43, $0x3  }
0x4b2: {  	v44 =	vmul.u32 $0x30, v59  }
0x4b3: {  	v43 =	vand.u32 $0x7, v43  }
0x4b4: {  	v43 =	vor.u32 v43, v44  }
0x4b5: {  	v44 =	vperm.xlane v43, v31;
	_ =	sdelay $0x1  }
0x4b6: {  	v44 =	vadd.s32 v32, v44;
	_ =	sdelay $0x3  }
0x4b7: {  	s22 =	simm.s32 $0x9400;
	v43 =	vperm.xlane v43, v33  }
0x4b8: {  	[hbm4b:s4+s3] =	stream.indirect_vreg.scatter [tilespmem:s22], [sflag:$0x1], $0x80, v44, vm0, $0xb8;
	[tilespmem:$0x18400] =	vst v63  }
0x4b9: {  	s24 =	simm.s32 $0x9C00;
	v43 =	vadd.s32 v32, v43  }
0x4ba: {  	[hbm4b:s7+s3] =	stream.indirect_vreg.scatter [tilespmem:s24], [sflag:$0x1], $0x80, v44, vm0, $0xb8;
	[tilespmem:$0x18400] =	vst v63  }
0x4bb: {  	s24 =	simm.s32 $0xA400  }
0x4bc: {  	[hbm4b:s8+s3] =	stream.indirect_vreg.scatter [tilespmem:s24], [sflag:$0x1], $0x80, v44, vm0, $0xb8;
	[tilespmem:$0x18400] =	vst v63  }
0x4bd: {  	_ = 	snop  }
0x4be: {  	[hbm4b:s4+s3] =	stream.indirect_vreg.scatter [tilespmem:s0], [sflag:$0x1], $0x80, v43, vm0, $0xb8;
	[tilespmem:$0x18400] =	vst v63  }
0x4bf: {  	_ = 	snop  }
0x4c0: {  	[hbm4b:s7+s3] =	stream.indirect_vreg.scatter [tilespmem:s14], [sflag:$0x1], $0x80, v43, vm0, $0xb8;
	[tilespmem:$0x18400] =	vst v63  }
0x4c1: {  	s23 =	simm.s32 $0xBC00  }
0x4c2: {  	[hbm4b:s8+s3] =	stream.indirect_vreg.scatter [tilespmem:s23], [sflag:$0x1], $0x80, v43, vm0, $0xb8;
	[tilespmem:$0x18400] =	vst v63  }
0x4c3: {  	v43 =	vld [tilespmem:$0x1C0];
	_ =	sdelay $0x4  }
0x4c4: {  	v60 =	vshrl.u32 v43, $0x3  }
0x4c5: {  	v44 =	vmul.u32 $0x30, v60  }
0x4c6: {  	v43 =	vand.u32 $0x7, v43  }
0x4c7: {  	v43 =	vor.u32 v43, v44  }
0x4c8: {  	v44 =	vperm.xlane v43, v31;
	_ =	sdelay $0x1  }
0x4c9: {  	v44 =	vadd.s32 v32, v44;
	_ =	sdelay $0x3  }
0x4ca: {  	s22 =	simm.s32 $0xC400;
	v43 =	vperm.xlane v43, v33  }
0x4cb: {  	[hbm4b:s4+s3] =	stream.indirect_vreg.scatter [tilespmem:s22], [sflag:$0x1], $0x80, v44, vm0, $0xb8;
	[tilespmem:$0x18400] =	vst v63  }
0x4cc: {  	s28 =	simm.s32 $0xCC00;
	v43 =	vadd.s32 v32, v43  }
0x4cd: {  	[hbm4b:s7+s3] =	stream.indirect_vreg.scatter [tilespmem:s28], [sflag:$0x1], $0x80, v44, vm0, $0xb8;
	[tilespmem:$0x18400] =	vst v63  }
0x4ce: {  	s29 =	simm.s32 $0xD400  }
0x4cf: {  	[hbm4b:s8+s3] =	stream.indirect_vreg.scatter [tilespmem:s29], [sflag:$0x1], $0x80, v44, vm0, $0xb8;
	[tilespmem:$0x18400] =	vst v63  }
0x4d0: {  	_ = 	snop  }
0x4d1: {  	[hbm4b:s4+s3] =	stream.indirect_vreg.scatter [tilespmem:s1], [sflag:$0x1], $0x80, v43, vm0, $0xb8;
	[tilespmem:$0x18400] =	vst v63  }
0x4d2: {  	s26 =	simm.s32 $0xE400  }
0x4d3: {  	[hbm4b:s7+s3] =	stream.indirect_vreg.scatter [tilespmem:s26], [sflag:$0x1], $0x80, v43, vm0, $0xb8;
	[tilespmem:$0x18400] =	vst v63  }
0x4d4: {  	s23 =	simm.s32 $0xEC00  }
0x4d5: {  	[hbm4b:s8+s3] =	stream.indirect_vreg.scatter [tilespmem:s23], [sflag:$0x1], $0x80, v43, vm0, $0xb8;
	[tilespmem:$0x18400] =	vst v63  }
0x4d6: {  	v43 =	vld [tilespmem:$0x1D0];
	_ =	sdelay $0x4  }
0x4d7: {  	v61 =	vshrl.u32 v43, $0x3  }
0x4d8: {  	v44 =	vmul.u32 $0x30, v61  }
0x4d9: {  	v43 =	vand.u32 $0x7, v43  }
0x4da: {  	v43 =	vor.u32 v43, v44  }
0x4db: {  	v44 =	vperm.xlane v43, v31;
	_ =	sdelay $0x1  }
0x4dc: {  	v44 =	vadd.s32 v32, v44;
	_ =	sdelay $0x3  }
0x4dd: {  	s31 =	simm.s32 $0xF400;
	v43 =	vperm.xlane v43, v33  }
0x4de: {  	[hbm4b:s4+s3] =	stream.indirect_vreg.scatter [tilespmem:s31], [sflag:$0x1], $0x80, v44, vm0, $0xb8;
	[tilespmem:$0x18400] =	vst v63  }
0x4df: {  	s24 =	simm.s32 $0xFC00;
	v43 =	vadd.s32 v32, v43  }
0x4e0: {  	[hbm4b:s7+s3] =	stream.indirect_vreg.scatter [tilespmem:s24], [sflag:$0x1], $0x80, v44, vm0, $0xb8;
	[tilespmem:$0x18400] =	vst v63  }
0x4e1: {  	s26 =	simm.s32 $0x10400  }
0x4e2: {  	[hbm4b:s8+s3] =	stream.indirect_vreg.scatter [tilespmem:s26], [sflag:$0x1], $0x80, v44, vm0, $0xb8;
	[tilespmem:$0x18400] =	vst v63  }
0x4e3: {  	_ = 	snop  }
0x4e4: {  	[hbm4b:s4+s3] =	stream.indirect_vreg.scatter [tilespmem:s16], [sflag:$0x1], $0x80, v43, vm0, $0xb8;
	[tilespmem:$0x18400] =	vst v63  }
0x4e5: {  	_ = 	snop  }
0x4e6: {  	[hbm4b:s7+s3] =	stream.indirect_vreg.scatter [tilespmem:s17], [sflag:$0x1], $0x80, v43, vm0, $0xb8;
	[tilespmem:$0x18400] =	vst v63  }
0x4e7: {  	s28 =	simm.s32 $0x11C00  }
0x4e8: {  	[hbm4b:s8+s3] =	stream.indirect_vreg.scatter [tilespmem:s28], [sflag:$0x1], $0x80, v43, vm0, $0xb8;
	[tilespmem:$0x18400] =	vst v63  }
0x4e9: {  	v43 =	vld [tilespmem:$0x1E0];
	_ =	sdelay $0x4  }
0x4ea: {  	v62 =	vshrl.u32 v43, $0x3  }
0x4eb: {  	v44 =	vmul.u32 $0x30, v62  }
0x4ec: {  	v43 =	vand.u32 $0x7, v43  }
0x4ed: {  	v43 =	vor.u32 v43, v44  }
0x4ee: {  	v44 =	vperm.xlane v43, v31;
	_ =	sdelay $0x1  }
0x4ef: {  	v44 =	vadd.s32 v32, v44;
	_ =	sdelay $0x3  }
0x4f0: {  	s25 =	simm.s32 $0x12400;
	v43 =	vperm.xlane v43, v33  }
0x4f1: {  	[hbm4b:s4+s3] =	stream.indirect_vreg.scatter [tilespmem:s25], [sflag:$0x1], $0x80, v44, vm0, $0xb8;
	[tilespmem:$0x18400] =	vst v63  }
0x4f2: {  	s29 =	simm.s32 $0x12C00;
	v43 =	vadd.s32 v32, v43  }
0x4f3: {  	[hbm4b:s7+s3] =	stream.indirect_vreg.scatter [tilespmem:s29], [sflag:$0x1], $0x80, v44, vm0, $0xb8;
	[tilespmem:$0x18400] =	vst v63  }
0x4f4: {  	_ = 	snop  }
0x4f5: {  	[hbm4b:s8+s3] =	stream.indirect_vreg.scatter [tilespmem:s9], [sflag:$0x1], $0x80, v44, vm0, $0xb8;
	[tilespmem:$0x18400] =	vst v63  }
0x4f6: {  	_ = 	snop  }
0x4f7: {  	[hbm4b:s4+s3] =	stream.indirect_vreg.scatter [tilespmem:s12], [sflag:$0x1], $0x80, v43, vm0, $0xb8;
	[tilespmem:$0x18400] =	vst v63  }
0x4f8: {  	_ = 	snop  }
0x4f9: {  	[hbm4b:s7+s3] =	stream.indirect_vreg.scatter [tilespmem:s13], [sflag:$0x1], $0x80, v43, vm0, $0xb8;
	[tilespmem:$0x18400] =	vst v63  }
0x4fa: {  	s31 =	simm.s32 $0x14C00  }
0x4fb: {  	[hbm4b:s8+s3] =	stream.indirect_vreg.scatter [tilespmem:s31], [sflag:$0x1], $0x80, v43, vm0, $0xb8;
	[tilespmem:$0x18400] =	vst v63  }
0x4fc: {  	v43 =	vld [tilespmem:$0x1F0];
	_ =	sdelay $0x4  }
0x4fd: {  	v63 =	vshrl.u32 v43, $0x3  }
0x4fe: {  	v44 =	vmul.u32 $0x30, v63  }
0x4ff: {  	v43 =	vand.u32 $0x7, v43  }
0x500: {  	v43 =	vor.u32 v43, v44  }
0x501: {  	v44 =	vperm.xlane v43, v31;
	_ =	sdelay $0x1  }
0x502: {  	v44 =	vadd.s32 v32, v44;
	_ =	sdelay $0x3  }
0x503: {  	v43 =	vperm.xlane v43, v33  }
0x504: {  	[hbm4b:s4+s3] =	stream.indirect_vreg.scatter [tilespmem:s20], [sflag:$0x1], $0x80, v44, vm0, $0xb8;
	[tilespmem:$0x18400] =	vst v63  }
0x505: {  	s30 =	simm.s32 $0x15C00;
	v43 =	vadd.s32 v32, v43  }
0x506: {  	[hbm4b:s7+s3] =	stream.indirect_vreg.scatter [tilespmem:s30], [sflag:$0x1], $0x80, v44, vm0, $0xb8;
	[tilespmem:$0x18400] =	vst v63  }
0x507: {  	_ = 	snop  }
0x508: {  	[hbm4b:s8+s3] =	stream.indirect_vreg.scatter [tilespmem:s11], [sflag:$0x1], $0x80, v44, vm0, $0xb8;
	[tilespmem:$0x18400] =	vst v63  }
0x509: {  	s10 =	rddreg [dreg:$0xa]  }
0x50a: {  	[hbm4b:s4+s3] =	stream.indirect_vreg.scatter [tilespmem:s18], [sflag:$0x1], $0x80, v43, vm0, $0xb8;
	[tilespmem:$0x18400] =	vst v63  }
0x50b: {  	p0 =	sne.s32 s10, $0x1  }
0x50c: {  	[hbm4b:s7+s3] =	stream.indirect_vreg.scatter [tilespmem:s19], [sflag:$0x1], $0x80, v43, vm0, $0xb8;
	[tilespmem:$0x18400] =	vst v63  }
.Ltmp0:
0x50d: {  	_ = 	snop;
	(pc) =	sbr.rel @p0 .LBB2_1-.Ltmp0, $4  }
0x50e: {  	[hbm4b:s8+s3] =	stream.indirect_vreg.scatter [tilespmem:s21], [sflag:$0x1], $0x80, v43, vm0, $0xb8;
	[tilespmem:$0x18400] =	vst v63  }
0x50f: {  	_ =	swait.ge [sflag:s15], $0x18000  }
0x510: {  	[sflag:s15] =	ssyncset.done $0x0  }
0x511: {  	s10 =	sadd.s32 $0xFFFFFFFF, s10;
	[sflag:s15] =	ssyncadd.s32 $0xFFFE8000  }
0x512: {  	_ =	sfence.sel $0x180000  }
0x513: {  	[bflag:$0x0] =	sbarrier.arrive $0xFFFF  }
0x514: {  	_ =	strace $0x90000047  }
0x515: {  	s0 =	stileid.u32;
	[bflag:$0x2] =	sbarrier.arrive $0xFFFF  }
0x516: {  	p0 =	sne.s32 s0, $0x0;
	s0 =	rddreg [dreg:$0x2]  }
0x517: {  	s0 =	sadd.s32 @!p0 $0x100000, s0  }
0x518: {  	[sflag:s0] =	ssyncadd.tile.s32 @!p0 $0x1;
	_ =	shalt  }
.Lfunc_end2:
_tile_overlayer_lowered:
.L_overlay_start_2:
0x519: {  	(tag) =	ssettag $0x2  }
0x51a: {  	s0 =	rddreg [dreg:$0x0];
	s2 =	stileid.u32  }
0x51b: {  	s1 =	rddreg [dreg:$0x1];
	p0 =	sne.s32 s2, $0x0  }
0x51c: {  	s3 =	rddreg [dreg:$0x2];
	[bflag:$0x3] =	sbarrier.arrive $0xFFFF;
	s2 =	simm.s32 @!p0 $0x1C02  }
0x51d: {  	[timem:s3], [sflag:s2] =	dma.local @!p0 [hbm:s0], s1  }
0x51e: {  	s0 =	simm.s32 @!p0 $0x2  }
0x51f: {  	_ =	swait.ge @!p0 [sflag:s0], s1  }
0x520: {  	s1 =	ssub.s32 @!p0 $0x0, s1;
	[sflag:s0] =	ssyncset.done @!p0 $0x0  }
0x521: {  	[sflag:s0] =	ssyncadd.s32 @!p0 s1  }
0x522: {  	[bflag:$0x3] =	sbarrier.arrive $0xFFFF  }
0x523: {  	_ =	shalt  }

</sc_bundles>
